<compile_context>
chip_gen: v7x
topology: tpu7x:2x2x1
jax: 0.10.2.dev20260603
libtpu: 0.0.44.dev20260713+nightly
codegen_flags: <defaults>
</compile_context>

<pallas_src>
import functools

import jax
import jax.numpy as jnp
from jax import lax
from jax.experimental import pallas as pl
from jax.experimental.pallas import tpu as pltpu
from jax.experimental.pallas import tpu_sc as plsc

N = 10000
E = 320000
NUM_OP = 32
NUM_ET = 8
VOCAB = 100000
TEXT = 64
HID = 128
OUT = 512
B = 64
L = 128

BR = 1000
NROW = 10112
C_E = 128
G_E = 16
NGRP = 5
EPT = C_E * G_E * NGRP
EPAD = 32 * EPT




def _prep_body(xp_ref, ope_ref, ee_ref, wl0_ref, bl0_ref, wl1_ref, bl1_ref,
               wl2_ref, bl2_ref, h0_ref, r0_ref, et0_ref, et1_ref, et2_ref):
    op_ids = xp_ref[:, 0:1].astype(jnp.int32)
    iota = lax.broadcasted_iota(jnp.int32, (BR, NUM_OP), 1)
    oh = (iota == op_ids).astype(jnp.float32)
    emb = jnp.dot(oh, ope_ref[...], preferred_element_type=jnp.float32)
    h0 = jnp.concatenate(
        [emb, xp_ref[:, 1:13], jnp.zeros((BR, HID - 44), jnp.float32)], axis=1)
    h0_ref[...] = h0
    et0 = jnp.dot(ee_ref[...], wl0_ref[...],
                  preferred_element_type=jnp.float32) + bl0_ref[...]
    et1 = jnp.dot(ee_ref[...], wl1_ref[...],
                  preferred_element_type=jnp.float32) + bl1_ref[...]
    et2 = jnp.dot(ee_ref[...], wl2_ref[...],
                  preferred_element_type=jnp.float32) + bl2_ref[...]
    et0_ref[...] = et0
    et1_ref[...] = et1
    et2_ref[...] = et2
    for t in range(NUM_ET):
        r0_ref[:, t, :] = jnp.maximum(h0 + et0[t:t + 1, :], 0.0)


def _prep(xp, ope, ee, wl0, bl0, wl1, bl1, wl2, bl2):
    grid = (N // BR,)
    full = lambda shp: pl.BlockSpec(shp, lambda i: (0,) * len(shp))
    return pl.pallas_call(
        _prep_body,
        grid=grid,
        in_specs=[
            pl.BlockSpec((BR, 16), lambda i: (i, 0)),
            full((NUM_OP, 32)), full((NUM_ET, 16)),
            full((16, HID)), full((1, HID)),
            full((16, HID)), full((1, HID)),
            full((16, HID)), full((1, HID)),
        ],
        out_specs=[
            pl.BlockSpec((BR, HID), lambda i: (i, 0)),
            pl.BlockSpec((BR, NUM_ET, HID), lambda i: (i, 0, 0)),
            full((NUM_ET, HID)), full((NUM_ET, HID)), full((NUM_ET, HID)),
        ],
        out_shape=[
            jax.ShapeDtypeStruct((N, HID), jnp.float32),
            jax.ShapeDtypeStruct((N, NUM_ET, HID), jnp.float32),
            jax.ShapeDtypeStruct((NUM_ET, HID), jnp.float32),
            jax.ShapeDtypeStruct((NUM_ET, HID), jnp.float32),
            jax.ShapeDtypeStruct((NUM_ET, HID), jnp.float32),
        ],
    )(xp, ope, ee, wl0, bl0, wl1, bl1, wl2, bl2)


def _ridx_body(src_ref, ea_ref, out_ref):
    out_ref[...] = src_ref[...] * NUM_ET + ea_ref[...]


def _ridx(src_pad, ea_pad):
    s2 = src_pad.reshape(EPAD // 128, 128)
    e2 = ea_pad.reshape(EPAD // 128, 128)
    out = pl.pallas_call(
        _ridx_body,
        out_shape=jax.ShapeDtypeStruct((EPAD // 128, 128), jnp.int32),
    )(s2, e2)
    return out


def _layer_body(din, residual, emit_r, *refs):
    if emit_r:
        (p_ref, h_ref, w1_ref, b1_ref, w2_ref, b2_ref, eps_ref, et_ref,
         hn_ref, r_ref) = refs
    else:
        (p_ref, h_ref, w1_ref, b1_ref, w2_ref, b2_ref, eps_ref,
         hn_ref) = refs
    h = h_ref[...]
    agg = p_ref[0] + p_ref[1]
    out = agg + (1.0 + eps_ref[0, 0]) * h
    hid = jnp.maximum(
        jnp.dot(out, w1_ref[...], preferred_element_type=jnp.float32)
        + b1_ref[...], 0.0)
    out2 = jnp.dot(hid, w2_ref[...],
                   preferred_element_type=jnp.float32) + b2_ref[...]
    mu = jnp.mean(out2, axis=-1, keepdims=True)
    var = jnp.mean((out2 - mu) ** 2, axis=-1, keepdims=True)
    out2 = (out2 - mu) * lax.rsqrt(var + 1e-5)
    if residual:
        out2 = out2 + h
    hn = jnp.where(out2 >= 0.0, out2, 0.1 * out2)
    hn_ref[...] = hn
    if emit_r:
        et = et_ref[...]
        for t in range(NUM_ET):
            r_ref[:, t, :] = jnp.maximum(hn + et[t:t + 1, :], 0.0)


def _layer(p, h, w1, b1, w2, b2, eps, et_next, din, residual):
    emit_r = et_next is not None
    grid = (N // BR,)
    full = lambda shp: pl.BlockSpec(shp, lambda i: (0,) * len(shp))
    in_specs = [
        pl.BlockSpec((2, BR, din), lambda i: (0, i, 0)),
        pl.BlockSpec((BR, din), lambda i: (i, 0)),
        full((din, HID)), full((1, HID)), full((HID, HID)), full((1, HID)),
        full((1, 1)),
    ]
    out_specs = [pl.BlockSpec((BR, HID), lambda i: (i, 0))]
    out_shape = [jax.ShapeDtypeStruct((N, HID), jnp.float32)]
    args = [p, h, w1, b1, w2, b2, eps]
    if emit_r:
        in_specs.append(full((NUM_ET, HID)))
        out_specs.append(pl.BlockSpec((BR, NUM_ET, HID), lambda i: (i, 0, 0)))
        out_shape.append(
            jax.ShapeDtypeStruct((N, NUM_ET, HID), jnp.float32))
        args.append(et_next)
    res = pl.pallas_call(
        functools.partial(_layer_body, din, residual, emit_r),
        grid=grid,
        in_specs=in_specs,
        out_specs=out_specs,
        out_shape=out_shape,
    )(*args)
    return res if emit_r else (res[0], None)


def _final_body(h3_ref, b8_ref, x45_ref, tp_ref, w1a_ref, w1b_ref, w1c_ref,
                b1_ref, w2_ref, b2_ref, out_ref):
    brow = b8_ref[0:1, :]
    iota = lax.broadcasted_iota(jnp.int32, (B, N), 0)
    oh = (iota == brow).astype(jnp.float32)
    g = jnp.dot(oh, h3_ref[...], preferred_element_type=jnp.float32)
    sums = jnp.dot(oh, x45_ref[...], preferred_element_type=jnp.float32)
    counts = jnp.sum(oh, axis=1, keepdims=True)
    denom = jnp.maximum(counts, 1.0)
    gs = jnp.concatenate(
        [counts, sums[:, 1:2] / denom, sums[:, 0:1] / denom,
         jnp.zeros((B, 5), jnp.float32)], axis=1)
    text = ((tp_ref[0] + tp_ref[1]) * (1.0 / L))[:, :TEXT]
    hid = (jnp.dot(g, w1a_ref[...], preferred_element_type=jnp.float32)
           + jnp.dot(gs, w1b_ref[...], preferred_element_type=jnp.float32)
           + jnp.dot(text, w1c_ref[...], preferred_element_type=jnp.float32)
           + b1_ref[...])
    hid = jnp.where(hid >= 0.0, hid, 0.1 * hid)
    out_ref[...] = jnp.dot(
        hid, w2_ref[...], preferred_element_type=jnp.float32) + b2_ref[...]


def _final(h3, b8, x45, tpart, w1a, w1b8, w1c, b1, w2, b2):
    return pl.pallas_call(
        _final_body,
        out_shape=jax.ShapeDtypeStruct((B, OUT), jnp.float32),
    )(h3, b8, x45, tpart, w1a, w1b8, w1c, b1, w2, b2)



NSUB = 16
K_CH = EPT // C_E
ROWS_PT = NROW // NSUB


def _edge_pass(r_tab, ridx3, dst3, zeros_nd, din):
    rf = r_tab.reshape(N * NUM_ET, din)
    mesh = plsc.VectorSubcoreMesh(core_axis_name="c", subcore_axis_name="s")

    @functools.partial(
        pl.kernel,
        out_type=jax.ShapeDtypeStruct((2, NROW, din), jnp.float32),
        mesh=mesh,
        scratch_types=[
            pltpu.VMEM((2 * G_E, C_E), jnp.int32),
            pltpu.VMEM((2 * G_E, C_E), jnp.int32),
            pltpu.VMEM((C_E, din), jnp.float32),
            pltpu.VMEM((C_E, din), jnp.float32),
            pltpu.VMEM_SHARED((NROW, din), jnp.float32),
            pltpu.SemaphoreType.DMA,
            pltpu.SemaphoreType.DMA,
            pltpu.SemaphoreType.DMA,
            pltpu.SemaphoreType.DMA,
        ],
    )
    def k(r_hbm, ridx_hbm, dst_hbm, z_hbm, out_hbm,
          ridx_v, dst_v, msg0_v, msg1_v, acc, sem0, sem1, isem_r, isem_d):
        c = lax.axis_index("c")
        s = lax.axis_index("s")
        wid = c * NSUB + s
        pltpu.sync_copy(z_hbm.at[pl.ds(s * ROWS_PT, ROWS_PT)],
                        acc.at[pl.ds(s * ROWS_PT, ROWS_PT)])
        pltpu.sync_copy(ridx_hbm.at[wid].at[pl.ds(0, G_E)],
                        ridx_v.at[pl.ds(0, G_E)])
        pltpu.sync_copy(dst_hbm.at[wid].at[pl.ds(0, G_E)],
                        dst_v.at[pl.ds(0, G_E)])
        plsc.subcore_barrier()

        def group(g, carry):
            off = lax.rem(g, 2) * G_E
            nxt = lax.rem(g + 1, 2) * G_E

            @pl.when(g + 1 < NGRP)
            def _():
                pltpu.async_copy(
                    ridx_hbm.at[wid].at[pl.ds((g + 1) * G_E, G_E)],
                    ridx_v.at[pl.ds(nxt, G_E)], isem_r)
                pltpu.async_copy(
                    dst_hbm.at[wid].at[pl.ds((g + 1) * G_E, G_E)],
                    dst_v.at[pl.ds(nxt, G_E)], isem_d)

            pltpu.async_copy(r_hbm.at[ridx_v.at[off]], msg0_v, sem0)

            def body(t, carry2):
                j0 = off + 2 * t
                pltpu.async_copy(r_hbm.at[ridx_v.at[j0 + 1]], msg1_v, sem1)
                pltpu.make_async_copy(r_hbm.at[ridx_v.at[j0]], msg0_v,
                                      sem0).wait()
                pltpu.sync_copy(msg0_v, acc.at[dst_v.at[j0]], add=True)

                @pl.when(2 * t + 2 < G_E)
                def _():
                    pltpu.async_copy(r_hbm.at[ridx_v.at[j0 + 2]], msg0_v,
                                     sem0)

                pltpu.make_async_copy(r_hbm.at[ridx_v.at[j0 + 1]], msg1_v,
                                      sem1).wait()
                pltpu.sync_copy(msg1_v, acc.at[dst_v.at[j0 + 1]], add=True)
                return carry2

            lax.fori_loop(0, G_E // 2, body, 0)

            @pl.when(g + 1 < NGRP)
            def _():
                pltpu.make_async_copy(
                    ridx_hbm.at[wid].at[pl.ds(0, G_E)],
                    ridx_v.at[pl.ds(0, G_E)], isem_r).wait()
                pltpu.make_async_copy(
                    dst_hbm.at[wid].at[pl.ds(0, G_E)],
                    dst_v.at[pl.ds(0, G_E)], isem_d).wait()

            return carry

        lax.fori_loop(0, NGRP, group, 0)
        plsc.subcore_barrier()
        pltpu.sync_copy(acc.at[pl.ds(s * ROWS_PT, ROWS_PT)],
                        out_hbm.at[c].at[pl.ds(s * ROWS_PT, ROWS_PT)])

    return k(rf, ridx3, dst3, zeros_nd)


TOK_CH = (B * L) // (32 * 128)
BROWS_PT = 8


def _text_pass(token_embed, ids3, rep3, zeros_b):
    mesh = plsc.VectorSubcoreMesh(core_axis_name="c", subcore_axis_name="s")

    @functools.partial(
        pl.kernel,
        out_type=jax.ShapeDtypeStruct((2, B, HID), jnp.float32),
        mesh=mesh,
        scratch_types=[
            pltpu.VMEM((TOK_CH, 128), jnp.int32),
            pltpu.VMEM((TOK_CH, 128), jnp.int32),
            pltpu.VMEM((128, HID), jnp.float32),
            pltpu.VMEM_SHARED((B, HID), jnp.float32),
            pltpu.SemaphoreType.DMA,
        ],
    )
    def k(tok_hbm, ids_hbm, rep_hbm, z_hbm, out_hbm,
          ids_v, rep_v, msg_v, acc, sem):
        c = lax.axis_index("c")
        s = lax.axis_index("s")
        wid = c * NSUB + s

        @pl.when(s < B // BROWS_PT)
        def _():
            pltpu.sync_copy(z_hbm.at[pl.ds(s * BROWS_PT, BROWS_PT)],
                            acc.at[pl.ds(s * BROWS_PT, BROWS_PT)])

        pltpu.sync_copy(ids_hbm.at[wid], ids_v)
        pltpu.sync_copy(rep_hbm.at[wid], rep_v)
        plsc.subcore_barrier()
        for j in range(TOK_CH):
            pltpu.async_copy(tok_hbm.at[ids_v.at[j]], msg_v, sem).wait()
            pltpu.sync_copy(msg_v, acc.at[rep_v.at[j]], add=True)
        plsc.subcore_barrier()

        @pl.when(s < B // BROWS_PT)
        def _():
            pltpu.sync_copy(acc.at[pl.ds(s * BROWS_PT, BROWS_PT)],
                            out_hbm.at[c].at[pl.ds(s * BROWS_PT, BROWS_PT)])

    return k(token_embed, ids3, rep3, zeros_b)




def kernel(x, sql_mask, params, edge_index, edge_attr, batch, sql_ids):
    convs = params['convs']
    xp = jnp.pad(x, ((0, 0), (0, 3)))
    src = edge_index[0].astype(jnp.int32)
    dst = edge_index[1].astype(jnp.int32)
    ea = edge_attr.astype(jnp.int32)
    fill = (jnp.arange(EPAD - E, dtype=jnp.int32) * 97) % N
    src_pad = jnp.concatenate([src, fill])
    ea_pad = jnp.pad(ea, (0, EPAD - E))
    fill_d = N + (jnp.arange(EPAD - E, dtype=jnp.int32) % (NROW - N))
    dst_pad = jnp.concatenate([dst, fill_d])

    wl0 = jnp.pad(convs[0]['Wl'], ((0, 0), (0, HID - 44)))
    bl0 = jnp.pad(convs[0]['bl'], (0, HID - 44)).reshape(1, HID)
    w1_0 = jnp.pad(convs[0]['W1'], ((0, HID - 44), (0, 0)))

    h0, r0, et0, et1, et2 = _prep(
        xp, params['op_embed'], params['edge_embed'],
        wl0, bl0,
        convs[1]['Wl'], convs[1]['bl'].reshape(1, HID),
        convs[2]['Wl'], convs[2]['bl'].reshape(1, HID))

    ridx3 = _ridx(src_pad, ea_pad).reshape(32, K_CH, C_E)
    dst3 = dst_pad.reshape(32, K_CH, C_E)

    ets = [et0, et1, et2]
    h = h0
    r_tab = r0
    dins = [HID, HID, HID]
    w1s = [w1_0, convs[1]['W1'], convs[2]['W1']]
    zeros_nd = jnp.zeros((NROW, HID), jnp.float32)
    for l in range(3):
        c = convs[l]
        p = _edge_pass(r_tab, ridx3, dst3, zeros_nd, dins[l])
        et_next = ets[l + 1] if l < 2 else None
        h, r_tab = _layer(
            p, h, w1s[l], c['b1'].reshape(1, HID),
            c['W2'], c['b2'].reshape(1, HID),
            c['eps'].reshape(1, 1), et_next, dins[l], residual=(l > 0))

    ids3 = sql_ids.astype(jnp.int32).reshape(32, TOK_CH, 128)
    rep3 = jnp.broadcast_to(
        jnp.arange(B, dtype=jnp.int32)[:, None], (B, L)).reshape(
            32, TOK_CH, 128)
    tok_pad = jnp.pad(params['token_embed'], ((0, 0), (0, HID - TEXT)))
    tpart = _text_pass(tok_pad, ids3, rep3,
                       jnp.zeros((B, HID), jnp.float32))

    b8 = jnp.broadcast_to(batch.astype(jnp.int32).reshape(1, N), (8, N))
    x45 = x[:, 4:6]
    mlp = params['mlp']
    w1a = mlp['W1'][:HID]
    w1b8 = jnp.pad(mlp['W1'][HID:HID + 3], ((0, 5), (0, 0)))
    w1c = mlp['W1'][HID + 3:]
    return _final(h, b8, x45, tpart, w1a, w1b8, w1c,
                  mlp['b1'].reshape(1, HID), mlp['W2'],
                  mlp['b2'].reshape(1, OUT))

# --- scband reference (transcript-rebuilt; emitter-appended) ---
"""Pipeline reference for scband-plan2-vec-encoder-44023414784723 (READ-ONLY COPY).

The authoritative reference and input builder live on the scoring server;
editing this copy changes nothing except your own understanding.
"""

import jax, jax.numpy as jnp
import numpy as np

N = 10000
E = 320000
NUM_OP = 32
NUM_ET = 8
NUMERIC = 12
VOCAB = 100000
TEXT = 64
HID = 128
OUT = 512
B = 64
L = 128


def _lin(key, fin, fout):
    kw, kb = jax.random.split(key)
    bound = 1.0 / np.sqrt(fin)
    W = jax.random.uniform(kw, (fin, fout), minval=-bound, maxval=bound, dtype=jnp.float32)
    b = jax.random.uniform(kb, (fout,), minval=-bound, maxval=bound, dtype=jnp.float32)
    return W, b


def setup_inputs(seed: int = 0):
    key = jax.random.key(seed)
    ks = [jax.random.fold_in(key, i) for i in range(16)]
    op_col = jax.random.randint(ks[0], (N, 1), 0, NUM_OP).astype(jnp.float32)
    nums = jax.random.normal(ks[1], (N, NUMERIC), dtype=jnp.float32)
    x = jnp.concatenate([op_col, nums], axis=1)
    edge_index = jax.random.randint(ks[2], (2, E), 0, N)
    edge_attr = jax.random.randint(ks[3], (E,), 0, NUM_ET)
    batch = jnp.sort(jax.random.randint(ks[4], (N,), 0, B))
    sql_ids = jax.random.randint(ks[5], (B, L), 0, VOCAB)
    sql_mask = jnp.ones((B, L), dtype=jnp.float32)
    params = {}
    params['op_embed'] = jax.random.normal(ks[6], (NUM_OP, 32), dtype=jnp.float32)
    params['edge_embed'] = jax.random.normal(ks[7], (NUM_ET, 16), dtype=jnp.float32)
    tok = jax.random.normal(ks[8], (VOCAB, TEXT), dtype=jnp.float32)
    params['token_embed'] = tok.at[0].set(0.0)
    convs = []
    dins = [32 + NUMERIC, HID, HID]
    for i, din in enumerate(dins):
        kk = [jax.random.fold_in(ks[9], i * 10 + j) for j in range(3)]
        Wl, bl = _lin(kk[0], 16, din)
        W1, b1 = _lin(kk[1], din, HID)
        W2, b2 = _lin(kk[2], HID, HID)
        convs.append({'Wl': Wl, 'bl': bl, 'W1': W1, 'b1': b1, 'W2': W2, 'b2': b2, 'eps': jnp.zeros((), jnp.float32)})
    params['convs'] = convs
    Wm1, bm1 = _lin(ks[10], HID + 3 + TEXT, HID)
    Wm2, bm2 = _lin(ks[11], HID, OUT)
    params['mlp'] = {'W1': Wm1, 'b1': bm1, 'W2': Wm2, 'b2': bm2}
    return {'x': x, 'sql_mask': sql_mask, 'params': params, 'edge_index': edge_index, 'edge_attr': edge_attr, 'batch': batch, 'sql_ids': sql_ids}


def _forward(x, sql_mask, params, edge_index, edge_attr, batch, sql_ids):
    op_ids = jax.lax.stop_gradient(x[:, 0]).astype(jnp.int32)
    nums = x[:, 1:]
    edge_emb = jnp.take(params['edge_embed'], edge_attr, axis=0)
    h = jnp.concatenate([jnp.take(params['op_embed'], op_ids, axis=0), nums], axis=1)
    src = edge_index[0]
    dst = edge_index[1]
    for c in params['convs']:
        h_in = h
        e = edge_emb @ c['Wl'] + c['bl']
        msg = jax.nn.relu(jnp.take(h, src, axis=0) + e)
        agg = jax.ops.segment_sum(msg, dst, num_segments=h.shape[0])
        out = agg + (1.0 + c['eps']) * h
        out = jax.nn.relu(out @ c['W1'] + c['b1']) @ c['W2'] + c['b2']
        mu = jnp.mean(out, axis=-1, keepdims=True)
        var = jnp.mean((out - mu) ** 2, axis=-1, keepdims=True)
        out = (out - mu) / jnp.sqrt(var + 1e-5)
        if h_in.shape[-1] == out.shape[-1]:
            out = out + h_in
        h = jax.nn.leaky_relu(out, 0.1)
    g = jax.ops.segment_sum(h, batch, num_segments=B)
    counts = jax.ops.segment_sum(jnp.ones((x.shape[0],), jnp.float32), batch, num_segments=B)
    denom = jnp.maximum(counts, 1.0)
    fan_mean = jax.ops.segment_sum(x[:, 5], batch, num_segments=B) / denom
    cost_mean = jax.ops.segment_sum(x[:, 4], batch, num_segments=B) / denom
    graph_sum = jnp.stack([counts, fan_mean, cost_mean], axis=1)
    emb = jnp.take(params['token_embed'], sql_ids, axis=0)
    mask = sql_mask[:, :, None]
    summed = jnp.sum(emb * mask, axis=1)
    lengths = jnp.clip(jnp.sum(mask, axis=1), 1.0, None)
    text_feat = summed / lengths
    cat = jnp.concatenate([g, graph_sum, text_feat], axis=1)
    hid = jax.nn.leaky_relu(cat @ params['mlp']['W1'] + params['mlp']['b1'], 0.1)
    return hid @ params['mlp']['W2'] + params['mlp']['b2']


def reference(x, sql_mask, params, edge_index, edge_attr, batch, sql_ids):
    return _forward(x, sql_mask, params, edge_index, edge_attr, batch, sql_ids)

if __name__ == "__main__":
    import jax
    _d = setup_inputs()
    print(jax.jit(kernel)(*tuple(_d.values())))

</pallas_src>

<mosaic_0001>
#map = affine_map<(d0, d1) -> (0, 0)>
#map1 = affine_map<(d0, d1) -> (0, 0, 0)>
module attributes {stable_mosaic.version = 14 : i64} {
  func.func @k(%arg0: i32, %arg1: i32, %arg2: memref<80000x128xf32, #tpu.memory_space<hbm>>, %arg3: memref<32x80x128xi32, #tpu.memory_space<hbm>>, %arg4: memref<32x80x128xi32, #tpu.memory_space<hbm>>, %arg5: memref<10112x128xf32, #tpu.memory_space<hbm>>, %arg6: memref<2x10112x128xf32, #tpu.memory_space<hbm>>, %arg7: memref<32x128xi32, #tpu.memory_space<vmem>>, %arg8: memref<32x128xi32, #tpu.memory_space<vmem>>, %arg9: memref<128x128xf32, #tpu.memory_space<vmem>>, %arg10: memref<128x128xf32, #tpu.memory_space<vmem>>, %arg11: memref<10112x128xf32, #tpu.memory_space<vmem_shared>>, %arg12: memref<!tpu.dma_semaphore, #tpu.memory_space<semaphore_mem>>, %arg13: memref<!tpu.dma_semaphore, #tpu.memory_space<semaphore_mem>>, %arg14: memref<!tpu.dma_semaphore, #tpu.memory_space<semaphore_mem>>, %arg15: memref<!tpu.dma_semaphore, #tpu.memory_space<semaphore_mem>>) attributes {dimension_semantics = [#tpu.dimension_semantics<core_parallel>, #tpu.dimension_semantics<subcore_parallel>], iteration_bounds = array<i64: 2, 16>, scalar_prefetch = 0 : i64, scratch_operands = 9 : i64, tpu.core_type = #tpu.core_type<sc_vector_subcore>, window_params = [{transform_indices = #map}, {transform_indices = #map1}, {transform_indices = #map1}, {transform_indices = #map}, {transform_indices = #map1}]} {
    %mul3A = arith.constant 16 : i32
    %mul3A_0 = arith.muli %arg0, %mul3A : i32
    %add3A = arith.addi %mul3A_0, %arg1 : i32
    %mul3A_1 = arith.constant 632 : i32
    %mul3A_2 = arith.muli %arg1, %mul3A_1 : i32
    %mul3A_3 = arith.constant 632 : i32
    %mul3A_4 = arith.muli %arg1, %mul3A_3 : i32
    "tpu.region"() ({
      %run_scoped3A = tpu.sem_alloc : memref<!tpu.dma_semaphore, #tpu.memory_space<semaphore_mem>>
      %dma_start3A = arith.constant 0 : i32
      %dma_start3A_15 = tpu.memref_slice %arg11[%mul3A_4, %dma_start3A] : memref<10112x128xf32, #tpu.memory_space<vmem_shared>> -> memref<632x128xf32, #tpu.memory_space<vmem_shared>>
      %dma_start3A_16 = arith.constant 0 : i32
      %dma_start3A_17 = tpu.memref_slice %arg5[%mul3A_2, %dma_start3A_16] : memref<10112x128xf32, #tpu.memory_space<hbm>> -> memref<632x128xf32, #tpu.memory_space<hbm>>
      tpu.enqueue_dma source(%dma_start3A_17 : memref<632x128xf32, #tpu.memory_space<hbm>>) target(%dma_start3A_15 : memref<632x128xf32, #tpu.memory_space<vmem_shared>>) target_semaphore(%run_scoped3A : memref<!tpu.dma_semaphore, #tpu.memory_space<semaphore_mem>>)
      %dma_wait3A = arith.constant 0 : i32
      %dma_wait3A_18 = tpu.memref_slice %arg11[%mul3A_4, %dma_wait3A] : memref<10112x128xf32, #tpu.memory_space<vmem_shared>> -> memref<632x128xf32, #tpu.memory_space<vmem_shared>>
      %dma_wait3A_19 = arith.constant 0 : i32
      %dma_wait3A_20 = tpu.memref_slice %arg5[%mul3A_2, %dma_wait3A_19] : memref<10112x128xf32, #tpu.memory_space<hbm>> -> memref<632x128xf32, #tpu.memory_space<hbm>>
      tpu.wait_dma2 semaphore(%run_scoped3A : memref<!tpu.dma_semaphore, #tpu.memory_space<semaphore_mem>>) src(%dma_wait3A_20 : memref<632x128xf32, #tpu.memory_space<hbm>>) dst(%dma_wait3A_18 : memref<632x128xf32, #tpu.memory_space<vmem_shared>>)
      tpu.yield
    }) : () -> ()
    "tpu.region"() ({
      %run_scoped3A = tpu.sem_alloc : memref<!tpu.dma_semaphore, #tpu.memory_space<semaphore_mem>>
      %dma_start3A = arith.constant 0 : i32
      %dma_start3A_15 = arith.constant 0 : i32
      %dma_start3A_16 = tpu.memref_slice %arg7[%dma_start3A, %dma_start3A_15] : memref<32x128xi32, #tpu.memory_space<vmem>> -> memref<16x128xi32, #tpu.memory_space<vmem>>
      %dma_start3A_17 = arith.constant 0 : i32
      %dma_start3A_18 = arith.constant 0 : i32
      %dma_start3A_19 = tpu.memref_slice %arg3[%add3A, %dma_start3A_17, %dma_start3A_18] : memref<32x80x128xi32, #tpu.memory_space<hbm>> -> memref<1x80x128xi32, #tpu.memory_space<hbm>>
      %dma_start3A_20 = tpu.memref_squeeze %dma_start3A_19 : memref<1x80x128xi32, #tpu.memory_space<hbm>> -> memref<80x128xi32, #tpu.memory_space<hbm>>
      %dma_start3A_21 = arith.constant 0 : i32
      %dma_start3A_22 = arith.constant 0 : i32
      %dma_start3A_23 = tpu.memref_slice %dma_start3A_20[%dma_start3A_21, %dma_start3A_22] : memref<80x128xi32, #tpu.memory_space<hbm>> -> memref<16x128xi32, #tpu.memory_space<hbm>>
      %dma_start3A_24 = arith.constant 0 : i32
      %dma_start3A_25 = arith.constant 0 : i32
      %dma_start3A_26 = tpu.memref_slice %arg7[%dma_start3A_24, %dma_start3A_25] : memref<32x128xi32, #tpu.memory_space<vmem>> -> memref<16x128xi32, #tpu.memory_space<vmem>>
      %dma_start3A_27 = arith.constant 0 : i32
      %dma_start3A_28 = arith.constant 0 : i32
      %dma_start3A_29 = tpu.memref_slice %arg3[%add3A, %dma_start3A_27, %dma_start3A_28] : memref<32x80x128xi32, #tpu.memory_space<hbm>> -> memref<1x80x128xi32, #tpu.memory_space<hbm>>
      %dma_start3A_30 = tpu.memref_squeeze %dma_start3A_29 : memref<1x80x128xi32, #tpu.memory_space<hbm>> -> memref<80x128xi32, #tpu.memory_space<hbm>>
      %dma_start3A_31 = arith.constant 0 : i32
      %dma_start3A_32 = arith.constant 0 : i32
      %dma_start3A_33 = tpu.memref_slice %dma_start3A_30[%dma_start3A_31, %dma_start3A_32] : memref<80x128xi32, #tpu.memory_space<hbm>> -> memref<16x128xi32, #tpu.memory_space<hbm>>
      tpu.enqueue_dma source(%dma_start3A_33 : memref<16x128xi32, #tpu.memory_space<hbm>>) target(%dma_start3A_26 : memref<16x128xi32, #tpu.memory_space<vmem>>) target_semaphore(%run_scoped3A : memref<!tpu.dma_semaphore, #tpu.memory_space<semaphore_mem>>)
      %dma_wait3A = arith.constant 0 : i32
      %dma_wait3A_34 = arith.constant 0 : i32
      %dma_wait3A_35 = tpu.memref_slice %arg7[%dma_wait3A, %dma_wait3A_34] : memref<32x128xi32, #tpu.memory_space<vmem>> -> memref<16x128xi32, #tpu.memory_space<vmem>>
      %dma_wait3A_36 = arith.constant 0 : i32
      %dma_wait3A_37 = arith.constant 0 : i32
      %dma_wait3A_38 = tpu.memref_slice %arg3[%add3A, %dma_wait3A_36, %dma_wait3A_37] : memref<32x80x128xi32, #tpu.memory_space<hbm>> -> memref<1x80x128xi32, #tpu.memory_space<hbm>>
      %dma_wait3A_39 = tpu.memref_squeeze %dma_wait3A_38 : memref<1x80x128xi32, #tpu.memory_space<hbm>> -> memref<80x128xi32, #tpu.memory_space<hbm>>
      %dma_wait3A_40 = arith.constant 0 : i32
      %dma_wait3A_41 = arith.constant 0 : i32
      %dma_wait3A_42 = tpu.memref_slice %dma_wait3A_39[%dma_wait3A_40, %dma_wait3A_41] : memref<80x128xi32, #tpu.memory_space<hbm>> -> memref<16x128xi32, #tpu.memory_space<hbm>>
      %dma_wait3A_43 = arith.constant 0 : i32
      %dma_wait3A_44 = arith.constant 0 : i32
      %dma_wait3A_45 = tpu.memref_slice %arg7[%dma_wait3A_43, %dma_wait3A_44] : memref<32x128xi32, #tpu.memory_space<vmem>> -> memref<16x128xi32, #tpu.memory_space<vmem>>
      %dma_wait3A_46 = arith.constant 0 : i32
      %dma_wait3A_47 = arith.constant 0 : i32
      %dma_wait3A_48 = tpu.memref_slice %arg3[%add3A, %dma_wait3A_46, %dma_wait3A_47] : memref<32x80x128xi32, #tpu.memory_space<hbm>> -> memref<1x80x128xi32, #tpu.memory_space<hbm>>
      %dma_wait3A_49 = tpu.memref_squeeze %dma_wait3A_48 : memref<1x80x128xi32, #tpu.memory_space<hbm>> -> memref<80x128xi32, #tpu.memory_space<hbm>>
      %dma_wait3A_50 = arith.constant 0 : i32
      %dma_wait3A_51 = arith.constant 0 : i32
      %dma_wait3A_52 = tpu.memref_slice %dma_wait3A_49[%dma_wait3A_50, %dma_wait3A_51] : memref<80x128xi32, #tpu.memory_space<hbm>> -> memref<16x128xi32, #tpu.memory_space<hbm>>
      tpu.wait_dma2 semaphore(%run_scoped3A : memref<!tpu.dma_semaphore, #tpu.memory_space<semaphore_mem>>) src(%dma_wait3A_52 : memref<16x128xi32, #tpu.memory_space<hbm>>) dst(%dma_wait3A_45 : memref<16x128xi32, #tpu.memory_space<vmem>>)
      tpu.yield
    }) : () -> ()
    "tpu.region"() ({
      %run_scoped3A = tpu.sem_alloc : memref<!tpu.dma_semaphore, #tpu.memory_space<semaphore_mem>>
      %dma_start3A = arith.constant 0 : i32
      %dma_start3A_15 = arith.constant 0 : i32
      %dma_start3A_16 = tpu.memref_slice %arg8[%dma_start3A, %dma_start3A_15] : memref<32x128xi32, #tpu.memory_space<vmem>> -> memref<16x128xi32, #tpu.memory_space<vmem>>
      %dma_start3A_17 = arith.constant 0 : i32
      %dma_start3A_18 = arith.constant 0 : i32
      %dma_start3A_19 = tpu.memref_slice %arg4[%add3A, %dma_start3A_17, %dma_start3A_18] : memref<32x80x128xi32, #tpu.memory_space<hbm>> -> memref<1x80x128xi32, #tpu.memory_space<hbm>>
      %dma_start3A_20 = tpu.memref_squeeze %dma_start3A_19 : memref<1x80x128xi32, #tpu.memory_space<hbm>> -> memref<80x128xi32, #tpu.memory_space<hbm>>
      %dma_start3A_21 = arith.constant 0 : i32
      %dma_start3A_22 = arith.constant 0 : i32
      %dma_start3A_23 = tpu.memref_slice %dma_start3A_20[%dma_start3A_21, %dma_start3A_22] : memref<80x128xi32, #tpu.memory_space<hbm>> -> memref<16x128xi32, #tpu.memory_space<hbm>>
      %dma_start3A_24 = arith.constant 0 : i32
      %dma_start3A_25 = arith.constant 0 : i32
      %dma_start3A_26 = tpu.memref_slice %arg8[%dma_start3A_24, %dma_start3A_25] : memref<32x128xi32, #tpu.memory_space<vmem>> -> memref<16x128xi32, #tpu.memory_space<vmem>>
      %dma_start3A_27 = arith.constant 0 : i32
      %dma_start3A_28 = arith.constant 0 : i32
      %dma_start3A_29 = tpu.memref_slice %arg4[%add3A, %dma_start3A_27, %dma_start3A_28] : memref<32x80x128xi32, #tpu.memory_space<hbm>> -> memref<1x80x128xi32, #tpu.memory_space<hbm>>
      %dma_start3A_30 = tpu.memref_squeeze %dma_start3A_29 : memref<1x80x128xi32, #tpu.memory_space<hbm>> -> memref<80x128xi32, #tpu.memory_space<hbm>>
      %dma_start3A_31 = arith.constant 0 : i32
      %dma_start3A_32 = arith.constant 0 : i32
      %dma_start3A_33 = tpu.memref_slice %dma_start3A_30[%dma_start3A_31, %dma_start3A_32] : memref<80x128xi32, #tpu.memory_space<hbm>> -> memref<16x128xi32, #tpu.memory_space<hbm>>
      tpu.enqueue_dma source(%dma_start3A_33 : memref<16x128xi32, #tpu.memory_space<hbm>>) target(%dma_start3A_26 : memref<16x128xi32, #tpu.memory_space<vmem>>) target_semaphore(%run_scoped3A : memref<!tpu.dma_semaphore, #tpu.memory_space<semaphore_mem>>)
      %dma_wait3A = arith.constant 0 : i32
      %dma_wait3A_34 = arith.constant 0 : i32
      %dma_wait3A_35 = tpu.memref_slice %arg8[%dma_wait3A, %dma_wait3A_34] : memref<32x128xi32, #tpu.memory_space<vmem>> -> memref<16x128xi32, #tpu.memory_space<vmem>>
      %dma_wait3A_36 = arith.constant 0 : i32
      %dma_wait3A_37 = arith.constant 0 : i32
      %dma_wait3A_38 = tpu.memref_slice %arg4[%add3A, %dma_wait3A_36, %dma_wait3A_37] : memref<32x80x128xi32, #tpu.memory_space<hbm>> -> memref<1x80x128xi32, #tpu.memory_space<hbm>>
      %dma_wait3A_39 = tpu.memref_squeeze %dma_wait3A_38 : memref<1x80x128xi32, #tpu.memory_space<hbm>> -> memref<80x128xi32, #tpu.memory_space<hbm>>
      %dma_wait3A_40 = arith.constant 0 : i32
      %dma_wait3A_41 = arith.constant 0 : i32
      %dma_wait3A_42 = tpu.memref_slice %dma_wait3A_39[%dma_wait3A_40, %dma_wait3A_41] : memref<80x128xi32, #tpu.memory_space<hbm>> -> memref<16x128xi32, #tpu.memory_space<hbm>>
      %dma_wait3A_43 = arith.constant 0 : i32
      %dma_wait3A_44 = arith.constant 0 : i32
      %dma_wait3A_45 = tpu.memref_slice %arg8[%dma_wait3A_43, %dma_wait3A_44] : memref<32x128xi32, #tpu.memory_space<vmem>> -> memref<16x128xi32, #tpu.memory_space<vmem>>
      %dma_wait3A_46 = arith.constant 0 : i32
      %dma_wait3A_47 = arith.constant 0 : i32
      %dma_wait3A_48 = tpu.memref_slice %arg4[%add3A, %dma_wait3A_46, %dma_wait3A_47] : memref<32x80x128xi32, #tpu.memory_space<hbm>> -> memref<1x80x128xi32, #tpu.memory_space<hbm>>
      %dma_wait3A_49 = tpu.memref_squeeze %dma_wait3A_48 : memref<1x80x128xi32, #tpu.memory_space<hbm>> -> memref<80x128xi32, #tpu.memory_space<hbm>>
      %dma_wait3A_50 = arith.constant 0 : i32
      %dma_wait3A_51 = arith.constant 0 : i32
      %dma_wait3A_52 = tpu.memref_slice %dma_wait3A_49[%dma_wait3A_50, %dma_wait3A_51] : memref<80x128xi32, #tpu.memory_space<hbm>> -> memref<16x128xi32, #tpu.memory_space<hbm>>
      tpu.wait_dma2 semaphore(%run_scoped3A : memref<!tpu.dma_semaphore, #tpu.memory_space<semaphore_mem>>) src(%dma_wait3A_52 : memref<16x128xi32, #tpu.memory_space<hbm>>) dst(%dma_wait3A_45 : memref<16x128xi32, #tpu.memory_space<vmem>>)
      tpu.yield
    }) : () -> ()
    %barrier3A = arith.constant 0 : index
    tpu.barrier barrier_id(%barrier3A)
    %scan3A = arith.constant 0 : i32
    %scan3A_5 = arith.constant 0 : i32
    %scan3A_6 = arith.constant 5 : i32
    %scan3A_7 = arith.addi %scan3A_5, %scan3A_6 : i32
    %scan3A_8 = arith.constant 1 : i32
    scf.for %scan3A_15 = %scan3A_5 to %scan3A_7 step %scan3A_8  : i32 {
      %rem3A = arith.constant 2 : i32
      %rem3A_16 = arith.remsi %scan3A_15, %rem3A : i32
      %mul3A_17 = arith.constant 16 : i32
      %mul3A_18 = arith.muli %rem3A_16, %mul3A_17 : i32
      %add3A_19 = arith.constant 1 : i32
      %add3A_20 = arith.addi %scan3A_15, %add3A_19 : i32
      %rem3A_21 = arith.constant 2 : i32
      %rem3A_22 = arith.remsi %add3A_20, %rem3A_21 : i32
      %mul3A_23 = arith.constant 16 : i32
      %mul3A_24 = arith.muli %rem3A_22, %mul3A_23 : i32
      %add3A_25 = arith.constant 1 : i32
      %add3A_26 = arith.addi %scan3A_15, %add3A_25 : i32
      %lt3A = arith.constant 5 : i32
      %lt3A_27 = arith.cmpi slt, %add3A_26, %lt3A : i32
      %convert_element_type3A = arith.extui %lt3A_27 : i1 to i32
      %cond3A = arith.constant 0 : i32
      %cond3A_28 = arith.cmpi ne, %convert_element_type3A, %cond3A : i32
      scf.if %cond3A_28 {
        %add3A_47 = arith.constant 1 : i32
        %add3A_48 = arith.addi %scan3A_15, %add3A_47 : i32
        %mul3A_49 = arith.constant 16 : i32
        %mul3A_50 = arith.muli %add3A_48, %mul3A_49 : i32
        %dma_start3A_51 = arith.constant 0 : i32
        %dma_start3A_52 = tpu.memref_slice %arg7[%mul3A_24, %dma_start3A_51] : memref<32x128xi32, #tpu.memory_space<vmem>> -> memref<16x128xi32, #tpu.memory_space<vmem>>
        %dma_start3A_53 = arith.constant 0 : i32
        %dma_start3A_54 = arith.constant 0 : i32
        %dma_start3A_55 = tpu.memref_slice %arg3[%add3A, %dma_start3A_53, %dma_start3A_54] : memref<32x80x128xi32, #tpu.memory_space<hbm>> -> memref<1x80x128xi32, #tpu.memory_space<hbm>>
        %dma_start3A_56 = tpu.memref_squeeze %dma_start3A_55 : memref<1x80x128xi32, #tpu.memory_space<hbm>> -> memref<80x128xi32, #tpu.memory_space<hbm>>
        %dma_start3A_57 = arith.constant 0 : i32
        %dma_start3A_58 = tpu.memref_slice %dma_start3A_56[%mul3A_50, %dma_start3A_57] : memref<80x128xi32, #tpu.memory_space<hbm>> -> memref<16x128xi32, #tpu.memory_space<hbm>>
        %dma_start3A_59 = arith.constant 0 : i32
        %dma_start3A_60 = tpu.memref_slice %arg7[%mul3A_24, %dma_start3A_59] : memref<32x128xi32, #tpu.memory_space<vmem>> -> memref<16x128xi32, #tpu.memory_space<vmem>>
        %dma_start3A_61 = arith.constant 0 : i32
        %dma_start3A_62 = arith.constant 0 : i32
        %dma_start3A_63 = tpu.memref_slice %arg3[%add3A, %dma_start3A_61, %dma_start3A_62] : memref<32x80x128xi32, #tpu.memory_space<hbm>> -> memref<1x80x128xi32, #tpu.memory_space<hbm>>
        %dma_start3A_64 = tpu.memref_squeeze %dma_start3A_63 : memref<1x80x128xi32, #tpu.memory_space<hbm>> -> memref<80x128xi32, #tpu.memory_space<hbm>>
        %dma_start3A_65 = arith.constant 0 : i32
        %dma_start3A_66 = tpu.memref_slice %dma_start3A_64[%mul3A_50, %dma_start3A_65] : memref<80x128xi32, #tpu.memory_space<hbm>> -> memref<16x128xi32, #tpu.memory_space<hbm>>
        tpu.enqueue_dma source(%dma_start3A_66 : memref<16x128xi32, #tpu.memory_space<hbm>>) target(%dma_start3A_60 : memref<16x128xi32, #tpu.memory_space<vmem>>) target_semaphore(%arg14 : memref<!tpu.dma_semaphore, #tpu.memory_space<semaphore_mem>>)
        %add3A_67 = arith.constant 1 : i32
        %add3A_68 = arith.addi %scan3A_15, %add3A_67 : i32
        %mul3A_69 = arith.constant 16 : i32
        %mul3A_70 = arith.muli %add3A_68, %mul3A_69 : i32
        %dma_start3A_71 = arith.constant 0 : i32
        %dma_start3A_72 = tpu.memref_slice %arg8[%mul3A_24, %dma_start3A_71] : memref<32x128xi32, #tpu.memory_space<vmem>> -> memref<16x128xi32, #tpu.memory_space<vmem>>
        %dma_start3A_73 = arith.constant 0 : i32
        %dma_start3A_74 = arith.constant 0 : i32
        %dma_start3A_75 = tpu.memref_slice %arg4[%add3A, %dma_start3A_73, %dma_start3A_74] : memref<32x80x128xi32, #tpu.memory_space<hbm>> -> memref<1x80x128xi32, #tpu.memory_space<hbm>>
        %dma_start3A_76 = tpu.memref_squeeze %dma_start3A_75 : memref<1x80x128xi32, #tpu.memory_space<hbm>> -> memref<80x128xi32, #tpu.memory_space<hbm>>
        %dma_start3A_77 = arith.constant 0 : i32
        %dma_start3A_78 = tpu.memref_slice %dma_start3A_76[%mul3A_70, %dma_start3A_77] : memref<80x128xi32, #tpu.memory_space<hbm>> -> memref<16x128xi32, #tpu.memory_space<hbm>>
        %dma_start3A_79 = arith.constant 0 : i32
        %dma_start3A_80 = tpu.memref_slice %arg8[%mul3A_24, %dma_start3A_79] : memref<32x128xi32, #tpu.memory_space<vmem>> -> memref<16x128xi32, #tpu.memory_space<vmem>>
        %dma_start3A_81 = arith.constant 0 : i32
        %dma_start3A_82 = arith.constant 0 : i32
        %dma_start3A_83 = tpu.memref_slice %arg4[%add3A, %dma_start3A_81, %dma_start3A_82] : memref<32x80x128xi32, #tpu.memory_space<hbm>> -> memref<1x80x128xi32, #tpu.memory_space<hbm>>
        %dma_start3A_84 = tpu.memref_squeeze %dma_start3A_83 : memref<1x80x128xi32, #tpu.memory_space<hbm>> -> memref<80x128xi32, #tpu.memory_space<hbm>>
        %dma_start3A_85 = arith.constant 0 : i32
        %dma_start3A_86 = tpu.memref_slice %dma_start3A_84[%mul3A_70, %dma_start3A_85] : memref<80x128xi32, #tpu.memory_space<hbm>> -> memref<16x128xi32, #tpu.memory_space<hbm>>
        tpu.enqueue_dma source(%dma_start3A_86 : memref<16x128xi32, #tpu.memory_space<hbm>>) target(%dma_start3A_80 : memref<16x128xi32, #tpu.memory_space<vmem>>) target_semaphore(%arg15 : memref<!tpu.dma_semaphore, #tpu.memory_space<semaphore_mem>>)
      } else {
      }
      %dma_start3A = arith.constant 0 : i32
      %dma_start3A_29 = tpu.memref_slice %arg7[%mul3A_18, %dma_start3A] : memref<32x128xi32, #tpu.memory_space<vmem>> -> memref<1x128xi32, #tpu.memory_space<vmem>>
      %dma_start3A_30 = tpu.memref_squeeze %dma_start3A_29 : memref<1x128xi32, #tpu.memory_space<vmem>> -> memref<128xi32, #tpu.memory_space<vmem>>
      %dma_start3A_31 = arith.constant 0 : i32
      %dma_start3A_32 = arith.constant 0 : i32
      %dma_start3A_33 = tpu.memref_slice %arg2[%dma_start3A_31, %dma_start3A_32] : memref<80000x128xf32, #tpu.memory_space<hbm>> -> memref<80000x128xf32, #tpu.memory_space<hbm>>
      tpu.enqueue_indirect_dma source(%dma_start3A_33 : memref<80000x128xf32, #tpu.memory_space<hbm>>) target(%arg9 : memref<128x128xf32, #tpu.memory_space<vmem>>) offsets(%dma_start3A_30 : memref<128xi32, #tpu.memory_space<vmem>>) semaphore(%arg12 : memref<!tpu.dma_semaphore, #tpu.memory_space<semaphore_mem>>)
      %scan3A_34 = arith.constant 0 : i32
      %scan3A_35 = arith.constant 0 : i32
      %scan3A_36 = arith.constant 8 : i32
      %scan3A_37 = arith.addi %scan3A_35, %scan3A_36 : i32
      %scan3A_38 = arith.constant 1 : i32
      scf.for %scan3A_47 = %scan3A_35 to %scan3A_37 step %scan3A_38  : i32 {
        %mul3A_48 = arith.constant 2 : i32
        %mul3A_49 = arith.muli %mul3A_48, %scan3A_47 : i32
        %add3A_50 = arith.addi %mul3A_18, %mul3A_49 : i32
        %add3A_51 = arith.constant 1 : i32
        %add3A_52 = arith.addi %add3A_50, %add3A_51 : i32
        %dma_start3A_53 = arith.constant 0 : i32
        %dma_start3A_54 = tpu.memref_slice %arg7[%add3A_52, %dma_start3A_53] : memref<32x128xi32, #tpu.memory_space<vmem>> -> memref<1x128xi32, #tpu.memory_space<vmem>>
        %dma_start3A_55 = tpu.memref_squeeze %dma_start3A_54 : memref<1x128xi32, #tpu.memory_space<vmem>> -> memref<128xi32, #tpu.memory_space<vmem>>
        %dma_start3A_56 = arith.constant 0 : i32
        %dma_start3A_57 = arith.constant 0 : i32
        %dma_start3A_58 = tpu.memref_slice %arg2[%dma_start3A_56, %dma_start3A_57] : memref<80000x128xf32, #tpu.memory_space<hbm>> -> memref<80000x128xf32, #tpu.memory_space<hbm>>
        tpu.enqueue_indirect_dma source(%dma_start3A_58 : memref<80000x128xf32, #tpu.memory_space<hbm>>) target(%arg10 : memref<128x128xf32, #tpu.memory_space<vmem>>) offsets(%dma_start3A_55 : memref<128xi32, #tpu.memory_space<vmem>>) semaphore(%arg13 : memref<!tpu.dma_semaphore, #tpu.memory_space<semaphore_mem>>)
        %dma_wait3A = arith.constant 0 : i32
        %dma_wait3A_59 = tpu.memref_slice %arg7[%add3A_50, %dma_wait3A] : memref<32x128xi32, #tpu.memory_space<vmem>> -> memref<1x128xi32, #tpu.memory_space<vmem>>
        %dma_wait3A_60 = tpu.memref_squeeze %dma_wait3A_59 : memref<1x128xi32, #tpu.memory_space<vmem>> -> memref<128xi32, #tpu.memory_space<vmem>>
        %dma_wait3A_61 = arith.constant 0 : i32
        %dma_wait3A_62 = arith.constant 0 : i32
        %dma_wait3A_63 = tpu.memref_slice %arg2[%dma_wait3A_61, %dma_wait3A_62] : memref<80000x128xf32, #tpu.memory_space<hbm>> -> memref<80000x128xf32, #tpu.memory_space<hbm>>
        tpu.wait_indirect_dma semaphore(%arg12 : memref<!tpu.dma_semaphore, #tpu.memory_space<semaphore_mem>>) src(%dma_wait3A_63 : memref<80000x128xf32, #tpu.memory_space<hbm>>) dst(%arg9 : memref<128x128xf32, #tpu.memory_space<vmem>>)
        "tpu.region"() ({
          %run_scoped3A = tpu.sem_alloc : memref<!tpu.dma_semaphore, #tpu.memory_space<semaphore_mem>>
          %dma_start3A_83 = arith.constant 0 : i32
          %dma_start3A_84 = tpu.memref_slice %arg8[%add3A_50, %dma_start3A_83] : memref<32x128xi32, #tpu.memory_space<vmem>> -> memref<1x128xi32, #tpu.memory_space<vmem>>
          %dma_start3A_85 = tpu.memref_squeeze %dma_start3A_84 : memref<1x128xi32, #tpu.memory_space<vmem>> -> memref<128xi32, #tpu.memory_space<vmem>>
          %dma_start3A_86 = arith.constant 0 : i32
          %dma_start3A_87 = arith.constant 0 : i32
          %dma_start3A_88 = tpu.memref_slice %arg11[%dma_start3A_86, %dma_start3A_87] : memref<10112x128xf32, #tpu.memory_space<vmem_shared>> -> memref<10112x128xf32, #tpu.memory_space<vmem_shared>>
          tpu.enqueue_indirect_dma source(%arg9 : memref<128x128xf32, #tpu.memory_space<vmem>>) target(%dma_start3A_88 : memref<10112x128xf32, #tpu.memory_space<vmem_shared>>) offsets(%dma_start3A_85 : memref<128xi32, #tpu.memory_space<vmem>>) semaphore(%run_scoped3A : memref<!tpu.dma_semaphore, #tpu.memory_space<semaphore_mem>>) {add = true}
          %dma_wait3A_89 = arith.constant 0 : i32
          %dma_wait3A_90 = tpu.memref_slice %arg8[%add3A_50, %dma_wait3A_89] : memref<32x128xi32, #tpu.memory_space<vmem>> -> memref<1x128xi32, #tpu.memory_space<vmem>>
          %dma_wait3A_91 = tpu.memref_squeeze %dma_wait3A_90 : memref<1x128xi32, #tpu.memory_space<vmem>> -> memref<128xi32, #tpu.memory_space<vmem>>
          %dma_wait3A_92 = arith.constant 0 : i32
          %dma_wait3A_93 = arith.constant 0 : i32
          %dma_wait3A_94 = tpu.memref_slice %arg11[%dma_wait3A_92, %dma_wait3A_93] : memref<10112x128xf32, #tpu.memory_space<vmem_shared>> -> memref<10112x128xf32, #tpu.memory_space<vmem_shared>>
          tpu.wait_indirect_dma semaphore(%run_scoped3A : memref<!tpu.dma_semaphore, #tpu.memory_space<semaphore_mem>>) src(%arg9 : memref<128x128xf32, #tpu.memory_space<vmem>>) dst(%dma_wait3A_94 : memref<10112x128xf32, #tpu.memory_space<vmem_shared>>)
          tpu.yield
        }) : () -> ()
        %mul3A_64 = arith.constant 2 : i32
        %mul3A_65 = arith.muli %mul3A_64, %scan3A_47 : i32
        %add3A_66 = arith.constant 2 : i32
        %add3A_67 = arith.addi %mul3A_65, %add3A_66 : i32
        %lt3A_68 = arith.constant 16 : i32
        %lt3A_69 = arith.cmpi slt, %add3A_67, %lt3A_68 : i32
        %convert_element_type3A_70 = arith.extui %lt3A_69 : i1 to i32
        %cond3A_71 = arith.constant 0 : i32
        %cond3A_72 = arith.cmpi ne, %convert_element_type3A_70, %cond3A_71 : i32
        scf.if %cond3A_72 {
          %add3A_83 = arith.constant 2 : i32
          %add3A_84 = arith.addi %add3A_50, %add3A_83 : i32
          %dma_start3A_85 = arith.constant 0 : i32
          %dma_start3A_86 = tpu.memref_slice %arg7[%add3A_84, %dma_start3A_85] : memref<32x128xi32, #tpu.memory_space<vmem>> -> memref<1x128xi32, #tpu.memory_space<vmem>>
          %dma_start3A_87 = tpu.memref_squeeze %dma_start3A_86 : memref<1x128xi32, #tpu.memory_space<vmem>> -> memref<128xi32, #tpu.memory_space<vmem>>
          %dma_start3A_88 = arith.constant 0 : i32
          %dma_start3A_89 = arith.constant 0 : i32
          %dma_start3A_90 = tpu.memref_slice %arg2[%dma_start3A_88, %dma_start3A_89] : memref<80000x128xf32, #tpu.memory_space<hbm>> -> memref<80000x128xf32, #tpu.memory_space<hbm>>
          tpu.enqueue_indirect_dma source(%dma_start3A_90 : memref<80000x128xf32, #tpu.memory_space<hbm>>) target(%arg9 : memref<128x128xf32, #tpu.memory_space<vmem>>) offsets(%dma_start3A_87 : memref<128xi32, #tpu.memory_space<vmem>>) semaphore(%arg12 : memref<!tpu.dma_semaphore, #tpu.memory_space<semaphore_mem>>)
        } else {
        }
        %add3A_73 = arith.constant 1 : i32
        %add3A_74 = arith.addi %add3A_50, %add3A_73 : i32
        %dma_wait3A_75 = arith.constant 0 : i32
        %dma_wait3A_76 = tpu.memref_slice %arg7[%add3A_74, %dma_wait3A_75] : memref<32x128xi32, #tpu.memory_space<vmem>> -> memref<1x128xi32, #tpu.memory_space<vmem>>
        %dma_wait3A_77 = tpu.memref_squeeze %dma_wait3A_76 : memref<1x128xi32, #tpu.memory_space<vmem>> -> memref<128xi32, #tpu.memory_space<vmem>>
        %dma_wait3A_78 = arith.constant 0 : i32
        %dma_wait3A_79 = arith.constant 0 : i32
        %dma_wait3A_80 = tpu.memref_slice %arg2[%dma_wait3A_78, %dma_wait3A_79] : memref<80000x128xf32, #tpu.memory_space<hbm>> -> memref<80000x128xf32, #tpu.memory_space<hbm>>
        tpu.wait_indirect_dma semaphore(%arg13 : memref<!tpu.dma_semaphore, #tpu.memory_space<semaphore_mem>>) src(%dma_wait3A_80 : memref<80000x128xf32, #tpu.memory_space<hbm>>) dst(%arg10 : memref<128x128xf32, #tpu.memory_space<vmem>>)
        %add3A_81 = arith.constant 1 : i32
        %add3A_82 = arith.addi %add3A_50, %add3A_81 : i32
        "tpu.region"() ({
          %run_scoped3A = tpu.sem_alloc : memref<!tpu.dma_semaphore, #tpu.memory_space<semaphore_mem>>
          %dma_start3A_83 = arith.constant 0 : i32
          %dma_start3A_84 = tpu.memref_slice %arg8[%add3A_82, %dma_start3A_83] : memref<32x128xi32, #tpu.memory_space<vmem>> -> memref<1x128xi32, #tpu.memory_space<vmem>>
          %dma_start3A_85 = tpu.memref_squeeze %dma_start3A_84 : memref<1x128xi32, #tpu.memory_space<vmem>> -> memref<128xi32, #tpu.memory_space<vmem>>
          %dma_start3A_86 = arith.constant 0 : i32
          %dma_start3A_87 = arith.constant 0 : i32
          %dma_start3A_88 = tpu.memref_slice %arg11[%dma_start3A_86, %dma_start3A_87] : memref<10112x128xf32, #tpu.memory_space<vmem_shared>> -> memref<10112x128xf32, #tpu.memory_space<vmem_shared>>
          tpu.enqueue_indirect_dma source(%arg10 : memref<128x128xf32, #tpu.memory_space<vmem>>) target(%dma_start3A_88 : memref<10112x128xf32, #tpu.memory_space<vmem_shared>>) offsets(%dma_start3A_85 : memref<128xi32, #tpu.memory_space<vmem>>) semaphore(%run_scoped3A : memref<!tpu.dma_semaphore, #tpu.memory_space<semaphore_mem>>) {add = true}
          %dma_wait3A_89 = arith.constant 0 : i32
          %dma_wait3A_90 = tpu.memref_slice %arg8[%add3A_82, %dma_wait3A_89] : memref<32x128xi32, #tpu.memory_space<vmem>> -> memref<1x128xi32, #tpu.memory_space<vmem>>
          %dma_wait3A_91 = tpu.memref_squeeze %dma_wait3A_90 : memref<1x128xi32, #tpu.memory_space<vmem>> -> memref<128xi32, #tpu.memory_space<vmem>>
          %dma_wait3A_92 = arith.constant 0 : i32
          %dma_wait3A_93 = arith.constant 0 : i32
          %dma_wait3A_94 = tpu.memref_slice %arg11[%dma_wait3A_92, %dma_wait3A_93] : memref<10112x128xf32, #tpu.memory_space<vmem_shared>> -> memref<10112x128xf32, #tpu.memory_space<vmem_shared>>
          tpu.wait_indirect_dma semaphore(%run_scoped3A : memref<!tpu.dma_semaphore, #tpu.memory_space<semaphore_mem>>) src(%arg10 : memref<128x128xf32, #tpu.memory_space<vmem>>) dst(%dma_wait3A_94 : memref<10112x128xf32, #tpu.memory_space<vmem_shared>>)
          tpu.yield
        }) : () -> ()
      }
      %scan3A_39 = arith.constant 8 : i32
      %add3A_40 = arith.constant 1 : i32
      %add3A_41 = arith.addi %scan3A_15, %add3A_40 : i32
      %lt3A_42 = arith.constant 5 : i32
      %lt3A_43 = arith.cmpi slt, %add3A_41, %lt3A_42 : i32
      %convert_element_type3A_44 = arith.extui %lt3A_43 : i1 to i32
      %cond3A_45 = arith.constant 0 : i32
      %cond3A_46 = arith.cmpi ne, %convert_element_type3A_44, %cond3A_45 : i32
      scf.if %cond3A_46 {
        %dma_wait3A = arith.constant 0 : i32
        %dma_wait3A_47 = arith.constant 0 : i32
        %dma_wait3A_48 = tpu.memref_slice %arg7[%dma_wait3A, %dma_wait3A_47] : memref<32x128xi32, #tpu.memory_space<vmem>> -> memref<16x128xi32, #tpu.memory_space<vmem>>
        %dma_wait3A_49 = arith.constant 0 : i32
        %dma_wait3A_50 = arith.constant 0 : i32
        %dma_wait3A_51 = tpu.memref_slice %arg3[%add3A, %dma_wait3A_49, %dma_wait3A_50] : memref<32x80x128xi32, #tpu.memory_space<hbm>> -> memref<1x80x128xi32, #tpu.memory_space<hbm>>
        %dma_wait3A_52 = tpu.memref_squeeze %dma_wait3A_51 : memref<1x80x128xi32, #tpu.memory_space<hbm>> -> memref<80x128xi32, #tpu.memory_space<hbm>>
        %dma_wait3A_53 = arith.constant 0 : i32
        %dma_wait3A_54 = arith.constant 0 : i32
        %dma_wait3A_55 = tpu.memref_slice %dma_wait3A_52[%dma_wait3A_53, %dma_wait3A_54] : memref<80x128xi32, #tpu.memory_space<hbm>> -> memref<16x128xi32, #tpu.memory_space<hbm>>
        %dma_wait3A_56 = arith.constant 0 : i32
        %dma_wait3A_57 = arith.constant 0 : i32
        %dma_wait3A_58 = tpu.memref_slice %arg7[%dma_wait3A_56, %dma_wait3A_57] : memref<32x128xi32, #tpu.memory_space<vmem>> -> memref<16x128xi32, #tpu.memory_space<vmem>>
        %dma_wait3A_59 = arith.constant 0 : i32
        %dma_wait3A_60 = arith.constant 0 : i32
        %dma_wait3A_61 = tpu.memref_slice %arg3[%add3A, %dma_wait3A_59, %dma_wait3A_60] : memref<32x80x128xi32, #tpu.memory_space<hbm>> -> memref<1x80x128xi32, #tpu.memory_space<hbm>>
        %dma_wait3A_62 = tpu.memref_squeeze %dma_wait3A_61 : memref<1x80x128xi32, #tpu.memory_space<hbm>> -> memref<80x128xi32, #tpu.memory_space<hbm>>
        %dma_wait3A_63 = arith.constant 0 : i32
        %dma_wait3A_64 = arith.constant 0 : i32
        %dma_wait3A_65 = tpu.memref_slice %dma_wait3A_62[%dma_wait3A_63, %dma_wait3A_64] : memref<80x128xi32, #tpu.memory_space<hbm>> -> memref<16x128xi32, #tpu.memory_space<hbm>>
        tpu.wait_dma2 semaphore(%arg14 : memref<!tpu.dma_semaphore, #tpu.memory_space<semaphore_mem>>) src(%dma_wait3A_65 : memref<16x128xi32, #tpu.memory_space<hbm>>) dst(%dma_wait3A_58 : memref<16x128xi32, #tpu.memory_space<vmem>>)
        %dma_wait3A_66 = arith.constant 0 : i32
        %dma_wait3A_67 = arith.constant 0 : i32
        %dma_wait3A_68 = tpu.memref_slice %arg8[%dma_wait3A_66, %dma_wait3A_67] : memref<32x128xi32, #tpu.memory_space<vmem>> -> memref<16x128xi32, #tpu.memory_space<vmem>>
        %dma_wait3A_69 = arith.constant 0 : i32
        %dma_wait3A_70 = arith.constant 0 : i32
        %dma_wait3A_71 = tpu.memref_slice %arg4[%add3A, %dma_wait3A_69, %dma_wait3A_70] : memref<32x80x128xi32, #tpu.memory_space<hbm>> -> memref<1x80x128xi32, #tpu.memory_space<hbm>>
        %dma_wait3A_72 = tpu.memref_squeeze %dma_wait3A_71 : memref<1x80x128xi32, #tpu.memory_space<hbm>> -> memref<80x128xi32, #tpu.memory_space<hbm>>
        %dma_wait3A_73 = arith.constant 0 : i32
        %dma_wait3A_74 = arith.constant 0 : i32
        %dma_wait3A_75 = tpu.memref_slice %dma_wait3A_72[%dma_wait3A_73, %dma_wait3A_74] : memref<80x128xi32, #tpu.memory_space<hbm>> -> memref<16x128xi32, #tpu.memory_space<hbm>>
        %dma_wait3A_76 = arith.constant 0 : i32
        %dma_wait3A_77 = arith.constant 0 : i32
        %dma_wait3A_78 = tpu.memref_slice %arg8[%dma_wait3A_76, %dma_wait3A_77] : memref<32x128xi32, #tpu.memory_space<vmem>> -> memref<16x128xi32, #tpu.memory_space<vmem>>
        %dma_wait3A_79 = arith.constant 0 : i32
        %dma_wait3A_80 = arith.constant 0 : i32
        %dma_wait3A_81 = tpu.memref_slice %arg4[%add3A, %dma_wait3A_79, %dma_wait3A_80] : memref<32x80x128xi32, #tpu.memory_space<hbm>> -> memref<1x80x128xi32, #tpu.memory_space<hbm>>
        %dma_wait3A_82 = tpu.memref_squeeze %dma_wait3A_81 : memref<1x80x128xi32, #tpu.memory_space<hbm>> -> memref<80x128xi32, #tpu.memory_space<hbm>>
        %dma_wait3A_83 = arith.constant 0 : i32
        %dma_wait3A_84 = arith.constant 0 : i32
        %dma_wait3A_85 = tpu.memref_slice %dma_wait3A_82[%dma_wait3A_83, %dma_wait3A_84] : memref<80x128xi32, #tpu.memory_space<hbm>> -> memref<16x128xi32, #tpu.memory_space<hbm>>
        tpu.wait_dma2 semaphore(%arg15 : memref<!tpu.dma_semaphore, #tpu.memory_space<semaphore_mem>>) src(%dma_wait3A_85 : memref<16x128xi32, #tpu.memory_space<hbm>>) dst(%dma_wait3A_78 : memref<16x128xi32, #tpu.memory_space<vmem>>)
      } else {
      }
    }
    %scan3A_9 = arith.constant 5 : i32
    %barrier3A_10 = arith.constant 0 : index
    tpu.barrier barrier_id(%barrier3A_10)
    %mul3A_11 = arith.constant 632 : i32
    %mul3A_12 = arith.muli %arg1, %mul3A_11 : i32
    %mul3A_13 = arith.constant 632 : i32
    %mul3A_14 = arith.muli %arg1, %mul3A_13 : i32
    "tpu.region"() ({
      %run_scoped3A = tpu.sem_alloc : memref<!tpu.dma_semaphore, #tpu.memory_space<semaphore_mem>>
      %dma_start3A = arith.constant 0 : i32
      %dma_start3A_15 = arith.constant 0 : i32
      %dma_start3A_16 = tpu.memref_slice %arg6[%arg0, %dma_start3A, %dma_start3A_15] : memref<2x10112x128xf32, #tpu.memory_space<hbm>> -> memref<1x10112x128xf32, #tpu.memory_space<hbm>>
      %dma_start3A_17 = tpu.memref_squeeze %dma_start3A_16 : memref<1x10112x128xf32, #tpu.memory_space<hbm>> -> memref<10112x128xf32, #tpu.memory_space<hbm>>
      %dma_start3A_18 = arith.constant 0 : i32
      %dma_start3A_19 = tpu.memref_slice %dma_start3A_17[%mul3A_14, %dma_start3A_18] : memref<10112x128xf32, #tpu.memory_space<hbm>> -> memref<632x128xf32, #tpu.memory_space<hbm>>
      %dma_start3A_20 = arith.constant 0 : i32
      %dma_start3A_21 = tpu.memref_slice %arg11[%mul3A_12, %dma_start3A_20] : memref<10112x128xf32, #tpu.memory_space<vmem_shared>> -> memref<632x128xf32, #tpu.memory_space<vmem_shared>>
      tpu.enqueue_dma source(%dma_start3A_21 : memref<632x128xf32, #tpu.memory_space<vmem_shared>>) target(%dma_start3A_19 : memref<632x128xf32, #tpu.memory_space<hbm>>) target_semaphore(%run_scoped3A : memref<!tpu.dma_semaphore, #tpu.memory_space<semaphore_mem>>)
      %dma_wait3A = arith.constant 0 : i32
      %dma_wait3A_22 = arith.constant 0 : i32
      %dma_wait3A_23 = tpu.memref_slice %arg6[%arg0, %dma_wait3A, %dma_wait3A_22] : memref<2x10112x128xf32, #tpu.memory_space<hbm>> -> memref<1x10112x128xf32, #tpu.memory_space<hbm>>
      %dma_wait3A_24 = tpu.memref_squeeze %dma_wait3A_23 : memref<1x10112x128xf32, #tpu.memory_space<hbm>> -> memref<10112x128xf32, #tpu.memory_space<hbm>>
      %dma_wait3A_25 = arith.constant 0 : i32
      %dma_wait3A_26 = tpu.memref_slice %dma_wait3A_24[%mul3A_14, %dma_wait3A_25] : memref<10112x128xf32, #tpu.memory_space<hbm>> -> memref<632x128xf32, #tpu.memory_space<hbm>>
      %dma_wait3A_27 = arith.constant 0 : i32
      %dma_wait3A_28 = tpu.memref_slice %arg11[%mul3A_12, %dma_wait3A_27] : memref<10112x128xf32, #tpu.memory_space<vmem_shared>> -> memref<632x128xf32, #tpu.memory_space<vmem_shared>>
      tpu.wait_dma2 semaphore(%run_scoped3A : memref<!tpu.dma_semaphore, #tpu.memory_space<semaphore_mem>>) src(%dma_wait3A_28 : memref<632x128xf32, #tpu.memory_space<vmem_shared>>) dst(%dma_wait3A_26 : memref<632x128xf32, #tpu.memory_space<hbm>>)
      tpu.yield
    }) : () -> ()
    return
  }
}

#map = affine_map<(d0, d1) -> (0, 0)>
#map1 = affine_map<(d0, d1) -> (0, 0, 0)>
module attributes {stable_mosaic.version = 14 : i64} {
  func.func @k(%arg0: i32, %arg1: i32, %arg2: memref<100000x128xf32, #tpu.memory_space<hbm>>, %arg3: memref<32x2x128xi32, #tpu.memory_space<hbm>>, %arg4: memref<32x2x128xi32, #tpu.memory_space<hbm>>, %arg5: memref<64x128xf32, #tpu.memory_space<hbm>>, %arg6: memref<2x64x128xf32, #tpu.memory_space<hbm>>, %arg7: memref<2x128xi32, #tpu.memory_space<vmem>>, %arg8: memref<2x128xi32, #tpu.memory_space<vmem>>, %arg9: memref<128x128xf32, #tpu.memory_space<vmem>>, %arg10: memref<64x128xf32, #tpu.memory_space<vmem_shared>>, %arg11: memref<!tpu.dma_semaphore, #tpu.memory_space<semaphore_mem>>) attributes {dimension_semantics = [#tpu.dimension_semantics<core_parallel>, #tpu.dimension_semantics<subcore_parallel>], iteration_bounds = array<i64: 2, 16>, scalar_prefetch = 0 : i64, scratch_operands = 5 : i64, tpu.core_type = #tpu.core_type<sc_vector_subcore>, window_params = [{transform_indices = #map}, {transform_indices = #map1}, {transform_indices = #map1}, {transform_indices = #map}, {transform_indices = #map1}]} {
    %mul3A = arith.constant 16 : i32
    %mul3A_0 = arith.muli %arg0, %mul3A : i32
    %add3A = arith.addi %mul3A_0, %arg1 : i32
    %lt3A = arith.constant 8 : i32
    %lt3A_1 = arith.cmpi slt, %arg1, %lt3A : i32
    %convert_element_type3A = arith.extui %lt3A_1 : i1 to i32
    %cond3A = arith.constant 0 : i32
    %cond3A_2 = arith.cmpi ne, %convert_element_type3A, %cond3A : i32
    scf.if %cond3A_2 {
      %mul3A_36 = arith.constant 8 : i32
      %mul3A_37 = arith.muli %arg1, %mul3A_36 : i32
      %mul3A_38 = arith.constant 8 : i32
      %mul3A_39 = arith.muli %arg1, %mul3A_38 : i32
      "tpu.region"() ({
        %run_scoped3A_40 = tpu.sem_alloc : memref<!tpu.dma_semaphore, #tpu.memory_space<semaphore_mem>>
        %dma_start3A_41 = arith.constant 0 : i32
        %dma_start3A_42 = tpu.memref_slice %arg10[%mul3A_39, %dma_start3A_41] : memref<64x128xf32, #tpu.memory_space<vmem_shared>> -> memref<8x128xf32, #tpu.memory_space<vmem_shared>>
        %dma_start3A_43 = arith.constant 0 : i32
        %dma_start3A_44 = tpu.memref_slice %arg5[%mul3A_37, %dma_start3A_43] : memref<64x128xf32, #tpu.memory_space<hbm>> -> memref<8x128xf32, #tpu.memory_space<hbm>>
        tpu.enqueue_dma source(%dma_start3A_44 : memref<8x128xf32, #tpu.memory_space<hbm>>) target(%dma_start3A_42 : memref<8x128xf32, #tpu.memory_space<vmem_shared>>) target_semaphore(%run_scoped3A_40 : memref<!tpu.dma_semaphore, #tpu.memory_space<semaphore_mem>>)
        %dma_wait3A_45 = arith.constant 0 : i32
        %dma_wait3A_46 = tpu.memref_slice %arg10[%mul3A_39, %dma_wait3A_45] : memref<64x128xf32, #tpu.memory_space<vmem_shared>> -> memref<8x128xf32, #tpu.memory_space<vmem_shared>>
        %dma_wait3A_47 = arith.constant 0 : i32
        %dma_wait3A_48 = tpu.memref_slice %arg5[%mul3A_37, %dma_wait3A_47] : memref<64x128xf32, #tpu.memory_space<hbm>> -> memref<8x128xf32, #tpu.memory_space<hbm>>
        tpu.wait_dma2 semaphore(%run_scoped3A_40 : memref<!tpu.dma_semaphore, #tpu.memory_space<semaphore_mem>>) src(%dma_wait3A_48 : memref<8x128xf32, #tpu.memory_space<hbm>>) dst(%dma_wait3A_46 : memref<8x128xf32, #tpu.memory_space<vmem_shared>>)
        tpu.yield
      }) : () -> ()
    } else {
    }
    "tpu.region"() ({
      %run_scoped3A_36 = tpu.sem_alloc : memref<!tpu.dma_semaphore, #tpu.memory_space<semaphore_mem>>
      %dma_start3A_37 = arith.constant 0 : i32
      %dma_start3A_38 = arith.constant 0 : i32
      %dma_start3A_39 = tpu.memref_slice %arg3[%add3A, %dma_start3A_37, %dma_start3A_38] : memref<32x2x128xi32, #tpu.memory_space<hbm>> -> memref<1x2x128xi32, #tpu.memory_space<hbm>>
      %dma_start3A_40 = tpu.memref_squeeze %dma_start3A_39 : memref<1x2x128xi32, #tpu.memory_space<hbm>> -> memref<2x128xi32, #tpu.memory_space<hbm>>
      %dma_start3A_41 = arith.constant 0 : i32
      %dma_start3A_42 = arith.constant 0 : i32
      %dma_start3A_43 = tpu.memref_slice %arg3[%add3A, %dma_start3A_41, %dma_start3A_42] : memref<32x2x128xi32, #tpu.memory_space<hbm>> -> memref<1x2x128xi32, #tpu.memory_space<hbm>>
      %dma_start3A_44 = tpu.memref_squeeze %dma_start3A_43 : memref<1x2x128xi32, #tpu.memory_space<hbm>> -> memref<2x128xi32, #tpu.memory_space<hbm>>
      tpu.enqueue_dma source(%dma_start3A_44 : memref<2x128xi32, #tpu.memory_space<hbm>>) target(%arg7 : memref<2x128xi32, #tpu.memory_space<vmem>>) target_semaphore(%run_scoped3A_36 : memref<!tpu.dma_semaphore, #tpu.memory_space<semaphore_mem>>)
      %dma_wait3A_45 = arith.constant 0 : i32
      %dma_wait3A_46 = arith.constant 0 : i32
      %dma_wait3A_47 = tpu.memref_slice %arg3[%add3A, %dma_wait3A_45, %dma_wait3A_46] : memref<32x2x128xi32, #tpu.memory_space<hbm>> -> memref<1x2x128xi32, #tpu.memory_space<hbm>>
      %dma_wait3A_48 = tpu.memref_squeeze %dma_wait3A_47 : memref<1x2x128xi32, #tpu.memory_space<hbm>> -> memref<2x128xi32, #tpu.memory_space<hbm>>
      %dma_wait3A_49 = arith.constant 0 : i32
      %dma_wait3A_50 = arith.constant 0 : i32
      %dma_wait3A_51 = tpu.memref_slice %arg3[%add3A, %dma_wait3A_49, %dma_wait3A_50] : memref<32x2x128xi32, #tpu.memory_space<hbm>> -> memref<1x2x128xi32, #tpu.memory_space<hbm>>
      %dma_wait3A_52 = tpu.memref_squeeze %dma_wait3A_51 : memref<1x2x128xi32, #tpu.memory_space<hbm>> -> memref<2x128xi32, #tpu.memory_space<hbm>>
      tpu.wait_dma2 semaphore(%run_scoped3A_36 : memref<!tpu.dma_semaphore, #tpu.memory_space<semaphore_mem>>) src(%dma_wait3A_52 : memref<2x128xi32, #tpu.memory_space<hbm>>) dst(%arg7 : memref<2x128xi32, #tpu.memory_space<vmem>>)
      tpu.yield
    }) : () -> ()
    "tpu.region"() ({
      %run_scoped3A_36 = tpu.sem_alloc : memref<!tpu.dma_semaphore, #tpu.memory_space<semaphore_mem>>
      %dma_start3A_37 = arith.constant 0 : i32
      %dma_start3A_38 = arith.constant 0 : i32
      %dma_start3A_39 = tpu.memref_slice %arg4[%add3A, %dma_start3A_37, %dma_start3A_38] : memref<32x2x128xi32, #tpu.memory_space<hbm>> -> memref<1x2x128xi32, #tpu.memory_space<hbm>>
      %dma_start3A_40 = tpu.memref_squeeze %dma_start3A_39 : memref<1x2x128xi32, #tpu.memory_space<hbm>> -> memref<2x128xi32, #tpu.memory_space<hbm>>
      %dma_start3A_41 = arith.constant 0 : i32
      %dma_start3A_42 = arith.constant 0 : i32
      %dma_start3A_43 = tpu.memref_slice %arg4[%add3A, %dma_start3A_41, %dma_start3A_42] : memref<32x2x128xi32, #tpu.memory_space<hbm>> -> memref<1x2x128xi32, #tpu.memory_space<hbm>>
      %dma_start3A_44 = tpu.memref_squeeze %dma_start3A_43 : memref<1x2x128xi32, #tpu.memory_space<hbm>> -> memref<2x128xi32, #tpu.memory_space<hbm>>
      tpu.enqueue_dma source(%dma_start3A_44 : memref<2x128xi32, #tpu.memory_space<hbm>>) target(%arg8 : memref<2x128xi32, #tpu.memory_space<vmem>>) target_semaphore(%run_scoped3A_36 : memref<!tpu.dma_semaphore, #tpu.memory_space<semaphore_mem>>)
      %dma_wait3A_45 = arith.constant 0 : i32
      %dma_wait3A_46 = arith.constant 0 : i32
      %dma_wait3A_47 = tpu.memref_slice %arg4[%add3A, %dma_wait3A_45, %dma_wait3A_46] : memref<32x2x128xi32, #tpu.memory_space<hbm>> -> memref<1x2x128xi32, #tpu.memory_space<hbm>>
      %dma_wait3A_48 = tpu.memref_squeeze %dma_wait3A_47 : memref<1x2x128xi32, #tpu.memory_space<hbm>> -> memref<2x128xi32, #tpu.memory_space<hbm>>
      %dma_wait3A_49 = arith.constant 0 : i32
      %dma_wait3A_50 = arith.constant 0 : i32
      %dma_wait3A_51 = tpu.memref_slice %arg4[%add3A, %dma_wait3A_49, %dma_wait3A_50] : memref<32x2x128xi32, #tpu.memory_space<hbm>> -> memref<1x2x128xi32, #tpu.memory_space<hbm>>
      %dma_wait3A_52 = tpu.memref_squeeze %dma_wait3A_51 : memref<1x2x128xi32, #tpu.memory_space<hbm>> -> memref<2x128xi32, #tpu.memory_space<hbm>>
      tpu.wait_dma2 semaphore(%run_scoped3A_36 : memref<!tpu.dma_semaphore, #tpu.memory_space<semaphore_mem>>) src(%dma_wait3A_52 : memref<2x128xi32, #tpu.memory_space<hbm>>) dst(%arg8 : memref<2x128xi32, #tpu.memory_space<vmem>>)
      tpu.yield
    }) : () -> ()
    %barrier3A = arith.constant 0 : index
    tpu.barrier barrier_id(%barrier3A)
    %dma_start3A = arith.constant 0 : i32
    %dma_start3A_3 = arith.constant 0 : i32
    %dma_start3A_4 = tpu.memref_slice %arg7[%dma_start3A, %dma_start3A_3] : memref<2x128xi32, #tpu.memory_space<vmem>> -> memref<1x128xi32, #tpu.memory_space<vmem>>
    %dma_start3A_5 = tpu.memref_squeeze %dma_start3A_4 : memref<1x128xi32, #tpu.memory_space<vmem>> -> memref<128xi32, #tpu.memory_space<vmem>>
    %dma_start3A_6 = arith.constant 0 : i32
    %dma_start3A_7 = arith.constant 0 : i32
    %dma_start3A_8 = tpu.memref_slice %arg2[%dma_start3A_6, %dma_start3A_7] : memref<100000x128xf32, #tpu.memory_space<hbm>> -> memref<100000x128xf32, #tpu.memory_space<hbm>>
    tpu.enqueue_indirect_dma source(%dma_start3A_8 : memref<100000x128xf32, #tpu.memory_space<hbm>>) target(%arg9 : memref<128x128xf32, #tpu.memory_space<vmem>>) offsets(%dma_start3A_5 : memref<128xi32, #tpu.memory_space<vmem>>) semaphore(%arg11 : memref<!tpu.dma_semaphore, #tpu.memory_space<semaphore_mem>>)
    %dma_wait3A = arith.constant 0 : i32
    %dma_wait3A_9 = arith.constant 0 : i32
    %dma_wait3A_10 = tpu.memref_slice %arg7[%dma_wait3A, %dma_wait3A_9] : memref<2x128xi32, #tpu.memory_space<vmem>> -> memref<1x128xi32, #tpu.memory_space<vmem>>
    %dma_wait3A_11 = tpu.memref_squeeze %dma_wait3A_10 : memref<1x128xi32, #tpu.memory_space<vmem>> -> memref<128xi32, #tpu.memory_space<vmem>>
    %dma_wait3A_12 = arith.constant 0 : i32
    %dma_wait3A_13 = arith.constant 0 : i32
    %dma_wait3A_14 = tpu.memref_slice %arg2[%dma_wait3A_12, %dma_wait3A_13] : memref<100000x128xf32, #tpu.memory_space<hbm>> -> memref<100000x128xf32, #tpu.memory_space<hbm>>
    tpu.wait_indirect_dma semaphore(%arg11 : memref<!tpu.dma_semaphore, #tpu.memory_space<semaphore_mem>>) src(%dma_wait3A_14 : memref<100000x128xf32, #tpu.memory_space<hbm>>) dst(%arg9 : memref<128x128xf32, #tpu.memory_space<vmem>>)
    %run_scoped3A = arith.constant 0 : i32
    "tpu.region"() ({
      %run_scoped3A_36 = tpu.sem_alloc : memref<!tpu.dma_semaphore, #tpu.memory_space<semaphore_mem>>
      %dma_start3A_37 = arith.constant 0 : i32
      %dma_start3A_38 = tpu.memref_slice %arg8[%run_scoped3A, %dma_start3A_37] : memref<2x128xi32, #tpu.memory_space<vmem>> -> memref<1x128xi32, #tpu.memory_space<vmem>>
      %dma_start3A_39 = tpu.memref_squeeze %dma_start3A_38 : memref<1x128xi32, #tpu.memory_space<vmem>> -> memref<128xi32, #tpu.memory_space<vmem>>
      %dma_start3A_40 = arith.constant 0 : i32
      %dma_start3A_41 = arith.constant 0 : i32
      %dma_start3A_42 = tpu.memref_slice %arg10[%dma_start3A_40, %dma_start3A_41] : memref<64x128xf32, #tpu.memory_space<vmem_shared>> -> memref<64x128xf32, #tpu.memory_space<vmem_shared>>
      tpu.enqueue_indirect_dma source(%arg9 : memref<128x128xf32, #tpu.memory_space<vmem>>) target(%dma_start3A_42 : memref<64x128xf32, #tpu.memory_space<vmem_shared>>) offsets(%dma_start3A_39 : memref<128xi32, #tpu.memory_space<vmem>>) semaphore(%run_scoped3A_36 : memref<!tpu.dma_semaphore, #tpu.memory_space<semaphore_mem>>) {add = true}
      %dma_wait3A_43 = arith.constant 0 : i32
      %dma_wait3A_44 = tpu.memref_slice %arg8[%run_scoped3A, %dma_wait3A_43] : memref<2x128xi32, #tpu.memory_space<vmem>> -> memref<1x128xi32, #tpu.memory_space<vmem>>
      %dma_wait3A_45 = tpu.memref_squeeze %dma_wait3A_44 : memref<1x128xi32, #tpu.memory_space<vmem>> -> memref<128xi32, #tpu.memory_space<vmem>>
      %dma_wait3A_46 = arith.constant 0 : i32
      %dma_wait3A_47 = arith.constant 0 : i32
      %dma_wait3A_48 = tpu.memref_slice %arg10[%dma_wait3A_46, %dma_wait3A_47] : memref<64x128xf32, #tpu.memory_space<vmem_shared>> -> memref<64x128xf32, #tpu.memory_space<vmem_shared>>
      tpu.wait_indirect_dma semaphore(%run_scoped3A_36 : memref<!tpu.dma_semaphore, #tpu.memory_space<semaphore_mem>>) src(%arg9 : memref<128x128xf32, #tpu.memory_space<vmem>>) dst(%dma_wait3A_48 : memref<64x128xf32, #tpu.memory_space<vmem_shared>>)
      tpu.yield
    }) : () -> ()
    %dma_start3A_15 = arith.constant 1 : i32
    %dma_start3A_16 = arith.constant 0 : i32
    %dma_start3A_17 = tpu.memref_slice %arg7[%dma_start3A_15, %dma_start3A_16] : memref<2x128xi32, #tpu.memory_space<vmem>> -> memref<1x128xi32, #tpu.memory_space<vmem>>
    %dma_start3A_18 = tpu.memref_squeeze %dma_start3A_17 : memref<1x128xi32, #tpu.memory_space<vmem>> -> memref<128xi32, #tpu.memory_space<vmem>>
    %dma_start3A_19 = arith.constant 0 : i32
    %dma_start3A_20 = arith.constant 0 : i32
    %dma_start3A_21 = tpu.memref_slice %arg2[%dma_start3A_19, %dma_start3A_20] : memref<100000x128xf32, #tpu.memory_space<hbm>> -> memref<100000x128xf32, #tpu.memory_space<hbm>>
    tpu.enqueue_indirect_dma source(%dma_start3A_21 : memref<100000x128xf32, #tpu.memory_space<hbm>>) target(%arg9 : memref<128x128xf32, #tpu.memory_space<vmem>>) offsets(%dma_start3A_18 : memref<128xi32, #tpu.memory_space<vmem>>) semaphore(%arg11 : memref<!tpu.dma_semaphore, #tpu.memory_space<semaphore_mem>>)
    %dma_wait3A_22 = arith.constant 1 : i32
    %dma_wait3A_23 = arith.constant 0 : i32
    %dma_wait3A_24 = tpu.memref_slice %arg7[%dma_wait3A_22, %dma_wait3A_23] : memref<2x128xi32, #tpu.memory_space<vmem>> -> memref<1x128xi32, #tpu.memory_space<vmem>>
    %dma_wait3A_25 = tpu.memref_squeeze %dma_wait3A_24 : memref<1x128xi32, #tpu.memory_space<vmem>> -> memref<128xi32, #tpu.memory_space<vmem>>
    %dma_wait3A_26 = arith.constant 0 : i32
    %dma_wait3A_27 = arith.constant 0 : i32
    %dma_wait3A_28 = tpu.memref_slice %arg2[%dma_wait3A_26, %dma_wait3A_27] : memref<100000x128xf32, #tpu.memory_space<hbm>> -> memref<100000x128xf32, #tpu.memory_space<hbm>>
    tpu.wait_indirect_dma semaphore(%arg11 : memref<!tpu.dma_semaphore, #tpu.memory_space<semaphore_mem>>) src(%dma_wait3A_28 : memref<100000x128xf32, #tpu.memory_space<hbm>>) dst(%arg9 : memref<128x128xf32, #tpu.memory_space<vmem>>)
    %run_scoped3A_29 = arith.constant 1 : i32
    "tpu.region"() ({
      %run_scoped3A_36 = tpu.sem_alloc : memref<!tpu.dma_semaphore, #tpu.memory_space<semaphore_mem>>
      %dma_start3A_37 = arith.constant 0 : i32
      %dma_start3A_38 = tpu.memref_slice %arg8[%run_scoped3A_29, %dma_start3A_37] : memref<2x128xi32, #tpu.memory_space<vmem>> -> memref<1x128xi32, #tpu.memory_space<vmem>>
      %dma_start3A_39 = tpu.memref_squeeze %dma_start3A_38 : memref<1x128xi32, #tpu.memory_space<vmem>> -> memref<128xi32, #tpu.memory_space<vmem>>
      %dma_start3A_40 = arith.constant 0 : i32
      %dma_start3A_41 = arith.constant 0 : i32
      %dma_start3A_42 = tpu.memref_slice %arg10[%dma_start3A_40, %dma_start3A_41] : memref<64x128xf32, #tpu.memory_space<vmem_shared>> -> memref<64x128xf32, #tpu.memory_space<vmem_shared>>
      tpu.enqueue_indirect_dma source(%arg9 : memref<128x128xf32, #tpu.memory_space<vmem>>) target(%dma_start3A_42 : memref<64x128xf32, #tpu.memory_space<vmem_shared>>) offsets(%dma_start3A_39 : memref<128xi32, #tpu.memory_space<vmem>>) semaphore(%run_scoped3A_36 : memref<!tpu.dma_semaphore, #tpu.memory_space<semaphore_mem>>) {add = true}
      %dma_wait3A_43 = arith.constant 0 : i32
      %dma_wait3A_44 = tpu.memref_slice %arg8[%run_scoped3A_29, %dma_wait3A_43] : memref<2x128xi32, #tpu.memory_space<vmem>> -> memref<1x128xi32, #tpu.memory_space<vmem>>
      %dma_wait3A_45 = tpu.memref_squeeze %dma_wait3A_44 : memref<1x128xi32, #tpu.memory_space<vmem>> -> memref<128xi32, #tpu.memory_space<vmem>>
      %dma_wait3A_46 = arith.constant 0 : i32
      %dma_wait3A_47 = arith.constant 0 : i32
      %dma_wait3A_48 = tpu.memref_slice %arg10[%dma_wait3A_46, %dma_wait3A_47] : memref<64x128xf32, #tpu.memory_space<vmem_shared>> -> memref<64x128xf32, #tpu.memory_space<vmem_shared>>
      tpu.wait_indirect_dma semaphore(%run_scoped3A_36 : memref<!tpu.dma_semaphore, #tpu.memory_space<semaphore_mem>>) src(%arg9 : memref<128x128xf32, #tpu.memory_space<vmem>>) dst(%dma_wait3A_48 : memref<64x128xf32, #tpu.memory_space<vmem_shared>>)
      tpu.yield
    }) : () -> ()
    %barrier3A_30 = arith.constant 0 : index
    tpu.barrier barrier_id(%barrier3A_30)
    %lt3A_31 = arith.constant 8 : i32
    %lt3A_32 = arith.cmpi slt, %arg1, %lt3A_31 : i32
    %convert_element_type3A_33 = arith.extui %lt3A_32 : i1 to i32
    %cond3A_34 = arith.constant 0 : i32
    %cond3A_35 = arith.cmpi ne, %convert_element_type3A_33, %cond3A_34 : i32
    scf.if %cond3A_35 {
      %mul3A_36 = arith.constant 8 : i32
      %mul3A_37 = arith.muli %arg1, %mul3A_36 : i32
      %mul3A_38 = arith.constant 8 : i32
      %mul3A_39 = arith.muli %arg1, %mul3A_38 : i32
      "tpu.region"() ({
        %run_scoped3A_40 = tpu.sem_alloc : memref<!tpu.dma_semaphore, #tpu.memory_space<semaphore_mem>>
        %dma_start3A_41 = arith.constant 0 : i32
        %dma_start3A_42 = arith.constant 0 : i32
        %dma_start3A_43 = tpu.memref_slice %arg6[%arg0, %dma_start3A_41, %dma_start3A_42] : memref<2x64x128xf32, #tpu.memory_space<hbm>> -> memref<1x64x128xf32, #tpu.memory_space<hbm>>
        %dma_start3A_44 = tpu.memref_squeeze %dma_start3A_43 : memref<1x64x128xf32, #tpu.memory_space<hbm>> -> memref<64x128xf32, #tpu.memory_space<hbm>>
        %dma_start3A_45 = arith.constant 0 : i32
        %dma_start3A_46 = tpu.memref_slice %dma_start3A_44[%mul3A_39, %dma_start3A_45] : memref<64x128xf32, #tpu.memory_space<hbm>> -> memref<8x128xf32, #tpu.memory_space<hbm>>
        %dma_start3A_47 = arith.constant 0 : i32
        %dma_start3A_48 = tpu.memref_slice %arg10[%mul3A_37, %dma_start3A_47] : memref<64x128xf32, #tpu.memory_space<vmem_shared>> -> memref<8x128xf32, #tpu.memory_space<vmem_shared>>
        tpu.enqueue_dma source(%dma_start3A_48 : memref<8x128xf32, #tpu.memory_space<vmem_shared>>) target(%dma_start3A_46 : memref<8x128xf32, #tpu.memory_space<hbm>>) target_semaphore(%run_scoped3A_40 : memref<!tpu.dma_semaphore, #tpu.memory_space<semaphore_mem>>)
        %dma_wait3A_49 = arith.constant 0 : i32
        %dma_wait3A_50 = arith.constant 0 : i32
        %dma_wait3A_51 = tpu.memref_slice %arg6[%arg0, %dma_wait3A_49, %dma_wait3A_50] : memref<2x64x128xf32, #tpu.memory_space<hbm>> -> memref<1x64x128xf32, #tpu.memory_space<hbm>>
        %dma_wait3A_52 = tpu.memref_squeeze %dma_wait3A_51 : memref<1x64x128xf32, #tpu.memory_space<hbm>> -> memref<64x128xf32, #tpu.memory_space<hbm>>
        %dma_wait3A_53 = arith.constant 0 : i32
        %dma_wait3A_54 = tpu.memref_slice %dma_wait3A_52[%mul3A_39, %dma_wait3A_53] : memref<64x128xf32, #tpu.memory_space<hbm>> -> memref<8x128xf32, #tpu.memory_space<hbm>>
        %dma_wait3A_55 = arith.constant 0 : i32
        %dma_wait3A_56 = tpu.memref_slice %arg10[%mul3A_37, %dma_wait3A_55] : memref<64x128xf32, #tpu.memory_space<vmem_shared>> -> memref<8x128xf32, #tpu.memory_space<vmem_shared>>
        tpu.wait_dma2 semaphore(%run_scoped3A_40 : memref<!tpu.dma_semaphore, #tpu.memory_space<semaphore_mem>>) src(%dma_wait3A_56 : memref<8x128xf32, #tpu.memory_space<vmem_shared>>) dst(%dma_wait3A_54 : memref<8x128xf32, #tpu.memory_space<hbm>>)
        tpu.yield
      }) : () -> ()
    } else {
    }
    return
  }
}

#map = affine_map<(d0, d1) -> (0, 0)>
#map1 = affine_map<(d0, d1) -> (0, 0, 0)>
module attributes {stable_mosaic.version = 14 : i64} {
  func.func @k(%arg0: i32, %arg1: i32, %arg2: memref<80000x128xf32, #tpu.memory_space<hbm>>, %arg3: memref<32x80x128xi32, #tpu.memory_space<hbm>>, %arg4: memref<32x80x128xi32, #tpu.memory_space<hbm>>, %arg5: memref<10112x128xf32, #tpu.memory_space<hbm>>, %arg6: memref<2x10112x128xf32, #tpu.memory_space<hbm>>, %arg7: memref<32x128xi32, #tpu.memory_space<vmem>>, %arg8: memref<32x128xi32, #tpu.memory_space<vmem>>, %arg9: memref<128x128xf32, #tpu.memory_space<vmem>>, %arg10: memref<128x128xf32, #tpu.memory_space<vmem>>, %arg11: memref<10112x128xf32, #tpu.memory_space<vmem_shared>>, %arg12: memref<!tpu.dma_semaphore, #tpu.memory_space<semaphore_mem>>, %arg13: memref<!tpu.dma_semaphore, #tpu.memory_space<semaphore_mem>>, %arg14: memref<!tpu.dma_semaphore, #tpu.memory_space<semaphore_mem>>, %arg15: memref<!tpu.dma_semaphore, #tpu.memory_space<semaphore_mem>>) attributes {dimension_semantics = [#tpu.dimension_semantics<core_parallel>, #tpu.dimension_semantics<subcore_parallel>], iteration_bounds = array<i64: 2, 16>, scalar_prefetch = 0 : i64, scratch_operands = 9 : i64, tpu.core_type = #tpu.core_type<sc_vector_subcore>, window_params = [{transform_indices = #map}, {transform_indices = #map1}, {transform_indices = #map1}, {transform_indices = #map}, {transform_indices = #map1}]} {
    %mul3A = arith.constant 16 : i32
    %mul3A_0 = arith.muli %arg0, %mul3A : i32
    %add3A = arith.addi %mul3A_0, %arg1 : i32
    %mul3A_1 = arith.constant 632 : i32
    %mul3A_2 = arith.muli %arg1, %mul3A_1 : i32
    %mul3A_3 = arith.constant 632 : i32
    %mul3A_4 = arith.muli %arg1, %mul3A_3 : i32
    "tpu.region"() ({
      %run_scoped3A = tpu.sem_alloc : memref<!tpu.dma_semaphore, #tpu.memory_space<semaphore_mem>>
      %dma_start3A = arith.constant 0 : i32
      %dma_start3A_15 = tpu.memref_slice %arg11[%mul3A_4, %dma_start3A] : memref<10112x128xf32, #tpu.memory_space<vmem_shared>> -> memref<632x128xf32, #tpu.memory_space<vmem_shared>>
      %dma_start3A_16 = arith.constant 0 : i32
      %dma_start3A_17 = tpu.memref_slice %arg5[%mul3A_2, %dma_start3A_16] : memref<10112x128xf32, #tpu.memory_space<hbm>> -> memref<632x128xf32, #tpu.memory_space<hbm>>
      tpu.enqueue_dma source(%dma_start3A_17 : memref<632x128xf32, #tpu.memory_space<hbm>>) target(%dma_start3A_15 : memref<632x128xf32, #tpu.memory_space<vmem_shared>>) target_semaphore(%run_scoped3A : memref<!tpu.dma_semaphore, #tpu.memory_space<semaphore_mem>>)
      %dma_wait3A = arith.constant 0 : i32
      %dma_wait3A_18 = tpu.memref_slice %arg11[%mul3A_4, %dma_wait3A] : memref<10112x128xf32, #tpu.memory_space<vmem_shared>> -> memref<632x128xf32, #tpu.memory_space<vmem_shared>>
      %dma_wait3A_19 = arith.constant 0 : i32
      %dma_wait3A_20 = tpu.memref_slice %arg5[%mul3A_2, %dma_wait3A_19] : memref<10112x128xf32, #tpu.memory_space<hbm>> -> memref<632x128xf32, #tpu.memory_space<hbm>>
      tpu.wait_dma2 semaphore(%run_scoped3A : memref<!tpu.dma_semaphore, #tpu.memory_space<semaphore_mem>>) src(%dma_wait3A_20 : memref<632x128xf32, #tpu.memory_space<hbm>>) dst(%dma_wait3A_18 : memref<632x128xf32, #tpu.memory_space<vmem_shared>>)
      tpu.yield
    }) : () -> ()
    "tpu.region"() ({
      %run_scoped3A = tpu.sem_alloc : memref<!tpu.dma_semaphore, #tpu.memory_space<semaphore_mem>>
      %dma_start3A = arith.constant 0 : i32
      %dma_start3A_15 = arith.constant 0 : i32
      %dma_start3A_16 = tpu.memref_slice %arg7[%dma_start3A, %dma_start3A_15] : memref<32x128xi32, #tpu.memory_space<vmem>> -> memref<16x128xi32, #tpu.memory_space<vmem>>
      %dma_start3A_17 = arith.constant 0 : i32
      %dma_start3A_18 = arith.constant 0 : i32
      %dma_start3A_19 = tpu.memref_slice %arg3[%add3A, %dma_start3A_17, %dma_start3A_18] : memref<32x80x128xi32, #tpu.memory_space<hbm>> -> memref<1x80x128xi32, #tpu.memory_space<hbm>>
      %dma_start3A_20 = tpu.memref_squeeze %dma_start3A_19 : memref<1x80x128xi32, #tpu.memory_space<hbm>> -> memref<80x128xi32, #tpu.memory_space<hbm>>
      %dma_start3A_21 = arith.constant 0 : i32
      %dma_start3A_22 = arith.constant 0 : i32
      %dma_start3A_23 = tpu.memref_slice %dma_start3A_20[%dma_start3A_21, %dma_start3A_22] : memref<80x128xi32, #tpu.memory_space<hbm>> -> memref<16x128xi32, #tpu.memory_space<hbm>>
      %dma_start3A_24 = arith.constant 0 : i32
      %dma_start3A_25 = arith.constant 0 : i32
      %dma_start3A_26 = tpu.memref_slice %arg7[%dma_start3A_24, %dma_start3A_25] : memref<32x128xi32, #tpu.memory_space<vmem>> -> memref<16x128xi32, #tpu.memory_space<vmem>>
      %dma_start3A_27 = arith.constant 0 : i32
      %dma_start3A_28 = arith.constant 0 : i32
      %dma_start3A_29 = tpu.memref_slice %arg3[%add3A, %dma_start3A_27, %dma_start3A_28] : memref<32x80x128xi32, #tpu.memory_space<hbm>> -> memref<1x80x128xi32, #tpu.memory_space<hbm>>
      %dma_start3A_30 = tpu.memref_squeeze %dma_start3A_29 : memref<1x80x128xi32, #tpu.memory_space<hbm>> -> memref<80x128xi32, #tpu.memory_space<hbm>>
      %dma_start3A_31 = arith.constant 0 : i32
      %dma_start3A_32 = arith.constant 0 : i32
      %dma_start3A_33 = tpu.memref_slice %dma_start3A_30[%dma_start3A_31, %dma_start3A_32] : memref<80x128xi32, #tpu.memory_space<hbm>> -> memref<16x128xi32, #tpu.memory_space<hbm>>
      tpu.enqueue_dma source(%dma_start3A_33 : memref<16x128xi32, #tpu.memory_space<hbm>>) target(%dma_start3A_26 : memref<16x128xi32, #tpu.memory_space<vmem>>) target_semaphore(%run_scoped3A : memref<!tpu.dma_semaphore, #tpu.memory_space<semaphore_mem>>)
      %dma_wait3A = arith.constant 0 : i32
      %dma_wait3A_34 = arith.constant 0 : i32
      %dma_wait3A_35 = tpu.memref_slice %arg7[%dma_wait3A, %dma_wait3A_34] : memref<32x128xi32, #tpu.memory_space<vmem>> -> memref<16x128xi32, #tpu.memory_space<vmem>>
      %dma_wait3A_36 = arith.constant 0 : i32
      %dma_wait3A_37 = arith.constant 0 : i32
      %dma_wait3A_38 = tpu.memref_slice %arg3[%add3A, %dma_wait3A_36, %dma_wait3A_37] : memref<32x80x128xi32, #tpu.memory_space<hbm>> -> memref<1x80x128xi32, #tpu.memory_space<hbm>>
      %dma_wait3A_39 = tpu.memref_squeeze %dma_wait3A_38 : memref<1x80x128xi32, #tpu.memory_space<hbm>> -> memref<80x128xi32, #tpu.memory_space<hbm>>
      %dma_wait3A_40 = arith.constant 0 : i32
      %dma_wait3A_41 = arith.constant 0 : i32
      %dma_wait3A_42 = tpu.memref_slice %dma_wait3A_39[%dma_wait3A_40, %dma_wait3A_41] : memref<80x128xi32, #tpu.memory_space<hbm>> -> memref<16x128xi32, #tpu.memory_space<hbm>>
      %dma_wait3A_43 = arith.constant 0 : i32
      %dma_wait3A_44 = arith.constant 0 : i32
      %dma_wait3A_45 = tpu.memref_slice %arg7[%dma_wait3A_43, %dma_wait3A_44] : memref<32x128xi32, #tpu.memory_space<vmem>> -> memref<16x128xi32, #tpu.memory_space<vmem>>
      %dma_wait3A_46 = arith.constant 0 : i32
      %dma_wait3A_47 = arith.constant 0 : i32
      %dma_wait3A_48 = tpu.memref_slice %arg3[%add3A, %dma_wait3A_46, %dma_wait3A_47] : memref<32x80x128xi32, #tpu.memory_space<hbm>> -> memref<1x80x128xi32, #tpu.memory_space<hbm>>
      %dma_wait3A_49 = tpu.memref_squeeze %dma_wait3A_48 : memref<1x80x128xi32, #tpu.memory_space<hbm>> -> memref<80x128xi32, #tpu.memory_space<hbm>>
      %dma_wait3A_50 = arith.constant 0 : i32
      %dma_wait3A_51 = arith.constant 0 : i32
      %dma_wait3A_52 = tpu.memref_slice %dma_wait3A_49[%dma_wait3A_50, %dma_wait3A_51] : memref<80x128xi32, #tpu.memory_space<hbm>> -> memref<16x128xi32, #tpu.memory_space<hbm>>
      tpu.wait_dma2 semaphore(%run_scoped3A : memref<!tpu.dma_semaphore, #tpu.memory_space<semaphore_mem>>) src(%dma_wait3A_52 : memref<16x128xi32, #tpu.memory_space<hbm>>) dst(%dma_wait3A_45 : memref<16x128xi32, #tpu.memory_space<vmem>>)
      tpu.yield
    }) : () -> ()
    "tpu.region"() ({
      %run_scoped3A = tpu.sem_alloc : memref<!tpu.dma_semaphore, #tpu.memory_space<semaphore_mem>>
      %dma_start3A = arith.constant 0 : i32
      %dma_start3A_15 = arith.constant 0 : i32
      %dma_start3A_16 = tpu.memref_slice %arg8[%dma_start3A, %dma_start3A_15] : memref<32x128xi32, #tpu.memory_space<vmem>> -> memref<16x128xi32, #tpu.memory_space<vmem>>
      %dma_start3A_17 = arith.constant 0 : i32
      %dma_start3A_18 = arith.constant 0 : i32
      %dma_start3A_19 = tpu.memref_slice %arg4[%add3A, %dma_start3A_17, %dma_start3A_18] : memref<32x80x128xi32, #tpu.memory_space<hbm>> -> memref<1x80x128xi32, #tpu.memory_space<hbm>>
      %dma_start3A_20 = tpu.memref_squeeze %dma_start3A_19 : memref<1x80x128xi32, #tpu.memory_space<hbm>> -> memref<80x128xi32, #tpu.memory_space<hbm>>
      %dma_start3A_21 = arith.constant 0 : i32
      %dma_start3A_22 = arith.constant 0 : i32
      %dma_start3A_23 = tpu.memref_slice %dma_start3A_20[%dma_start3A_21, %dma_start3A_22] : memref<80x128xi32, #tpu.memory_space<hbm>> -> memref<16x128xi32, #tpu.memory_space<hbm>>
      %dma_start3A_24 = arith.constant 0 : i32
      %dma_start3A_25 = arith.constant 0 : i32
      %dma_start3A_26 = tpu.memref_slice %arg8[%dma_start3A_24, %dma_start3A_25] : memref<32x128xi32, #tpu.memory_space<vmem>> -> memref<16x128xi32, #tpu.memory_space<vmem>>
      %dma_start3A_27 = arith.constant 0 : i32
      %dma_start3A_28 = arith.constant 0 : i32
      %dma_start3A_29 = tpu.memref_slice %arg4[%add3A, %dma_start3A_27, %dma_start3A_28] : memref<32x80x128xi32, #tpu.memory_space<hbm>> -> memref<1x80x128xi32, #tpu.memory_space<hbm>>
      %dma_start3A_30 = tpu.memref_squeeze %dma_start3A_29 : memref<1x80x128xi32, #tpu.memory_space<hbm>> -> memref<80x128xi32, #tpu.memory_space<hbm>>
      %dma_start3A_31 = arith.constant 0 : i32
      %dma_start3A_32 = arith.constant 0 : i32
      %dma_start3A_33 = tpu.memref_slice %dma_start3A_30[%dma_start3A_31, %dma_start3A_32] : memref<80x128xi32, #tpu.memory_space<hbm>> -> memref<16x128xi32, #tpu.memory_space<hbm>>
      tpu.enqueue_dma source(%dma_start3A_33 : memref<16x128xi32, #tpu.memory_space<hbm>>) target(%dma_start3A_26 : memref<16x128xi32, #tpu.memory_space<vmem>>) target_semaphore(%run_scoped3A : memref<!tpu.dma_semaphore, #tpu.memory_space<semaphore_mem>>)
      %dma_wait3A = arith.constant 0 : i32
      %dma_wait3A_34 = arith.constant 0 : i32
      %dma_wait3A_35 = tpu.memref_slice %arg8[%dma_wait3A, %dma_wait3A_34] : memref<32x128xi32, #tpu.memory_space<vmem>> -> memref<16x128xi32, #tpu.memory_space<vmem>>
      %dma_wait3A_36 = arith.constant 0 : i32
      %dma_wait3A_37 = arith.constant 0 : i32
      %dma_wait3A_38 = tpu.memref_slice %arg4[%add3A, %dma_wait3A_36, %dma_wait3A_37] : memref<32x80x128xi32, #tpu.memory_space<hbm>> -> memref<1x80x128xi32, #tpu.memory_space<hbm>>
      %dma_wait3A_39 = tpu.memref_squeeze %dma_wait3A_38 : memref<1x80x128xi32, #tpu.memory_space<hbm>> -> memref<80x128xi32, #tpu.memory_space<hbm>>
      %dma_wait3A_40 = arith.constant 0 : i32
      %dma_wait3A_41 = arith.constant 0 : i32
      %dma_wait3A_42 = tpu.memref_slice %dma_wait3A_39[%dma_wait3A_40, %dma_wait3A_41] : memref<80x128xi32, #tpu.memory_space<hbm>> -> memref<16x128xi32, #tpu.memory_space<hbm>>
      %dma_wait3A_43 = arith.constant 0 : i32
      %dma_wait3A_44 = arith.constant 0 : i32
      %dma_wait3A_45 = tpu.memref_slice %arg8[%dma_wait3A_43, %dma_wait3A_44] : memref<32x128xi32, #tpu.memory_space<vmem>> -> memref<16x128xi32, #tpu.memory_space<vmem>>
      %dma_wait3A_46 = arith.constant 0 : i32
      %dma_wait3A_47 = arith.constant 0 : i32
      %dma_wait3A_48 = tpu.memref_slice %arg4[%add3A, %dma_wait3A_46, %dma_wait3A_47] : memref<32x80x128xi32, #tpu.memory_space<hbm>> -> memref<1x80x128xi32, #tpu.memory_space<hbm>>
      %dma_wait3A_49 = tpu.memref_squeeze %dma_wait3A_48 : memref<1x80x128xi32, #tpu.memory_space<hbm>> -> memref<80x128xi32, #tpu.memory_space<hbm>>
      %dma_wait3A_50 = arith.constant 0 : i32
      %dma_wait3A_51 = arith.constant 0 : i32
      %dma_wait3A_52 = tpu.memref_slice %dma_wait3A_49[%dma_wait3A_50, %dma_wait3A_51] : memref<80x128xi32, #tpu.memory_space<hbm>> -> memref<16x128xi32, #tpu.memory_space<hbm>>
      tpu.wait_dma2 semaphore(%run_scoped3A : memref<!tpu.dma_semaphore, #tpu.memory_space<semaphore_mem>>) src(%dma_wait3A_52 : memref<16x128xi32, #tpu.memory_space<hbm>>) dst(%dma_wait3A_45 : memref<16x128xi32, #tpu.memory_space<vmem>>)
      tpu.yield
    }) : () -> ()
    %barrier3A = arith.constant 0 : index
    tpu.barrier barrier_id(%barrier3A)
    %scan3A = arith.constant 0 : i32
    %scan3A_5 = arith.constant 0 : i32
    %scan3A_6 = arith.constant 5 : i32
    %scan3A_7 = arith.addi %scan3A_5, %scan3A_6 : i32
    %scan3A_8 = arith.constant 1 : i32
    scf.for %scan3A_15 = %scan3A_5 to %scan3A_7 step %scan3A_8  : i32 {
      %rem3A = arith.constant 2 : i32
      %rem3A_16 = arith.remsi %scan3A_15, %rem3A : i32
      %mul3A_17 = arith.constant 16 : i32
      %mul3A_18 = arith.muli %rem3A_16, %mul3A_17 : i32
      %add3A_19 = arith.constant 1 : i32
      %add3A_20 = arith.addi %scan3A_15, %add3A_19 : i32
      %rem3A_21 = arith.constant 2 : i32
      %rem3A_22 = arith.remsi %add3A_20, %rem3A_21 : i32
      %mul3A_23 = arith.constant 16 : i32
      %mul3A_24 = arith.muli %rem3A_22, %mul3A_23 : i32
      %add3A_25 = arith.constant 1 : i32
      %add3A_26 = arith.addi %scan3A_15, %add3A_25 : i32
      %lt3A = arith.constant 5 : i32
      %lt3A_27 = arith.cmpi slt, %add3A_26, %lt3A : i32
      %convert_element_type3A = arith.extui %lt3A_27 : i1 to i32
      %cond3A = arith.constant 0 : i32
      %cond3A_28 = arith.cmpi ne, %convert_element_type3A, %cond3A : i32
      scf.if %cond3A_28 {
        %add3A_47 = arith.constant 1 : i32
        %add3A_48 = arith.addi %scan3A_15, %add3A_47 : i32
        %mul3A_49 = arith.constant 16 : i32
        %mul3A_50 = arith.muli %add3A_48, %mul3A_49 : i32
        %dma_start3A_51 = arith.constant 0 : i32
        %dma_start3A_52 = tpu.memref_slice %arg7[%mul3A_24, %dma_start3A_51] : memref<32x128xi32, #tpu.memory_space<vmem>> -> memref<16x128xi32, #tpu.memory_space<vmem>>
        %dma_start3A_53 = arith.constant 0 : i32
        %dma_start3A_54 = arith.constant 0 : i32
        %dma_start3A_55 = tpu.memref_slice %arg3[%add3A, %dma_start3A_53, %dma_start3A_54] : memref<32x80x128xi32, #tpu.memory_space<hbm>> -> memref<1x80x128xi32, #tpu.memory_space<hbm>>
        %dma_start3A_56 = tpu.memref_squeeze %dma_start3A_55 : memref<1x80x128xi32, #tpu.memory_space<hbm>> -> memref<80x128xi32, #tpu.memory_space<hbm>>
        %dma_start3A_57 = arith.constant 0 : i32
        %dma_start3A_58 = tpu.memref_slice %dma_start3A_56[%mul3A_50, %dma_start3A_57] : memref<80x128xi32, #tpu.memory_space<hbm>> -> memref<16x128xi32, #tpu.memory_space<hbm>>
        %dma_start3A_59 = arith.constant 0 : i32
        %dma_start3A_60 = tpu.memref_slice %arg7[%mul3A_24, %dma_start3A_59] : memref<32x128xi32, #tpu.memory_space<vmem>> -> memref<16x128xi32, #tpu.memory_space<vmem>>
        %dma_start3A_61 = arith.constant 0 : i32
        %dma_start3A_62 = arith.constant 0 : i32
        %dma_start3A_63 = tpu.memref_slice %arg3[%add3A, %dma_start3A_61, %dma_start3A_62] : memref<32x80x128xi32, #tpu.memory_space<hbm>> -> memref<1x80x128xi32, #tpu.memory_space<hbm>>
        %dma_start3A_64 = tpu.memref_squeeze %dma_start3A_63 : memref<1x80x128xi32, #tpu.memory_space<hbm>> -> memref<80x128xi32, #tpu.memory_space<hbm>>
        %dma_start3A_65 = arith.constant 0 : i32
        %dma_start3A_66 = tpu.memref_slice %dma_start3A_64[%mul3A_50, %dma_start3A_65] : memref<80x128xi32, #tpu.memory_space<hbm>> -> memref<16x128xi32, #tpu.memory_space<hbm>>
        tpu.enqueue_dma source(%dma_start3A_66 : memref<16x128xi32, #tpu.memory_space<hbm>>) target(%dma_start3A_60 : memref<16x128xi32, #tpu.memory_space<vmem>>) target_semaphore(%arg14 : memref<!tpu.dma_semaphore, #tpu.memory_space<semaphore_mem>>)
        %add3A_67 = arith.constant 1 : i32
        %add3A_68 = arith.addi %scan3A_15, %add3A_67 : i32
        %mul3A_69 = arith.constant 16 : i32
        %mul3A_70 = arith.muli %add3A_68, %mul3A_69 : i32
        %dma_start3A_71 = arith.constant 0 : i32
        %dma_start3A_72 = tpu.memref_slice %arg8[%mul3A_24, %dma_start3A_71] : memref<32x128xi32, #tpu.memory_space<vmem>> -> memref<16x128xi32, #tpu.memory_space<vmem>>
        %dma_start3A_73 = arith.constant 0 : i32
        %dma_start3A_74 = arith.constant 0 : i32
        %dma_start3A_75 = tpu.memref_slice %arg4[%add3A, %dma_start3A_73, %dma_start3A_74] : memref<32x80x128xi32, #tpu.memory_space<hbm>> -> memref<1x80x128xi32, #tpu.memory_space<hbm>>
        %dma_start3A_76 = tpu.memref_squeeze %dma_start3A_75 : memref<1x80x128xi32, #tpu.memory_space<hbm>> -> memref<80x128xi32, #tpu.memory_space<hbm>>
        %dma_start3A_77 = arith.constant 0 : i32
        %dma_start3A_78 = tpu.memref_slice %dma_start3A_76[%mul3A_70, %dma_start3A_77] : memref<80x128xi32, #tpu.memory_space<hbm>> -> memref<16x128xi32, #tpu.memory_space<hbm>>
        %dma_start3A_79 = arith.constant 0 : i32
        %dma_start3A_80 = tpu.memref_slice %arg8[%mul3A_24, %dma_start3A_79] : memref<32x128xi32, #tpu.memory_space<vmem>> -> memref<16x128xi32, #tpu.memory_space<vmem>>
        %dma_start3A_81 = arith.constant 0 : i32
        %dma_start3A_82 = arith.constant 0 : i32
        %dma_start3A_83 = tpu.memref_slice %arg4[%add3A, %dma_start3A_81, %dma_start3A_82] : memref<32x80x128xi32, #tpu.memory_space<hbm>> -> memref<1x80x128xi32, #tpu.memory_space<hbm>>
        %dma_start3A_84 = tpu.memref_squeeze %dma_start3A_83 : memref<1x80x128xi32, #tpu.memory_space<hbm>> -> memref<80x128xi32, #tpu.memory_space<hbm>>
        %dma_start3A_85 = arith.constant 0 : i32
        %dma_start3A_86 = tpu.memref_slice %dma_start3A_84[%mul3A_70, %dma_start3A_85] : memref<80x128xi32, #tpu.memory_space<hbm>> -> memref<16x128xi32, #tpu.memory_space<hbm>>
        tpu.enqueue_dma source(%dma_start3A_86 : memref<16x128xi32, #tpu.memory_space<hbm>>) target(%dma_start3A_80 : memref<16x128xi32, #tpu.memory_space<vmem>>) target_semaphore(%arg15 : memref<!tpu.dma_semaphore, #tpu.memory_space<semaphore_mem>>)
      } else {
      }
      %dma_start3A = arith.constant 0 : i32
      %dma_start3A_29 = tpu.memref_slice %arg7[%mul3A_18, %dma_start3A] : memref<32x128xi32, #tpu.memory_space<vmem>> -> memref<1x128xi32, #tpu.memory_space<vmem>>
      %dma_start3A_30 = tpu.memref_squeeze %dma_start3A_29 : memref<1x128xi32, #tpu.memory_space<vmem>> -> memref<128xi32, #tpu.memory_space<vmem>>
      %dma_start3A_31 = arith.constant 0 : i32
      %dma_start3A_32 = arith.constant 0 : i32
      %dma_start3A_33 = tpu.memref_slice %arg2[%dma_start3A_31, %dma_start3A_32] : memref<80000x128xf32, #tpu.memory_space<hbm>> -> memref<80000x128xf32, #tpu.memory_space<hbm>>
      tpu.enqueue_indirect_dma source(%dma_start3A_33 : memref<80000x128xf32, #tpu.memory_space<hbm>>) target(%arg9 : memref<128x128xf32, #tpu.memory_space<vmem>>) offsets(%dma_start3A_30 : memref<128xi32, #tpu.memory_space<vmem>>) semaphore(%arg12 : memref<!tpu.dma_semaphore, #tpu.memory_space<semaphore_mem>>)
      %scan3A_34 = arith.constant 0 : i32
      %scan3A_35 = arith.constant 0 : i32
      %scan3A_36 = arith.constant 8 : i32
      %scan3A_37 = arith.addi %scan3A_35, %scan3A_36 : i32
      %scan3A_38 = arith.constant 1 : i32
      scf.for %scan3A_47 = %scan3A_35 to %scan3A_37 step %scan3A_38  : i32 {
        %mul3A_48 = arith.constant 2 : i32
        %mul3A_49 = arith.muli %mul3A_48, %scan3A_47 : i32
        %add3A_50 = arith.addi %mul3A_18, %mul3A_49 : i32
        %add3A_51 = arith.constant 1 : i32
        %add3A_52 = arith.addi %add3A_50, %add3A_51 : i32
        %dma_start3A_53 = arith.constant 0 : i32
        %dma_start3A_54 = tpu.memref_slice %arg7[%add3A_52, %dma_start3A_53] : memref<32x128xi32, #tpu.memory_space<vmem>> -> memref<1x128xi32, #tpu.memory_space<vmem>>
        %dma_start3A_55 = tpu.memref_squeeze %dma_start3A_54 : memref<1x128xi32, #tpu.memory_space<vmem>> -> memref<128xi32, #tpu.memory_space<vmem>>
        %dma_start3A_56 = arith.constant 0 : i32
        %dma_start3A_57 = arith.constant 0 : i32
        %dma_start3A_58 = tpu.memref_slice %arg2[%dma_start3A_56, %dma_start3A_57] : memref<80000x128xf32, #tpu.memory_space<hbm>> -> memref<80000x128xf32, #tpu.memory_space<hbm>>
        tpu.enqueue_indirect_dma source(%dma_start3A_58 : memref<80000x128xf32, #tpu.memory_space<hbm>>) target(%arg10 : memref<128x128xf32, #tpu.memory_space<vmem>>) offsets(%dma_start3A_55 : memref<128xi32, #tpu.memory_space<vmem>>) semaphore(%arg13 : memref<!tpu.dma_semaphore, #tpu.memory_space<semaphore_mem>>)
        %dma_wait3A = arith.constant 0 : i32
        %dma_wait3A_59 = tpu.memref_slice %arg7[%add3A_50, %dma_wait3A] : memref<32x128xi32, #tpu.memory_space<vmem>> -> memref<1x128xi32, #tpu.memory_space<vmem>>
        %dma_wait3A_60 = tpu.memref_squeeze %dma_wait3A_59 : memref<1x128xi32, #tpu.memory_space<vmem>> -> memref<128xi32, #tpu.memory_space<vmem>>
        %dma_wait3A_61 = arith.constant 0 : i32
        %dma_wait3A_62 = arith.constant 0 : i32
        %dma_wait3A_63 = tpu.memref_slice %arg2[%dma_wait3A_61, %dma_wait3A_62] : memref<80000x128xf32, #tpu.memory_space<hbm>> -> memref<80000x128xf32, #tpu.memory_space<hbm>>
        tpu.wait_indirect_dma semaphore(%arg12 : memref<!tpu.dma_semaphore, #tpu.memory_space<semaphore_mem>>) src(%dma_wait3A_63 : memref<80000x128xf32, #tpu.memory_space<hbm>>) dst(%arg9 : memref<128x128xf32, #tpu.memory_space<vmem>>)
        "tpu.region"() ({
          %run_scoped3A = tpu.sem_alloc : memref<!tpu.dma_semaphore, #tpu.memory_space<semaphore_mem>>
          %dma_start3A_83 = arith.constant 0 : i32
          %dma_start3A_84 = tpu.memref_slice %arg8[%add3A_50, %dma_start3A_83] : memref<32x128xi32, #tpu.memory_space<vmem>> -> memref<1x128xi32, #tpu.memory_space<vmem>>
          %dma_start3A_85 = tpu.memref_squeeze %dma_start3A_84 : memref<1x128xi32, #tpu.memory_space<vmem>> -> memref<128xi32, #tpu.memory_space<vmem>>
          %dma_start3A_86 = arith.constant 0 : i32
          %dma_start3A_87 = arith.constant 0 : i32
          %dma_start3A_88 = tpu.memref_slice %arg11[%dma_start3A_86, %dma_start3A_87] : memref<10112x128xf32, #tpu.memory_space<vmem_shared>> -> memref<10112x128xf32, #tpu.memory_space<vmem_shared>>
          tpu.enqueue_indirect_dma source(%arg9 : memref<128x128xf32, #tpu.memory_space<vmem>>) target(%dma_start3A_88 : memref<10112x128xf32, #tpu.memory_space<vmem_shared>>) offsets(%dma_start3A_85 : memref<128xi32, #tpu.memory_space<vmem>>) semaphore(%run_scoped3A : memref<!tpu.dma_semaphore, #tpu.memory_space<semaphore_mem>>) {add = true}
          %dma_wait3A_89 = arith.constant 0 : i32
          %dma_wait3A_90 = tpu.memref_slice %arg8[%add3A_50, %dma_wait3A_89] : memref<32x128xi32, #tpu.memory_space<vmem>> -> memref<1x128xi32, #tpu.memory_space<vmem>>
          %dma_wait3A_91 = tpu.memref_squeeze %dma_wait3A_90 : memref<1x128xi32, #tpu.memory_space<vmem>> -> memref<128xi32, #tpu.memory_space<vmem>>
          %dma_wait3A_92 = arith.constant 0 : i32
          %dma_wait3A_93 = arith.constant 0 : i32
          %dma_wait3A_94 = tpu.memref_slice %arg11[%dma_wait3A_92, %dma_wait3A_93] : memref<10112x128xf32, #tpu.memory_space<vmem_shared>> -> memref<10112x128xf32, #tpu.memory_space<vmem_shared>>
          tpu.wait_indirect_dma semaphore(%run_scoped3A : memref<!tpu.dma_semaphore, #tpu.memory_space<semaphore_mem>>) src(%arg9 : memref<128x128xf32, #tpu.memory_space<vmem>>) dst(%dma_wait3A_94 : memref<10112x128xf32, #tpu.memory_space<vmem_shared>>)
          tpu.yield
        }) : () -> ()
        %mul3A_64 = arith.constant 2 : i32
        %mul3A_65 = arith.muli %mul3A_64, %scan3A_47 : i32
        %add3A_66 = arith.constant 2 : i32
        %add3A_67 = arith.addi %mul3A_65, %add3A_66 : i32
        %lt3A_68 = arith.constant 16 : i32
        %lt3A_69 = arith.cmpi slt, %add3A_67, %lt3A_68 : i32
        %convert_element_type3A_70 = arith.extui %lt3A_69 : i1 to i32
        %cond3A_71 = arith.constant 0 : i32
        %cond3A_72 = arith.cmpi ne, %convert_element_type3A_70, %cond3A_71 : i32
        scf.if %cond3A_72 {
          %add3A_83 = arith.constant 2 : i32
          %add3A_84 = arith.addi %add3A_50, %add3A_83 : i32
          %dma_start3A_85 = arith.constant 0 : i32
          %dma_start3A_86 = tpu.memref_slice %arg7[%add3A_84, %dma_start3A_85] : memref<32x128xi32, #tpu.memory_space<vmem>> -> memref<1x128xi32, #tpu.memory_space<vmem>>
          %dma_start3A_87 = tpu.memref_squeeze %dma_start3A_86 : memref<1x128xi32, #tpu.memory_space<vmem>> -> memref<128xi32, #tpu.memory_space<vmem>>
          %dma_start3A_88 = arith.constant 0 : i32
          %dma_start3A_89 = arith.constant 0 : i32
          %dma_start3A_90 = tpu.memref_slice %arg2[%dma_start3A_88, %dma_start3A_89] : memref<80000x128xf32, #tpu.memory_space<hbm>> -> memref<80000x128xf32, #tpu.memory_space<hbm>>
          tpu.enqueue_indirect_dma source(%dma_start3A_90 : memref<80000x128xf32, #tpu.memory_space<hbm>>) target(%arg9 : memref<128x128xf32, #tpu.memory_space<vmem>>) offsets(%dma_start3A_87 : memref<128xi32, #tpu.memory_space<vmem>>) semaphore(%arg12 : memref<!tpu.dma_semaphore, #tpu.memory_space<semaphore_mem>>)
        } else {
        }
        %add3A_73 = arith.constant 1 : i32
        %add3A_74 = arith.addi %add3A_50, %add3A_73 : i32
        %dma_wait3A_75 = arith.constant 0 : i32
        %dma_wait3A_76 = tpu.memref_slice %arg7[%add3A_74, %dma_wait3A_75] : memref<32x128xi32, #tpu.memory_space<vmem>> -> memref<1x128xi32, #tpu.memory_space<vmem>>
        %dma_wait3A_77 = tpu.memref_squeeze %dma_wait3A_76 : memref<1x128xi32, #tpu.memory_space<vmem>> -> memref<128xi32, #tpu.memory_space<vmem>>
        %dma_wait3A_78 = arith.constant 0 : i32
        %dma_wait3A_79 = arith.constant 0 : i32
        %dma_wait3A_80 = tpu.memref_slice %arg2[%dma_wait3A_78, %dma_wait3A_79] : memref<80000x128xf32, #tpu.memory_space<hbm>> -> memref<80000x128xf32, #tpu.memory_space<hbm>>
        tpu.wait_indirect_dma semaphore(%arg13 : memref<!tpu.dma_semaphore, #tpu.memory_space<semaphore_mem>>) src(%dma_wait3A_80 : memref<80000x128xf32, #tpu.memory_space<hbm>>) dst(%arg10 : memref<128x128xf32, #tpu.memory_space<vmem>>)
        %add3A_81 = arith.constant 1 : i32
        %add3A_82 = arith.addi %add3A_50, %add3A_81 : i32
        "tpu.region"() ({
          %run_scoped3A = tpu.sem_alloc : memref<!tpu.dma_semaphore, #tpu.memory_space<semaphore_mem>>
          %dma_start3A_83 = arith.constant 0 : i32
          %dma_start3A_84 = tpu.memref_slice %arg8[%add3A_82, %dma_start3A_83] : memref<32x128xi32, #tpu.memory_space<vmem>> -> memref<1x128xi32, #tpu.memory_space<vmem>>
          %dma_start3A_85 = tpu.memref_squeeze %dma_start3A_84 : memref<1x128xi32, #tpu.memory_space<vmem>> -> memref<128xi32, #tpu.memory_space<vmem>>
          %dma_start3A_86 = arith.constant 0 : i32
          %dma_start3A_87 = arith.constant 0 : i32
          %dma_start3A_88 = tpu.memref_slice %arg11[%dma_start3A_86, %dma_start3A_87] : memref<10112x128xf32, #tpu.memory_space<vmem_shared>> -> memref<10112x128xf32, #tpu.memory_space<vmem_shared>>
          tpu.enqueue_indirect_dma source(%arg10 : memref<128x128xf32, #tpu.memory_space<vmem>>) target(%dma_start3A_88 : memref<10112x128xf32, #tpu.memory_space<vmem_shared>>) offsets(%dma_start3A_85 : memref<128xi32, #tpu.memory_space<vmem>>) semaphore(%run_scoped3A : memref<!tpu.dma_semaphore, #tpu.memory_space<semaphore_mem>>) {add = true}
          %dma_wait3A_89 = arith.constant 0 : i32
          %dma_wait3A_90 = tpu.memref_slice %arg8[%add3A_82, %dma_wait3A_89] : memref<32x128xi32, #tpu.memory_space<vmem>> -> memref<1x128xi32, #tpu.memory_space<vmem>>
          %dma_wait3A_91 = tpu.memref_squeeze %dma_wait3A_90 : memref<1x128xi32, #tpu.memory_space<vmem>> -> memref<128xi32, #tpu.memory_space<vmem>>
          %dma_wait3A_92 = arith.constant 0 : i32
          %dma_wait3A_93 = arith.constant 0 : i32
          %dma_wait3A_94 = tpu.memref_slice %arg11[%dma_wait3A_92, %dma_wait3A_93] : memref<10112x128xf32, #tpu.memory_space<vmem_shared>> -> memref<10112x128xf32, #tpu.memory_space<vmem_shared>>
          tpu.wait_indirect_dma semaphore(%run_scoped3A : memref<!tpu.dma_semaphore, #tpu.memory_space<semaphore_mem>>) src(%arg10 : memref<128x128xf32, #tpu.memory_space<vmem>>) dst(%dma_wait3A_94 : memref<10112x128xf32, #tpu.memory_space<vmem_shared>>)
          tpu.yield
        }) : () -> ()
      }
      %scan3A_39 = arith.constant 8 : i32
      %add3A_40 = arith.constant 1 : i32
      %add3A_41 = arith.addi %scan3A_15, %add3A_40 : i32
      %lt3A_42 = arith.constant 5 : i32
      %lt3A_43 = arith.cmpi slt, %add3A_41, %lt3A_42 : i32
      %convert_element_type3A_44 = arith.extui %lt3A_43 : i1 to i32
      %cond3A_45 = arith.constant 0 : i32
      %cond3A_46 = arith.cmpi ne, %convert_element_type3A_44, %cond3A_45 : i32
      scf.if %cond3A_46 {
        %dma_wait3A = arith.constant 0 : i32
        %dma_wait3A_47 = arith.constant 0 : i32
        %dma_wait3A_48 = tpu.memref_slice %arg7[%dma_wait3A, %dma_wait3A_47] : memref<32x128xi32, #tpu.memory_space<vmem>> -> memref<16x128xi32, #tpu.memory_space<vmem>>
        %dma_wait3A_49 = arith.constant 0 : i32
        %dma_wait3A_50 = arith.constant 0 : i32
        %dma_wait3A_51 = tpu.memref_slice %arg3[%add3A, %dma_wait3A_49, %dma_wait3A_50] : memref<32x80x128xi32, #tpu.memory_space<hbm>> -> memref<1x80x128xi32, #tpu.memory_space<hbm>>
        %dma_wait3A_52 = tpu.memref_squeeze %dma_wait3A_51 : memref<1x80x128xi32, #tpu.memory_space<hbm>> -> memref<80x128xi32, #tpu.memory_space<hbm>>
        %dma_wait3A_53 = arith.constant 0 : i32
        %dma_wait3A_54 = arith.constant 0 : i32
        %dma_wait3A_55 = tpu.memref_slice %dma_wait3A_52[%dma_wait3A_53, %dma_wait3A_54] : memref<80x128xi32, #tpu.memory_space<hbm>> -> memref<16x128xi32, #tpu.memory_space<hbm>>
        %dma_wait3A_56 = arith.constant 0 : i32
        %dma_wait3A_57 = arith.constant 0 : i32
        %dma_wait3A_58 = tpu.memref_slice %arg7[%dma_wait3A_56, %dma_wait3A_57] : memref<32x128xi32, #tpu.memory_space<vmem>> -> memref<16x128xi32, #tpu.memory_space<vmem>>
        %dma_wait3A_59 = arith.constant 0 : i32
        %dma_wait3A_60 = arith.constant 0 : i32
        %dma_wait3A_61 = tpu.memref_slice %arg3[%add3A, %dma_wait3A_59, %dma_wait3A_60] : memref<32x80x128xi32, #tpu.memory_space<hbm>> -> memref<1x80x128xi32, #tpu.memory_space<hbm>>
        %dma_wait3A_62 = tpu.memref_squeeze %dma_wait3A_61 : memref<1x80x128xi32, #tpu.memory_space<hbm>> -> memref<80x128xi32, #tpu.memory_space<hbm>>
        %dma_wait3A_63 = arith.constant 0 : i32
        %dma_wait3A_64 = arith.constant 0 : i32
        %dma_wait3A_65 = tpu.memref_slice %dma_wait3A_62[%dma_wait3A_63, %dma_wait3A_64] : memref<80x128xi32, #tpu.memory_space<hbm>> -> memref<16x128xi32, #tpu.memory_space<hbm>>
        tpu.wait_dma2 semaphore(%arg14 : memref<!tpu.dma_semaphore, #tpu.memory_space<semaphore_mem>>) src(%dma_wait3A_65 : memref<16x128xi32, #tpu.memory_space<hbm>>) dst(%dma_wait3A_58 : memref<16x128xi32, #tpu.memory_space<vmem>>)
        %dma_wait3A_66 = arith.constant 0 : i32
        %dma_wait3A_67 = arith.constant 0 : i32
        %dma_wait3A_68 = tpu.memref_slice %arg8[%dma_wait3A_66, %dma_wait3A_67] : memref<32x128xi32, #tpu.memory_space<vmem>> -> memref<16x128xi32, #tpu.memory_space<vmem>>
        %dma_wait3A_69 = arith.constant 0 : i32
        %dma_wait3A_70 = arith.constant 0 : i32
        %dma_wait3A_71 = tpu.memref_slice %arg4[%add3A, %dma_wait3A_69, %dma_wait3A_70] : memref<32x80x128xi32, #tpu.memory_space<hbm>> -> memref<1x80x128xi32, #tpu.memory_space<hbm>>
        %dma_wait3A_72 = tpu.memref_squeeze %dma_wait3A_71 : memref<1x80x128xi32, #tpu.memory_space<hbm>> -> memref<80x128xi32, #tpu.memory_space<hbm>>
        %dma_wait3A_73 = arith.constant 0 : i32
        %dma_wait3A_74 = arith.constant 0 : i32
        %dma_wait3A_75 = tpu.memref_slice %dma_wait3A_72[%dma_wait3A_73, %dma_wait3A_74] : memref<80x128xi32, #tpu.memory_space<hbm>> -> memref<16x128xi32, #tpu.memory_space<hbm>>
        %dma_wait3A_76 = arith.constant 0 : i32
        %dma_wait3A_77 = arith.constant 0 : i32
        %dma_wait3A_78 = tpu.memref_slice %arg8[%dma_wait3A_76, %dma_wait3A_77] : memref<32x128xi32, #tpu.memory_space<vmem>> -> memref<16x128xi32, #tpu.memory_space<vmem>>
        %dma_wait3A_79 = arith.constant 0 : i32
        %dma_wait3A_80 = arith.constant 0 : i32
        %dma_wait3A_81 = tpu.memref_slice %arg4[%add3A, %dma_wait3A_79, %dma_wait3A_80] : memref<32x80x128xi32, #tpu.memory_space<hbm>> -> memref<1x80x128xi32, #tpu.memory_space<hbm>>
        %dma_wait3A_82 = tpu.memref_squeeze %dma_wait3A_81 : memref<1x80x128xi32, #tpu.memory_space<hbm>> -> memref<80x128xi32, #tpu.memory_space<hbm>>
        %dma_wait3A_83 = arith.constant 0 : i32
        %dma_wait3A_84 = arith.constant 0 : i32
        %dma_wait3A_85 = tpu.memref_slice %dma_wait3A_82[%dma_wait3A_83, %dma_wait3A_84] : memref<80x128xi32, #tpu.memory_space<hbm>> -> memref<16x128xi32, #tpu.memory_space<hbm>>
        tpu.wait_dma2 semaphore(%arg15 : memref<!tpu.dma_semaphore, #tpu.memory_space<semaphore_mem>>) src(%dma_wait3A_85 : memref<16x128xi32, #tpu.memory_space<hbm>>) dst(%dma_wait3A_78 : memref<16x128xi32, #tpu.memory_space<vmem>>)
      } else {
      }
    }
    %scan3A_9 = arith.constant 5 : i32
    %barrier3A_10 = arith.constant 0 : index
    tpu.barrier barrier_id(%barrier3A_10)
    %mul3A_11 = arith.constant 632 : i32
    %mul3A_12 = arith.muli %arg1, %mul3A_11 : i32
    %mul3A_13 = arith.constant 632 : i32
    %mul3A_14 = arith.muli %arg1, %mul3A_13 : i32
    "tpu.region"() ({
      %run_scoped3A = tpu.sem_alloc : memref<!tpu.dma_semaphore, #tpu.memory_space<semaphore_mem>>
      %dma_start3A = arith.constant 0 : i32
      %dma_start3A_15 = arith.constant 0 : i32
      %dma_start3A_16 = tpu.memref_slice %arg6[%arg0, %dma_start3A, %dma_start3A_15] : memref<2x10112x128xf32, #tpu.memory_space<hbm>> -> memref<1x10112x128xf32, #tpu.memory_space<hbm>>
      %dma_start3A_17 = tpu.memref_squeeze %dma_start3A_16 : memref<1x10112x128xf32, #tpu.memory_space<hbm>> -> memref<10112x128xf32, #tpu.memory_space<hbm>>
      %dma_start3A_18 = arith.constant 0 : i32
      %dma_start3A_19 = tpu.memref_slice %dma_start3A_17[%mul3A_14, %dma_start3A_18] : memref<10112x128xf32, #tpu.memory_space<hbm>> -> memref<632x128xf32, #tpu.memory_space<hbm>>
      %dma_start3A_20 = arith.constant 0 : i32
      %dma_start3A_21 = tpu.memref_slice %arg11[%mul3A_12, %dma_start3A_20] : memref<10112x128xf32, #tpu.memory_space<vmem_shared>> -> memref<632x128xf32, #tpu.memory_space<vmem_shared>>
      tpu.enqueue_dma source(%dma_start3A_21 : memref<632x128xf32, #tpu.memory_space<vmem_shared>>) target(%dma_start3A_19 : memref<632x128xf32, #tpu.memory_space<hbm>>) target_semaphore(%run_scoped3A : memref<!tpu.dma_semaphore, #tpu.memory_space<semaphore_mem>>)
      %dma_wait3A = arith.constant 0 : i32
      %dma_wait3A_22 = arith.constant 0 : i32
      %dma_wait3A_23 = tpu.memref_slice %arg6[%arg0, %dma_wait3A, %dma_wait3A_22] : memref<2x10112x128xf32, #tpu.memory_space<hbm>> -> memref<1x10112x128xf32, #tpu.memory_space<hbm>>
      %dma_wait3A_24 = tpu.memref_squeeze %dma_wait3A_23 : memref<1x10112x128xf32, #tpu.memory_space<hbm>> -> memref<10112x128xf32, #tpu.memory_space<hbm>>
      %dma_wait3A_25 = arith.constant 0 : i32
      %dma_wait3A_26 = tpu.memref_slice %dma_wait3A_24[%mul3A_14, %dma_wait3A_25] : memref<10112x128xf32, #tpu.memory_space<hbm>> -> memref<632x128xf32, #tpu.memory_space<hbm>>
      %dma_wait3A_27 = arith.constant 0 : i32
      %dma_wait3A_28 = tpu.memref_slice %arg11[%mul3A_12, %dma_wait3A_27] : memref<10112x128xf32, #tpu.memory_space<vmem_shared>> -> memref<632x128xf32, #tpu.memory_space<vmem_shared>>
      tpu.wait_dma2 semaphore(%run_scoped3A : memref<!tpu.dma_semaphore, #tpu.memory_space<semaphore_mem>>) src(%dma_wait3A_28 : memref<632x128xf32, #tpu.memory_space<vmem_shared>>) dst(%dma_wait3A_26 : memref<632x128xf32, #tpu.memory_space<hbm>>)
      tpu.yield
    }) : () -> ()
    return
  }
}

#map = affine_map<(d0, d1) -> (0, 0)>
#map1 = affine_map<(d0, d1) -> (0, 0, 0)>
module attributes {stable_mosaic.version = 14 : i64} {
  func.func @k(%arg0: i32, %arg1: i32, %arg2: memref<80000x128xf32, #tpu.memory_space<hbm>>, %arg3: memref<32x80x128xi32, #tpu.memory_space<hbm>>, %arg4: memref<32x80x128xi32, #tpu.memory_space<hbm>>, %arg5: memref<10112x128xf32, #tpu.memory_space<hbm>>, %arg6: memref<2x10112x128xf32, #tpu.memory_space<hbm>>, %arg7: memref<32x128xi32, #tpu.memory_space<vmem>>, %arg8: memref<32x128xi32, #tpu.memory_space<vmem>>, %arg9: memref<128x128xf32, #tpu.memory_space<vmem>>, %arg10: memref<128x128xf32, #tpu.memory_space<vmem>>, %arg11: memref<10112x128xf32, #tpu.memory_space<vmem_shared>>, %arg12: memref<!tpu.dma_semaphore, #tpu.memory_space<semaphore_mem>>, %arg13: memref<!tpu.dma_semaphore, #tpu.memory_space<semaphore_mem>>, %arg14: memref<!tpu.dma_semaphore, #tpu.memory_space<semaphore_mem>>, %arg15: memref<!tpu.dma_semaphore, #tpu.memory_space<semaphore_mem>>) attributes {dimension_semantics = [#tpu.dimension_semantics<core_parallel>, #tpu.dimension_semantics<subcore_parallel>], iteration_bounds = array<i64: 2, 16>, scalar_prefetch = 0 : i64, scratch_operands = 9 : i64, tpu.core_type = #tpu.core_type<sc_vector_subcore>, window_params = [{transform_indices = #map}, {transform_indices = #map1}, {transform_indices = #map1}, {transform_indices = #map}, {transform_indices = #map1}]} {
    %mul3A = arith.constant 16 : i32
    %mul3A_0 = arith.muli %arg0, %mul3A : i32
    %add3A = arith.addi %mul3A_0, %arg1 : i32
    %mul3A_1 = arith.constant 632 : i32
    %mul3A_2 = arith.muli %arg1, %mul3A_1 : i32
    %mul3A_3 = arith.constant 632 : i32
    %mul3A_4 = arith.muli %arg1, %mul3A_3 : i32
    "tpu.region"() ({
      %run_scoped3A = tpu.sem_alloc : memref<!tpu.dma_semaphore, #tpu.memory_space<semaphore_mem>>
      %dma_start3A = arith.constant 0 : i32
      %dma_start3A_15 = tpu.memref_slice %arg11[%mul3A_4, %dma_start3A] : memref<10112x128xf32, #tpu.memory_space<vmem_shared>> -> memref<632x128xf32, #tpu.memory_space<vmem_shared>>
      %dma_start3A_16 = arith.constant 0 : i32
      %dma_start3A_17 = tpu.memref_slice %arg5[%mul3A_2, %dma_start3A_16] : memref<10112x128xf32, #tpu.memory_space<hbm>> -> memref<632x128xf32, #tpu.memory_space<hbm>>
      tpu.enqueue_dma source(%dma_start3A_17 : memref<632x128xf32, #tpu.memory_space<hbm>>) target(%dma_start3A_15 : memref<632x128xf32, #tpu.memory_space<vmem_shared>>) target_semaphore(%run_scoped3A : memref<!tpu.dma_semaphore, #tpu.memory_space<semaphore_mem>>)
      %dma_wait3A = arith.constant 0 : i32
      %dma_wait3A_18 = tpu.memref_slice %arg11[%mul3A_4, %dma_wait3A] : memref<10112x128xf32, #tpu.memory_space<vmem_shared>> -> memref<632x128xf32, #tpu.memory_space<vmem_shared>>
      %dma_wait3A_19 = arith.constant 0 : i32
      %dma_wait3A_20 = tpu.memref_slice %arg5[%mul3A_2, %dma_wait3A_19] : memref<10112x128xf32, #tpu.memory_space<hbm>> -> memref<632x128xf32, #tpu.memory_space<hbm>>
      tpu.wait_dma2 semaphore(%run_scoped3A : memref<!tpu.dma_semaphore, #tpu.memory_space<semaphore_mem>>) src(%dma_wait3A_20 : memref<632x128xf32, #tpu.memory_space<hbm>>) dst(%dma_wait3A_18 : memref<632x128xf32, #tpu.memory_space<vmem_shared>>)
      tpu.yield
    }) : () -> ()
    "tpu.region"() ({
      %run_scoped3A = tpu.sem_alloc : memref<!tpu.dma_semaphore, #tpu.memory_space<semaphore_mem>>
      %dma_start3A = arith.constant 0 : i32
      %dma_start3A_15 = arith.constant 0 : i32
      %dma_start3A_16 = tpu.memref_slice %arg7[%dma_start3A, %dma_start3A_15] : memref<32x128xi32, #tpu.memory_space<vmem>> -> memref<16x128xi32, #tpu.memory_space<vmem>>
      %dma_start3A_17 = arith.constant 0 : i32
      %dma_start3A_18 = arith.constant 0 : i32
      %dma_start3A_19 = tpu.memref_slice %arg3[%add3A, %dma_start3A_17, %dma_start3A_18] : memref<32x80x128xi32, #tpu.memory_space<hbm>> -> memref<1x80x128xi32, #tpu.memory_space<hbm>>
      %dma_start3A_20 = tpu.memref_squeeze %dma_start3A_19 : memref<1x80x128xi32, #tpu.memory_space<hbm>> -> memref<80x128xi32, #tpu.memory_space<hbm>>
      %dma_start3A_21 = arith.constant 0 : i32
      %dma_start3A_22 = arith.constant 0 : i32
      %dma_start3A_23 = tpu.memref_slice %dma_start3A_20[%dma_start3A_21, %dma_start3A_22] : memref<80x128xi32, #tpu.memory_space<hbm>> -> memref<16x128xi32, #tpu.memory_space<hbm>>
      %dma_start3A_24 = arith.constant 0 : i32
      %dma_start3A_25 = arith.constant 0 : i32
      %dma_start3A_26 = tpu.memref_slice %arg7[%dma_start3A_24, %dma_start3A_25] : memref<32x128xi32, #tpu.memory_space<vmem>> -> memref<16x128xi32, #tpu.memory_space<vmem>>
      %dma_start3A_27 = arith.constant 0 : i32
      %dma_start3A_28 = arith.constant 0 : i32
      %dma_start3A_29 = tpu.memref_slice %arg3[%add3A, %dma_start3A_27, %dma_start3A_28] : memref<32x80x128xi32, #tpu.memory_space<hbm>> -> memref<1x80x128xi32, #tpu.memory_space<hbm>>
      %dma_start3A_30 = tpu.memref_squeeze %dma_start3A_29 : memref<1x80x128xi32, #tpu.memory_space<hbm>> -> memref<80x128xi32, #tpu.memory_space<hbm>>
      %dma_start3A_31 = arith.constant 0 : i32
      %dma_start3A_32 = arith.constant 0 : i32
      %dma_start3A_33 = tpu.memref_slice %dma_start3A_30[%dma_start3A_31, %dma_start3A_32] : memref<80x128xi32, #tpu.memory_space<hbm>> -> memref<16x128xi32, #tpu.memory_space<hbm>>
      tpu.enqueue_dma source(%dma_start3A_33 : memref<16x128xi32, #tpu.memory_space<hbm>>) target(%dma_start3A_26 : memref<16x128xi32, #tpu.memory_space<vmem>>) target_semaphore(%run_scoped3A : memref<!tpu.dma_semaphore, #tpu.memory_space<semaphore_mem>>)
      %dma_wait3A = arith.constant 0 : i32
      %dma_wait3A_34 = arith.constant 0 : i32
      %dma_wait3A_35 = tpu.memref_slice %arg7[%dma_wait3A, %dma_wait3A_34] : memref<32x128xi32, #tpu.memory_space<vmem>> -> memref<16x128xi32, #tpu.memory_space<vmem>>
      %dma_wait3A_36 = arith.constant 0 : i32
      %dma_wait3A_37 = arith.constant 0 : i32
      %dma_wait3A_38 = tpu.memref_slice %arg3[%add3A, %dma_wait3A_36, %dma_wait3A_37] : memref<32x80x128xi32, #tpu.memory_space<hbm>> -> memref<1x80x128xi32, #tpu.memory_space<hbm>>
      %dma_wait3A_39 = tpu.memref_squeeze %dma_wait3A_38 : memref<1x80x128xi32, #tpu.memory_space<hbm>> -> memref<80x128xi32, #tpu.memory_space<hbm>>
      %dma_wait3A_40 = arith.constant 0 : i32
      %dma_wait3A_41 = arith.constant 0 : i32
      %dma_wait3A_42 = tpu.memref_slice %dma_wait3A_39[%dma_wait3A_40, %dma_wait3A_41] : memref<80x128xi32, #tpu.memory_space<hbm>> -> memref<16x128xi32, #tpu.memory_space<hbm>>
      %dma_wait3A_43 = arith.constant 0 : i32
      %dma_wait3A_44 = arith.constant 0 : i32
      %dma_wait3A_45 = tpu.memref_slice %arg7[%dma_wait3A_43, %dma_wait3A_44] : memref<32x128xi32, #tpu.memory_space<vmem>> -> memref<16x128xi32, #tpu.memory_space<vmem>>
      %dma_wait3A_46 = arith.constant 0 : i32
      %dma_wait3A_47 = arith.constant 0 : i32
      %dma_wait3A_48 = tpu.memref_slice %arg3[%add3A, %dma_wait3A_46, %dma_wait3A_47] : memref<32x80x128xi32, #tpu.memory_space<hbm>> -> memref<1x80x128xi32, #tpu.memory_space<hbm>>
      %dma_wait3A_49 = tpu.memref_squeeze %dma_wait3A_48 : memref<1x80x128xi32, #tpu.memory_space<hbm>> -> memref<80x128xi32, #tpu.memory_space<hbm>>
      %dma_wait3A_50 = arith.constant 0 : i32
      %dma_wait3A_51 = arith.constant 0 : i32
      %dma_wait3A_52 = tpu.memref_slice %dma_wait3A_49[%dma_wait3A_50, %dma_wait3A_51] : memref<80x128xi32, #tpu.memory_space<hbm>> -> memref<16x128xi32, #tpu.memory_space<hbm>>
      tpu.wait_dma2 semaphore(%run_scoped3A : memref<!tpu.dma_semaphore, #tpu.memory_space<semaphore_mem>>) src(%dma_wait3A_52 : memref<16x128xi32, #tpu.memory_space<hbm>>) dst(%dma_wait3A_45 : memref<16x128xi32, #tpu.memory_space<vmem>>)
      tpu.yield
    }) : () -> ()
    "tpu.region"() ({
      %run_scoped3A = tpu.sem_alloc : memref<!tpu.dma_semaphore, #tpu.memory_space<semaphore_mem>>
      %dma_start3A = arith.constant 0 : i32
      %dma_start3A_15 = arith.constant 0 : i32
      %dma_start3A_16 = tpu.memref_slice %arg8[%dma_start3A, %dma_start3A_15] : memref<32x128xi32, #tpu.memory_space<vmem>> -> memref<16x128xi32, #tpu.memory_space<vmem>>
      %dma_start3A_17 = arith.constant 0 : i32
      %dma_start3A_18 = arith.constant 0 : i32
      %dma_start3A_19 = tpu.memref_slice %arg4[%add3A, %dma_start3A_17, %dma_start3A_18] : memref<32x80x128xi32, #tpu.memory_space<hbm>> -> memref<1x80x128xi32, #tpu.memory_space<hbm>>
      %dma_start3A_20 = tpu.memref_squeeze %dma_start3A_19 : memref<1x80x128xi32, #tpu.memory_space<hbm>> -> memref<80x128xi32, #tpu.memory_space<hbm>>
      %dma_start3A_21 = arith.constant 0 : i32
      %dma_start3A_22 = arith.constant 0 : i32
      %dma_start3A_23 = tpu.memref_slice %dma_start3A_20[%dma_start3A_21, %dma_start3A_22] : memref<80x128xi32, #tpu.memory_space<hbm>> -> memref<16x128xi32, #tpu.memory_space<hbm>>
      %dma_start3A_24 = arith.constant 0 : i32
      %dma_start3A_25 = arith.constant 0 : i32
      %dma_start3A_26 = tpu.memref_slice %arg8[%dma_start3A_24, %dma_start3A_25] : memref<32x128xi32, #tpu.memory_space<vmem>> -> memref<16x128xi32, #tpu.memory_space<vmem>>
      %dma_start3A_27 = arith.constant 0 : i32
      %dma_start3A_28 = arith.constant 0 : i32
      %dma_start3A_29 = tpu.memref_slice %arg4[%add3A, %dma_start3A_27, %dma_start3A_28] : memref<32x80x128xi32, #tpu.memory_space<hbm>> -> memref<1x80x128xi32, #tpu.memory_space<hbm>>
      %dma_start3A_30 = tpu.memref_squeeze %dma_start3A_29 : memref<1x80x128xi32, #tpu.memory_space<hbm>> -> memref<80x128xi32, #tpu.memory_space<hbm>>
      %dma_start3A_31 = arith.constant 0 : i32
      %dma_start3A_32 = arith.constant 0 : i32
      %dma_start3A_33 = tpu.memref_slice %dma_start3A_30[%dma_start3A_31, %dma_start3A_32] : memref<80x128xi32, #tpu.memory_space<hbm>> -> memref<16x128xi32, #tpu.memory_space<hbm>>
      tpu.enqueue_dma source(%dma_start3A_33 : memref<16x128xi32, #tpu.memory_space<hbm>>) target(%dma_start3A_26 : memref<16x128xi32, #tpu.memory_space<vmem>>) target_semaphore(%run_scoped3A : memref<!tpu.dma_semaphore, #tpu.memory_space<semaphore_mem>>)
      %dma_wait3A = arith.constant 0 : i32
      %dma_wait3A_34 = arith.constant 0 : i32
      %dma_wait3A_35 = tpu.memref_slice %arg8[%dma_wait3A, %dma_wait3A_34] : memref<32x128xi32, #tpu.memory_space<vmem>> -> memref<16x128xi32, #tpu.memory_space<vmem>>
      %dma_wait3A_36 = arith.constant 0 : i32
      %dma_wait3A_37 = arith.constant 0 : i32
      %dma_wait3A_38 = tpu.memref_slice %arg4[%add3A, %dma_wait3A_36, %dma_wait3A_37] : memref<32x80x128xi32, #tpu.memory_space<hbm>> -> memref<1x80x128xi32, #tpu.memory_space<hbm>>
      %dma_wait3A_39 = tpu.memref_squeeze %dma_wait3A_38 : memref<1x80x128xi32, #tpu.memory_space<hbm>> -> memref<80x128xi32, #tpu.memory_space<hbm>>
      %dma_wait3A_40 = arith.constant 0 : i32
      %dma_wait3A_41 = arith.constant 0 : i32
      %dma_wait3A_42 = tpu.memref_slice %dma_wait3A_39[%dma_wait3A_40, %dma_wait3A_41] : memref<80x128xi32, #tpu.memory_space<hbm>> -> memref<16x128xi32, #tpu.memory_space<hbm>>
      %dma_wait3A_43 = arith.constant 0 : i32
      %dma_wait3A_44 = arith.constant 0 : i32
      %dma_wait3A_45 = tpu.memref_slice %arg8[%dma_wait3A_43, %dma_wait3A_44] : memref<32x128xi32, #tpu.memory_space<vmem>> -> memref<16x128xi32, #tpu.memory_space<vmem>>
      %dma_wait3A_46 = arith.constant 0 : i32
      %dma_wait3A_47 = arith.constant 0 : i32
      %dma_wait3A_48 = tpu.memref_slice %arg4[%add3A, %dma_wait3A_46, %dma_wait3A_47] : memref<32x80x128xi32, #tpu.memory_space<hbm>> -> memref<1x80x128xi32, #tpu.memory_space<hbm>>
      %dma_wait3A_49 = tpu.memref_squeeze %dma_wait3A_48 : memref<1x80x128xi32, #tpu.memory_space<hbm>> -> memref<80x128xi32, #tpu.memory_space<hbm>>
      %dma_wait3A_50 = arith.constant 0 : i32
      %dma_wait3A_51 = arith.constant 0 : i32
      %dma_wait3A_52 = tpu.memref_slice %dma_wait3A_49[%dma_wait3A_50, %dma_wait3A_51] : memref<80x128xi32, #tpu.memory_space<hbm>> -> memref<16x128xi32, #tpu.memory_space<hbm>>
      tpu.wait_dma2 semaphore(%run_scoped3A : memref<!tpu.dma_semaphore, #tpu.memory_space<semaphore_mem>>) src(%dma_wait3A_52 : memref<16x128xi32, #tpu.memory_space<hbm>>) dst(%dma_wait3A_45 : memref<16x128xi32, #tpu.memory_space<vmem>>)
      tpu.yield
    }) : () -> ()
    %barrier3A = arith.constant 0 : index
    tpu.barrier barrier_id(%barrier3A)
    %scan3A = arith.constant 0 : i32
    %scan3A_5 = arith.constant 0 : i32
    %scan3A_6 = arith.constant 5 : i32
    %scan3A_7 = arith.addi %scan3A_5, %scan3A_6 : i32
    %scan3A_8 = arith.constant 1 : i32
    scf.for %scan3A_15 = %scan3A_5 to %scan3A_7 step %scan3A_8  : i32 {
      %rem3A = arith.constant 2 : i32
      %rem3A_16 = arith.remsi %scan3A_15, %rem3A : i32
      %mul3A_17 = arith.constant 16 : i32
      %mul3A_18 = arith.muli %rem3A_16, %mul3A_17 : i32
      %add3A_19 = arith.constant 1 : i32
      %add3A_20 = arith.addi %scan3A_15, %add3A_19 : i32
      %rem3A_21 = arith.constant 2 : i32
      %rem3A_22 = arith.remsi %add3A_20, %rem3A_21 : i32
      %mul3A_23 = arith.constant 16 : i32
      %mul3A_24 = arith.muli %rem3A_22, %mul3A_23 : i32
      %add3A_25 = arith.constant 1 : i32
      %add3A_26 = arith.addi %scan3A_15, %add3A_25 : i32
      %lt3A = arith.constant 5 : i32
      %lt3A_27 = arith.cmpi slt, %add3A_26, %lt3A : i32
      %convert_element_type3A = arith.extui %lt3A_27 : i1 to i32
      %cond3A = arith.constant 0 : i32
      %cond3A_28 = arith.cmpi ne, %convert_element_type3A, %cond3A : i32
      scf.if %cond3A_28 {
        %add3A_47 = arith.constant 1 : i32
        %add3A_48 = arith.addi %scan3A_15, %add3A_47 : i32
        %mul3A_49 = arith.constant 16 : i32
        %mul3A_50 = arith.muli %add3A_48, %mul3A_49 : i32
        %dma_start3A_51 = arith.constant 0 : i32
        %dma_start3A_52 = tpu.memref_slice %arg7[%mul3A_24, %dma_start3A_51] : memref<32x128xi32, #tpu.memory_space<vmem>> -> memref<16x128xi32, #tpu.memory_space<vmem>>
        %dma_start3A_53 = arith.constant 0 : i32
        %dma_start3A_54 = arith.constant 0 : i32
        %dma_start3A_55 = tpu.memref_slice %arg3[%add3A, %dma_start3A_53, %dma_start3A_54] : memref<32x80x128xi32, #tpu.memory_space<hbm>> -> memref<1x80x128xi32, #tpu.memory_space<hbm>>
        %dma_start3A_56 = tpu.memref_squeeze %dma_start3A_55 : memref<1x80x128xi32, #tpu.memory_space<hbm>> -> memref<80x128xi32, #tpu.memory_space<hbm>>
        %dma_start3A_57 = arith.constant 0 : i32
        %dma_start3A_58 = tpu.memref_slice %dma_start3A_56[%mul3A_50, %dma_start3A_57] : memref<80x128xi32, #tpu.memory_space<hbm>> -> memref<16x128xi32, #tpu.memory_space<hbm>>
        %dma_start3A_59 = arith.constant 0 : i32
        %dma_start3A_60 = tpu.memref_slice %arg7[%mul3A_24, %dma_start3A_59] : memref<32x128xi32, #tpu.memory_space<vmem>> -> memref<16x128xi32, #tpu.memory_space<vmem>>
        %dma_start3A_61 = arith.constant 0 : i32
        %dma_start3A_62 = arith.constant 0 : i32
        %dma_start3A_63 = tpu.memref_slice %arg3[%add3A, %dma_start3A_61, %dma_start3A_62] : memref<32x80x128xi32, #tpu.memory_space<hbm>> -> memref<1x80x128xi32, #tpu.memory_space<hbm>>
        %dma_start3A_64 = tpu.memref_squeeze %dma_start3A_63 : memref<1x80x128xi32, #tpu.memory_space<hbm>> -> memref<80x128xi32, #tpu.memory_space<hbm>>
        %dma_start3A_65 = arith.constant 0 : i32
        %dma_start3A_66 = tpu.memref_slice %dma_start3A_64[%mul3A_50, %dma_start3A_65] : memref<80x128xi32, #tpu.memory_space<hbm>> -> memref<16x128xi32, #tpu.memory_space<hbm>>
        tpu.enqueue_dma source(%dma_start3A_66 : memref<16x128xi32, #tpu.memory_space<hbm>>) target(%dma_start3A_60 : memref<16x128xi32, #tpu.memory_space<vmem>>) target_semaphore(%arg14 : memref<!tpu.dma_semaphore, #tpu.memory_space<semaphore_mem>>)
        %add3A_67 = arith.constant 1 : i32
        %add3A_68 = arith.addi %scan3A_15, %add3A_67 : i32
        %mul3A_69 = arith.constant 16 : i32
        %mul3A_70 = arith.muli %add3A_68, %mul3A_69 : i32
        %dma_start3A_71 = arith.constant 0 : i32
        %dma_start3A_72 = tpu.memref_slice %arg8[%mul3A_24, %dma_start3A_71] : memref<32x128xi32, #tpu.memory_space<vmem>> -> memref<16x128xi32, #tpu.memory_space<vmem>>
        %dma_start3A_73 = arith.constant 0 : i32
        %dma_start3A_74 = arith.constant 0 : i32
        %dma_start3A_75 = tpu.memref_slice %arg4[%add3A, %dma_start3A_73, %dma_start3A_74] : memref<32x80x128xi32, #tpu.memory_space<hbm>> -> memref<1x80x128xi32, #tpu.memory_space<hbm>>
        %dma_start3A_76 = tpu.memref_squeeze %dma_start3A_75 : memref<1x80x128xi32, #tpu.memory_space<hbm>> -> memref<80x128xi32, #tpu.memory_space<hbm>>
        %dma_start3A_77 = arith.constant 0 : i32
        %dma_start3A_78 = tpu.memref_slice %dma_start3A_76[%mul3A_70, %dma_start3A_77] : memref<80x128xi32, #tpu.memory_space<hbm>> -> memref<16x128xi32, #tpu.memory_space<hbm>>
        %dma_start3A_79 = arith.constant 0 : i32
        %dma_start3A_80 = tpu.memref_slice %arg8[%mul3A_24, %dma_start3A_79] : memref<32x128xi32, #tpu.memory_space<vmem>> -> memref<16x128xi32, #tpu.memory_space<vmem>>
        %dma_start3A_81 = arith.constant 0 : i32
        %dma_start3A_82 = arith.constant 0 : i32
        %dma_start3A_83 = tpu.memref_slice %arg4[%add3A, %dma_start3A_81, %dma_start3A_82] : memref<32x80x128xi32, #tpu.memory_space<hbm>> -> memref<1x80x128xi32, #tpu.memory_space<hbm>>
        %dma_start3A_84 = tpu.memref_squeeze %dma_start3A_83 : memref<1x80x128xi32, #tpu.memory_space<hbm>> -> memref<80x128xi32, #tpu.memory_space<hbm>>
        %dma_start3A_85 = arith.constant 0 : i32
        %dma_start3A_86 = tpu.memref_slice %dma_start3A_84[%mul3A_70, %dma_start3A_85] : memref<80x128xi32, #tpu.memory_space<hbm>> -> memref<16x128xi32, #tpu.memory_space<hbm>>
        tpu.enqueue_dma source(%dma_start3A_86 : memref<16x128xi32, #tpu.memory_space<hbm>>) target(%dma_start3A_80 : memref<16x128xi32, #tpu.memory_space<vmem>>) target_semaphore(%arg15 : memref<!tpu.dma_semaphore, #tpu.memory_space<semaphore_mem>>)
      } else {
      }
      %dma_start3A = arith.constant 0 : i32
      %dma_start3A_29 = tpu.memref_slice %arg7[%mul3A_18, %dma_start3A] : memref<32x128xi32, #tpu.memory_space<vmem>> -> memref<1x128xi32, #tpu.memory_space<vmem>>
      %dma_start3A_30 = tpu.memref_squeeze %dma_start3A_29 : memref<1x128xi32, #tpu.memory_space<vmem>> -> memref<128xi32, #tpu.memory_space<vmem>>
      %dma_start3A_31 = arith.constant 0 : i32
      %dma_start3A_32 = arith.constant 0 : i32
      %dma_start3A_33 = tpu.memref_slice %arg2[%dma_start3A_31, %dma_start3A_32] : memref<80000x128xf32, #tpu.memory_space<hbm>> -> memref<80000x128xf32, #tpu.memory_space<hbm>>
      tpu.enqueue_indirect_dma source(%dma_start3A_33 : memref<80000x128xf32, #tpu.memory_space<hbm>>) target(%arg9 : memref<128x128xf32, #tpu.memory_space<vmem>>) offsets(%dma_start3A_30 : memref<128xi32, #tpu.memory_space<vmem>>) semaphore(%arg12 : memref<!tpu.dma_semaphore, #tpu.memory_space<semaphore_mem>>)
      %scan3A_34 = arith.constant 0 : i32
      %scan3A_35 = arith.constant 0 : i32
      %scan3A_36 = arith.constant 8 : i32
      %scan3A_37 = arith.addi %scan3A_35, %scan3A_36 : i32
      %scan3A_38 = arith.constant 1 : i32
      scf.for %scan3A_47 = %scan3A_35 to %scan3A_37 step %scan3A_38  : i32 {
        %mul3A_48 = arith.constant 2 : i32
        %mul3A_49 = arith.muli %mul3A_48, %scan3A_47 : i32
        %add3A_50 = arith.addi %mul3A_18, %mul3A_49 : i32
        %add3A_51 = arith.constant 1 : i32
        %add3A_52 = arith.addi %add3A_50, %add3A_51 : i32
        %dma_start3A_53 = arith.constant 0 : i32
        %dma_start3A_54 = tpu.memref_slice %arg7[%add3A_52, %dma_start3A_53] : memref<32x128xi32, #tpu.memory_space<vmem>> -> memref<1x128xi32, #tpu.memory_space<vmem>>
        %dma_start3A_55 = tpu.memref_squeeze %dma_start3A_54 : memref<1x128xi32, #tpu.memory_space<vmem>> -> memref<128xi32, #tpu.memory_space<vmem>>
        %dma_start3A_56 = arith.constant 0 : i32
        %dma_start3A_57 = arith.constant 0 : i32
        %dma_start3A_58 = tpu.memref_slice %arg2[%dma_start3A_56, %dma_start3A_57] : memref<80000x128xf32, #tpu.memory_space<hbm>> -> memref<80000x128xf32, #tpu.memory_space<hbm>>
        tpu.enqueue_indirect_dma source(%dma_start3A_58 : memref<80000x128xf32, #tpu.memory_space<hbm>>) target(%arg10 : memref<128x128xf32, #tpu.memory_space<vmem>>) offsets(%dma_start3A_55 : memref<128xi32, #tpu.memory_space<vmem>>) semaphore(%arg13 : memref<!tpu.dma_semaphore, #tpu.memory_space<semaphore_mem>>)
        %dma_wait3A = arith.constant 0 : i32
        %dma_wait3A_59 = tpu.memref_slice %arg7[%add3A_50, %dma_wait3A] : memref<32x128xi32, #tpu.memory_space<vmem>> -> memref<1x128xi32, #tpu.memory_space<vmem>>
        %dma_wait3A_60 = tpu.memref_squeeze %dma_wait3A_59 : memref<1x128xi32, #tpu.memory_space<vmem>> -> memref<128xi32, #tpu.memory_space<vmem>>
        %dma_wait3A_61 = arith.constant 0 : i32
        %dma_wait3A_62 = arith.constant 0 : i32
        %dma_wait3A_63 = tpu.memref_slice %arg2[%dma_wait3A_61, %dma_wait3A_62] : memref<80000x128xf32, #tpu.memory_space<hbm>> -> memref<80000x128xf32, #tpu.memory_space<hbm>>
        tpu.wait_indirect_dma semaphore(%arg12 : memref<!tpu.dma_semaphore, #tpu.memory_space<semaphore_mem>>) src(%dma_wait3A_63 : memref<80000x128xf32, #tpu.memory_space<hbm>>) dst(%arg9 : memref<128x128xf32, #tpu.memory_space<vmem>>)
        "tpu.region"() ({
          %run_scoped3A = tpu.sem_alloc : memref<!tpu.dma_semaphore, #tpu.memory_space<semaphore_mem>>
          %dma_start3A_83 = arith.constant 0 : i32
          %dma_start3A_84 = tpu.memref_slice %arg8[%add3A_50, %dma_start3A_83] : memref<32x128xi32, #tpu.memory_space<vmem>> -> memref<1x128xi32, #tpu.memory_space<vmem>>
          %dma_start3A_85 = tpu.memref_squeeze %dma_start3A_84 : memref<1x128xi32, #tpu.memory_space<vmem>> -> memref<128xi32, #tpu.memory_space<vmem>>
          %dma_start3A_86 = arith.constant 0 : i32
          %dma_start3A_87 = arith.constant 0 : i32
          %dma_start3A_88 = tpu.memref_slice %arg11[%dma_start3A_86, %dma_start3A_87] : memref<10112x128xf32, #tpu.memory_space<vmem_shared>> -> memref<10112x128xf32, #tpu.memory_space<vmem_shared>>
          tpu.enqueue_indirect_dma source(%arg9 : memref<128x128xf32, #tpu.memory_space<vmem>>) target(%dma_start3A_88 : memref<10112x128xf32, #tpu.memory_space<vmem_shared>>) offsets(%dma_start3A_85 : memref<128xi32, #tpu.memory_space<vmem>>) semaphore(%run_scoped3A : memref<!tpu.dma_semaphore, #tpu.memory_space<semaphore_mem>>) {add = true}
          %dma_wait3A_89 = arith.constant 0 : i32
          %dma_wait3A_90 = tpu.memref_slice %arg8[%add3A_50, %dma_wait3A_89] : memref<32x128xi32, #tpu.memory_space<vmem>> -> memref<1x128xi32, #tpu.memory_space<vmem>>
          %dma_wait3A_91 = tpu.memref_squeeze %dma_wait3A_90 : memref<1x128xi32, #tpu.memory_space<vmem>> -> memref<128xi32, #tpu.memory_space<vmem>>
          %dma_wait3A_92 = arith.constant 0 : i32
          %dma_wait3A_93 = arith.constant 0 : i32
          %dma_wait3A_94 = tpu.memref_slice %arg11[%dma_wait3A_92, %dma_wait3A_93] : memref<10112x128xf32, #tpu.memory_space<vmem_shared>> -> memref<10112x128xf32, #tpu.memory_space<vmem_shared>>
          tpu.wait_indirect_dma semaphore(%run_scoped3A : memref<!tpu.dma_semaphore, #tpu.memory_space<semaphore_mem>>) src(%arg9 : memref<128x128xf32, #tpu.memory_space<vmem>>) dst(%dma_wait3A_94 : memref<10112x128xf32, #tpu.memory_space<vmem_shared>>)
          tpu.yield
        }) : () -> ()
        %mul3A_64 = arith.constant 2 : i32
        %mul3A_65 = arith.muli %mul3A_64, %scan3A_47 : i32
        %add3A_66 = arith.constant 2 : i32
        %add3A_67 = arith.addi %mul3A_65, %add3A_66 : i32
        %lt3A_68 = arith.constant 16 : i32
        %lt3A_69 = arith.cmpi slt, %add3A_67, %lt3A_68 : i32
        %convert_element_type3A_70 = arith.extui %lt3A_69 : i1 to i32
        %cond3A_71 = arith.constant 0 : i32
        %cond3A_72 = arith.cmpi ne, %convert_element_type3A_70, %cond3A_71 : i32
        scf.if %cond3A_72 {
          %add3A_83 = arith.constant 2 : i32
          %add3A_84 = arith.addi %add3A_50, %add3A_83 : i32
          %dma_start3A_85 = arith.constant 0 : i32
          %dma_start3A_86 = tpu.memref_slice %arg7[%add3A_84, %dma_start3A_85] : memref<32x128xi32, #tpu.memory_space<vmem>> -> memref<1x128xi32, #tpu.memory_space<vmem>>
          %dma_start3A_87 = tpu.memref_squeeze %dma_start3A_86 : memref<1x128xi32, #tpu.memory_space<vmem>> -> memref<128xi32, #tpu.memory_space<vmem>>
          %dma_start3A_88 = arith.constant 0 : i32
          %dma_start3A_89 = arith.constant 0 : i32
          %dma_start3A_90 = tpu.memref_slice %arg2[%dma_start3A_88, %dma_start3A_89] : memref<80000x128xf32, #tpu.memory_space<hbm>> -> memref<80000x128xf32, #tpu.memory_space<hbm>>
          tpu.enqueue_indirect_dma source(%dma_start3A_90 : memref<80000x128xf32, #tpu.memory_space<hbm>>) target(%arg9 : memref<128x128xf32, #tpu.memory_space<vmem>>) offsets(%dma_start3A_87 : memref<128xi32, #tpu.memory_space<vmem>>) semaphore(%arg12 : memref<!tpu.dma_semaphore, #tpu.memory_space<semaphore_mem>>)
        } else {
        }
        %add3A_73 = arith.constant 1 : i32
        %add3A_74 = arith.addi %add3A_50, %add3A_73 : i32
        %dma_wait3A_75 = arith.constant 0 : i32
        %dma_wait3A_76 = tpu.memref_slice %arg7[%add3A_74, %dma_wait3A_75] : memref<32x128xi32, #tpu.memory_space<vmem>> -> memref<1x128xi32, #tpu.memory_space<vmem>>
        %dma_wait3A_77 = tpu.memref_squeeze %dma_wait3A_76 : memref<1x128xi32, #tpu.memory_space<vmem>> -> memref<128xi32, #tpu.memory_space<vmem>>
        %dma_wait3A_78 = arith.constant 0 : i32
        %dma_wait3A_79 = arith.constant 0 : i32
        %dma_wait3A_80 = tpu.memref_slice %arg2[%dma_wait3A_78, %dma_wait3A_79] : memref<80000x128xf32, #tpu.memory_space<hbm>> -> memref<80000x128xf32, #tpu.memory_space<hbm>>
        tpu.wait_indirect_dma semaphore(%arg13 : memref<!tpu.dma_semaphore, #tpu.memory_space<semaphore_mem>>) src(%dma_wait3A_80 : memref<80000x128xf32, #tpu.memory_space<hbm>>) dst(%arg10 : memref<128x128xf32, #tpu.memory_space<vmem>>)
        %add3A_81 = arith.constant 1 : i32
        %add3A_82 = arith.addi %add3A_50, %add3A_81 : i32
        "tpu.region"() ({
          %run_scoped3A = tpu.sem_alloc : memref<!tpu.dma_semaphore, #tpu.memory_space<semaphore_mem>>
          %dma_start3A_83 = arith.constant 0 : i32
          %dma_start3A_84 = tpu.memref_slice %arg8[%add3A_82, %dma_start3A_83] : memref<32x128xi32, #tpu.memory_space<vmem>> -> memref<1x128xi32, #tpu.memory_space<vmem>>
          %dma_start3A_85 = tpu.memref_squeeze %dma_start3A_84 : memref<1x128xi32, #tpu.memory_space<vmem>> -> memref<128xi32, #tpu.memory_space<vmem>>
          %dma_start3A_86 = arith.constant 0 : i32
          %dma_start3A_87 = arith.constant 0 : i32
          %dma_start3A_88 = tpu.memref_slice %arg11[%dma_start3A_86, %dma_start3A_87] : memref<10112x128xf32, #tpu.memory_space<vmem_shared>> -> memref<10112x128xf32, #tpu.memory_space<vmem_shared>>
          tpu.enqueue_indirect_dma source(%arg10 : memref<128x128xf32, #tpu.memory_space<vmem>>) target(%dma_start3A_88 : memref<10112x128xf32, #tpu.memory_space<vmem_shared>>) offsets(%dma_start3A_85 : memref<128xi32, #tpu.memory_space<vmem>>) semaphore(%run_scoped3A : memref<!tpu.dma_semaphore, #tpu.memory_space<semaphore_mem>>) {add = true}
          %dma_wait3A_89 = arith.constant 0 : i32
          %dma_wait3A_90 = tpu.memref_slice %arg8[%add3A_82, %dma_wait3A_89] : memref<32x128xi32, #tpu.memory_space<vmem>> -> memref<1x128xi32, #tpu.memory_space<vmem>>
          %dma_wait3A_91 = tpu.memref_squeeze %dma_wait3A_90 : memref<1x128xi32, #tpu.memory_space<vmem>> -> memref<128xi32, #tpu.memory_space<vmem>>
          %dma_wait3A_92 = arith.constant 0 : i32
          %dma_wait3A_93 = arith.constant 0 : i32
          %dma_wait3A_94 = tpu.memref_slice %arg11[%dma_wait3A_92, %dma_wait3A_93] : memref<10112x128xf32, #tpu.memory_space<vmem_shared>> -> memref<10112x128xf32, #tpu.memory_space<vmem_shared>>
          tpu.wait_indirect_dma semaphore(%run_scoped3A : memref<!tpu.dma_semaphore, #tpu.memory_space<semaphore_mem>>) src(%arg10 : memref<128x128xf32, #tpu.memory_space<vmem>>) dst(%dma_wait3A_94 : memref<10112x128xf32, #tpu.memory_space<vmem_shared>>)
          tpu.yield
        }) : () -> ()
      }
      %scan3A_39 = arith.constant 8 : i32
      %add3A_40 = arith.constant 1 : i32
      %add3A_41 = arith.addi %scan3A_15, %add3A_40 : i32
      %lt3A_42 = arith.constant 5 : i32
      %lt3A_43 = arith.cmpi slt, %add3A_41, %lt3A_42 : i32
      %convert_element_type3A_44 = arith.extui %lt3A_43 : i1 to i32
      %cond3A_45 = arith.constant 0 : i32
      %cond3A_46 = arith.cmpi ne, %convert_element_type3A_44, %cond3A_45 : i32
      scf.if %cond3A_46 {
        %dma_wait3A = arith.constant 0 : i32
        %dma_wait3A_47 = arith.constant 0 : i32
        %dma_wait3A_48 = tpu.memref_slice %arg7[%dma_wait3A, %dma_wait3A_47] : memref<32x128xi32, #tpu.memory_space<vmem>> -> memref<16x128xi32, #tpu.memory_space<vmem>>
        %dma_wait3A_49 = arith.constant 0 : i32
        %dma_wait3A_50 = arith.constant 0 : i32
        %dma_wait3A_51 = tpu.memref_slice %arg3[%add3A, %dma_wait3A_49, %dma_wait3A_50] : memref<32x80x128xi32, #tpu.memory_space<hbm>> -> memref<1x80x128xi32, #tpu.memory_space<hbm>>
        %dma_wait3A_52 = tpu.memref_squeeze %dma_wait3A_51 : memref<1x80x128xi32, #tpu.memory_space<hbm>> -> memref<80x128xi32, #tpu.memory_space<hbm>>
        %dma_wait3A_53 = arith.constant 0 : i32
        %dma_wait3A_54 = arith.constant 0 : i32
        %dma_wait3A_55 = tpu.memref_slice %dma_wait3A_52[%dma_wait3A_53, %dma_wait3A_54] : memref<80x128xi32, #tpu.memory_space<hbm>> -> memref<16x128xi32, #tpu.memory_space<hbm>>
        %dma_wait3A_56 = arith.constant 0 : i32
        %dma_wait3A_57 = arith.constant 0 : i32
        %dma_wait3A_58 = tpu.memref_slice %arg7[%dma_wait3A_56, %dma_wait3A_57] : memref<32x128xi32, #tpu.memory_space<vmem>> -> memref<16x128xi32, #tpu.memory_space<vmem>>
        %dma_wait3A_59 = arith.constant 0 : i32
        %dma_wait3A_60 = arith.constant 0 : i32
        %dma_wait3A_61 = tpu.memref_slice %arg3[%add3A, %dma_wait3A_59, %dma_wait3A_60] : memref<32x80x128xi32, #tpu.memory_space<hbm>> -> memref<1x80x128xi32, #tpu.memory_space<hbm>>
        %dma_wait3A_62 = tpu.memref_squeeze %dma_wait3A_61 : memref<1x80x128xi32, #tpu.memory_space<hbm>> -> memref<80x128xi32, #tpu.memory_space<hbm>>
        %dma_wait3A_63 = arith.constant 0 : i32
        %dma_wait3A_64 = arith.constant 0 : i32
        %dma_wait3A_65 = tpu.memref_slice %dma_wait3A_62[%dma_wait3A_63, %dma_wait3A_64] : memref<80x128xi32, #tpu.memory_space<hbm>> -> memref<16x128xi32, #tpu.memory_space<hbm>>
        tpu.wait_dma2 semaphore(%arg14 : memref<!tpu.dma_semaphore, #tpu.memory_space<semaphore_mem>>) src(%dma_wait3A_65 : memref<16x128xi32, #tpu.memory_space<hbm>>) dst(%dma_wait3A_58 : memref<16x128xi32, #tpu.memory_space<vmem>>)
        %dma_wait3A_66 = arith.constant 0 : i32
        %dma_wait3A_67 = arith.constant 0 : i32
        %dma_wait3A_68 = tpu.memref_slice %arg8[%dma_wait3A_66, %dma_wait3A_67] : memref<32x128xi32, #tpu.memory_space<vmem>> -> memref<16x128xi32, #tpu.memory_space<vmem>>
        %dma_wait3A_69 = arith.constant 0 : i32
        %dma_wait3A_70 = arith.constant 0 : i32
        %dma_wait3A_71 = tpu.memref_slice %arg4[%add3A, %dma_wait3A_69, %dma_wait3A_70] : memref<32x80x128xi32, #tpu.memory_space<hbm>> -> memref<1x80x128xi32, #tpu.memory_space<hbm>>
        %dma_wait3A_72 = tpu.memref_squeeze %dma_wait3A_71 : memref<1x80x128xi32, #tpu.memory_space<hbm>> -> memref<80x128xi32, #tpu.memory_space<hbm>>
        %dma_wait3A_73 = arith.constant 0 : i32
        %dma_wait3A_74 = arith.constant 0 : i32
        %dma_wait3A_75 = tpu.memref_slice %dma_wait3A_72[%dma_wait3A_73, %dma_wait3A_74] : memref<80x128xi32, #tpu.memory_space<hbm>> -> memref<16x128xi32, #tpu.memory_space<hbm>>
        %dma_wait3A_76 = arith.constant 0 : i32
        %dma_wait3A_77 = arith.constant 0 : i32
        %dma_wait3A_78 = tpu.memref_slice %arg8[%dma_wait3A_76, %dma_wait3A_77] : memref<32x128xi32, #tpu.memory_space<vmem>> -> memref<16x128xi32, #tpu.memory_space<vmem>>
        %dma_wait3A_79 = arith.constant 0 : i32
        %dma_wait3A_80 = arith.constant 0 : i32
        %dma_wait3A_81 = tpu.memref_slice %arg4[%add3A, %dma_wait3A_79, %dma_wait3A_80] : memref<32x80x128xi32, #tpu.memory_space<hbm>> -> memref<1x80x128xi32, #tpu.memory_space<hbm>>
        %dma_wait3A_82 = tpu.memref_squeeze %dma_wait3A_81 : memref<1x80x128xi32, #tpu.memory_space<hbm>> -> memref<80x128xi32, #tpu.memory_space<hbm>>
        %dma_wait3A_83 = arith.constant 0 : i32
        %dma_wait3A_84 = arith.constant 0 : i32
        %dma_wait3A_85 = tpu.memref_slice %dma_wait3A_82[%dma_wait3A_83, %dma_wait3A_84] : memref<80x128xi32, #tpu.memory_space<hbm>> -> memref<16x128xi32, #tpu.memory_space<hbm>>
        tpu.wait_dma2 semaphore(%arg15 : memref<!tpu.dma_semaphore, #tpu.memory_space<semaphore_mem>>) src(%dma_wait3A_85 : memref<16x128xi32, #tpu.memory_space<hbm>>) dst(%dma_wait3A_78 : memref<16x128xi32, #tpu.memory_space<vmem>>)
      } else {
      }
    }
    %scan3A_9 = arith.constant 5 : i32
    %barrier3A_10 = arith.constant 0 : index
    tpu.barrier barrier_id(%barrier3A_10)
    %mul3A_11 = arith.constant 632 : i32
    %mul3A_12 = arith.muli %arg1, %mul3A_11 : i32
    %mul3A_13 = arith.constant 632 : i32
    %mul3A_14 = arith.muli %arg1, %mul3A_13 : i32
    "tpu.region"() ({
      %run_scoped3A = tpu.sem_alloc : memref<!tpu.dma_semaphore, #tpu.memory_space<semaphore_mem>>
      %dma_start3A = arith.constant 0 : i32
      %dma_start3A_15 = arith.constant 0 : i32
      %dma_start3A_16 = tpu.memref_slice %arg6[%arg0, %dma_start3A, %dma_start3A_15] : memref<2x10112x128xf32, #tpu.memory_space<hbm>> -> memref<1x10112x128xf32, #tpu.memory_space<hbm>>
      %dma_start3A_17 = tpu.memref_squeeze %dma_start3A_16 : memref<1x10112x128xf32, #tpu.memory_space<hbm>> -> memref<10112x128xf32, #tpu.memory_space<hbm>>
      %dma_start3A_18 = arith.constant 0 : i32
      %dma_start3A_19 = tpu.memref_slice %dma_start3A_17[%mul3A_14, %dma_start3A_18] : memref<10112x128xf32, #tpu.memory_space<hbm>> -> memref<632x128xf32, #tpu.memory_space<hbm>>
      %dma_start3A_20 = arith.constant 0 : i32
      %dma_start3A_21 = tpu.memref_slice %arg11[%mul3A_12, %dma_start3A_20] : memref<10112x128xf32, #tpu.memory_space<vmem_shared>> -> memref<632x128xf32, #tpu.memory_space<vmem_shared>>
      tpu.enqueue_dma source(%dma_start3A_21 : memref<632x128xf32, #tpu.memory_space<vmem_shared>>) target(%dma_start3A_19 : memref<632x128xf32, #tpu.memory_space<hbm>>) target_semaphore(%run_scoped3A : memref<!tpu.dma_semaphore, #tpu.memory_space<semaphore_mem>>)
      %dma_wait3A = arith.constant 0 : i32
      %dma_wait3A_22 = arith.constant 0 : i32
      %dma_wait3A_23 = tpu.memref_slice %arg6[%arg0, %dma_wait3A, %dma_wait3A_22] : memref<2x10112x128xf32, #tpu.memory_space<hbm>> -> memref<1x10112x128xf32, #tpu.memory_space<hbm>>
      %dma_wait3A_24 = tpu.memref_squeeze %dma_wait3A_23 : memref<1x10112x128xf32, #tpu.memory_space<hbm>> -> memref<10112x128xf32, #tpu.memory_space<hbm>>
      %dma_wait3A_25 = arith.constant 0 : i32
      %dma_wait3A_26 = tpu.memref_slice %dma_wait3A_24[%mul3A_14, %dma_wait3A_25] : memref<10112x128xf32, #tpu.memory_space<hbm>> -> memref<632x128xf32, #tpu.memory_space<hbm>>
      %dma_wait3A_27 = arith.constant 0 : i32
      %dma_wait3A_28 = tpu.memref_slice %arg11[%mul3A_12, %dma_wait3A_27] : memref<10112x128xf32, #tpu.memory_space<vmem_shared>> -> memref<632x128xf32, #tpu.memory_space<vmem_shared>>
      tpu.wait_dma2 semaphore(%run_scoped3A : memref<!tpu.dma_semaphore, #tpu.memory_space<semaphore_mem>>) src(%dma_wait3A_28 : memref<632x128xf32, #tpu.memory_space<vmem_shared>>) dst(%dma_wait3A_26 : memref<632x128xf32, #tpu.memory_space<hbm>>)
      tpu.yield
    }) : () -> ()
    return
  }
}

module attributes {stable_mosaic.version = 14 : i64} {
  func.func @_ridx_body(%arg0: memref<2560x128xi32, #tpu.memory_space<vmem>>, %arg1: memref<2560x128xi32, #tpu.memory_space<vmem>>, %arg2: memref<2560x128xi32, #tpu.memory_space<vmem>>) attributes {dimension_semantics = [], scalar_prefetch = 0 : i64, scratch_operands = 0 : i64, tpu.core_type = #tpu.core_type<tc>} {
    %get3A = arith.constant 0 : index
    %get3A_0 = arith.constant 0 : index
    %get3A_1 = vector.load %arg0[%get3A, %get3A_0] : memref<2560x128xi32, #tpu.memory_space<vmem>>, vector<2560x128xi32>
    %mul3A = arith.constant 8 : i32
    %mul3A_2 = vector.broadcast %mul3A : i32 to vector<2560x128xi32>
    %mul3A_3 = arith.muli %get3A_1, %mul3A_2 : vector<2560x128xi32>
    %get3A_4 = arith.constant 0 : index
    %get3A_5 = arith.constant 0 : index
    %get3A_6 = vector.load %arg1[%get3A_4, %get3A_5] : memref<2560x128xi32, #tpu.memory_space<vmem>>, vector<2560x128xi32>
    %add3A = arith.addi %mul3A_3, %get3A_6 : vector<2560x128xi32>
    %swap3A = arith.constant 0 : index
    %swap3A_7 = arith.constant 0 : index
    %swap3A_8 = vector.load %arg2[%swap3A, %swap3A_7] : memref<2560x128xi32, #tpu.memory_space<vmem>>, vector<2560x128xi32>
    tpu.vector_store %arg2[%swap3A, %swap3A_7], %add3A {strides = array<i32>} : memref<2560x128xi32, #tpu.memory_space<vmem>>, vector<2560x128xi32>,
    return
  }
}

module attributes {stable_mosaic.version = 14 : i64} {
  func.func @_prep_body(%arg0: i32, %arg1: memref<1000x16xf32, #tpu.memory_space<vmem>>, %arg2: memref<32x32xf32, #tpu.memory_space<vmem>>, %arg3: memref<8x16xf32, #tpu.memory_space<vmem>>, %arg4: memref<16x128xf32, #tpu.memory_space<vmem>>, %arg5: memref<1x128xf32, #tpu.memory_space<vmem>>, %arg6: memref<16x128xf32, #tpu.memory_space<vmem>>, %arg7: memref<1x128xf32, #tpu.memory_space<vmem>>, %arg8: memref<16x128xf32, #tpu.memory_space<vmem>>, %arg9: memref<1x128xf32, #tpu.memory_space<vmem>>, %arg10: memref<1000x128xf32, #tpu.memory_space<vmem>>, %arg11: memref<1000x8x128xf32, #tpu.memory_space<vmem>>, %arg12: memref<8x128xf32, #tpu.memory_space<vmem>>, %arg13: memref<8x128xf32, #tpu.memory_space<vmem>>, %arg14: memref<8x128xf32, #tpu.memory_space<vmem>>) attributes {dimension_semantics = [#tpu.dimension_semantics<arbitrary>], iteration_bounds = array<i64: 10>, scalar_prefetch = 0 : i64, scratch_operands = 0 : i64, tpu.core_type = #tpu.core_type<tc>, window_params = [{transform_indices = @transform_0, window_bounds = array<i64: 1000, 16>}, {pipeline_mode = #tpu.pipeline_mode<synchronous>, transform_indices = @transform_1, window_bounds = array<i64: 32, 32>}, {pipeline_mode = #tpu.pipeline_mode<synchronous>, transform_indices = @transform_2, window_bounds = array<i64: 8, 16>}, {pipeline_mode = #tpu.pipeline_mode<synchronous>, transform_indices = @transform_3, window_bounds = array<i64: 16, 128>}, {pipeline_mode = #tpu.pipeline_mode<synchronous>, transform_indices = @transform_4, window_bounds = array<i64: 1, 128>}, {pipeline_mode = #tpu.pipeline_mode<synchronous>, transform_indices = @transform_5, window_bounds = array<i64: 16, 128>}, {pipeline_mode = #tpu.pipeline_mode<synchronous>, transform_indices = @transform_6, window_bounds = array<i64: 1, 128>}, {pipeline_mode = #tpu.pipeline_mode<synchronous>, transform_indices = @transform_7, window_bounds = array<i64: 16, 128>}, {pipeline_mode = #tpu.pipeline_mode<synchronous>, transform_indices = @transform_8, window_bounds = array<i64: 1, 128>}, {transform_indices = @transform_9, window_bounds = array<i64: 1000, 128>}, {transform_indices = @transform_10, window_bounds = array<i64: 1000, 8, 128>}, {pipeline_mode = #tpu.pipeline_mode<synchronous>, transform_indices = @transform_11, window_bounds = array<i64: 8, 128>}, {pipeline_mode = #tpu.pipeline_mode<synchronous>, transform_indices = @transform_12, window_bounds = array<i64: 8, 128>}, {pipeline_mode = #tpu.pipeline_mode<synchronous>, transform_indices = @transform_13, window_bounds = array<i64: 8, 128>}]} {
    %get3A = arith.constant 0 : index
    %get3A_0 = arith.constant 0 : index
    %get3A_1 = vector.load %arg1[%get3A, %get3A_0] : memref<1000x16xf32, #tpu.memory_space<vmem>>, vector<1000x1xf32>
    %convert_element_type3A = arith.fptosi %get3A_1 : vector<1000x1xf32> to vector<1000x1xi32>
    %iota3A = tpu.iota {dimensions = array<i32: 1>} : vector<1000x32xi32>
    %eq3A = vector.broadcast %convert_element_type3A : vector<1000x1xi32> to vector<1000x32xi32>
    %eq3A_2 = arith.cmpi eq, %iota3A, %eq3A : vector<1000x32xi32>
    %convert_element_type3A_3 = arith.extui %eq3A_2 : vector<1000x32xi1> to vector<1000x32xi32>
    %convert_element_type3A_4 = arith.sitofp %convert_element_type3A_3 : vector<1000x32xi32> to vector<1000x32xf32>
    %get3A_5 = arith.constant 0 : index
    %get3A_6 = arith.constant 0 : index
    %get3A_7 = vector.load %arg2[%get3A_5, %get3A_6] : memref<32x32xf32, #tpu.memory_space<vmem>>, vector<32x32xf32>
    %dot_general3A = arith.constant dense<0.000000e+00> : vector<1000x32xf32>
    %dot_general3A_8 = tpu.matmul %convert_element_type3A_4, %get3A_7, %dot_general3A {dimension_numbers = #tpu.dot_dimension_numbers<[1], [0], [0], [1], [0, 0, 1, 1], [], []>, transpose_lhs_hint = false} : vector<1000x32xf32>, vector<32x32xf32>, vector<1000x32xf32> -> vector<1000x32xf32>
    %get3A_9 = arith.constant 0 : index
    %get3A_10 = arith.constant 1 : index
    %get3A_11 = vector.load %arg1[%get3A_9, %get3A_10] : memref<1000x16xf32, #tpu.memory_space<vmem>>, vector<1000x12xf32>
    %broadcast_in_dim3A = arith.constant 0.000000e+00 : f32
    %broadcast_in_dim3A_12 = vector.broadcast %broadcast_in_dim3A : f32 to vector<1000x84xf32>
    %concatenate3A = tpu.concatenate %dot_general3A_8, %get3A_11, %broadcast_in_dim3A_12 in 1 : vector<1000x32xf32>, vector<1000x12xf32>, vector<1000x84xf32> -> vector<1000x128xf32>
    %swap3A = arith.constant 0 : index
    %swap3A_13 = arith.constant 0 : index
    %swap3A_14 = vector.load %arg10[%swap3A, %swap3A_13] : memref<1000x128xf32, #tpu.memory_space<vmem>>, vector<1000x128xf32>
    tpu.vector_store %arg10[%swap3A, %swap3A_13], %concatenate3A {strides = array<i32>} : memref<1000x128xf32, #tpu.memory_space<vmem>>, vector<1000x128xf32>,
    %get3A_15 = arith.constant 0 : index
    %get3A_16 = arith.constant 0 : index
    %get3A_17 = vector.load %arg3[%get3A_15, %get3A_16] : memref<8x16xf32, #tpu.memory_space<vmem>>, vector<8x16xf32>
    %get3A_18 = arith.constant 0 : index
    %get3A_19 = arith.constant 0 : index
    %get3A_20 = vector.load %arg4[%get3A_18, %get3A_19] : memref<16x128xf32, #tpu.memory_space<vmem>>, vector<16x128xf32>
    %dot_general3A_21 = arith.constant dense<0.000000e+00> : vector<8x128xf32>
    %dot_general3A_22 = tpu.matmul %get3A_17, %get3A_20, %dot_general3A_21 {dimension_numbers = #tpu.dot_dimension_numbers<[1], [0], [0], [1], [0, 0, 1, 1], [], []>, transpose_lhs_hint = false} : vector<8x16xf32>, vector<16x128xf32>, vector<8x128xf32> -> vector<8x128xf32>
    %get3A_23 = arith.constant 0 : index
    %get3A_24 = arith.constant 0 : index
    %get3A_25 = vector.load %arg5[%get3A_23, %get3A_24] : memref<1x128xf32, #tpu.memory_space<vmem>>, vector<1x128xf32>
    %add3A = vector.broadcast %get3A_25 : vector<1x128xf32> to vector<8x128xf32>
    %add3A_26 = arith.addf %dot_general3A_22, %add3A : vector<8x128xf32>
    %get3A_27 = arith.constant 0 : index
    %get3A_28 = arith.constant 0 : index
    %get3A_29 = vector.load %arg3[%get3A_27, %get3A_28] : memref<8x16xf32, #tpu.memory_space<vmem>>, vector<8x16xf32>
    %get3A_30 = arith.constant 0 : index
    %get3A_31 = arith.constant 0 : index
    %get3A_32 = vector.load %arg6[%get3A_30, %get3A_31] : memref<16x128xf32, #tpu.memory_space<vmem>>, vector<16x128xf32>
    %dot_general3A_33 = arith.constant dense<0.000000e+00> : vector<8x128xf32>
    %dot_general3A_34 = tpu.matmul %get3A_29, %get3A_32, %dot_general3A_33 {dimension_numbers = #tpu.dot_dimension_numbers<[1], [0], [0], [1], [0, 0, 1, 1], [], []>, transpose_lhs_hint = false} : vector<8x16xf32>, vector<16x128xf32>, vector<8x128xf32> -> vector<8x128xf32>
    %get3A_35 = arith.constant 0 : index
    %get3A_36 = arith.constant 0 : index
    %get3A_37 = vector.load %arg7[%get3A_35, %get3A_36] : memref<1x128xf32, #tpu.memory_space<vmem>>, vector<1x128xf32>
    %add3A_38 = vector.broadcast %get3A_37 : vector<1x128xf32> to vector<8x128xf32>
    %add3A_39 = arith.addf %dot_general3A_34, %add3A_38 : vector<8x128xf32>
    %get3A_40 = arith.constant 0 : index
    %get3A_41 = arith.constant 0 : index
    %get3A_42 = vector.load %arg3[%get3A_40, %get3A_41] : memref<8x16xf32, #tpu.memory_space<vmem>>, vector<8x16xf32>
    %get3A_43 = arith.constant 0 : index
    %get3A_44 = arith.constant 0 : index
    %get3A_45 = vector.load %arg8[%get3A_43, %get3A_44] : memref<16x128xf32, #tpu.memory_space<vmem>>, vector<16x128xf32>
    %dot_general3A_46 = arith.constant dense<0.000000e+00> : vector<8x128xf32>
    %dot_general3A_47 = tpu.matmul %get3A_42, %get3A_45, %dot_general3A_46 {dimension_numbers = #tpu.dot_dimension_numbers<[1], [0], [0], [1], [0, 0, 1, 1], [], []>, transpose_lhs_hint = false} : vector<8x16xf32>, vector<16x128xf32>, vector<8x128xf32> -> vector<8x128xf32>
    %get3A_48 = arith.constant 0 : index
    %get3A_49 = arith.constant 0 : index
    %get3A_50 = vector.load %arg9[%get3A_48, %get3A_49] : memref<1x128xf32, #tpu.memory_space<vmem>>, vector<1x128xf32>
    %add3A_51 = vector.broadcast %get3A_50 : vector<1x128xf32> to vector<8x128xf32>
    %add3A_52 = arith.addf %dot_general3A_47, %add3A_51 : vector<8x128xf32>
    %swap3A_53 = arith.constant 0 : index
    %swap3A_54 = arith.constant 0 : index
    %swap3A_55 = vector.load %arg12[%swap3A_53, %swap3A_54] : memref<8x128xf32, #tpu.memory_space<vmem>>, vector<8x128xf32>
    tpu.vector_store %arg12[%swap3A_53, %swap3A_54], %add3A_26 {strides = array<i32>} : memref<8x128xf32, #tpu.memory_space<vmem>>, vector<8x128xf32>,
    %swap3A_56 = arith.constant 0 : index
    %swap3A_57 = arith.constant 0 : index
    %swap3A_58 = vector.load %arg13[%swap3A_56, %swap3A_57] : memref<8x128xf32, #tpu.memory_space<vmem>>, vector<8x128xf32>
    tpu.vector_store %arg13[%swap3A_56, %swap3A_57], %add3A_39 {strides = array<i32>} : memref<8x128xf32, #tpu.memory_space<vmem>>, vector<8x128xf32>,
    %swap3A_59 = arith.constant 0 : index
    %swap3A_60 = arith.constant 0 : index
    %swap3A_61 = vector.load %arg14[%swap3A_59, %swap3A_60] : memref<8x128xf32, #tpu.memory_space<vmem>>, vector<8x128xf32>
    tpu.vector_store %arg14[%swap3A_59, %swap3A_60], %add3A_52 {strides = array<i32>} : memref<8x128xf32, #tpu.memory_space<vmem>>, vector<8x128xf32>,
    %slice3A = vector.extract_strided_slice %add3A_26 {offsets = [0, 0], sizes = [1, 128], strides = [1, 1]} : vector<8x128xf32> to vector<1x128xf32>
    %add3A_62 = vector.broadcast %slice3A : vector<1x128xf32> to vector<1000x128xf32>
    %add3A_63 = arith.addf %concatenate3A, %add3A_62 : vector<1000x128xf32>
    %max3A = arith.constant 0.000000e+00 : f32
    %max3A_64 = vector.broadcast %max3A : f32 to vector<1000x128xf32>
    %max3A_65 = arith.maximumf %add3A_63, %max3A_64 : vector<1000x128xf32>
    %swap3A_66 = arith.constant 0 : index
    %swap3A_67 = arith.constant 0 : index
    %swap3A_68 = arith.constant 0 : index
    %swap3A_69 = vector.load %arg11[%swap3A_66, %swap3A_67, %swap3A_68] : memref<1000x8x128xf32, #tpu.memory_space<vmem>>, vector<1000x1x128xf32>
    %swap3A_70 = vector.shape_cast %swap3A_69 : vector<1000x1x128xf32> to vector<1000x128xf32>
    %swap3A_71 = vector.shape_cast %max3A_65 : vector<1000x128xf32> to vector<1000x1x128xf32>
    tpu.vector_store %arg11[%swap3A_66, %swap3A_67, %swap3A_68], %swap3A_71 {strides = array<i32>} : memref<1000x8x128xf32, #tpu.memory_space<vmem>>, vector<1000x1x128xf32>,
    %slice3A_72 = vector.extract_strided_slice %add3A_26 {offsets = [1, 0], sizes = [1, 128], strides = [1, 1]} : vector<8x128xf32> to vector<1x128xf32>
    %add3A_73 = vector.broadcast %slice3A_72 : vector<1x128xf32> to vector<1000x128xf32>
    %add3A_74 = arith.addf %concatenate3A, %add3A_73 : vector<1000x128xf32>
    %max3A_75 = arith.constant 0.000000e+00 : f32
    %max3A_76 = vector.broadcast %max3A_75 : f32 to vector<1000x128xf32>
    %max3A_77 = arith.maximumf %add3A_74, %max3A_76 : vector<1000x128xf32>
    %swap3A_78 = arith.constant 0 : index
    %swap3A_79 = arith.constant 1 : index
    %swap3A_80 = arith.constant 0 : index
    %swap3A_81 = vector.load %arg11[%swap3A_78, %swap3A_79, %swap3A_80] : memref<1000x8x128xf32, #tpu.memory_space<vmem>>, vector<1000x1x128xf32>
    %swap3A_82 = vector.shape_cast %swap3A_81 : vector<1000x1x128xf32> to vector<1000x128xf32>
    %swap3A_83 = vector.shape_cast %max3A_77 : vector<1000x128xf32> to vector<1000x1x128xf32>
    tpu.vector_store %arg11[%swap3A_78, %swap3A_79, %swap3A_80], %swap3A_83 {strides = array<i32>} : memref<1000x8x128xf32, #tpu.memory_space<vmem>>, vector<1000x1x128xf32>,
    %slice3A_84 = vector.extract_strided_slice %add3A_26 {offsets = [2, 0], sizes = [1, 128], strides = [1, 1]} : vector<8x128xf32> to vector<1x128xf32>
    %add3A_85 = vector.broadcast %slice3A_84 : vector<1x128xf32> to vector<1000x128xf32>
    %add3A_86 = arith.addf %concatenate3A, %add3A_85 : vector<1000x128xf32>
    %max3A_87 = arith.constant 0.000000e+00 : f32
    %max3A_88 = vector.broadcast %max3A_87 : f32 to vector<1000x128xf32>
    %max3A_89 = arith.maximumf %add3A_86, %max3A_88 : vector<1000x128xf32>
    %swap3A_90 = arith.constant 0 : index
    %swap3A_91 = arith.constant 2 : index
    %swap3A_92 = arith.constant 0 : index
    %swap3A_93 = vector.load %arg11[%swap3A_90, %swap3A_91, %swap3A_92] : memref<1000x8x128xf32, #tpu.memory_space<vmem>>, vector<1000x1x128xf32>
    %swap3A_94 = vector.shape_cast %swap3A_93 : vector<1000x1x128xf32> to vector<1000x128xf32>
    %swap3A_95 = vector.shape_cast %max3A_89 : vector<1000x128xf32> to vector<1000x1x128xf32>
    tpu.vector_store %arg11[%swap3A_90, %swap3A_91, %swap3A_92], %swap3A_95 {strides = array<i32>} : memref<1000x8x128xf32, #tpu.memory_space<vmem>>, vector<1000x1x128xf32>,
    %slice3A_96 = vector.extract_strided_slice %add3A_26 {offsets = [3, 0], sizes = [1, 128], strides = [1, 1]} : vector<8x128xf32> to vector<1x128xf32>
    %add3A_97 = vector.broadcast %slice3A_96 : vector<1x128xf32> to vector<1000x128xf32>
    %add3A_98 = arith.addf %concatenate3A, %add3A_97 : vector<1000x128xf32>
    %max3A_99 = arith.constant 0.000000e+00 : f32
    %max3A_100 = vector.broadcast %max3A_99 : f32 to vector<1000x128xf32>
    %max3A_101 = arith.maximumf %add3A_98, %max3A_100 : vector<1000x128xf32>
    %swap3A_102 = arith.constant 0 : index
    %swap3A_103 = arith.constant 3 : index
    %swap3A_104 = arith.constant 0 : index
    %swap3A_105 = vector.load %arg11[%swap3A_102, %swap3A_103, %swap3A_104] : memref<1000x8x128xf32, #tpu.memory_space<vmem>>, vector<1000x1x128xf32>
    %swap3A_106 = vector.shape_cast %swap3A_105 : vector<1000x1x128xf32> to vector<1000x128xf32>
    %swap3A_107 = vector.shape_cast %max3A_101 : vector<1000x128xf32> to vector<1000x1x128xf32>
    tpu.vector_store %arg11[%swap3A_102, %swap3A_103, %swap3A_104], %swap3A_107 {strides = array<i32>} : memref<1000x8x128xf32, #tpu.memory_space<vmem>>, vector<1000x1x128xf32>,
    %slice3A_108 = vector.extract_strided_slice %add3A_26 {offsets = [4, 0], sizes = [1, 128], strides = [1, 1]} : vector<8x128xf32> to vector<1x128xf32>
    %add3A_109 = vector.broadcast %slice3A_108 : vector<1x128xf32> to vector<1000x128xf32>
    %add3A_110 = arith.addf %concatenate3A, %add3A_109 : vector<1000x128xf32>
    %max3A_111 = arith.constant 0.000000e+00 : f32
    %max3A_112 = vector.broadcast %max3A_111 : f32 to vector<1000x128xf32>
    %max3A_113 = arith.maximumf %add3A_110, %max3A_112 : vector<1000x128xf32>
    %swap3A_114 = arith.constant 0 : index
    %swap3A_115 = arith.constant 4 : index
    %swap3A_116 = arith.constant 0 : index
    %swap3A_117 = vector.load %arg11[%swap3A_114, %swap3A_115, %swap3A_116] : memref<1000x8x128xf32, #tpu.memory_space<vmem>>, vector<1000x1x128xf32>
    %swap3A_118 = vector.shape_cast %swap3A_117 : vector<1000x1x128xf32> to vector<1000x128xf32>
    %swap3A_119 = vector.shape_cast %max3A_113 : vector<1000x128xf32> to vector<1000x1x128xf32>
    tpu.vector_store %arg11[%swap3A_114, %swap3A_115, %swap3A_116], %swap3A_119 {strides = array<i32>} : memref<1000x8x128xf32, #tpu.memory_space<vmem>>, vector<1000x1x128xf32>,
    %slice3A_120 = vector.extract_strided_slice %add3A_26 {offsets = [5, 0], sizes = [1, 128], strides = [1, 1]} : vector<8x128xf32> to vector<1x128xf32>
    %add3A_121 = vector.broadcast %slice3A_120 : vector<1x128xf32> to vector<1000x128xf32>
    %add3A_122 = arith.addf %concatenate3A, %add3A_121 : vector<1000x128xf32>
    %max3A_123 = arith.constant 0.000000e+00 : f32
    %max3A_124 = vector.broadcast %max3A_123 : f32 to vector<1000x128xf32>
    %max3A_125 = arith.maximumf %add3A_122, %max3A_124 : vector<1000x128xf32>
    %swap3A_126 = arith.constant 0 : index
    %swap3A_127 = arith.constant 5 : index
    %swap3A_128 = arith.constant 0 : index
    %swap3A_129 = vector.load %arg11[%swap3A_126, %swap3A_127, %swap3A_128] : memref<1000x8x128xf32, #tpu.memory_space<vmem>>, vector<1000x1x128xf32>
    %swap3A_130 = vector.shape_cast %swap3A_129 : vector<1000x1x128xf32> to vector<1000x128xf32>
    %swap3A_131 = vector.shape_cast %max3A_125 : vector<1000x128xf32> to vector<1000x1x128xf32>
    tpu.vector_store %arg11[%swap3A_126, %swap3A_127, %swap3A_128], %swap3A_131 {strides = array<i32>} : memref<1000x8x128xf32, #tpu.memory_space<vmem>>, vector<1000x1x128xf32>,
    %slice3A_132 = vector.extract_strided_slice %add3A_26 {offsets = [6, 0], sizes = [1, 128], strides = [1, 1]} : vector<8x128xf32> to vector<1x128xf32>
    %add3A_133 = vector.broadcast %slice3A_132 : vector<1x128xf32> to vector<1000x128xf32>
    %add3A_134 = arith.addf %concatenate3A, %add3A_133 : vector<1000x128xf32>
    %max3A_135 = arith.constant 0.000000e+00 : f32
    %max3A_136 = vector.broadcast %max3A_135 : f32 to vector<1000x128xf32>
    %max3A_137 = arith.maximumf %add3A_134, %max3A_136 : vector<1000x128xf32>
    %swap3A_138 = arith.constant 0 : index
    %swap3A_139 = arith.constant 6 : index
    %swap3A_140 = arith.constant 0 : index
    %swap3A_141 = vector.load %arg11[%swap3A_138, %swap3A_139, %swap3A_140] : memref<1000x8x128xf32, #tpu.memory_space<vmem>>, vector<1000x1x128xf32>
    %swap3A_142 = vector.shape_cast %swap3A_141 : vector<1000x1x128xf32> to vector<1000x128xf32>
    %swap3A_143 = vector.shape_cast %max3A_137 : vector<1000x128xf32> to vector<1000x1x128xf32>
    tpu.vector_store %arg11[%swap3A_138, %swap3A_139, %swap3A_140], %swap3A_143 {strides = array<i32>} : memref<1000x8x128xf32, #tpu.memory_space<vmem>>, vector<1000x1x128xf32>,
    %slice3A_144 = vector.extract_strided_slice %add3A_26 {offsets = [7, 0], sizes = [1, 128], strides = [1, 1]} : vector<8x128xf32> to vector<1x128xf32>
    %add3A_145 = vector.broadcast %slice3A_144 : vector<1x128xf32> to vector<1000x128xf32>
    %add3A_146 = arith.addf %concatenate3A, %add3A_145 : vector<1000x128xf32>
    %max3A_147 = arith.constant 0.000000e+00 : f32
    %max3A_148 = vector.broadcast %max3A_147 : f32 to vector<1000x128xf32>
    %max3A_149 = arith.maximumf %add3A_146, %max3A_148 : vector<1000x128xf32>
    %swap3A_150 = arith.constant 0 : index
    %swap3A_151 = arith.constant 7 : index
    %swap3A_152 = arith.constant 0 : index
    %swap3A_153 = vector.load %arg11[%swap3A_150, %swap3A_151, %swap3A_152] : memref<1000x8x128xf32, #tpu.memory_space<vmem>>, vector<1000x1x128xf32>
    %swap3A_154 = vector.shape_cast %swap3A_153 : vector<1000x1x128xf32> to vector<1000x128xf32>
    %swap3A_155 = vector.shape_cast %max3A_149 : vector<1000x128xf32> to vector<1000x1x128xf32>
    tpu.vector_store %arg11[%swap3A_150, %swap3A_151, %swap3A_152], %swap3A_155 {strides = array<i32>} : memref<1000x8x128xf32, #tpu.memory_space<vmem>>, vector<1000x1x128xf32>,
    return
  }
  func.func @transform_0(%arg0: i32) -> (i32, i32) {
    %c0_i32 = arith.constant 0 : i32
    %c0_i32_0 = arith.constant 0 : i32
    return %arg0, %c0_i32 : i32, i32
  }
  func.func @transform_1(%arg0: i32) -> (i32, i32) {
    %c0_i32 = arith.constant 0 : i32
    %c0_i32_0 = arith.constant 0 : i32
    %c0_i32_1 = arith.constant 0 : i32
    return %c0_i32, %c0_i32_0 : i32, i32
  }
  func.func @transform_2(%arg0: i32) -> (i32, i32) {
    %c0_i32 = arith.constant 0 : i32
    %c0_i32_0 = arith.constant 0 : i32
    %c0_i32_1 = arith.constant 0 : i32
    return %c0_i32, %c0_i32_0 : i32, i32
  }
  func.func @transform_3(%arg0: i32) -> (i32, i32) {
    %c0_i32 = arith.constant 0 : i32
    %c0_i32_0 = arith.constant 0 : i32
    %c0_i32_1 = arith.constant 0 : i32
    return %c0_i32, %c0_i32_0 : i32, i32
  }
  func.func @transform_4(%arg0: i32) -> (i32, i32) {
    %c0_i32 = arith.constant 0 : i32
    %c0_i32_0 = arith.constant 0 : i32
    %c0_i32_1 = arith.constant 0 : i32
    return %c0_i32, %c0_i32_0 : i32, i32
  }
  func.func @transform_5(%arg0: i32) -> (i32, i32) {
    %c0_i32 = arith.constant 0 : i32
    %c0_i32_0 = arith.constant 0 : i32
    %c0_i32_1 = arith.constant 0 : i32
    return %c0_i32, %c0_i32_0 : i32, i32
  }
  func.func @transform_6(%arg0: i32) -> (i32, i32) {
    %c0_i32 = arith.constant 0 : i32
    %c0_i32_0 = arith.constant 0 : i32
    %c0_i32_1 = arith.constant 0 : i32
    return %c0_i32, %c0_i32_0 : i32, i32
  }
  func.func @transform_7(%arg0: i32) -> (i32, i32) {
    %c0_i32 = arith.constant 0 : i32
    %c0_i32_0 = arith.constant 0 : i32
    %c0_i32_1 = arith.constant 0 : i32
    return %c0_i32, %c0_i32_0 : i32, i32
  }
  func.func @transform_8(%arg0: i32) -> (i32, i32) {
    %c0_i32 = arith.constant 0 : i32
    %c0_i32_0 = arith.constant 0 : i32
    %c0_i32_1 = arith.constant 0 : i32
    return %c0_i32, %c0_i32_0 : i32, i32
  }
  func.func @transform_9(%arg0: i32) -> (i32, i32) {
    %c0_i32 = arith.constant 0 : i32
    %c0_i32_0 = arith.constant 0 : i32
    return %arg0, %c0_i32 : i32, i32
  }
  func.func @transform_10(%arg0: i32) -> (i32, i32, i32) {
    %c0_i32 = arith.constant 0 : i32
    %c0_i32_0 = arith.constant 0 : i32
    %c0_i32_1 = arith.constant 0 : i32
    return %arg0, %c0_i32, %c0_i32_0 : i32, i32, i32
  }
  func.func @transform_11(%arg0: i32) -> (i32, i32) {
    %c0_i32 = arith.constant 0 : i32
    %c0_i32_0 = arith.constant 0 : i32
    %c0_i32_1 = arith.constant 0 : i32
    return %c0_i32, %c0_i32_0 : i32, i32
  }
  func.func @transform_12(%arg0: i32) -> (i32, i32) {
    %c0_i32 = arith.constant 0 : i32
    %c0_i32_0 = arith.constant 0 : i32
    %c0_i32_1 = arith.constant 0 : i32
    return %c0_i32, %c0_i32_0 : i32, i32
  }
  func.func @transform_13(%arg0: i32) -> (i32, i32) {
    %c0_i32 = arith.constant 0 : i32
    %c0_i32_0 = arith.constant 0 : i32
    %c0_i32_1 = arith.constant 0 : i32
    return %c0_i32, %c0_i32_0 : i32, i32
  }
}

module attributes {stable_mosaic.version = 14 : i64} {
  func.func @_layer_body(%arg0: i32, %arg1: memref<2x1000x128xf32, #tpu.memory_space<vmem>>, %arg2: memref<1000x128xf32, #tpu.memory_space<vmem>>, %arg3: memref<128x128xf32, #tpu.memory_space<vmem>>, %arg4: memref<1x128xf32, #tpu.memory_space<vmem>>, %arg5: memref<128x128xf32, #tpu.memory_space<vmem>>, %arg6: memref<1x128xf32, #tpu.memory_space<vmem>>, %arg7: memref<1x1xf32, #tpu.memory_space<vmem>>, %arg8: memref<8x128xf32, #tpu.memory_space<vmem>>, %arg9: memref<1000x128xf32, #tpu.memory_space<vmem>>, %arg10: memref<1000x8x128xf32, #tpu.memory_space<vmem>>) attributes {dimension_semantics = [#tpu.dimension_semantics<arbitrary>], iteration_bounds = array<i64: 10>, scalar_prefetch = 0 : i64, scratch_operands = 0 : i64, tpu.core_type = #tpu.core_type<tc>, window_params = [{transform_indices = @transform_0, window_bounds = array<i64: 2, 1000, 128>}, {transform_indices = @transform_1, window_bounds = array<i64: 1000, 128>}, {pipeline_mode = #tpu.pipeline_mode<synchronous>, transform_indices = @transform_2, window_bounds = array<i64: 128, 128>}, {pipeline_mode = #tpu.pipeline_mode<synchronous>, transform_indices = @transform_3, window_bounds = array<i64: 1, 128>}, {pipeline_mode = #tpu.pipeline_mode<synchronous>, transform_indices = @transform_4, window_bounds = array<i64: 128, 128>}, {pipeline_mode = #tpu.pipeline_mode<synchronous>, transform_indices = @transform_5, window_bounds = array<i64: 1, 128>}, {pipeline_mode = #tpu.pipeline_mode<synchronous>, transform_indices = @transform_6, window_bounds = array<i64: 1, 1>}, {pipeline_mode = #tpu.pipeline_mode<synchronous>, transform_indices = @transform_7, window_bounds = array<i64: 8, 128>}, {transform_indices = @transform_8, window_bounds = array<i64: 1000, 128>}, {transform_indices = @transform_9, window_bounds = array<i64: 1000, 8, 128>}]} {
    %get3A = arith.constant 0 : index
    %get3A_0 = arith.constant 0 : index
    %get3A_1 = vector.load %arg2[%get3A, %get3A_0] : memref<1000x128xf32, #tpu.memory_space<vmem>>, vector<1000x128xf32>
    %get3A_2 = arith.constant 0 : index
    %get3A_3 = arith.constant 0 : index
    %get3A_4 = arith.constant 0 : index
    %get3A_5 = vector.load %arg1[%get3A_2, %get3A_3, %get3A_4] : memref<2x1000x128xf32, #tpu.memory_space<vmem>>, vector<1x1000x128xf32>
    %get3A_6 = vector.shape_cast %get3A_5 : vector<1x1000x128xf32> to vector<1000x128xf32>
    %get3A_7 = arith.constant 1 : index
    %get3A_8 = arith.constant 0 : index
    %get3A_9 = arith.constant 0 : index
    %get3A_10 = vector.load %arg1[%get3A_7, %get3A_8, %get3A_9] : memref<2x1000x128xf32, #tpu.memory_space<vmem>>, vector<1x1000x128xf32>
    %get3A_11 = vector.shape_cast %get3A_10 : vector<1x1000x128xf32> to vector<1000x128xf32>
    %add3A = arith.addf %get3A_6, %get3A_11 : vector<1000x128xf32>
    %get3A_12 = arith.constant 0 : index
    %get3A_13 = arith.constant 0 : index
    %get3A_14 = vector.load %arg7[%get3A_12, %get3A_13] : memref<1x1xf32, #tpu.memory_space<vmem>>, vector<1x1xf32>
    %get3A_15 = vector.extract %get3A_14[0, 0] : f32 from vector<1x1xf32>
    %add3A_16 = arith.constant 1.000000e+00 : f32
    %add3A_17 = arith.addf %add3A_16, %get3A_15 : f32
    %mul3A = vector.broadcast %add3A_17 : f32 to vector<1000x128xf32>
    %mul3A_18 = arith.mulf %mul3A, %get3A_1 : vector<1000x128xf32>
    %add3A_19 = arith.addf %add3A, %mul3A_18 : vector<1000x128xf32>
    %get3A_20 = arith.constant 0 : index
    %get3A_21 = arith.constant 0 : index
    %get3A_22 = vector.load %arg3[%get3A_20, %get3A_21] : memref<128x128xf32, #tpu.memory_space<vmem>>, vector<128x128xf32>
    %dot_general3A = arith.constant dense<0.000000e+00> : vector<1000x128xf32>
    %dot_general3A_23 = tpu.matmul %add3A_19, %get3A_22, %dot_general3A {dimension_numbers = #tpu.dot_dimension_numbers<[1], [0], [0], [1], [0, 0, 1, 1], [], []>, transpose_lhs_hint = false} : vector<1000x128xf32>, vector<128x128xf32>, vector<1000x128xf32> -> vector<1000x128xf32>
    %get3A_24 = arith.constant 0 : index
    %get3A_25 = arith.constant 0 : index
    %get3A_26 = vector.load %arg4[%get3A_24, %get3A_25] : memref<1x128xf32, #tpu.memory_space<vmem>>, vector<1x128xf32>
    %add3A_27 = vector.broadcast %get3A_26 : vector<1x128xf32> to vector<1000x128xf32>
    %add3A_28 = arith.addf %dot_general3A_23, %add3A_27 : vector<1000x128xf32>
    %max3A = arith.constant 0.000000e+00 : f32
    %max3A_29 = vector.broadcast %max3A : f32 to vector<1000x128xf32>
    %max3A_30 = arith.maximumf %add3A_28, %max3A_29 : vector<1000x128xf32>
    %get3A_31 = arith.constant 0 : index
    %get3A_32 = arith.constant 0 : index
    %get3A_33 = vector.load %arg5[%get3A_31, %get3A_32] : memref<128x128xf32, #tpu.memory_space<vmem>>, vector<128x128xf32>
    %dot_general3A_34 = arith.constant dense<0.000000e+00> : vector<1000x128xf32>
    %dot_general3A_35 = tpu.matmul %max3A_30, %get3A_33, %dot_general3A_34 {dimension_numbers = #tpu.dot_dimension_numbers<[1], [0], [0], [1], [0, 0, 1, 1], [], []>, transpose_lhs_hint = false} : vector<1000x128xf32>, vector<128x128xf32>, vector<1000x128xf32> -> vector<1000x128xf32>
    %get3A_36 = arith.constant 0 : index
    %get3A_37 = arith.constant 0 : index
    %get3A_38 = vector.load %arg6[%get3A_36, %get3A_37] : memref<1x128xf32, #tpu.memory_space<vmem>>, vector<1x128xf32>
    %add3A_39 = vector.broadcast %get3A_38 : vector<1x128xf32> to vector<1000x128xf32>
    %add3A_40 = arith.addf %dot_general3A_35, %add3A_39 : vector<1000x128xf32>
    %reduce_sum3A = arith.constant dense<0.000000e+00> : vector<1000xf32>
    %reduce_sum3A_41 = vector.multi_reduction <add>, %add3A_40, %reduce_sum3A [1] : vector<1000x128xf32> to vector<1000xf32>
    %broadcast_in_dim3A = vector.shape_cast %reduce_sum3A_41 : vector<1000xf32> to vector<1000x1xf32>
    %div3A = arith.constant 1.280000e+02 : f32
    %div3A_42 = vector.broadcast %div3A : f32 to vector<1000x1xf32>
    %div3A_43 = arith.divf %broadcast_in_dim3A, %div3A_42 : vector<1000x1xf32>
    %sub3A = vector.broadcast %div3A_43 : vector<1000x1xf32> to vector<1000x128xf32>
    %sub3A_44 = arith.subf %add3A_40, %sub3A : vector<1000x128xf32>
    %integer_pow3A = arith.mulf %sub3A_44, %sub3A_44 : vector<1000x128xf32>
    %reduce_sum3A_45 = arith.constant dense<0.000000e+00> : vector<1000xf32>
    %reduce_sum3A_46 = vector.multi_reduction <add>, %integer_pow3A, %reduce_sum3A_45 [1] : vector<1000x128xf32> to vector<1000xf32>
    %broadcast_in_dim3A_47 = vector.shape_cast %reduce_sum3A_46 : vector<1000xf32> to vector<1000x1xf32>
    %div3A_48 = arith.constant 1.280000e+02 : f32
    %div3A_49 = vector.broadcast %div3A_48 : f32 to vector<1000x1xf32>
    %div3A_50 = arith.divf %broadcast_in_dim3A_47, %div3A_49 : vector<1000x1xf32>
    %sub3A_51 = vector.broadcast %div3A_43 : vector<1000x1xf32> to vector<1000x128xf32>
    %sub3A_52 = arith.subf %add3A_40, %sub3A_51 : vector<1000x128xf32>
    %add3A_53 = arith.constant 9.99999974E-6 : f32
    %add3A_54 = vector.broadcast %add3A_53 : f32 to vector<1000x1xf32>
    %add3A_55 = arith.addf %div3A_50, %add3A_54 : vector<1000x1xf32>
    %rsqrt3A = math.rsqrt %add3A_55 : vector<1000x1xf32>
    %mul3A_56 = vector.broadcast %rsqrt3A : vector<1000x1xf32> to vector<1000x128xf32>
    %mul3A_57 = arith.mulf %sub3A_52, %mul3A_56 : vector<1000x128xf32>
    %ge3A = arith.constant 0.000000e+00 : f32
    %ge3A_58 = vector.broadcast %ge3A : f32 to vector<1000x128xf32>
    %ge3A_59 = arith.cmpf oge, %mul3A_57, %ge3A_58 : vector<1000x128xf32>
    %mul3A_60 = arith.constant 1.000000e-01 : f32
    %mul3A_61 = vector.broadcast %mul3A_60 : f32 to vector<1000x128xf32>
    %mul3A_62 = arith.mulf %mul3A_61, %mul3A_57 : vector<1000x128xf32>
    %select_n3A = arith.select %ge3A_59, %mul3A_57, %mul3A_62 : vector<1000x128xi1>, vector<1000x128xf32>
    %swap3A = arith.constant 0 : index
    %swap3A_63 = arith.constant 0 : index
    %swap3A_64 = vector.load %arg9[%swap3A, %swap3A_63] : memref<1000x128xf32, #tpu.memory_space<vmem>>, vector<1000x128xf32>
    tpu.vector_store %arg9[%swap3A, %swap3A_63], %select_n3A {strides = array<i32>} : memref<1000x128xf32, #tpu.memory_space<vmem>>, vector<1000x128xf32>,
    %get3A_65 = arith.constant 0 : index
    %get3A_66 = arith.constant 0 : index
    %get3A_67 = vector.load %arg8[%get3A_65, %get3A_66] : memref<8x128xf32, #tpu.memory_space<vmem>>, vector<8x128xf32>
    %slice3A = vector.extract_strided_slice %get3A_67 {offsets = [0, 0], sizes = [1, 128], strides = [1, 1]} : vector<8x128xf32> to vector<1x128xf32>
    %add3A_68 = vector.broadcast %slice3A : vector<1x128xf32> to vector<1000x128xf32>
    %add3A_69 = arith.addf %select_n3A, %add3A_68 : vector<1000x128xf32>
    %max3A_70 = arith.constant 0.000000e+00 : f32
    %max3A_71 = vector.broadcast %max3A_70 : f32 to vector<1000x128xf32>
    %max3A_72 = arith.maximumf %add3A_69, %max3A_71 : vector<1000x128xf32>
    %swap3A_73 = arith.constant 0 : index
    %swap3A_74 = arith.constant 0 : index
    %swap3A_75 = arith.constant 0 : index
    %swap3A_76 = vector.load %arg10[%swap3A_73, %swap3A_74, %swap3A_75] : memref<1000x8x128xf32, #tpu.memory_space<vmem>>, vector<1000x1x128xf32>
    %swap3A_77 = vector.shape_cast %swap3A_76 : vector<1000x1x128xf32> to vector<1000x128xf32>
    %swap3A_78 = vector.shape_cast %max3A_72 : vector<1000x128xf32> to vector<1000x1x128xf32>
    tpu.vector_store %arg10[%swap3A_73, %swap3A_74, %swap3A_75], %swap3A_78 {strides = array<i32>} : memref<1000x8x128xf32, #tpu.memory_space<vmem>>, vector<1000x1x128xf32>,
    %slice3A_79 = vector.extract_strided_slice %get3A_67 {offsets = [1, 0], sizes = [1, 128], strides = [1, 1]} : vector<8x128xf32> to vector<1x128xf32>
    %add3A_80 = vector.broadcast %slice3A_79 : vector<1x128xf32> to vector<1000x128xf32>
    %add3A_81 = arith.addf %select_n3A, %add3A_80 : vector<1000x128xf32>
    %max3A_82 = arith.constant 0.000000e+00 : f32
    %max3A_83 = vector.broadcast %max3A_82 : f32 to vector<1000x128xf32>
    %max3A_84 = arith.maximumf %add3A_81, %max3A_83 : vector<1000x128xf32>
    %swap3A_85 = arith.constant 0 : index
    %swap3A_86 = arith.constant 1 : index
    %swap3A_87 = arith.constant 0 : index
    %swap3A_88 = vector.load %arg10[%swap3A_85, %swap3A_86, %swap3A_87] : memref<1000x8x128xf32, #tpu.memory_space<vmem>>, vector<1000x1x128xf32>
    %swap3A_89 = vector.shape_cast %swap3A_88 : vector<1000x1x128xf32> to vector<1000x128xf32>
    %swap3A_90 = vector.shape_cast %max3A_84 : vector<1000x128xf32> to vector<1000x1x128xf32>
    tpu.vector_store %arg10[%swap3A_85, %swap3A_86, %swap3A_87], %swap3A_90 {strides = array<i32>} : memref<1000x8x128xf32, #tpu.memory_space<vmem>>, vector<1000x1x128xf32>,
    %slice3A_91 = vector.extract_strided_slice %get3A_67 {offsets = [2, 0], sizes = [1, 128], strides = [1, 1]} : vector<8x128xf32> to vector<1x128xf32>
    %add3A_92 = vector.broadcast %slice3A_91 : vector<1x128xf32> to vector<1000x128xf32>
    %add3A_93 = arith.addf %select_n3A, %add3A_92 : vector<1000x128xf32>
    %max3A_94 = arith.constant 0.000000e+00 : f32
    %max3A_95 = vector.broadcast %max3A_94 : f32 to vector<1000x128xf32>
    %max3A_96 = arith.maximumf %add3A_93, %max3A_95 : vector<1000x128xf32>
    %swap3A_97 = arith.constant 0 : index
    %swap3A_98 = arith.constant 2 : index
    %swap3A_99 = arith.constant 0 : index
    %swap3A_100 = vector.load %arg10[%swap3A_97, %swap3A_98, %swap3A_99] : memref<1000x8x128xf32, #tpu.memory_space<vmem>>, vector<1000x1x128xf32>
    %swap3A_101 = vector.shape_cast %swap3A_100 : vector<1000x1x128xf32> to vector<1000x128xf32>
    %swap3A_102 = vector.shape_cast %max3A_96 : vector<1000x128xf32> to vector<1000x1x128xf32>
    tpu.vector_store %arg10[%swap3A_97, %swap3A_98, %swap3A_99], %swap3A_102 {strides = array<i32>} : memref<1000x8x128xf32, #tpu.memory_space<vmem>>, vector<1000x1x128xf32>,
    %slice3A_103 = vector.extract_strided_slice %get3A_67 {offsets = [3, 0], sizes = [1, 128], strides = [1, 1]} : vector<8x128xf32> to vector<1x128xf32>
    %add3A_104 = vector.broadcast %slice3A_103 : vector<1x128xf32> to vector<1000x128xf32>
    %add3A_105 = arith.addf %select_n3A, %add3A_104 : vector<1000x128xf32>
    %max3A_106 = arith.constant 0.000000e+00 : f32
    %max3A_107 = vector.broadcast %max3A_106 : f32 to vector<1000x128xf32>
    %max3A_108 = arith.maximumf %add3A_105, %max3A_107 : vector<1000x128xf32>
    %swap3A_109 = arith.constant 0 : index
    %swap3A_110 = arith.constant 3 : index
    %swap3A_111 = arith.constant 0 : index
    %swap3A_112 = vector.load %arg10[%swap3A_109, %swap3A_110, %swap3A_111] : memref<1000x8x128xf32, #tpu.memory_space<vmem>>, vector<1000x1x128xf32>
    %swap3A_113 = vector.shape_cast %swap3A_112 : vector<1000x1x128xf32> to vector<1000x128xf32>
    %swap3A_114 = vector.shape_cast %max3A_108 : vector<1000x128xf32> to vector<1000x1x128xf32>
    tpu.vector_store %arg10[%swap3A_109, %swap3A_110, %swap3A_111], %swap3A_114 {strides = array<i32>} : memref<1000x8x128xf32, #tpu.memory_space<vmem>>, vector<1000x1x128xf32>,
    %slice3A_115 = vector.extract_strided_slice %get3A_67 {offsets = [4, 0], sizes = [1, 128], strides = [1, 1]} : vector<8x128xf32> to vector<1x128xf32>
    %add3A_116 = vector.broadcast %slice3A_115 : vector<1x128xf32> to vector<1000x128xf32>
    %add3A_117 = arith.addf %select_n3A, %add3A_116 : vector<1000x128xf32>
    %max3A_118 = arith.constant 0.000000e+00 : f32
    %max3A_119 = vector.broadcast %max3A_118 : f32 to vector<1000x128xf32>
    %max3A_120 = arith.maximumf %add3A_117, %max3A_119 : vector<1000x128xf32>
    %swap3A_121 = arith.constant 0 : index
    %swap3A_122 = arith.constant 4 : index
    %swap3A_123 = arith.constant 0 : index
    %swap3A_124 = vector.load %arg10[%swap3A_121, %swap3A_122, %swap3A_123] : memref<1000x8x128xf32, #tpu.memory_space<vmem>>, vector<1000x1x128xf32>
    %swap3A_125 = vector.shape_cast %swap3A_124 : vector<1000x1x128xf32> to vector<1000x128xf32>
    %swap3A_126 = vector.shape_cast %max3A_120 : vector<1000x128xf32> to vector<1000x1x128xf32>
    tpu.vector_store %arg10[%swap3A_121, %swap3A_122, %swap3A_123], %swap3A_126 {strides = array<i32>} : memref<1000x8x128xf32, #tpu.memory_space<vmem>>, vector<1000x1x128xf32>,
    %slice3A_127 = vector.extract_strided_slice %get3A_67 {offsets = [5, 0], sizes = [1, 128], strides = [1, 1]} : vector<8x128xf32> to vector<1x128xf32>
    %add3A_128 = vector.broadcast %slice3A_127 : vector<1x128xf32> to vector<1000x128xf32>
    %add3A_129 = arith.addf %select_n3A, %add3A_128 : vector<1000x128xf32>
    %max3A_130 = arith.constant 0.000000e+00 : f32
    %max3A_131 = vector.broadcast %max3A_130 : f32 to vector<1000x128xf32>
    %max3A_132 = arith.maximumf %add3A_129, %max3A_131 : vector<1000x128xf32>
    %swap3A_133 = arith.constant 0 : index
    %swap3A_134 = arith.constant 5 : index
    %swap3A_135 = arith.constant 0 : index
    %swap3A_136 = vector.load %arg10[%swap3A_133, %swap3A_134, %swap3A_135] : memref<1000x8x128xf32, #tpu.memory_space<vmem>>, vector<1000x1x128xf32>
    %swap3A_137 = vector.shape_cast %swap3A_136 : vector<1000x1x128xf32> to vector<1000x128xf32>
    %swap3A_138 = vector.shape_cast %max3A_132 : vector<1000x128xf32> to vector<1000x1x128xf32>
    tpu.vector_store %arg10[%swap3A_133, %swap3A_134, %swap3A_135], %swap3A_138 {strides = array<i32>} : memref<1000x8x128xf32, #tpu.memory_space<vmem>>, vector<1000x1x128xf32>,
    %slice3A_139 = vector.extract_strided_slice %get3A_67 {offsets = [6, 0], sizes = [1, 128], strides = [1, 1]} : vector<8x128xf32> to vector<1x128xf32>
    %add3A_140 = vector.broadcast %slice3A_139 : vector<1x128xf32> to vector<1000x128xf32>
    %add3A_141 = arith.addf %select_n3A, %add3A_140 : vector<1000x128xf32>
    %max3A_142 = arith.constant 0.000000e+00 : f32
    %max3A_143 = vector.broadcast %max3A_142 : f32 to vector<1000x128xf32>
    %max3A_144 = arith.maximumf %add3A_141, %max3A_143 : vector<1000x128xf32>
    %swap3A_145 = arith.constant 0 : index
    %swap3A_146 = arith.constant 6 : index
    %swap3A_147 = arith.constant 0 : index
    %swap3A_148 = vector.load %arg10[%swap3A_145, %swap3A_146, %swap3A_147] : memref<1000x8x128xf32, #tpu.memory_space<vmem>>, vector<1000x1x128xf32>
    %swap3A_149 = vector.shape_cast %swap3A_148 : vector<1000x1x128xf32> to vector<1000x128xf32>
    %swap3A_150 = vector.shape_cast %max3A_144 : vector<1000x128xf32> to vector<1000x1x128xf32>
    tpu.vector_store %arg10[%swap3A_145, %swap3A_146, %swap3A_147], %swap3A_150 {strides = array<i32>} : memref<1000x8x128xf32, #tpu.memory_space<vmem>>, vector<1000x1x128xf32>,
    %slice3A_151 = vector.extract_strided_slice %get3A_67 {offsets = [7, 0], sizes = [1, 128], strides = [1, 1]} : vector<8x128xf32> to vector<1x128xf32>
    %add3A_152 = vector.broadcast %slice3A_151 : vector<1x128xf32> to vector<1000x128xf32>
    %add3A_153 = arith.addf %select_n3A, %add3A_152 : vector<1000x128xf32>
    %max3A_154 = arith.constant 0.000000e+00 : f32
    %max3A_155 = vector.broadcast %max3A_154 : f32 to vector<1000x128xf32>
    %max3A_156 = arith.maximumf %add3A_153, %max3A_155 : vector<1000x128xf32>
    %swap3A_157 = arith.constant 0 : index
    %swap3A_158 = arith.constant 7 : index
    %swap3A_159 = arith.constant 0 : index
    %swap3A_160 = vector.load %arg10[%swap3A_157, %swap3A_158, %swap3A_159] : memref<1000x8x128xf32, #tpu.memory_space<vmem>>, vector<1000x1x128xf32>
    %swap3A_161 = vector.shape_cast %swap3A_160 : vector<1000x1x128xf32> to vector<1000x128xf32>
    %swap3A_162 = vector.shape_cast %max3A_156 : vector<1000x128xf32> to vector<1000x1x128xf32>
    tpu.vector_store %arg10[%swap3A_157, %swap3A_158, %swap3A_159], %swap3A_162 {strides = array<i32>} : memref<1000x8x128xf32, #tpu.memory_space<vmem>>, vector<1000x1x128xf32>,
    return
  }
  func.func @transform_0(%arg0: i32) -> (i32, i32, i32) {
    %c0_i32 = arith.constant 0 : i32
    %c0_i32_0 = arith.constant 0 : i32
    %c0_i32_1 = arith.constant 0 : i32
    return %c0_i32, %arg0, %c0_i32_0 : i32, i32, i32
  }
  func.func @transform_1(%arg0: i32) -> (i32, i32) {
    %c0_i32 = arith.constant 0 : i32
    %c0_i32_0 = arith.constant 0 : i32
    return %arg0, %c0_i32 : i32, i32
  }
  func.func @transform_2(%arg0: i32) -> (i32, i32) {
    %c0_i32 = arith.constant 0 : i32
    %c0_i32_0 = arith.constant 0 : i32
    %c0_i32_1 = arith.constant 0 : i32
    return %c0_i32, %c0_i32_0 : i32, i32
  }
  func.func @transform_3(%arg0: i32) -> (i32, i32) {
    %c0_i32 = arith.constant 0 : i32
    %c0_i32_0 = arith.constant 0 : i32
    %c0_i32_1 = arith.constant 0 : i32
    return %c0_i32, %c0_i32_0 : i32, i32
  }
  func.func @transform_4(%arg0: i32) -> (i32, i32) {
    %c0_i32 = arith.constant 0 : i32
    %c0_i32_0 = arith.constant 0 : i32
    %c0_i32_1 = arith.constant 0 : i32
    return %c0_i32, %c0_i32_0 : i32, i32
  }
  func.func @transform_5(%arg0: i32) -> (i32, i32) {
    %c0_i32 = arith.constant 0 : i32
    %c0_i32_0 = arith.constant 0 : i32
    %c0_i32_1 = arith.constant 0 : i32
    return %c0_i32, %c0_i32_0 : i32, i32
  }
  func.func @transform_6(%arg0: i32) -> (i32, i32) {
    %c0_i32 = arith.constant 0 : i32
    %c0_i32_0 = arith.constant 0 : i32
    %c0_i32_1 = arith.constant 0 : i32
    return %c0_i32, %c0_i32_0 : i32, i32
  }
  func.func @transform_7(%arg0: i32) -> (i32, i32) {
    %c0_i32 = arith.constant 0 : i32
    %c0_i32_0 = arith.constant 0 : i32
    %c0_i32_1 = arith.constant 0 : i32
    return %c0_i32, %c0_i32_0 : i32, i32
  }
  func.func @transform_8(%arg0: i32) -> (i32, i32) {
    %c0_i32 = arith.constant 0 : i32
    %c0_i32_0 = arith.constant 0 : i32
    return %arg0, %c0_i32 : i32, i32
  }
  func.func @transform_9(%arg0: i32) -> (i32, i32, i32) {
    %c0_i32 = arith.constant 0 : i32
    %c0_i32_0 = arith.constant 0 : i32
    %c0_i32_1 = arith.constant 0 : i32
    return %arg0, %c0_i32, %c0_i32_0 : i32, i32, i32
  }
}

module attributes {stable_mosaic.version = 14 : i64} {
  func.func @_layer_body(%arg0: i32, %arg1: memref<2x1000x128xf32, #tpu.memory_space<vmem>>, %arg2: memref<1000x128xf32, #tpu.memory_space<vmem>>, %arg3: memref<128x128xf32, #tpu.memory_space<vmem>>, %arg4: memref<1x128xf32, #tpu.memory_space<vmem>>, %arg5: memref<128x128xf32, #tpu.memory_space<vmem>>, %arg6: memref<1x128xf32, #tpu.memory_space<vmem>>, %arg7: memref<1x1xf32, #tpu.memory_space<vmem>>, %arg8: memref<8x128xf32, #tpu.memory_space<vmem>>, %arg9: memref<1000x128xf32, #tpu.memory_space<vmem>>, %arg10: memref<1000x8x128xf32, #tpu.memory_space<vmem>>) attributes {dimension_semantics = [#tpu.dimension_semantics<arbitrary>], iteration_bounds = array<i64: 10>, scalar_prefetch = 0 : i64, scratch_operands = 0 : i64, tpu.core_type = #tpu.core_type<tc>, window_params = [{transform_indices = @transform_0, window_bounds = array<i64: 2, 1000, 128>}, {transform_indices = @transform_1, window_bounds = array<i64: 1000, 128>}, {pipeline_mode = #tpu.pipeline_mode<synchronous>, transform_indices = @transform_2, window_bounds = array<i64: 128, 128>}, {pipeline_mode = #tpu.pipeline_mode<synchronous>, transform_indices = @transform_3, window_bounds = array<i64: 1, 128>}, {pipeline_mode = #tpu.pipeline_mode<synchronous>, transform_indices = @transform_4, window_bounds = array<i64: 128, 128>}, {pipeline_mode = #tpu.pipeline_mode<synchronous>, transform_indices = @transform_5, window_bounds = array<i64: 1, 128>}, {pipeline_mode = #tpu.pipeline_mode<synchronous>, transform_indices = @transform_6, window_bounds = array<i64: 1, 1>}, {pipeline_mode = #tpu.pipeline_mode<synchronous>, transform_indices = @transform_7, window_bounds = array<i64: 8, 128>}, {transform_indices = @transform_8, window_bounds = array<i64: 1000, 128>}, {transform_indices = @transform_9, window_bounds = array<i64: 1000, 8, 128>}]} {
    %get3A = arith.constant 0 : index
    %get3A_0 = arith.constant 0 : index
    %get3A_1 = vector.load %arg2[%get3A, %get3A_0] : memref<1000x128xf32, #tpu.memory_space<vmem>>, vector<1000x128xf32>
    %get3A_2 = arith.constant 0 : index
    %get3A_3 = arith.constant 0 : index
    %get3A_4 = arith.constant 0 : index
    %get3A_5 = vector.load %arg1[%get3A_2, %get3A_3, %get3A_4] : memref<2x1000x128xf32, #tpu.memory_space<vmem>>, vector<1x1000x128xf32>
    %get3A_6 = vector.shape_cast %get3A_5 : vector<1x1000x128xf32> to vector<1000x128xf32>
    %get3A_7 = arith.constant 1 : index
    %get3A_8 = arith.constant 0 : index
    %get3A_9 = arith.constant 0 : index
    %get3A_10 = vector.load %arg1[%get3A_7, %get3A_8, %get3A_9] : memref<2x1000x128xf32, #tpu.memory_space<vmem>>, vector<1x1000x128xf32>
    %get3A_11 = vector.shape_cast %get3A_10 : vector<1x1000x128xf32> to vector<1000x128xf32>
    %add3A = arith.addf %get3A_6, %get3A_11 : vector<1000x128xf32>
    %get3A_12 = arith.constant 0 : index
    %get3A_13 = arith.constant 0 : index
    %get3A_14 = vector.load %arg7[%get3A_12, %get3A_13] : memref<1x1xf32, #tpu.memory_space<vmem>>, vector<1x1xf32>
    %get3A_15 = vector.extract %get3A_14[0, 0] : f32 from vector<1x1xf32>
    %add3A_16 = arith.constant 1.000000e+00 : f32
    %add3A_17 = arith.addf %add3A_16, %get3A_15 : f32
    %mul3A = vector.broadcast %add3A_17 : f32 to vector<1000x128xf32>
    %mul3A_18 = arith.mulf %mul3A, %get3A_1 : vector<1000x128xf32>
    %add3A_19 = arith.addf %add3A, %mul3A_18 : vector<1000x128xf32>
    %get3A_20 = arith.constant 0 : index
    %get3A_21 = arith.constant 0 : index
    %get3A_22 = vector.load %arg3[%get3A_20, %get3A_21] : memref<128x128xf32, #tpu.memory_space<vmem>>, vector<128x128xf32>
    %dot_general3A = arith.constant dense<0.000000e+00> : vector<1000x128xf32>
    %dot_general3A_23 = tpu.matmul %add3A_19, %get3A_22, %dot_general3A {dimension_numbers = #tpu.dot_dimension_numbers<[1], [0], [0], [1], [0, 0, 1, 1], [], []>, transpose_lhs_hint = false} : vector<1000x128xf32>, vector<128x128xf32>, vector<1000x128xf32> -> vector<1000x128xf32>
    %get3A_24 = arith.constant 0 : index
    %get3A_25 = arith.constant 0 : index
    %get3A_26 = vector.load %arg4[%get3A_24, %get3A_25] : memref<1x128xf32, #tpu.memory_space<vmem>>, vector<1x128xf32>
    %add3A_27 = vector.broadcast %get3A_26 : vector<1x128xf32> to vector<1000x128xf32>
    %add3A_28 = arith.addf %dot_general3A_23, %add3A_27 : vector<1000x128xf32>
    %max3A = arith.constant 0.000000e+00 : f32
    %max3A_29 = vector.broadcast %max3A : f32 to vector<1000x128xf32>
    %max3A_30 = arith.maximumf %add3A_28, %max3A_29 : vector<1000x128xf32>
    %get3A_31 = arith.constant 0 : index
    %get3A_32 = arith.constant 0 : index
    %get3A_33 = vector.load %arg5[%get3A_31, %get3A_32] : memref<128x128xf32, #tpu.memory_space<vmem>>, vector<128x128xf32>
    %dot_general3A_34 = arith.constant dense<0.000000e+00> : vector<1000x128xf32>
    %dot_general3A_35 = tpu.matmul %max3A_30, %get3A_33, %dot_general3A_34 {dimension_numbers = #tpu.dot_dimension_numbers<[1], [0], [0], [1], [0, 0, 1, 1], [], []>, transpose_lhs_hint = false} : vector<1000x128xf32>, vector<128x128xf32>, vector<1000x128xf32> -> vector<1000x128xf32>
    %get3A_36 = arith.constant 0 : index
    %get3A_37 = arith.constant 0 : index
    %get3A_38 = vector.load %arg6[%get3A_36, %get3A_37] : memref<1x128xf32, #tpu.memory_space<vmem>>, vector<1x128xf32>
    %add3A_39 = vector.broadcast %get3A_38 : vector<1x128xf32> to vector<1000x128xf32>
    %add3A_40 = arith.addf %dot_general3A_35, %add3A_39 : vector<1000x128xf32>
    %reduce_sum3A = arith.constant dense<0.000000e+00> : vector<1000xf32>
    %reduce_sum3A_41 = vector.multi_reduction <add>, %add3A_40, %reduce_sum3A [1] : vector<1000x128xf32> to vector<1000xf32>
    %broadcast_in_dim3A = vector.shape_cast %reduce_sum3A_41 : vector<1000xf32> to vector<1000x1xf32>
    %div3A = arith.constant 1.280000e+02 : f32
    %div3A_42 = vector.broadcast %div3A : f32 to vector<1000x1xf32>
    %div3A_43 = arith.divf %broadcast_in_dim3A, %div3A_42 : vector<1000x1xf32>
    %sub3A = vector.broadcast %div3A_43 : vector<1000x1xf32> to vector<1000x128xf32>
    %sub3A_44 = arith.subf %add3A_40, %sub3A : vector<1000x128xf32>
    %integer_pow3A = arith.mulf %sub3A_44, %sub3A_44 : vector<1000x128xf32>
    %reduce_sum3A_45 = arith.constant dense<0.000000e+00> : vector<1000xf32>
    %reduce_sum3A_46 = vector.multi_reduction <add>, %integer_pow3A, %reduce_sum3A_45 [1] : vector<1000x128xf32> to vector<1000xf32>
    %broadcast_in_dim3A_47 = vector.shape_cast %reduce_sum3A_46 : vector<1000xf32> to vector<1000x1xf32>
    %div3A_48 = arith.constant 1.280000e+02 : f32
    %div3A_49 = vector.broadcast %div3A_48 : f32 to vector<1000x1xf32>
    %div3A_50 = arith.divf %broadcast_in_dim3A_47, %div3A_49 : vector<1000x1xf32>
    %sub3A_51 = vector.broadcast %div3A_43 : vector<1000x1xf32> to vector<1000x128xf32>
    %sub3A_52 = arith.subf %add3A_40, %sub3A_51 : vector<1000x128xf32>
    %add3A_53 = arith.constant 9.99999974E-6 : f32
    %add3A_54 = vector.broadcast %add3A_53 : f32 to vector<1000x1xf32>
    %add3A_55 = arith.addf %div3A_50, %add3A_54 : vector<1000x1xf32>
    %rsqrt3A = math.rsqrt %add3A_55 : vector<1000x1xf32>
    %mul3A_56 = vector.broadcast %rsqrt3A : vector<1000x1xf32> to vector<1000x128xf32>
    %mul3A_57 = arith.mulf %sub3A_52, %mul3A_56 : vector<1000x128xf32>
    %add3A_58 = arith.addf %mul3A_57, %get3A_1 : vector<1000x128xf32>
    %ge3A = arith.constant 0.000000e+00 : f32
    %ge3A_59 = vector.broadcast %ge3A : f32 to vector<1000x128xf32>
    %ge3A_60 = arith.cmpf oge, %add3A_58, %ge3A_59 : vector<1000x128xf32>
    %mul3A_61 = arith.constant 1.000000e-01 : f32
    %mul3A_62 = vector.broadcast %mul3A_61 : f32 to vector<1000x128xf32>
    %mul3A_63 = arith.mulf %mul3A_62, %add3A_58 : vector<1000x128xf32>
    %select_n3A = arith.select %ge3A_60, %add3A_58, %mul3A_63 : vector<1000x128xi1>, vector<1000x128xf32>
    %swap3A = arith.constant 0 : index
    %swap3A_64 = arith.constant 0 : index
    %swap3A_65 = vector.load %arg9[%swap3A, %swap3A_64] : memref<1000x128xf32, #tpu.memory_space<vmem>>, vector<1000x128xf32>
    tpu.vector_store %arg9[%swap3A, %swap3A_64], %select_n3A {strides = array<i32>} : memref<1000x128xf32, #tpu.memory_space<vmem>>, vector<1000x128xf32>,
    %get3A_66 = arith.constant 0 : index
    %get3A_67 = arith.constant 0 : index
    %get3A_68 = vector.load %arg8[%get3A_66, %get3A_67] : memref<8x128xf32, #tpu.memory_space<vmem>>, vector<8x128xf32>
    %slice3A = vector.extract_strided_slice %get3A_68 {offsets = [0, 0], sizes = [1, 128], strides = [1, 1]} : vector<8x128xf32> to vector<1x128xf32>
    %add3A_69 = vector.broadcast %slice3A : vector<1x128xf32> to vector<1000x128xf32>
    %add3A_70 = arith.addf %select_n3A, %add3A_69 : vector<1000x128xf32>
    %max3A_71 = arith.constant 0.000000e+00 : f32
    %max3A_72 = vector.broadcast %max3A_71 : f32 to vector<1000x128xf32>
    %max3A_73 = arith.maximumf %add3A_70, %max3A_72 : vector<1000x128xf32>
    %swap3A_74 = arith.constant 0 : index
    %swap3A_75 = arith.constant 0 : index
    %swap3A_76 = arith.constant 0 : index
    %swap3A_77 = vector.load %arg10[%swap3A_74, %swap3A_75, %swap3A_76] : memref<1000x8x128xf32, #tpu.memory_space<vmem>>, vector<1000x1x128xf32>
    %swap3A_78 = vector.shape_cast %swap3A_77 : vector<1000x1x128xf32> to vector<1000x128xf32>
    %swap3A_79 = vector.shape_cast %max3A_73 : vector<1000x128xf32> to vector<1000x1x128xf32>
    tpu.vector_store %arg10[%swap3A_74, %swap3A_75, %swap3A_76], %swap3A_79 {strides = array<i32>} : memref<1000x8x128xf32, #tpu.memory_space<vmem>>, vector<1000x1x128xf32>,
    %slice3A_80 = vector.extract_strided_slice %get3A_68 {offsets = [1, 0], sizes = [1, 128], strides = [1, 1]} : vector<8x128xf32> to vector<1x128xf32>
    %add3A_81 = vector.broadcast %slice3A_80 : vector<1x128xf32> to vector<1000x128xf32>
    %add3A_82 = arith.addf %select_n3A, %add3A_81 : vector<1000x128xf32>
    %max3A_83 = arith.constant 0.000000e+00 : f32
    %max3A_84 = vector.broadcast %max3A_83 : f32 to vector<1000x128xf32>
    %max3A_85 = arith.maximumf %add3A_82, %max3A_84 : vector<1000x128xf32>
    %swap3A_86 = arith.constant 0 : index
    %swap3A_87 = arith.constant 1 : index
    %swap3A_88 = arith.constant 0 : index
    %swap3A_89 = vector.load %arg10[%swap3A_86, %swap3A_87, %swap3A_88] : memref<1000x8x128xf32, #tpu.memory_space<vmem>>, vector<1000x1x128xf32>
    %swap3A_90 = vector.shape_cast %swap3A_89 : vector<1000x1x128xf32> to vector<1000x128xf32>
    %swap3A_91 = vector.shape_cast %max3A_85 : vector<1000x128xf32> to vector<1000x1x128xf32>
    tpu.vector_store %arg10[%swap3A_86, %swap3A_87, %swap3A_88], %swap3A_91 {strides = array<i32>} : memref<1000x8x128xf32, #tpu.memory_space<vmem>>, vector<1000x1x128xf32>,
    %slice3A_92 = vector.extract_strided_slice %get3A_68 {offsets = [2, 0], sizes = [1, 128], strides = [1, 1]} : vector<8x128xf32> to vector<1x128xf32>
    %add3A_93 = vector.broadcast %slice3A_92 : vector<1x128xf32> to vector<1000x128xf32>
    %add3A_94 = arith.addf %select_n3A, %add3A_93 : vector<1000x128xf32>
    %max3A_95 = arith.constant 0.000000e+00 : f32
    %max3A_96 = vector.broadcast %max3A_95 : f32 to vector<1000x128xf32>
    %max3A_97 = arith.maximumf %add3A_94, %max3A_96 : vector<1000x128xf32>
    %swap3A_98 = arith.constant 0 : index
    %swap3A_99 = arith.constant 2 : index
    %swap3A_100 = arith.constant 0 : index
    %swap3A_101 = vector.load %arg10[%swap3A_98, %swap3A_99, %swap3A_100] : memref<1000x8x128xf32, #tpu.memory_space<vmem>>, vector<1000x1x128xf32>
    %swap3A_102 = vector.shape_cast %swap3A_101 : vector<1000x1x128xf32> to vector<1000x128xf32>
    %swap3A_103 = vector.shape_cast %max3A_97 : vector<1000x128xf32> to vector<1000x1x128xf32>
    tpu.vector_store %arg10[%swap3A_98, %swap3A_99, %swap3A_100], %swap3A_103 {strides = array<i32>} : memref<1000x8x128xf32, #tpu.memory_space<vmem>>, vector<1000x1x128xf32>,
    %slice3A_104 = vector.extract_strided_slice %get3A_68 {offsets = [3, 0], sizes = [1, 128], strides = [1, 1]} : vector<8x128xf32> to vector<1x128xf32>
    %add3A_105 = vector.broadcast %slice3A_104 : vector<1x128xf32> to vector<1000x128xf32>
    %add3A_106 = arith.addf %select_n3A, %add3A_105 : vector<1000x128xf32>
    %max3A_107 = arith.constant 0.000000e+00 : f32
    %max3A_108 = vector.broadcast %max3A_107 : f32 to vector<1000x128xf32>
    %max3A_109 = arith.maximumf %add3A_106, %max3A_108 : vector<1000x128xf32>
    %swap3A_110 = arith.constant 0 : index
    %swap3A_111 = arith.constant 3 : index
    %swap3A_112 = arith.constant 0 : index
    %swap3A_113 = vector.load %arg10[%swap3A_110, %swap3A_111, %swap3A_112] : memref<1000x8x128xf32, #tpu.memory_space<vmem>>, vector<1000x1x128xf32>
    %swap3A_114 = vector.shape_cast %swap3A_113 : vector<1000x1x128xf32> to vector<1000x128xf32>
    %swap3A_115 = vector.shape_cast %max3A_109 : vector<1000x128xf32> to vector<1000x1x128xf32>
    tpu.vector_store %arg10[%swap3A_110, %swap3A_111, %swap3A_112], %swap3A_115 {strides = array<i32>} : memref<1000x8x128xf32, #tpu.memory_space<vmem>>, vector<1000x1x128xf32>,
    %slice3A_116 = vector.extract_strided_slice %get3A_68 {offsets = [4, 0], sizes = [1, 128], strides = [1, 1]} : vector<8x128xf32> to vector<1x128xf32>
    %add3A_117 = vector.broadcast %slice3A_116 : vector<1x128xf32> to vector<1000x128xf32>
    %add3A_118 = arith.addf %select_n3A, %add3A_117 : vector<1000x128xf32>
    %max3A_119 = arith.constant 0.000000e+00 : f32
    %max3A_120 = vector.broadcast %max3A_119 : f32 to vector<1000x128xf32>
    %max3A_121 = arith.maximumf %add3A_118, %max3A_120 : vector<1000x128xf32>
    %swap3A_122 = arith.constant 0 : index
    %swap3A_123 = arith.constant 4 : index
    %swap3A_124 = arith.constant 0 : index
    %swap3A_125 = vector.load %arg10[%swap3A_122, %swap3A_123, %swap3A_124] : memref<1000x8x128xf32, #tpu.memory_space<vmem>>, vector<1000x1x128xf32>
    %swap3A_126 = vector.shape_cast %swap3A_125 : vector<1000x1x128xf32> to vector<1000x128xf32>
    %swap3A_127 = vector.shape_cast %max3A_121 : vector<1000x128xf32> to vector<1000x1x128xf32>
    tpu.vector_store %arg10[%swap3A_122, %swap3A_123, %swap3A_124], %swap3A_127 {strides = array<i32>} : memref<1000x8x128xf32, #tpu.memory_space<vmem>>, vector<1000x1x128xf32>,
    %slice3A_128 = vector.extract_strided_slice %get3A_68 {offsets = [5, 0], sizes = [1, 128], strides = [1, 1]} : vector<8x128xf32> to vector<1x128xf32>
    %add3A_129 = vector.broadcast %slice3A_128 : vector<1x128xf32> to vector<1000x128xf32>
    %add3A_130 = arith.addf %select_n3A, %add3A_129 : vector<1000x128xf32>
    %max3A_131 = arith.constant 0.000000e+00 : f32
    %max3A_132 = vector.broadcast %max3A_131 : f32 to vector<1000x128xf32>
    %max3A_133 = arith.maximumf %add3A_130, %max3A_132 : vector<1000x128xf32>
    %swap3A_134 = arith.constant 0 : index
    %swap3A_135 = arith.constant 5 : index
    %swap3A_136 = arith.constant 0 : index
    %swap3A_137 = vector.load %arg10[%swap3A_134, %swap3A_135, %swap3A_136] : memref<1000x8x128xf32, #tpu.memory_space<vmem>>, vector<1000x1x128xf32>
    %swap3A_138 = vector.shape_cast %swap3A_137 : vector<1000x1x128xf32> to vector<1000x128xf32>
    %swap3A_139 = vector.shape_cast %max3A_133 : vector<1000x128xf32> to vector<1000x1x128xf32>
    tpu.vector_store %arg10[%swap3A_134, %swap3A_135, %swap3A_136], %swap3A_139 {strides = array<i32>} : memref<1000x8x128xf32, #tpu.memory_space<vmem>>, vector<1000x1x128xf32>,
    %slice3A_140 = vector.extract_strided_slice %get3A_68 {offsets = [6, 0], sizes = [1, 128], strides = [1, 1]} : vector<8x128xf32> to vector<1x128xf32>
    %add3A_141 = vector.broadcast %slice3A_140 : vector<1x128xf32> to vector<1000x128xf32>
    %add3A_142 = arith.addf %select_n3A, %add3A_141 : vector<1000x128xf32>
    %max3A_143 = arith.constant 0.000000e+00 : f32
    %max3A_144 = vector.broadcast %max3A_143 : f32 to vector<1000x128xf32>
    %max3A_145 = arith.maximumf %add3A_142, %max3A_144 : vector<1000x128xf32>
    %swap3A_146 = arith.constant 0 : index
    %swap3A_147 = arith.constant 6 : index
    %swap3A_148 = arith.constant 0 : index
    %swap3A_149 = vector.load %arg10[%swap3A_146, %swap3A_147, %swap3A_148] : memref<1000x8x128xf32, #tpu.memory_space<vmem>>, vector<1000x1x128xf32>
    %swap3A_150 = vector.shape_cast %swap3A_149 : vector<1000x1x128xf32> to vector<1000x128xf32>
    %swap3A_151 = vector.shape_cast %max3A_145 : vector<1000x128xf32> to vector<1000x1x128xf32>
    tpu.vector_store %arg10[%swap3A_146, %swap3A_147, %swap3A_148], %swap3A_151 {strides = array<i32>} : memref<1000x8x128xf32, #tpu.memory_space<vmem>>, vector<1000x1x128xf32>,
    %slice3A_152 = vector.extract_strided_slice %get3A_68 {offsets = [7, 0], sizes = [1, 128], strides = [1, 1]} : vector<8x128xf32> to vector<1x128xf32>
    %add3A_153 = vector.broadcast %slice3A_152 : vector<1x128xf32> to vector<1000x128xf32>
    %add3A_154 = arith.addf %select_n3A, %add3A_153 : vector<1000x128xf32>
    %max3A_155 = arith.constant 0.000000e+00 : f32
    %max3A_156 = vector.broadcast %max3A_155 : f32 to vector<1000x128xf32>
    %max3A_157 = arith.maximumf %add3A_154, %max3A_156 : vector<1000x128xf32>
    %swap3A_158 = arith.constant 0 : index
    %swap3A_159 = arith.constant 7 : index
    %swap3A_160 = arith.constant 0 : index
    %swap3A_161 = vector.load %arg10[%swap3A_158, %swap3A_159, %swap3A_160] : memref<1000x8x128xf32, #tpu.memory_space<vmem>>, vector<1000x1x128xf32>
    %swap3A_162 = vector.shape_cast %swap3A_161 : vector<1000x1x128xf32> to vector<1000x128xf32>
    %swap3A_163 = vector.shape_cast %max3A_157 : vector<1000x128xf32> to vector<1000x1x128xf32>
    tpu.vector_store %arg10[%swap3A_158, %swap3A_159, %swap3A_160], %swap3A_163 {strides = array<i32>} : memref<1000x8x128xf32, #tpu.memory_space<vmem>>, vector<1000x1x128xf32>,
    return
  }
  func.func @transform_0(%arg0: i32) -> (i32, i32, i32) {
    %c0_i32 = arith.constant 0 : i32
    %c0_i32_0 = arith.constant 0 : i32
    %c0_i32_1 = arith.constant 0 : i32
    return %c0_i32, %arg0, %c0_i32_0 : i32, i32, i32
  }
  func.func @transform_1(%arg0: i32) -> (i32, i32) {
    %c0_i32 = arith.constant 0 : i32
    %c0_i32_0 = arith.constant 0 : i32
    return %arg0, %c0_i32 : i32, i32
  }
  func.func @transform_2(%arg0: i32) -> (i32, i32) {
    %c0_i32 = arith.constant 0 : i32
    %c0_i32_0 = arith.constant 0 : i32
    %c0_i32_1 = arith.constant 0 : i32
    return %c0_i32, %c0_i32_0 : i32, i32
  }
  func.func @transform_3(%arg0: i32) -> (i32, i32) {
    %c0_i32 = arith.constant 0 : i32
    %c0_i32_0 = arith.constant 0 : i32
    %c0_i32_1 = arith.constant 0 : i32
    return %c0_i32, %c0_i32_0 : i32, i32
  }
  func.func @transform_4(%arg0: i32) -> (i32, i32) {
    %c0_i32 = arith.constant 0 : i32
    %c0_i32_0 = arith.constant 0 : i32
    %c0_i32_1 = arith.constant 0 : i32
    return %c0_i32, %c0_i32_0 : i32, i32
  }
  func.func @transform_5(%arg0: i32) -> (i32, i32) {
    %c0_i32 = arith.constant 0 : i32
    %c0_i32_0 = arith.constant 0 : i32
    %c0_i32_1 = arith.constant 0 : i32
    return %c0_i32, %c0_i32_0 : i32, i32
  }
  func.func @transform_6(%arg0: i32) -> (i32, i32) {
    %c0_i32 = arith.constant 0 : i32
    %c0_i32_0 = arith.constant 0 : i32
    %c0_i32_1 = arith.constant 0 : i32
    return %c0_i32, %c0_i32_0 : i32, i32
  }
  func.func @transform_7(%arg0: i32) -> (i32, i32) {
    %c0_i32 = arith.constant 0 : i32
    %c0_i32_0 = arith.constant 0 : i32
    %c0_i32_1 = arith.constant 0 : i32
    return %c0_i32, %c0_i32_0 : i32, i32
  }
  func.func @transform_8(%arg0: i32) -> (i32, i32) {
    %c0_i32 = arith.constant 0 : i32
    %c0_i32_0 = arith.constant 0 : i32
    return %arg0, %c0_i32 : i32, i32
  }
  func.func @transform_9(%arg0: i32) -> (i32, i32, i32) {
    %c0_i32 = arith.constant 0 : i32
    %c0_i32_0 = arith.constant 0 : i32
    %c0_i32_1 = arith.constant 0 : i32
    return %arg0, %c0_i32, %c0_i32_0 : i32, i32, i32
  }
}

module attributes {stable_mosaic.version = 14 : i64} {
  func.func @_layer_body(%arg0: i32, %arg1: memref<2x1000x128xf32, #tpu.memory_space<vmem>>, %arg2: memref<1000x128xf32, #tpu.memory_space<vmem>>, %arg3: memref<128x128xf32, #tpu.memory_space<vmem>>, %arg4: memref<1x128xf32, #tpu.memory_space<vmem>>, %arg5: memref<128x128xf32, #tpu.memory_space<vmem>>, %arg6: memref<1x128xf32, #tpu.memory_space<vmem>>, %arg7: memref<1x1xf32, #tpu.memory_space<vmem>>, %arg8: memref<1000x128xf32, #tpu.memory_space<vmem>>) attributes {dimension_semantics = [#tpu.dimension_semantics<arbitrary>], iteration_bounds = array<i64: 10>, scalar_prefetch = 0 : i64, scratch_operands = 0 : i64, tpu.core_type = #tpu.core_type<tc>, window_params = [{transform_indices = @transform_0, window_bounds = array<i64: 2, 1000, 128>}, {transform_indices = @transform_1, window_bounds = array<i64: 1000, 128>}, {pipeline_mode = #tpu.pipeline_mode<synchronous>, transform_indices = @transform_2, window_bounds = array<i64: 128, 128>}, {pipeline_mode = #tpu.pipeline_mode<synchronous>, transform_indices = @transform_3, window_bounds = array<i64: 1, 128>}, {pipeline_mode = #tpu.pipeline_mode<synchronous>, transform_indices = @transform_4, window_bounds = array<i64: 128, 128>}, {pipeline_mode = #tpu.pipeline_mode<synchronous>, transform_indices = @transform_5, window_bounds = array<i64: 1, 128>}, {pipeline_mode = #tpu.pipeline_mode<synchronous>, transform_indices = @transform_6, window_bounds = array<i64: 1, 1>}, {transform_indices = @transform_7, window_bounds = array<i64: 1000, 128>}]} {
    %get3A = arith.constant 0 : index
    %get3A_0 = arith.constant 0 : index
    %get3A_1 = vector.load %arg2[%get3A, %get3A_0] : memref<1000x128xf32, #tpu.memory_space<vmem>>, vector<1000x128xf32>
    %get3A_2 = arith.constant 0 : index
    %get3A_3 = arith.constant 0 : index
    %get3A_4 = arith.constant 0 : index
    %get3A_5 = vector.load %arg1[%get3A_2, %get3A_3, %get3A_4] : memref<2x1000x128xf32, #tpu.memory_space<vmem>>, vector<1x1000x128xf32>
    %get3A_6 = vector.shape_cast %get3A_5 : vector<1x1000x128xf32> to vector<1000x128xf32>
    %get3A_7 = arith.constant 1 : index
    %get3A_8 = arith.constant 0 : index
    %get3A_9 = arith.constant 0 : index
    %get3A_10 = vector.load %arg1[%get3A_7, %get3A_8, %get3A_9] : memref<2x1000x128xf32, #tpu.memory_space<vmem>>, vector<1x1000x128xf32>
    %get3A_11 = vector.shape_cast %get3A_10 : vector<1x1000x128xf32> to vector<1000x128xf32>
    %add3A = arith.addf %get3A_6, %get3A_11 : vector<1000x128xf32>
    %get3A_12 = arith.constant 0 : index
    %get3A_13 = arith.constant 0 : index
    %get3A_14 = vector.load %arg7[%get3A_12, %get3A_13] : memref<1x1xf32, #tpu.memory_space<vmem>>, vector<1x1xf32>
    %get3A_15 = vector.extract %get3A_14[0, 0] : f32 from vector<1x1xf32>
    %add3A_16 = arith.constant 1.000000e+00 : f32
    %add3A_17 = arith.addf %add3A_16, %get3A_15 : f32
    %mul3A = vector.broadcast %add3A_17 : f32 to vector<1000x128xf32>
    %mul3A_18 = arith.mulf %mul3A, %get3A_1 : vector<1000x128xf32>
    %add3A_19 = arith.addf %add3A, %mul3A_18 : vector<1000x128xf32>
    %get3A_20 = arith.constant 0 : index
    %get3A_21 = arith.constant 0 : index
    %get3A_22 = vector.load %arg3[%get3A_20, %get3A_21] : memref<128x128xf32, #tpu.memory_space<vmem>>, vector<128x128xf32>
    %dot_general3A = arith.constant dense<0.000000e+00> : vector<1000x128xf32>
    %dot_general3A_23 = tpu.matmul %add3A_19, %get3A_22, %dot_general3A {dimension_numbers = #tpu.dot_dimension_numbers<[1], [0], [0], [1], [0, 0, 1, 1], [], []>, transpose_lhs_hint = false} : vector<1000x128xf32>, vector<128x128xf32>, vector<1000x128xf32> -> vector<1000x128xf32>
    %get3A_24 = arith.constant 0 : index
    %get3A_25 = arith.constant 0 : index
    %get3A_26 = vector.load %arg4[%get3A_24, %get3A_25] : memref<1x128xf32, #tpu.memory_space<vmem>>, vector<1x128xf32>
    %add3A_27 = vector.broadcast %get3A_26 : vector<1x128xf32> to vector<1000x128xf32>
    %add3A_28 = arith.addf %dot_general3A_23, %add3A_27 : vector<1000x128xf32>
    %max3A = arith.constant 0.000000e+00 : f32
    %max3A_29 = vector.broadcast %max3A : f32 to vector<1000x128xf32>
    %max3A_30 = arith.maximumf %add3A_28, %max3A_29 : vector<1000x128xf32>
    %get3A_31 = arith.constant 0 : index
    %get3A_32 = arith.constant 0 : index
    %get3A_33 = vector.load %arg5[%get3A_31, %get3A_32] : memref<128x128xf32, #tpu.memory_space<vmem>>, vector<128x128xf32>
    %dot_general3A_34 = arith.constant dense<0.000000e+00> : vector<1000x128xf32>
    %dot_general3A_35 = tpu.matmul %max3A_30, %get3A_33, %dot_general3A_34 {dimension_numbers = #tpu.dot_dimension_numbers<[1], [0], [0], [1], [0, 0, 1, 1], [], []>, transpose_lhs_hint = false} : vector<1000x128xf32>, vector<128x128xf32>, vector<1000x128xf32> -> vector<1000x128xf32>
    %get3A_36 = arith.constant 0 : index
    %get3A_37 = arith.constant 0 : index
    %get3A_38 = vector.load %arg6[%get3A_36, %get3A_37] : memref<1x128xf32, #tpu.memory_space<vmem>>, vector<1x128xf32>
    %add3A_39 = vector.broadcast %get3A_38 : vector<1x128xf32> to vector<1000x128xf32>
    %add3A_40 = arith.addf %dot_general3A_35, %add3A_39 : vector<1000x128xf32>
    %reduce_sum3A = arith.constant dense<0.000000e+00> : vector<1000xf32>
    %reduce_sum3A_41 = vector.multi_reduction <add>, %add3A_40, %reduce_sum3A [1] : vector<1000x128xf32> to vector<1000xf32>
    %broadcast_in_dim3A = vector.shape_cast %reduce_sum3A_41 : vector<1000xf32> to vector<1000x1xf32>
    %div3A = arith.constant 1.280000e+02 : f32
    %div3A_42 = vector.broadcast %div3A : f32 to vector<1000x1xf32>
    %div3A_43 = arith.divf %broadcast_in_dim3A, %div3A_42 : vector<1000x1xf32>
    %sub3A = vector.broadcast %div3A_43 : vector<1000x1xf32> to vector<1000x128xf32>
    %sub3A_44 = arith.subf %add3A_40, %sub3A : vector<1000x128xf32>
    %integer_pow3A = arith.mulf %sub3A_44, %sub3A_44 : vector<1000x128xf32>
    %reduce_sum3A_45 = arith.constant dense<0.000000e+00> : vector<1000xf32>
    %reduce_sum3A_46 = vector.multi_reduction <add>, %integer_pow3A, %reduce_sum3A_45 [1] : vector<1000x128xf32> to vector<1000xf32>
    %broadcast_in_dim3A_47 = vector.shape_cast %reduce_sum3A_46 : vector<1000xf32> to vector<1000x1xf32>
    %div3A_48 = arith.constant 1.280000e+02 : f32
    %div3A_49 = vector.broadcast %div3A_48 : f32 to vector<1000x1xf32>
    %div3A_50 = arith.divf %broadcast_in_dim3A_47, %div3A_49 : vector<1000x1xf32>
    %sub3A_51 = vector.broadcast %div3A_43 : vector<1000x1xf32> to vector<1000x128xf32>
    %sub3A_52 = arith.subf %add3A_40, %sub3A_51 : vector<1000x128xf32>
    %add3A_53 = arith.constant 9.99999974E-6 : f32
    %add3A_54 = vector.broadcast %add3A_53 : f32 to vector<1000x1xf32>
    %add3A_55 = arith.addf %div3A_50, %add3A_54 : vector<1000x1xf32>
    %rsqrt3A = math.rsqrt %add3A_55 : vector<1000x1xf32>
    %mul3A_56 = vector.broadcast %rsqrt3A : vector<1000x1xf32> to vector<1000x128xf32>
    %mul3A_57 = arith.mulf %sub3A_52, %mul3A_56 : vector<1000x128xf32>
    %add3A_58 = arith.addf %mul3A_57, %get3A_1 : vector<1000x128xf32>
    %ge3A = arith.constant 0.000000e+00 : f32
    %ge3A_59 = vector.broadcast %ge3A : f32 to vector<1000x128xf32>
    %ge3A_60 = arith.cmpf oge, %add3A_58, %ge3A_59 : vector<1000x128xf32>
    %mul3A_61 = arith.constant 1.000000e-01 : f32
    %mul3A_62 = vector.broadcast %mul3A_61 : f32 to vector<1000x128xf32>
    %mul3A_63 = arith.mulf %mul3A_62, %add3A_58 : vector<1000x128xf32>
    %select_n3A = arith.select %ge3A_60, %add3A_58, %mul3A_63 : vector<1000x128xi1>, vector<1000x128xf32>
    %swap3A = arith.constant 0 : index
    %swap3A_64 = arith.constant 0 : index
    %swap3A_65 = vector.load %arg8[%swap3A, %swap3A_64] : memref<1000x128xf32, #tpu.memory_space<vmem>>, vector<1000x128xf32>
    tpu.vector_store %arg8[%swap3A, %swap3A_64], %select_n3A {strides = array<i32>} : memref<1000x128xf32, #tpu.memory_space<vmem>>, vector<1000x128xf32>,
    return
  }
  func.func @transform_0(%arg0: i32) -> (i32, i32, i32) {
    %c0_i32 = arith.constant 0 : i32
    %c0_i32_0 = arith.constant 0 : i32
    %c0_i32_1 = arith.constant 0 : i32
    return %c0_i32, %arg0, %c0_i32_0 : i32, i32, i32
  }
  func.func @transform_1(%arg0: i32) -> (i32, i32) {
    %c0_i32 = arith.constant 0 : i32
    %c0_i32_0 = arith.constant 0 : i32
    return %arg0, %c0_i32 : i32, i32
  }
  func.func @transform_2(%arg0: i32) -> (i32, i32) {
    %c0_i32 = arith.constant 0 : i32
    %c0_i32_0 = arith.constant 0 : i32
    %c0_i32_1 = arith.constant 0 : i32
    return %c0_i32, %c0_i32_0 : i32, i32
  }
  func.func @transform_3(%arg0: i32) -> (i32, i32) {
    %c0_i32 = arith.constant 0 : i32
    %c0_i32_0 = arith.constant 0 : i32
    %c0_i32_1 = arith.constant 0 : i32
    return %c0_i32, %c0_i32_0 : i32, i32
  }
  func.func @transform_4(%arg0: i32) -> (i32, i32) {
    %c0_i32 = arith.constant 0 : i32
    %c0_i32_0 = arith.constant 0 : i32
    %c0_i32_1 = arith.constant 0 : i32
    return %c0_i32, %c0_i32_0 : i32, i32
  }
  func.func @transform_5(%arg0: i32) -> (i32, i32) {
    %c0_i32 = arith.constant 0 : i32
    %c0_i32_0 = arith.constant 0 : i32
    %c0_i32_1 = arith.constant 0 : i32
    return %c0_i32, %c0_i32_0 : i32, i32
  }
  func.func @transform_6(%arg0: i32) -> (i32, i32) {
    %c0_i32 = arith.constant 0 : i32
    %c0_i32_0 = arith.constant 0 : i32
    %c0_i32_1 = arith.constant 0 : i32
    return %c0_i32, %c0_i32_0 : i32, i32
  }
  func.func @transform_7(%arg0: i32) -> (i32, i32) {
    %c0_i32 = arith.constant 0 : i32
    %c0_i32_0 = arith.constant 0 : i32
    return %arg0, %c0_i32 : i32, i32
  }
}

module attributes {stable_mosaic.version = 14 : i64} {
  func.func @_final_body(%arg0: memref<10000x128xf32, #tpu.memory_space<vmem>>, %arg1: memref<8x10000xi32, #tpu.memory_space<vmem>>, %arg2: memref<10000x2xf32, #tpu.memory_space<vmem>>, %arg3: memref<2x64x128xf32, #tpu.memory_space<vmem>>, %arg4: memref<128x128xf32, #tpu.memory_space<vmem>>, %arg5: memref<8x128xf32, #tpu.memory_space<vmem>>, %arg6: memref<64x128xf32, #tpu.memory_space<vmem>>, %arg7: memref<1x128xf32, #tpu.memory_space<vmem>>, %arg8: memref<128x512xf32, #tpu.memory_space<vmem>>, %arg9: memref<1x512xf32, #tpu.memory_space<vmem>>, %arg10: memref<64x512xf32, #tpu.memory_space<vmem>>) attributes {dimension_semantics = [], scalar_prefetch = 0 : i64, scratch_operands = 0 : i64, tpu.core_type = #tpu.core_type<tc>} {
    %get3A = arith.constant 0 : index
    %get3A_0 = arith.constant 0 : index
    %get3A_1 = vector.load %arg1[%get3A, %get3A_0] : memref<8x10000xi32, #tpu.memory_space<vmem>>, vector<1x10000xi32>
    %iota3A = tpu.iota {dimensions = array<i32: 0>} : vector<64x10000xi32>
    %eq3A = vector.broadcast %get3A_1 : vector<1x10000xi32> to vector<64x10000xi32>
    %eq3A_2 = arith.cmpi eq, %iota3A, %eq3A : vector<64x10000xi32>
    %convert_element_type3A = arith.extui %eq3A_2 : vector<64x10000xi1> to vector<64x10000xi32>
    %convert_element_type3A_3 = arith.sitofp %convert_element_type3A : vector<64x10000xi32> to vector<64x10000xf32>
    %get3A_4 = arith.constant 0 : index
    %get3A_5 = arith.constant 0 : index
    %get3A_6 = vector.load %arg0[%get3A_4, %get3A_5] : memref<10000x128xf32, #tpu.memory_space<vmem>>, vector<10000x128xf32>
    %dot_general3A = arith.constant dense<0.000000e+00> : vector<64x128xf32>
    %dot_general3A_7 = tpu.matmul %convert_element_type3A_3, %get3A_6, %dot_general3A {dimension_numbers = #tpu.dot_dimension_numbers<[1], [0], [0], [1], [0, 0, 1, 1], [], []>, transpose_lhs_hint = false} : vector<64x10000xf32>, vector<10000x128xf32>, vector<64x128xf32> -> vector<64x128xf32>
    %get3A_8 = arith.constant 0 : index
    %get3A_9 = arith.constant 0 : index
    %get3A_10 = vector.load %arg2[%get3A_8, %get3A_9] : memref<10000x2xf32, #tpu.memory_space<vmem>>, vector<10000x2xf32>
    %dot_general3A_11 = arith.constant dense<0.000000e+00> : vector<64x2xf32>
    %dot_general3A_12 = tpu.matmul %convert_element_type3A_3, %get3A_10, %dot_general3A_11 {dimension_numbers = #tpu.dot_dimension_numbers<[1], [0], [0], [1], [0, 0, 1, 1], [], []>, transpose_lhs_hint = false} : vector<64x10000xf32>, vector<10000x2xf32>, vector<64x2xf32> -> vector<64x2xf32>
    %reduce_sum3A = arith.constant dense<0.000000e+00> : vector<64xf32>
    %reduce_sum3A_13 = vector.multi_reduction <add>, %convert_element_type3A_3, %reduce_sum3A [1] : vector<64x10000xf32> to vector<64xf32>
    %broadcast_in_dim3A = vector.shape_cast %reduce_sum3A_13 : vector<64xf32> to vector<64x1xf32>
    %max3A = arith.constant 1.000000e+00 : f32
    %max3A_14 = vector.broadcast %max3A : f32 to vector<64x1xf32>
    %max3A_15 = arith.maximumf %broadcast_in_dim3A, %max3A_14 : vector<64x1xf32>
    %slice3A = vector.extract_strided_slice %dot_general3A_12 {offsets = [0, 1], sizes = [64, 1], strides = [1, 1]} : vector<64x2xf32> to vector<64x1xf32>
    %div3A = arith.divf %slice3A, %max3A_15 : vector<64x1xf32>
    %slice3A_16 = vector.extract_strided_slice %dot_general3A_12 {offsets = [0, 0], sizes = [64, 1], strides = [1, 1]} : vector<64x2xf32> to vector<64x1xf32>
    %div3A_17 = arith.divf %slice3A_16, %max3A_15 : vector<64x1xf32>
    %broadcast_in_dim3A_18 = arith.constant 0.000000e+00 : f32
    %broadcast_in_dim3A_19 = vector.broadcast %broadcast_in_dim3A_18 : f32 to vector<64x5xf32>
    %concatenate3A = tpu.concatenate %broadcast_in_dim3A, %div3A, %div3A_17, %broadcast_in_dim3A_19 in 1 : vector<64x1xf32>, vector<64x1xf32>, vector<64x1xf32>, vector<64x5xf32> -> vector<64x8xf32>
    %get3A_20 = arith.constant 0 : index
    %get3A_21 = arith.constant 0 : index
    %get3A_22 = arith.constant 0 : index
    %get3A_23 = vector.load %arg3[%get3A_20, %get3A_21, %get3A_22] : memref<2x64x128xf32, #tpu.memory_space<vmem>>, vector<1x64x128xf32>
    %get3A_24 = vector.shape_cast %get3A_23 : vector<1x64x128xf32> to vector<64x128xf32>
    %get3A_25 = arith.constant 1 : index
    %get3A_26 = arith.constant 0 : index
    %get3A_27 = arith.constant 0 : index
    %get3A_28 = vector.load %arg3[%get3A_25, %get3A_26, %get3A_27] : memref<2x64x128xf32, #tpu.memory_space<vmem>>, vector<1x64x128xf32>
    %get3A_29 = vector.shape_cast %get3A_28 : vector<1x64x128xf32> to vector<64x128xf32>
    %add3A = arith.addf %get3A_24, %get3A_29 : vector<64x128xf32>
    %mul3A = arith.constant 7.812500e-03 : f32
    %mul3A_30 = vector.broadcast %mul3A : f32 to vector<64x128xf32>
    %mul3A_31 = arith.mulf %add3A, %mul3A_30 : vector<64x128xf32>
    %slice3A_32 = vector.extract_strided_slice %mul3A_31 {offsets = [0, 0], sizes = [64, 64], strides = [1, 1]} : vector<64x128xf32> to vector<64x64xf32>
    %get3A_33 = arith.constant 0 : index
    %get3A_34 = arith.constant 0 : index
    %get3A_35 = vector.load %arg4[%get3A_33, %get3A_34] : memref<128x128xf32, #tpu.memory_space<vmem>>, vector<128x128xf32>
    %dot_general3A_36 = arith.constant dense<0.000000e+00> : vector<64x128xf32>
    %dot_general3A_37 = tpu.matmul %dot_general3A_7, %get3A_35, %dot_general3A_36 {dimension_numbers = #tpu.dot_dimension_numbers<[1], [0], [0], [1], [0, 0, 1, 1], [], []>, transpose_lhs_hint = false} : vector<64x128xf32>, vector<128x128xf32>, vector<64x128xf32> -> vector<64x128xf32>
    %get3A_38 = arith.constant 0 : index
    %get3A_39 = arith.constant 0 : index
    %get3A_40 = vector.load %arg5[%get3A_38, %get3A_39] : memref<8x128xf32, #tpu.memory_space<vmem>>, vector<8x128xf32>
    %dot_general3A_41 = arith.constant dense<0.000000e+00> : vector<64x128xf32>
    %dot_general3A_42 = tpu.matmul %concatenate3A, %get3A_40, %dot_general3A_41 {dimension_numbers = #tpu.dot_dimension_numbers<[1], [0], [0], [1], [0, 0, 1, 1], [], []>, transpose_lhs_hint = false} : vector<64x8xf32>, vector<8x128xf32>, vector<64x128xf32> -> vector<64x128xf32>
    %add3A_43 = arith.addf %dot_general3A_37, %dot_general3A_42 : vector<64x128xf32>
    %get3A_44 = arith.constant 0 : index
    %get3A_45 = arith.constant 0 : index
    %get3A_46 = vector.load %arg6[%get3A_44, %get3A_45] : memref<64x128xf32, #tpu.memory_space<vmem>>, vector<64x128xf32>
    %dot_general3A_47 = arith.constant dense<0.000000e+00> : vector<64x128xf32>
    %dot_general3A_48 = tpu.matmul %slice3A_32, %get3A_46, %dot_general3A_47 {dimension_numbers = #tpu.dot_dimension_numbers<[1], [0], [0], [1], [0, 0, 1, 1], [], []>, transpose_lhs_hint = false} : vector<64x64xf32>, vector<64x128xf32>, vector<64x128xf32> -> vector<64x128xf32>
    %add3A_49 = arith.addf %add3A_43, %dot_general3A_48 : vector<64x128xf32>
    %get3A_50 = arith.constant 0 : index
    %get3A_51 = arith.constant 0 : index
    %get3A_52 = vector.load %arg7[%get3A_50, %get3A_51] : memref<1x128xf32, #tpu.memory_space<vmem>>, vector<1x128xf32>
    %add3A_53 = vector.broadcast %get3A_52 : vector<1x128xf32> to vector<64x128xf32>
    %add3A_54 = arith.addf %add3A_49, %add3A_53 : vector<64x128xf32>
    %ge3A = arith.constant 0.000000e+00 : f32
    %ge3A_55 = vector.broadcast %ge3A : f32 to vector<64x128xf32>
    %ge3A_56 = arith.cmpf oge, %add3A_54, %ge3A_55 : vector<64x128xf32>
    %mul3A_57 = arith.constant 1.000000e-01 : f32
    %mul3A_58 = vector.broadcast %mul3A_57 : f32 to vector<64x128xf32>
    %mul3A_59 = arith.mulf %mul3A_58, %add3A_54 : vector<64x128xf32>
    %select_n3A = arith.select %ge3A_56, %add3A_54, %mul3A_59 : vector<64x128xi1>, vector<64x128xf32>
    %get3A_60 = arith.constant 0 : index
    %get3A_61 = arith.constant 0 : index
    %get3A_62 = vector.load %arg8[%get3A_60, %get3A_61] : memref<128x512xf32, #tpu.memory_space<vmem>>, vector<128x512xf32>
    %dot_general3A_63 = arith.constant dense<0.000000e+00> : vector<64x512xf32>
    %dot_general3A_64 = tpu.matmul %select_n3A, %get3A_62, %dot_general3A_63 {dimension_numbers = #tpu.dot_dimension_numbers<[1], [0], [0], [1], [0, 0, 1, 1], [], []>, transpose_lhs_hint = false} : vector<64x128xf32>, vector<128x512xf32>, vector<64x512xf32> -> vector<64x512xf32>
    %get3A_65 = arith.constant 0 : index
    %get3A_66 = arith.constant 0 : index
    %get3A_67 = vector.load %arg9[%get3A_65, %get3A_66] : memref<1x512xf32, #tpu.memory_space<vmem>>, vector<1x512xf32>
    %add3A_68 = vector.broadcast %get3A_67 : vector<1x512xf32> to vector<64x512xf32>
    %add3A_69 = arith.addf %dot_general3A_64, %add3A_68 : vector<64x512xf32>
    %swap3A = arith.constant 0 : index
    %swap3A_70 = arith.constant 0 : index
    %swap3A_71 = vector.load %arg10[%swap3A, %swap3A_70] : memref<64x512xf32, #tpu.memory_space<vmem>>, vector<64x512xf32>
    tpu.vector_store %arg10[%swap3A, %swap3A_70], %add3A_69 {strides = array<i32>} : memref<64x512xf32, #tpu.memory_space<vmem>>, vector<64x512xf32>,
    return
  }
}

</mosaic_0001>

<sc_bundles>
// kernel: kernel.12.cloned.1.call-start
scs
__scs_entry_jumppad:
0x0: {  	(pc) =	sbr.rel $0x88, $3  }
0x1: {  	(tag) =	ssettag $0x0;
	lr =	simm.s32 $0x1  }
0x2: {  	[smem:$0x3F80] =	sst lr;
	_ =	strace $0xD0000000  }
0x3: {  	_ = 	snop  }
0x4: {  	_ = 	snop  }
0x5: {  	_ = 	snop  }
0x6: {  	_ = 	snop  }
0x7: {  	_ = 	snop  }
__scs_overlays_trampoline_lowered:
0x8: {  	[smem:$0x3F8F] =	sst s0  }
0x9: {  	[smem:$0x3F90] =	sst s1  }
0xa: {  	[smem:$0x3F91] =	sst s2  }
0xb: {  	[smem:$0x3F92] =	sst s3  }
0xc: {  	[smem:$0x3F93] =	sst s4  }
0xd: {  	[smem:$0x3F94] =	sst s5  }
0xe: {  	[smem:$0x3F95] =	sst s6  }
0xf: {  	[smem:$0x3F96] =	sst s7  }
0x10: {  	[smem:$0x3F97] =	sst s8  }
0x11: {  	[smem:$0x3F98] =	sst s9;
	s0 =	simm.s32 @!p0 $0x0  }
0x12: {  	s1 =	sld [smem:$0x3F7E];
	s0 =	simm.s32 @p0 $0x1  }
0x13: {  	[smem:$0x3F99] =	sst s0;
	s0 =	simm.s32 @!p1 $0x0  }
0x14: {  	s2 =	sld [smem:$0x3F7D];
	s0 =	simm.s32 @p1 $0x1  }
0x15: {  	[smem:$0x3F9A] =	sst s0;
	s0 =	simm.s32 @!p2 $0x0  }
0x16: {  	s3 =	sld [smem:$0x3FDB];
	s0 =	simm.s32 @p2 $0x1  }
0x17: {  	s4 =	simm.s32 $0x1BF5;
	[smem:$0x3F9C] =	sst s0  }
0x18: {  	s0 =	sld [smem:$0x3F7F];
	_ =	swait.ge [sflag:s4], $0x0  }
0x19: {  	s7 =	sld [smem:$0x3F80]  }
0x1a: {  	s8 =	sadd.s32 $0xFFFFE003, lr  }
0x1b: {  	s9 =	sadd.s32 $0xFFFFFEF7, lr;
	s5 =	simm.s32 $0xFFFFFFFF;
	p2 =	slt.u32 s8, $0xFFFFF086  }
0x1c: {  	p1 =	slt.u32 s9, $0xF7A;
	s5 =	simm.s32 @!p2 $0x0  }
0x1d: {  	s5 =	simm.s32 @p1 $0x1;
	p0 =	seq.s32 s7, s2  }
0x1e: {  	s7 =	smul.u32 @!p0 $0xF7A, s2;
	p2 =	seq.s32 @!p0 s5, $0x0  }
0x1f: {  	s9 =	smul.u32 $0xF7A, s1;
	s8 =	simm.s32 @!p0 $0x1BF5;
	p2 =	por !p2, p0  }
0x20: {  	[sflag:s8] =	ssyncset.s32 @!p0 $0xFFFFF086;
	s6 =	sadd.s32 @!p0 s3, s7;
	s7 =	simm.s32 @!p0 $0x108  }
0x21: {  	s3 =	sadd.s32 s3, s9;
	s6 =	sadd.s32 @!p0 $0x88, s6;
	s7 =	simm.s32 @p2 $0x1082  }
0x22: {  	[simem:s7], [sflag:s8] =	dma.local @!p0 [hbm:s6], $0xF7A  }
0x23: {  	s9 =	sor.u32 $0xD0000000, s2;
	s6 =	simm.s32 $0x108;
	_ =	swait.ge @!p0 [sflag:s8], $0x0  }
0x24: {  	s3 =	sadd.s32 $0x88, s3;
	s6 =	simm.s32 @!p1 $0x1082;
	[sflag:s4] =	ssyncset.s32 $0xFFFFF086  }
0x25: {  	[simem:s6], [sflag:s4] =	dma.local [hbm:s3], $0xF7A  }
0x26: {  	[smem:$0x3F80] =	sst s1;
	(tag) =	ssettag s2;
	_ =	strace s9  }
0x27: {  	s1 =	sld [smem:$0x3F90]  }
0x28: {  	s2 =	sld [smem:$0x3F91]  }
0x29: {  	s4 =	sld [smem:$0x3F93]  }
0x2a: {  	p0 =	seq.s32 s5, $0x0;
	s5 =	sld [smem:$0x3F94]  }
0x2b: {  	s6 =	sld [smem:$0x3F95]  }
0x2c: {  	s7 =	sld [smem:$0x3F96]  }
0x2d: {  	s3 =	simm.s32 $0x108;
	s8 =	sld [smem:$0x3F97]  }
0x2e: {  	s3 =	simm.s32 @!p0 $0x1082;
	s9 =	sld [smem:$0x3F98]  }
0x2f: {  	lr =	sadd.s32 s0, s3;
	s0 =	sld [smem:$0x3F8F]  }
0x30: {  	s3 =	sld [smem:$0x3F92]  }
0x31: {  	[smem:$0x3F9B] =	sst s10  }
0x32: {  	s10 =	sld [smem:$0x3F99];
	_ =	sdelay $0x3  }
0x33: {  	p0 =	seq.s32 s10, $0x1;
	s10 =	sld [smem:$0x3F9B];
	_ =	sdelay $0x3  }
0x34: {  	[smem:$0x3F9B] =	sst s10  }
0x35: {  	s10 =	sld [smem:$0x3F9A];
	_ =	sdelay $0x3  }
0x36: {  	p1 =	seq.s32 s10, $0x1;
	s10 =	sld [smem:$0x3F9B];
	_ =	sdelay $0x3  }
0x37: {  	[smem:$0x3F9B] =	sst s10  }
0x38: {  	s10 =	sld [smem:$0x3F9C]  }
0x39: {  	_ = 	snop;
	(pc) =	sbr.ind lr, $3  }
0x3a: {  	_ = 	snop  }
0x3b: {  	_ = 	snop  }
0x3c: {  	p2 =	seq.s32 s10, $0x1;
	s10 =	sld [smem:$0x3F9B]  }
0x3d: {  	_ =	shalt  }
0x3e: {  	_ =	shalt  }
0x3f: {  	_ =	shalt  }
0x40: {  	_ =	shalt  }
0x41: {  	_ =	shalt  }
0x42: {  	_ =	shalt  }
0x43: {  	_ =	shalt  }
0x44: {  	_ =	shalt  }
0x45: {  	_ =	shalt  }
0x46: {  	_ =	shalt  }
0x47: {  	_ =	shalt  }
0x48: {  	_ =	shalt  }
0x49: {  	_ =	shalt  }
0x4a: {  	_ =	shalt  }
0x4b: {  	_ =	shalt  }
0x4c: {  	_ =	shalt  }
0x4d: {  	_ =	shalt  }
0x4e: {  	_ =	shalt  }
0x4f: {  	_ =	shalt  }
0x50: {  	_ =	shalt  }
0x51: {  	_ =	shalt  }
0x52: {  	_ =	shalt  }
0x53: {  	_ =	shalt  }
0x54: {  	_ =	shalt  }
0x55: {  	_ =	shalt  }
0x56: {  	_ =	shalt  }
0x57: {  	_ =	shalt  }
0x58: {  	_ =	shalt  }
0x59: {  	_ =	shalt  }
0x5a: {  	_ =	shalt  }
0x5b: {  	_ =	shalt  }
0x5c: {  	_ =	shalt  }
0x5d: {  	_ =	shalt  }
0x5e: {  	_ =	shalt  }
0x5f: {  	_ =	shalt  }
0x60: {  	_ =	shalt  }
0x61: {  	_ =	shalt  }
0x62: {  	_ =	shalt  }
0x63: {  	_ =	shalt  }
0x64: {  	_ =	shalt  }
0x65: {  	_ =	shalt  }
0x66: {  	_ =	shalt  }
0x67: {  	_ =	shalt  }
0x68: {  	_ =	shalt  }
0x69: {  	_ =	shalt  }
0x6a: {  	_ =	shalt  }
0x6b: {  	_ =	shalt  }
0x6c: {  	_ =	shalt  }
0x6d: {  	_ =	shalt  }
0x6e: {  	_ =	shalt  }
0x6f: {  	_ =	shalt  }
0x70: {  	_ =	shalt  }
0x71: {  	_ =	shalt  }
0x72: {  	_ =	shalt  }
0x73: {  	_ =	shalt  }
0x74: {  	_ =	shalt  }
0x75: {  	_ =	shalt  }
0x76: {  	_ =	shalt  }
0x77: {  	_ =	shalt  }
0x78: {  	_ =	shalt  }
0x79: {  	_ =	shalt  }
0x7a: {  	_ =	shalt  }
0x7b: {  	_ =	shalt  }
0x7c: {  	_ =	shalt  }
0x7d: {  	_ =	shalt  }
0x7e: {  	_ =	shalt  }
0x7f: {  	_ =	shalt  }
0x80: {  	_ =	shalt  }
0x81: {  	_ =	shalt  }
0x82: {  	_ =	shalt  }
0x83: {  	_ =	shalt  }
0x84: {  	_ =	shalt  }
0x85: {  	_ =	shalt  }
0x86: {  	_ =	shalt  }
0x87: {  	_ =	shalt  }
.Lfunc_end0:
.L_simem_size_0:
called_computation_lowered:
.L_overlay_start_0:
0x88: {  	s2 =	sld [smem:$0x3FD9]  }
0x89: {  	s3 =	sld [smem:$0x3FFE];
	_ =	sdelay $0x1  }
0x8a: {  	s1 =	srdreg.scid  }
0x8b: {  	s0 =	sand.u32 $0x1, s1  }
0x8c: {  	s16 =	sshll.u32 s0, $0xA;
	s2 =	sadd.s32 s3, s2  }
0x8d: {  	s2 =	sadd.s32 s2, s16  }
0x8e: {  	[smem:$0x3FA7] =	sst s2  }
0x8f: {  	_ = 	snop  }
0x90: {  	(tm) =	ssettm $0x1  }
0x91: {  	s17 =	sld [smem:$0x3FFB];
	_ =	sdelay $0x3  }
0x92: {  	_ =	strace s17  }
0x93: {  	s2 =	sld [smem:$0x3FFC];
	_ =	sdelay $0x3  }
0x94: {  	_ =	strace s2  }
0x95: {  	s2 =	sld [smem:$0x3FFD];
	_ =	sdelay $0x3  }
0x96: {  	_ =	strace s2  }
0x97: {  	_ =	strace $0x8FFFFFFF  }
0x98: {  	s18 =	sld [smem:$0x3FDB];
	_ =	sdelay $0x1  }
0x99: {  	s19 =	simm.s32 $_scs_section_size  }
0x9a: {  	s4 =	simm.s32 $_size__tile_overlayer_lowered;
	s5 =	simm.s32 $_tile_overlayer_lowered  }
0x9b: {  	s22 =	simm.s32 $0x1BFF;
	s21 =	sshll.u32 s5, $0x1;
	s2 =	sadd.s32 s19, s18  }
0x9c: {  	s6 =	simm.s32 $0x0;
	s20 =	sshll.u32 s4, $0x1;
	s4 =	sadd.s32 s21, s2  }
0x9d: {  	[timem:s6], [sflag:s22] =	dma.local [hbm:s4], s20  }
0x9e: {  	_ =	swait.ge [sflag:s22], s20  }
0x9f: {  	s3 =	ssub.s32 $0x0, s20;
	[sflag:s22] =	ssyncset.done $0x0  }
0xa0: {  	[sflag:s22] =	ssyncadd.s32 s3;
	_ =	sdelay $0x1  }
0xa1: {  	s23 =	simm.s32 $0x1B8B  }
0xa2: {  	_ =	swait.ge [sflag:s23], $0x1  }
0xa3: {  	[sflag:s23] =	ssyncset.done $0x0  }
0xa4: {  	s25 =	simm.s32 $0x1B8E;
	s24 =	sld [smem:$0x3FFE];
	[sflag:s23] =	ssyncadd.s32 $0xFFFFFFFF  }
0xa5: {  	s26 =	simm.s32 $execute0_lowered;
	[smem:$0x3FD2] =	sst s25  }
0xa6: {  	s4 =	sshll.u32 s26, $0x1;
	_ =	strace $0x80000046;
	[dreg:$0x1] =	wrdreg $0xFFFFFFFF  }
0xa7: {  	s28 =	simm.s32 $_size_execute0_lowered;
	s2 =	sadd.s32 s2, s4;
	[dreg:$0x0] =	wrdreg $0x0  }
0xa8: {  	s4 =	sshll.u32 s28, $0x1;
	[dreg:$0x2] =	wrdreg s2  }
0xa9: {  	[dreg:$0x3] =	wrdreg s4  }
0xaa: {  	[dreg:$0x4] =	wrdreg $0xC0  }
0xab: {  	_ =	task [dreg:s6], $0x5FFFF  }
0xac: {  	[dreg:$0x1] =	wrdreg $0xFFFFFFFF  }
0xad: {  	[dreg:$0x0] =	wrdreg $0x60  }
0xae: {  	[dreg:$0x2] =	wrdreg s24  }
0xaf: {  	[dreg:$0x3] =	wrdreg $0xA0000  }
0xb0: {  	[dreg:$0x4] =	wrdreg $0x9  }
0xb1: {  	_ =	task.clear_ibuf [dreg:s6], $0x5FFFF;
	_ =	strace $0x90000046  }
0xb2: {  	s29 =	simm.s32 $0x9;
	_ =	strace $0x80000048  }
0xb3: {  	_ =	swait.ge [sflag:s29], $0x1  }
0xb4: {  	[sflag:s29] =	ssyncadd.s32 $0xFFFFFFFF  }
0xb5: {  	_ =	strace $0x90000048  }
0xb6: {  	_ =	sfence  }
0xb7: {  	s30 =	sld [smem:$0x0];
	_ =	sdelay $0x2  }
0xb8: {  	s31 =	sshll.u32 s1, $0xD;
	s1 =	sshrl.u32 s1, $0x2  }
0xb9: {  	s3 =	sand.u32 $0x4000, s31;
	s1 =	sadd.s32 s1, s30  }
0xba: {  	s0 =	sor.u32 s3, s0;
	s1 =	sshll.u32 s1, $0x11  }
0xbb: {  	s0 =	sor.u32 s1, s0  }
0xbc: {  	s0 =	sadd.s32 $0x8F2B, s0  }
0xbd: {  	[sflag:s0] =	ssyncadd.remote.s32 $0x1  }
0xbe: {  	_ =	sfence.sel $0xFFFF  }
0xbf: {  	[dreg:$0x0] =	wrdreg $0xFFFFFFFF;
	(pc) =	sbr.abs _section_cstart, $3  }
0xc0: {  	[dreg:$0x1] =	wrdreg $0xFFFFFFFF  }
0xc1: {  	_ =	task.clear_ibuf [dreg:s6], $0x2FFFF;
	_ =	strace $0x9FFFFFFF  }
0xc2: {  	(tm) =	ssettm $0x7FFFFFFF  }
0xc3: {  	_ =	shalt  }
tec
execute0_lowered:
.L_overlay_start_1:
0x0: {  	(tag) =	ssettag $0x1  }
0x1: {  	s6 =	rddreg [dreg:$0x0]  }
0x2: {  	s0 =	srdreg.scid;
	s2 =	rddreg [dreg:$0x1];
	s3 =	simm.s32 $0x0  }
0x3: {  	s15 =	simm.s32 $0x80;
	s16 =	simm.s32 $0x2000;
	s17 =	simm.s32 $0x6000  }
0x4: {  	s18 =	simm.s32 $0x1;
	s5 =	sand.u32 $0x1, s0;
	s0 =	stileid.u32  }
0x5: {  	s19 =	simm.s32 $0x2;
	[smem:$0x7FF] =	sst s3;
	s20 =	smul.u32 $0x2780, s0  }
0x6: {  	s4 =	sadd.s32 $0x41A00, s6;
	s1 =	sshll.u32 s5, $0x4;
	s8 =	smul.u32 $0x27800, s5  }
0x7: {  	s9 =	smul.u32 $0x4F000, s0;
	s5 =	ssub.s32 $0x2, s5;
	s1 =	sor.u32 s0, s1  }
0x8: {  	s31 =	sshll.u32 s0, $0x6;
	s28 =	sshrl.u32 s5, $0x1;
	s7 =	smul.u32 $0x500, s1  }
0x9: {  	s1 =	rddreg [dreg:$0x2];
	_ =	strace $0x80000047;
	s26 =	sadd.s32 s20, s6  }
0xa: {  	s11 =	sadd.s32 s8, s6;
	s29 =	sshrl.u32 s9, $0x2;
	s30 =	ssub.s32 s5, s28  }
0xb: {  	s12 =	sadd.s32 s29, s2;
	s5 =	sadd.s32 $0x17A200, s26;
	s21 =	sadd.s32 $0x1A1A00, s11  }
0xc: {  	s9 =	smax.u32 s30, $0x1;
	s11 =	simm.s32 $0x5;
	s10 =	sadd.s32 s7, s6  }
0xd: {  	s6 =	sor.u32 $0x1C05, s31;
	s20 =	sadd.s32 s20, s21;
	s21 =	simm.s32 $0x0  }
0xe: {  	s7 =	sadd.s32 $0x2DA00, s10;
	s8 =	sadd.s32 $0x37A00, s10;
	s10 =	sshrl.u32 s12, $0x3  }
0xf: {  	s12 =	simm.s32 $0x1000;
	s13 =	sadd.s32 $0x100, s8;
	s14 =	sadd.s32 $0x100, s7  }
.LBB2_1:
0x10: {  	[spmem:s10], [sflag:s6] =	dma.local [hbm:s5], $0x2780  }
0x11: {  	_ =	swait.ge [sflag:s11], $0x2780  }
0x12: {  	[sflag:s11] =	ssyncset.done $0x0  }
0x13: {  	[sflag:s11] =	ssyncadd.s32 $0xFFFFD880  }
0x14: {  	[tilespmem:s3], [sflag:$0x5] =	stream.linear.gather [hbm4b:s7+s3], $0x800, $0x38;
	[tilespmem:$0x1DC00] =	vst v63  }
0x15: {  	_ =	swait.ge [sflag:s11], $0x800  }
0x16: {  	[sflag:s11] =	ssyncset.done $0x0  }
0x17: {  	[sflag:s11] =	ssyncadd.s32 $0xFFFFF800  }
0x18: {  	[tilespmem:s12], [sflag:$0x5] =	stream.linear.gather [hbm4b:s8+s3], $0x800, $0x38;
	[tilespmem:$0x1DC00] =	vst v63  }
0x19: {  	_ =	swait.ge [sflag:s11], $0x800  }
0x1a: {  	[sflag:s11] =	ssyncset.done $0x0  }
0x1b: {  	s22 =	simm.s32 $0x800;
	s23 =	smov.u32 s14;
	[sflag:s11] =	ssyncadd.s32 $0xFFFFF800  }
0x1c: {  	s24 =	smov.u32 s13;
	s25 =	simm.s32 $0x0;
	[bflag:$0x0] =	sbarrier.arrive $0xFFFF  }
.LBB2_2:
0x1d: {  	p0 =	seq.s32 s25, $0x4  }
0x1e: {  	s26 =	sand.u32 @!p0 $0x800, s22;
	s28 =	simm.s32 @!p0 $0x0  }
0x1f: {  	[tilespmem:s26], [sflag:$0x3] =	stream.linear.gather @!p0 [hbm4b:s23+s28], $0x800, $0x38;
	[tilespmem:$0x1DC00] =	vst v63  }
0x20: {  	s29 =	sand.u32 $0x1, s25;
	s26 =	sor.u32 @!p0 $0x1000, s26  }
0x21: {  	[tilespmem:s26], [sflag:$0x4] =	stream.linear.gather @!p0 [hbm4b:s24+s28], $0x800, $0x38;
	[tilespmem:$0x1DC00] =	vst v63  }
0x22: {  	s26 =	sshll.u32 s29, $0xB  }
0x23: {  	[tilespmem:s16], [sflag:$0x1] =	stream.indirect.gather [hbm4b:s4+s15], $0x80, s26, s15, $0xb8;
	[tilespmem:$0x1DC00] =	vst v63  }
0x24: {  	s31 =	sor.u32 $0x80, s26  }
0x25: {  	[tilespmem:s17], [sflag:$0x2] =	stream.indirect.gather [hbm4b:s4+s15], $0x80, s31, s15, $0xb8;
	[tilespmem:$0x1DC00] =	vst v63  }
0x26: {  	_ =	swait.ge [sflag:s18], $0x4000  }
0x27: {  	[sflag:s18] =	ssyncset.done $0x0  }
0x28: {  	s30 =	sor.u32 $0x1000, s26;
	[sflag:s18] =	ssyncadd.s32 $0xFFFFC000  }
0x29: {  	[spmem:s2] =	stream.indirect.scatter.add.f32 [tilespmem:s16], [sflag:$0x5], $0x80, s30, s15, $0xb8;
	[tilespmem:$0x1DC00] =	vst v63  }
0x2a: {  	_ =	swait.ge [sflag:s11], $0x4000  }
0x2b: {  	[sflag:s11] =	ssyncset.done $0x0  }
0x2c: {  	s31 =	sor.u32 $0x100, s26;
	[sflag:s11] =	ssyncadd.s32 $0xFFFFC000  }
0x2d: {  	[tilespmem:s16], [sflag:$0x1] =	stream.indirect.gather [hbm4b:s4+s15], $0x80, s31, s15, $0xb8;
	[tilespmem:$0x1DC00] =	vst v63  }
0x2e: {  	_ =	swait.ge [sflag:s19], $0x4000  }
0x2f: {  	[sflag:s19] =	ssyncset.done $0x0  }
0x30: {  	s26 =	sor.u32 $0x1080, s26;
	[sflag:s19] =	ssyncadd.s32 $0xFFFFC000  }
0x31: {  	[spmem:s2] =	stream.indirect.scatter.add.f32 [tilespmem:s17], [sflag:$0x5], $0x80, s26, s15, $0xb8;
	[tilespmem:$0x1DC00] =	vst v63  }
0x32: {  	s29 =	sshll.u32 s29, $0x4;
	_ =	swait.ge [sflag:s11], $0x4000  }
0x33: {  	s26 =	sshll.u32 s29, $0x7;
	[sflag:s11] =	ssyncset.done $0x0  }
0x34: {  	s30 =	sor.u32 $0x180, s26;
	[sflag:s11] =	ssyncadd.s32 $0xFFFFC000  }
0x35: {  	[tilespmem:s17], [sflag:$0x2] =	stream.indirect.gather [hbm4b:s4+s15], $0x80, s30, s15, $0xb8;
	[tilespmem:$0x1DC00] =	vst v63  }
0x36: {  	_ =	swait.ge [sflag:s18], $0x4000  }
0x37: {  	[sflag:s18] =	ssyncset.done $0x0  }
0x38: {  	s31 =	sor.u32 $0x1100, s26;
	[sflag:s18] =	ssyncadd.s32 $0xFFFFC000  }
0x39: {  	[spmem:s2] =	stream.indirect.scatter.add.f32 [tilespmem:s16], [sflag:$0x5], $0x80, s31, s15, $0xb8;
	[tilespmem:$0x1DC00] =	vst v63  }
0x3a: {  	_ =	swait.ge [sflag:s11], $0x4000  }
0x3b: {  	[sflag:s11] =	ssyncset.done $0x0  }
0x3c: {  	s29 =	sadd.s32 $0x200, s26;
	[sflag:s11] =	ssyncadd.s32 $0xFFFFC000  }
0x3d: {  	[tilespmem:s16], [sflag:$0x1] =	stream.indirect.gather [hbm4b:s4+s15], $0x80, s29, s15, $0xb8;
	[tilespmem:$0x1DC00] =	vst v63  }
0x3e: {  	_ =	swait.ge [sflag:s19], $0x4000  }
0x3f: {  	[sflag:s19] =	ssyncset.done $0x0  }
0x40: {  	s30 =	sor.u32 $0x1180, s26;
	[sflag:s19] =	ssyncadd.s32 $0xFFFFC000  }
0x41: {  	[spmem:s2] =	stream.indirect.scatter.add.f32 [tilespmem:s17], [sflag:$0x5], $0x80, s30, s15, $0xb8;
	[tilespmem:$0x1DC00] =	vst v63  }
0x42: {  	_ =	swait.ge [sflag:s11], $0x4000  }
0x43: {  	[sflag:s11] =	ssyncset.done $0x0  }
0x44: {  	s31 =	sor.u32 $0x280, s26;
	[sflag:s11] =	ssyncadd.s32 $0xFFFFC000  }
0x45: {  	[tilespmem:s17], [sflag:$0x2] =	stream.indirect.gather [hbm4b:s4+s15], $0x80, s31, s15, $0xb8;
	[tilespmem:$0x1DC00] =	vst v63  }
0x46: {  	_ =	swait.ge [sflag:s18], $0x4000  }
0x47: {  	[sflag:s18] =	ssyncset.done $0x0  }
0x48: {  	s29 =	sor.u32 $0x1200, s26;
	[sflag:s18] =	ssyncadd.s32 $0xFFFFC000  }
0x49: {  	[spmem:s2] =	stream.indirect.scatter.add.f32 [tilespmem:s16], [sflag:$0x5], $0x80, s29, s15, $0xb8;
	[tilespmem:$0x1DC00] =	vst v63  }
0x4a: {  	_ =	swait.ge [sflag:s11], $0x4000  }
0x4b: {  	[sflag:s11] =	ssyncset.done $0x0  }
0x4c: {  	s30 =	sadd.s32 $0x300, s26;
	[sflag:s11] =	ssyncadd.s32 $0xFFFFC000  }
0x4d: {  	[tilespmem:s16], [sflag:$0x1] =	stream.indirect.gather [hbm4b:s4+s15], $0x80, s30, s15, $0xb8;
	[tilespmem:$0x1DC00] =	vst v63  }
0x4e: {  	_ =	swait.ge [sflag:s19], $0x4000  }
0x4f: {  	[sflag:s19] =	ssyncset.done $0x0  }
0x50: {  	s31 =	sor.u32 $0x1280, s26;
	[sflag:s19] =	ssyncadd.s32 $0xFFFFC000  }
0x51: {  	[spmem:s2] =	stream.indirect.scatter.add.f32 [tilespmem:s17], [sflag:$0x5], $0x80, s31, s15, $0xb8;
	[tilespmem:$0x1DC00] =	vst v63  }
0x52: {  	_ =	swait.ge [sflag:s11], $0x4000  }
0x53: {  	[sflag:s11] =	ssyncset.done $0x0  }
0x54: {  	s29 =	sor.u32 $0x380, s26;
	[sflag:s11] =	ssyncadd.s32 $0xFFFFC000  }
0x55: {  	[tilespmem:s17], [sflag:$0x2] =	stream.indirect.gather [hbm4b:s4+s15], $0x80, s29, s15, $0xb8;
	[tilespmem:$0x1DC00] =	vst v63  }
0x56: {  	_ =	swait.ge [sflag:s18], $0x4000  }
0x57: {  	[sflag:s18] =	ssyncset.done $0x0  }
0x58: {  	s30 =	sor.u32 $0x1300, s26;
	[sflag:s18] =	ssyncadd.s32 $0xFFFFC000  }
0x59: {  	[spmem:s2] =	stream.indirect.scatter.add.f32 [tilespmem:s16], [sflag:$0x5], $0x80, s30, s15, $0xb8;
	[tilespmem:$0x1DC00] =	vst v63  }
0x5a: {  	_ =	swait.ge [sflag:s11], $0x4000  }
0x5b: {  	[sflag:s11] =	ssyncset.done $0x0  }
0x5c: {  	s31 =	sadd.s32 $0x400, s26;
	[sflag:s11] =	ssyncadd.s32 $0xFFFFC000  }
0x5d: {  	[tilespmem:s16], [sflag:$0x1] =	stream.indirect.gather [hbm4b:s4+s15], $0x80, s31, s15, $0xb8;
	[tilespmem:$0x1DC00] =	vst v63  }
0x5e: {  	_ =	swait.ge [sflag:s19], $0x4000  }
0x5f: {  	[sflag:s19] =	ssyncset.done $0x0  }
0x60: {  	s29 =	sor.u32 $0x1380, s26;
	[sflag:s19] =	ssyncadd.s32 $0xFFFFC000  }
0x61: {  	[spmem:s2] =	stream.indirect.scatter.add.f32 [tilespmem:s17], [sflag:$0x5], $0x80, s29, s15, $0xb8;
	[tilespmem:$0x1DC00] =	vst v63  }
0x62: {  	_ =	swait.ge [sflag:s11], $0x4000  }
0x63: {  	[sflag:s11] =	ssyncset.done $0x0  }
0x64: {  	s30 =	sor.u32 $0x480, s26;
	[sflag:s11] =	ssyncadd.s32 $0xFFFFC000  }
0x65: {  	[tilespmem:s17], [sflag:$0x2] =	stream.indirect.gather [hbm4b:s4+s15], $0x80, s30, s15, $0xb8;
	[tilespmem:$0x1DC00] =	vst v63  }
0x66: {  	_ =	swait.ge [sflag:s18], $0x4000  }
0x67: {  	[sflag:s18] =	ssyncset.done $0x0  }
0x68: {  	s31 =	sor.u32 $0x1400, s26;
	[sflag:s18] =	ssyncadd.s32 $0xFFFFC000  }
0x69: {  	[spmem:s2] =	stream.indirect.scatter.add.f32 [tilespmem:s16], [sflag:$0x5], $0x80, s31, s15, $0xb8;
	[tilespmem:$0x1DC00] =	vst v63  }
0x6a: {  	_ =	swait.ge [sflag:s11], $0x4000  }
0x6b: {  	[sflag:s11] =	ssyncset.done $0x0  }
0x6c: {  	s29 =	sadd.s32 $0x500, s26;
	[sflag:s11] =	ssyncadd.s32 $0xFFFFC000  }
0x6d: {  	[tilespmem:s16], [sflag:$0x1] =	stream.indirect.gather [hbm4b:s4+s15], $0x80, s29, s15, $0xb8;
	[tilespmem:$0x1DC00] =	vst v63  }
0x6e: {  	_ =	swait.ge [sflag:s19], $0x4000  }
0x6f: {  	[sflag:s19] =	ssyncset.done $0x0  }
0x70: {  	s30 =	sor.u32 $0x1480, s26;
	[sflag:s19] =	ssyncadd.s32 $0xFFFFC000  }
0x71: {  	[spmem:s2] =	stream.indirect.scatter.add.f32 [tilespmem:s17], [sflag:$0x5], $0x80, s30, s15, $0xb8;
	[tilespmem:$0x1DC00] =	vst v63  }
0x72: {  	_ =	swait.ge [sflag:s11], $0x4000  }
0x73: {  	[sflag:s11] =	ssyncset.done $0x0  }
0x74: {  	s31 =	sor.u32 $0x580, s26;
	[sflag:s11] =	ssyncadd.s32 $0xFFFFC000  }
0x75: {  	[tilespmem:s17], [sflag:$0x2] =	stream.indirect.gather [hbm4b:s4+s15], $0x80, s31, s15, $0xb8;
	[tilespmem:$0x1DC00] =	vst v63  }
0x76: {  	_ =	swait.ge [sflag:s18], $0x4000  }
0x77: {  	[sflag:s18] =	ssyncset.done $0x0  }
0x78: {  	s29 =	sor.u32 $0x1500, s26;
	[sflag:s18] =	ssyncadd.s32 $0xFFFFC000  }
0x79: {  	[spmem:s2] =	stream.indirect.scatter.add.f32 [tilespmem:s16], [sflag:$0x5], $0x80, s29, s15, $0xb8;
	[tilespmem:$0x1DC00] =	vst v63  }
0x7a: {  	_ =	swait.ge [sflag:s11], $0x4000  }
0x7b: {  	[sflag:s11] =	ssyncset.done $0x0  }
0x7c: {  	s30 =	sadd.s32 $0x600, s26;
	[sflag:s11] =	ssyncadd.s32 $0xFFFFC000  }
0x7d: {  	[tilespmem:s16], [sflag:$0x1] =	stream.indirect.gather [hbm4b:s4+s15], $0x80, s30, s15, $0xb8;
	[tilespmem:$0x1DC00] =	vst v63  }
0x7e: {  	_ =	swait.ge [sflag:s19], $0x4000  }
0x7f: {  	[sflag:s19] =	ssyncset.done $0x0  }
0x80: {  	s31 =	sor.u32 $0x1580, s26;
	[sflag:s19] =	ssyncadd.s32 $0xFFFFC000  }
0x81: {  	[spmem:s2] =	stream.indirect.scatter.add.f32 [tilespmem:s17], [sflag:$0x5], $0x80, s31, s15, $0xb8;
	[tilespmem:$0x1DC00] =	vst v63  }
0x82: {  	_ =	swait.ge [sflag:s11], $0x4000  }
0x83: {  	[sflag:s11] =	ssyncset.done $0x0  }
0x84: {  	s29 =	sor.u32 $0x680, s26;
	[sflag:s11] =	ssyncadd.s32 $0xFFFFC000  }
0x85: {  	[tilespmem:s17], [sflag:$0x2] =	stream.indirect.gather [hbm4b:s4+s15], $0x80, s29, s15, $0xb8;
	[tilespmem:$0x1DC00] =	vst v63  }
0x86: {  	_ =	swait.ge [sflag:s18], $0x4000  }
0x87: {  	[sflag:s18] =	ssyncset.done $0x0  }
0x88: {  	s30 =	sor.u32 $0x1600, s26;
	[sflag:s18] =	ssyncadd.s32 $0xFFFFC000  }
0x89: {  	[spmem:s2] =	stream.indirect.scatter.add.f32 [tilespmem:s16], [sflag:$0x5], $0x80, s30, s15, $0xb8;
	[tilespmem:$0x1DC00] =	vst v63  }
0x8a: {  	_ =	swait.ge [sflag:s11], $0x4000  }
0x8b: {  	[sflag:s11] =	ssyncset.done $0x0  }
0x8c: {  	s31 =	sadd.s32 $0x700, s26;
	[sflag:s11] =	ssyncadd.s32 $0xFFFFC000  }
0x8d: {  	[tilespmem:s16], [sflag:$0x1] =	stream.indirect.gather [hbm4b:s4+s15], $0x80, s31, s15, $0xb8;
	[tilespmem:$0x1DC00] =	vst v63  }
0x8e: {  	_ =	swait.ge [sflag:s19], $0x4000  }
0x8f: {  	[sflag:s19] =	ssyncset.done $0x0  }
0x90: {  	s29 =	sor.u32 $0x1680, s26;
	[sflag:s19] =	ssyncadd.s32 $0xFFFFC000  }
0x91: {  	[spmem:s2] =	stream.indirect.scatter.add.f32 [tilespmem:s17], [sflag:$0x5], $0x80, s29, s15, $0xb8;
	[tilespmem:$0x1DC00] =	vst v63  }
0x92: {  	_ =	swait.ge [sflag:s11], $0x4000  }
0x93: {  	[sflag:s11] =	ssyncset.done $0x0  }
0x94: {  	s30 =	sor.u32 $0x780, s26;
	[sflag:s11] =	ssyncadd.s32 $0xFFFFC000  }
0x95: {  	[tilespmem:s17], [sflag:$0x2] =	stream.indirect.gather [hbm4b:s4+s15], $0x80, s30, s15, $0xb8;
	[tilespmem:$0x1DC00] =	vst v63  }
0x96: {  	_ =	swait.ge [sflag:s18], $0x4000  }
0x97: {  	[sflag:s18] =	ssyncset.done $0x0  }
0x98: {  	s31 =	sor.u32 $0x1700, s26;
	[sflag:s18] =	ssyncadd.s32 $0xFFFFC000  }
0x99: {  	[spmem:s2] =	stream.indirect.scatter.add.f32 [tilespmem:s16], [sflag:$0x5], $0x80, s31, s15, $0xb8;
	[tilespmem:$0x1DC00] =	vst v63  }
0x9a: {  	_ =	swait.ge [sflag:s11], $0x4000  }
0x9b: {  	[sflag:s11] =	ssyncset.done $0x0  }
0x9c: {  	[sflag:s11] =	ssyncadd.s32 $0xFFFFC000  }
0x9d: {  	_ =	swait.ge [sflag:s19], $0x4000  }
0x9e: {  	[sflag:s19] =	ssyncset.done $0x0  }
0x9f: {  	s26 =	sor.u32 $0x1780, s26;
	[sflag:s19] =	ssyncadd.s32 $0xFFFFC000  }
0xa0: {  	[spmem:s2] =	stream.indirect.scatter.add.f32 [tilespmem:s17], [sflag:$0x5], $0x80, s26, s15, $0xb8;
	[tilespmem:$0x1DC00] =	vst v63  }
0xa1: {  	_ =	swait.ge [sflag:s11], $0x4000  }
0xa2: {  	s25 =	sadd.s32 $0x1, s25;
	[sflag:s11] =	ssyncset.done $0x0  }
0xa3: {  	p1 =	sne.s32 @!p0 s25, $0x5;
	s26 =	simm.s32 @!p0 $0x3;
	[sflag:s11] =	ssyncadd.s32 $0xFFFFC000  }
0xa4: {  	p1 =	por p0, !p1;
	_ =	swait.ge @!p0 [sflag:s26], $0x800  }
.Ltmp0:
0xa5: {  	[sflag:s26] =	ssyncset.done @!p0 $0x0;
	(pc) =	sbr.rel @!p1 .LBB2_2-.Ltmp0, $4  }
0xa6: {  	[sflag:s26] =	ssyncadd.s32 @!p0 $0xFFFFF800;
	s26 =	simm.s32 @!p0 $0x4  }
0xa7: {  	_ =	swait.ge @!p0 [sflag:s26], $0x800  }
0xa8: {  	s22 =	sadd.s32 @!p0 $0x800, s22;
	[sflag:s26] =	ssyncset.done @!p0 $0x0  }
0xa9: {  	s23 =	sadd.s32 @!p0 $0x100, s23;
	s24 =	sadd.s32 @!p0 $0x100, s24;
	[sflag:s26] =	ssyncadd.s32 @!p0 $0xFFFFF800  }
0xaa: {  	s21 =	sadd.s32 $0x1, s21  }
0xab: {  	p0 =	sne.s32 s21, s9  }
.Ltmp1:
0xac: {  	[bflag:$0x0] =	sbarrier.arrive $0xFFFF;
	(pc) =	sbr.rel @p0 .LBB2_1-.Ltmp1, $4  }
0xad: {  	[hbm:s20], [sflag:s6] =	dma.local [spmem:s10], $0x2780  }
0xae: {  	_ =	swait.ge [sflag:s11], $0x2780  }
0xaf: {  	[sflag:s11] =	ssyncset.done $0x0  }
0xb0: {  	[sflag:s11] =	ssyncadd.s32 $0xFFFFD880  }
0xb1: {  	_ =	sfence.sel $0x180000  }
0xb2: {  	[bflag:$0x0] =	sbarrier.arrive $0xFFFF  }
0xb3: {  	p0 =	sne.s32 s0, $0x0;
	_ =	strace $0x90000047  }
0xb4: {  	s0 =	sadd.s32 @!p0 $0x100000, s1;
	[bflag:$0x2] =	sbarrier.arrive $0xFFFF  }
0xb5: {  	[sflag:s0] =	ssyncadd.tile.s32 @!p0 $0x1;
	_ =	shalt  }
.Lfunc_end2:
_tile_overlayer_lowered:
.L_overlay_start_2:
0xb6: {  	(tag) =	ssettag $0x2  }
0xb7: {  	s0 =	rddreg [dreg:$0x0];
	s2 =	stileid.u32  }
0xb8: {  	s1 =	rddreg [dreg:$0x1];
	p0 =	sne.s32 s2, $0x0  }
0xb9: {  	s3 =	rddreg [dreg:$0x2];
	[bflag:$0x3] =	sbarrier.arrive $0xFFFF;
	s2 =	simm.s32 @!p0 $0x1C05  }
0xba: {  	[timem:s3], [sflag:s2] =	dma.local @!p0 [hbm:s0], s1  }
0xbb: {  	s0 =	simm.s32 @!p0 $0x5  }
0xbc: {  	_ =	swait.ge @!p0 [sflag:s0], s1  }
0xbd: {  	s1 =	ssub.s32 @!p0 $0x0, s1;
	[sflag:s0] =	ssyncset.done @!p0 $0x0  }
0xbe: {  	[sflag:s0] =	ssyncadd.s32 @!p0 s1  }
0xbf: {  	[bflag:$0x3] =	sbarrier.arrive $0xFFFF  }
0xc0: {  	_ =	shalt  }

// kernel: kernel.15.cloned.1.call-start
scs
__scs_entry_jumppad:
0x0: {  	(pc) =	sbr.rel $0x88, $3  }
0x1: {  	(tag) =	ssettag $0x0;
	lr =	simm.s32 $0x1  }
0x2: {  	[smem:$0x3F80] =	sst lr;
	_ =	strace $0xD0000000  }
0x3: {  	_ = 	snop  }
0x4: {  	_ = 	snop  }
0x5: {  	_ = 	snop  }
0x6: {  	_ = 	snop  }
0x7: {  	_ = 	snop  }
__scs_overlays_trampoline_lowered:
0x8: {  	[smem:$0x3F8F] =	sst s0  }
0x9: {  	[smem:$0x3F90] =	sst s1  }
0xa: {  	[smem:$0x3F91] =	sst s2  }
0xb: {  	[smem:$0x3F92] =	sst s3  }
0xc: {  	[smem:$0x3F93] =	sst s4  }
0xd: {  	[smem:$0x3F94] =	sst s5  }
0xe: {  	[smem:$0x3F95] =	sst s6  }
0xf: {  	[smem:$0x3F96] =	sst s7  }
0x10: {  	[smem:$0x3F97] =	sst s8  }
0x11: {  	[smem:$0x3F98] =	sst s9;
	s0 =	simm.s32 @!p0 $0x0  }
0x12: {  	s1 =	sld [smem:$0x3F7E];
	s0 =	simm.s32 @p0 $0x1  }
0x13: {  	[smem:$0x3F99] =	sst s0;
	s0 =	simm.s32 @!p1 $0x0  }
0x14: {  	s2 =	sld [smem:$0x3F7D];
	s0 =	simm.s32 @p1 $0x1  }
0x15: {  	[smem:$0x3F9A] =	sst s0;
	s0 =	simm.s32 @!p2 $0x0  }
0x16: {  	s3 =	sld [smem:$0x3FDB];
	s0 =	simm.s32 @p2 $0x1  }
0x17: {  	s4 =	simm.s32 $0x1BF5;
	[smem:$0x3F9C] =	sst s0  }
0x18: {  	s0 =	sld [smem:$0x3F7F];
	_ =	swait.ge [sflag:s4], $0x0  }
0x19: {  	s7 =	sld [smem:$0x3F80]  }
0x1a: {  	s8 =	sadd.s32 $0xFFFFE003, lr  }
0x1b: {  	s9 =	sadd.s32 $0xFFFFFEF7, lr;
	s5 =	simm.s32 $0xFFFFFFFF;
	p2 =	slt.u32 s8, $0xFFFFF086  }
0x1c: {  	p1 =	slt.u32 s9, $0xF7A;
	s5 =	simm.s32 @!p2 $0x0  }
0x1d: {  	s5 =	simm.s32 @p1 $0x1;
	p0 =	seq.s32 s7, s2  }
0x1e: {  	s7 =	smul.u32 @!p0 $0xF7A, s2;
	p2 =	seq.s32 @!p0 s5, $0x0  }
0x1f: {  	s9 =	smul.u32 $0xF7A, s1;
	s8 =	simm.s32 @!p0 $0x1BF5;
	p2 =	por !p2, p0  }
0x20: {  	[sflag:s8] =	ssyncset.s32 @!p0 $0xFFFFF086;
	s6 =	sadd.s32 @!p0 s3, s7;
	s7 =	simm.s32 @!p0 $0x108  }
0x21: {  	s3 =	sadd.s32 s3, s9;
	s6 =	sadd.s32 @!p0 $0x88, s6;
	s7 =	simm.s32 @p2 $0x1082  }
0x22: {  	[simem:s7], [sflag:s8] =	dma.local @!p0 [hbm:s6], $0xF7A  }
0x23: {  	s9 =	sor.u32 $0xD0000000, s2;
	s6 =	simm.s32 $0x108;
	_ =	swait.ge @!p0 [sflag:s8], $0x0  }
0x24: {  	s3 =	sadd.s32 $0x88, s3;
	s6 =	simm.s32 @!p1 $0x1082;
	[sflag:s4] =	ssyncset.s32 $0xFFFFF086  }
0x25: {  	[simem:s6], [sflag:s4] =	dma.local [hbm:s3], $0xF7A  }
0x26: {  	[smem:$0x3F80] =	sst s1;
	(tag) =	ssettag s2;
	_ =	strace s9  }
0x27: {  	s1 =	sld [smem:$0x3F90]  }
0x28: {  	s2 =	sld [smem:$0x3F91]  }
0x29: {  	s4 =	sld [smem:$0x3F93]  }
0x2a: {  	p0 =	seq.s32 s5, $0x0;
	s5 =	sld [smem:$0x3F94]  }
0x2b: {  	s6 =	sld [smem:$0x3F95]  }
0x2c: {  	s7 =	sld [smem:$0x3F96]  }
0x2d: {  	s3 =	simm.s32 $0x108;
	s8 =	sld [smem:$0x3F97]  }
0x2e: {  	s3 =	simm.s32 @!p0 $0x1082;
	s9 =	sld [smem:$0x3F98]  }
0x2f: {  	lr =	sadd.s32 s0, s3;
	s0 =	sld [smem:$0x3F8F]  }
0x30: {  	s3 =	sld [smem:$0x3F92]  }
0x31: {  	[smem:$0x3F9B] =	sst s10  }
0x32: {  	s10 =	sld [smem:$0x3F99];
	_ =	sdelay $0x3  }
0x33: {  	p0 =	seq.s32 s10, $0x1;
	s10 =	sld [smem:$0x3F9B];
	_ =	sdelay $0x3  }
0x34: {  	[smem:$0x3F9B] =	sst s10  }
0x35: {  	s10 =	sld [smem:$0x3F9A];
	_ =	sdelay $0x3  }
0x36: {  	p1 =	seq.s32 s10, $0x1;
	s10 =	sld [smem:$0x3F9B];
	_ =	sdelay $0x3  }
0x37: {  	[smem:$0x3F9B] =	sst s10  }
0x38: {  	s10 =	sld [smem:$0x3F9C]  }
0x39: {  	_ = 	snop;
	(pc) =	sbr.ind lr, $3  }
0x3a: {  	_ = 	snop  }
0x3b: {  	_ = 	snop  }
0x3c: {  	p2 =	seq.s32 s10, $0x1;
	s10 =	sld [smem:$0x3F9B]  }
0x3d: {  	_ =	shalt  }
0x3e: {  	_ =	shalt  }
0x3f: {  	_ =	shalt  }
0x40: {  	_ =	shalt  }
0x41: {  	_ =	shalt  }
0x42: {  	_ =	shalt  }
0x43: {  	_ =	shalt  }
0x44: {  	_ =	shalt  }
0x45: {  	_ =	shalt  }
0x46: {  	_ =	shalt  }
0x47: {  	_ =	shalt  }
0x48: {  	_ =	shalt  }
0x49: {  	_ =	shalt  }
0x4a: {  	_ =	shalt  }
0x4b: {  	_ =	shalt  }
0x4c: {  	_ =	shalt  }
0x4d: {  	_ =	shalt  }
0x4e: {  	_ =	shalt  }
0x4f: {  	_ =	shalt  }
0x50: {  	_ =	shalt  }
0x51: {  	_ =	shalt  }
0x52: {  	_ =	shalt  }
0x53: {  	_ =	shalt  }
0x54: {  	_ =	shalt  }
0x55: {  	_ =	shalt  }
0x56: {  	_ =	shalt  }
0x57: {  	_ =	shalt  }
0x58: {  	_ =	shalt  }
0x59: {  	_ =	shalt  }
0x5a: {  	_ =	shalt  }
0x5b: {  	_ =	shalt  }
0x5c: {  	_ =	shalt  }
0x5d: {  	_ =	shalt  }
0x5e: {  	_ =	shalt  }
0x5f: {  	_ =	shalt  }
0x60: {  	_ =	shalt  }
0x61: {  	_ =	shalt  }
0x62: {  	_ =	shalt  }
0x63: {  	_ =	shalt  }
0x64: {  	_ =	shalt  }
0x65: {  	_ =	shalt  }
0x66: {  	_ =	shalt  }
0x67: {  	_ =	shalt  }
0x68: {  	_ =	shalt  }
0x69: {  	_ =	shalt  }
0x6a: {  	_ =	shalt  }
0x6b: {  	_ =	shalt  }
0x6c: {  	_ =	shalt  }
0x6d: {  	_ =	shalt  }
0x6e: {  	_ =	shalt  }
0x6f: {  	_ =	shalt  }
0x70: {  	_ =	shalt  }
0x71: {  	_ =	shalt  }
0x72: {  	_ =	shalt  }
0x73: {  	_ =	shalt  }
0x74: {  	_ =	shalt  }
0x75: {  	_ =	shalt  }
0x76: {  	_ =	shalt  }
0x77: {  	_ =	shalt  }
0x78: {  	_ =	shalt  }
0x79: {  	_ =	shalt  }
0x7a: {  	_ =	shalt  }
0x7b: {  	_ =	shalt  }
0x7c: {  	_ =	shalt  }
0x7d: {  	_ =	shalt  }
0x7e: {  	_ =	shalt  }
0x7f: {  	_ =	shalt  }
0x80: {  	_ =	shalt  }
0x81: {  	_ =	shalt  }
0x82: {  	_ =	shalt  }
0x83: {  	_ =	shalt  }
0x84: {  	_ =	shalt  }
0x85: {  	_ =	shalt  }
0x86: {  	_ =	shalt  }
0x87: {  	_ =	shalt  }
.Lfunc_end0:
.L_simem_size_0:
called_computation.1_lowered:
.L_overlay_start_0:
0x88: {  	s2 =	sld [smem:$0x3FD9]  }
0x89: {  	s3 =	sld [smem:$0x3FFE];
	_ =	sdelay $0x1  }
0x8a: {  	s1 =	srdreg.scid  }
0x8b: {  	s0 =	sand.u32 $0x1, s1  }
0x8c: {  	s16 =	sshll.u32 s0, $0xA;
	s2 =	sadd.s32 s3, s2  }
0x8d: {  	s2 =	sadd.s32 s2, s16  }
0x8e: {  	[smem:$0x3FA7] =	sst s2  }
0x8f: {  	_ = 	snop  }
0x90: {  	(tm) =	ssettm $0x1  }
0x91: {  	s17 =	sld [smem:$0x3FFB];
	_ =	sdelay $0x3  }
0x92: {  	_ =	strace s17  }
0x93: {  	s2 =	sld [smem:$0x3FFC];
	_ =	sdelay $0x3  }
0x94: {  	_ =	strace s2  }
0x95: {  	s2 =	sld [smem:$0x3FFD];
	_ =	sdelay $0x3  }
0x96: {  	_ =	strace s2  }
0x97: {  	_ =	strace $0x8FFFFFFF  }
0x98: {  	s18 =	sld [smem:$0x3FDB];
	_ =	sdelay $0x1  }
0x99: {  	s19 =	simm.s32 $_scs_section_size  }
0x9a: {  	s4 =	simm.s32 $_size__tile_overlayer_lowered;
	s5 =	simm.s32 $_tile_overlayer_lowered  }
0x9b: {  	s22 =	simm.s32 $0x1BFF;
	s21 =	sshll.u32 s5, $0x1;
	s2 =	sadd.s32 s19, s18  }
0x9c: {  	s6 =	simm.s32 $0x0;
	s20 =	sshll.u32 s4, $0x1;
	s4 =	sadd.s32 s21, s2  }
0x9d: {  	[timem:s6], [sflag:s22] =	dma.local [hbm:s4], s20  }
0x9e: {  	_ =	swait.ge [sflag:s22], s20  }
0x9f: {  	s3 =	ssub.s32 $0x0, s20;
	[sflag:s22] =	ssyncset.done $0x0  }
0xa0: {  	[sflag:s22] =	ssyncadd.s32 s3;
	_ =	sdelay $0x1  }
0xa1: {  	s23 =	simm.s32 $0x1B8B  }
0xa2: {  	_ =	swait.ge [sflag:s23], $0x1  }
0xa3: {  	[sflag:s23] =	ssyncset.done $0x0  }
0xa4: {  	s25 =	simm.s32 $0x1B8E;
	s24 =	sld [smem:$0x3FFE];
	[sflag:s23] =	ssyncadd.s32 $0xFFFFFFFF  }
0xa5: {  	s26 =	simm.s32 $execute0_lowered;
	[smem:$0x3FD2] =	sst s25  }
0xa6: {  	s4 =	sshll.u32 s26, $0x1;
	_ =	strace $0x80000049;
	[dreg:$0x1] =	wrdreg $0xFFFFFFFF  }
0xa7: {  	s28 =	simm.s32 $_size_execute0_lowered;
	s2 =	sadd.s32 s2, s4;
	[dreg:$0x0] =	wrdreg $0x0  }
0xa8: {  	s4 =	sshll.u32 s28, $0x1;
	[dreg:$0x2] =	wrdreg s2  }
0xa9: {  	[dreg:$0x3] =	wrdreg s4  }
0xaa: {  	[dreg:$0x4] =	wrdreg $0xC0  }
0xab: {  	_ =	task [dreg:s6], $0x5FFFF  }
0xac: {  	[dreg:$0x1] =	wrdreg $0xFFFFFFFF  }
0xad: {  	[dreg:$0x0] =	wrdreg $0x60  }
0xae: {  	[dreg:$0x2] =	wrdreg s24  }
0xaf: {  	[dreg:$0x3] =	wrdreg $0xA0000  }
0xb0: {  	[dreg:$0x4] =	wrdreg $0x9  }
0xb1: {  	_ =	task.clear_ibuf [dreg:s6], $0x5FFFF;
	_ =	strace $0x90000049  }
0xb2: {  	s29 =	simm.s32 $0x9;
	_ =	strace $0x8000004B  }
0xb3: {  	_ =	swait.ge [sflag:s29], $0x1  }
0xb4: {  	[sflag:s29] =	ssyncadd.s32 $0xFFFFFFFF  }
0xb5: {  	_ =	strace $0x9000004B  }
0xb6: {  	_ =	sfence  }
0xb7: {  	s30 =	sld [smem:$0x0];
	_ =	sdelay $0x2  }
0xb8: {  	s31 =	sshll.u32 s1, $0xD;
	s1 =	sshrl.u32 s1, $0x2  }
0xb9: {  	s3 =	sand.u32 $0x4000, s31;
	s1 =	sadd.s32 s1, s30  }
0xba: {  	s0 =	sor.u32 s3, s0;
	s1 =	sshll.u32 s1, $0x11  }
0xbb: {  	s0 =	sor.u32 s1, s0  }
0xbc: {  	s0 =	sadd.s32 $0x8F2B, s0  }
0xbd: {  	[sflag:s0] =	ssyncadd.remote.s32 $0x1  }
0xbe: {  	_ =	sfence.sel $0xFFFF  }
0xbf: {  	[dreg:$0x0] =	wrdreg $0xFFFFFFFF;
	(pc) =	sbr.abs _section_cstart, $3  }
0xc0: {  	[dreg:$0x1] =	wrdreg $0xFFFFFFFF  }
0xc1: {  	_ =	task.clear_ibuf [dreg:s6], $0x2FFFF;
	_ =	strace $0x9FFFFFFF  }
0xc2: {  	(tm) =	ssettm $0x7FFFFFFF  }
0xc3: {  	_ =	shalt  }
tec
execute0_lowered:
.L_overlay_start_1:
0x0: {  	(tag) =	ssettag $0x1  }
0x1: {  	s6 =	rddreg [dreg:$0x0]  }
0x2: {  	s0 =	srdreg.scid;
	s2 =	rddreg [dreg:$0x1];
	s3 =	simm.s32 $0x0  }
0x3: {  	s15 =	simm.s32 $0x80;
	s16 =	simm.s32 $0x2000;
	s17 =	simm.s32 $0x6000  }
0x4: {  	s18 =	simm.s32 $0x1;
	s5 =	sand.u32 $0x1, s0;
	s0 =	stileid.u32  }
0x5: {  	s19 =	simm.s32 $0x2;
	[smem:$0x7FF] =	sst s3;
	s20 =	smul.u32 $0x2780, s0  }
0x6: {  	s4 =	sadd.s32 $0x41A00, s6;
	s1 =	sshll.u32 s5, $0x4;
	s8 =	smul.u32 $0x27800, s5  }
0x7: {  	s9 =	smul.u32 $0x4F000, s0;
	s5 =	ssub.s32 $0x2, s5;
	s1 =	sor.u32 s0, s1  }
0x8: {  	s31 =	sshll.u32 s0, $0x6;
	s28 =	sshrl.u32 s5, $0x1;
	s7 =	smul.u32 $0x500, s1  }
0x9: {  	s1 =	rddreg [dreg:$0x2];
	_ =	strace $0x8000004A;
	s26 =	sadd.s32 s20, s6  }
0xa: {  	s11 =	sadd.s32 s8, s6;
	s29 =	sshrl.u32 s9, $0x2;
	s30 =	ssub.s32 s5, s28  }
0xb: {  	s12 =	sadd.s32 s29, s2;
	s5 =	sadd.s32 $0x17A200, s26;
	s21 =	sadd.s32 $0x1A1A00, s11  }
0xc: {  	s9 =	smax.u32 s30, $0x1;
	s11 =	simm.s32 $0x5;
	s10 =	sadd.s32 s7, s6  }
0xd: {  	s6 =	sor.u32 $0x1C05, s31;
	s20 =	sadd.s32 s20, s21;
	s21 =	simm.s32 $0x0  }
0xe: {  	s7 =	sadd.s32 $0x2DA00, s10;
	s8 =	sadd.s32 $0x37A00, s10;
	s10 =	sshrl.u32 s12, $0x3  }
0xf: {  	s12 =	simm.s32 $0x1000;
	s13 =	sadd.s32 $0x100, s8;
	s14 =	sadd.s32 $0x100, s7  }
.LBB2_1:
0x10: {  	[spmem:s10], [sflag:s6] =	dma.local [hbm:s5], $0x2780  }
0x11: {  	_ =	swait.ge [sflag:s11], $0x2780  }
0x12: {  	[sflag:s11] =	ssyncset.done $0x0  }
0x13: {  	[sflag:s11] =	ssyncadd.s32 $0xFFFFD880  }
0x14: {  	[tilespmem:s3], [sflag:$0x5] =	stream.linear.gather [hbm4b:s7+s3], $0x800, $0x38;
	[tilespmem:$0x1DC00] =	vst v63  }
0x15: {  	_ =	swait.ge [sflag:s11], $0x800  }
0x16: {  	[sflag:s11] =	ssyncset.done $0x0  }
0x17: {  	[sflag:s11] =	ssyncadd.s32 $0xFFFFF800  }
0x18: {  	[tilespmem:s12], [sflag:$0x5] =	stream.linear.gather [hbm4b:s8+s3], $0x800, $0x38;
	[tilespmem:$0x1DC00] =	vst v63  }
0x19: {  	_ =	swait.ge [sflag:s11], $0x800  }
0x1a: {  	[sflag:s11] =	ssyncset.done $0x0  }
0x1b: {  	s22 =	simm.s32 $0x800;
	s23 =	smov.u32 s14;
	[sflag:s11] =	ssyncadd.s32 $0xFFFFF800  }
0x1c: {  	s24 =	smov.u32 s13;
	s25 =	simm.s32 $0x0;
	[bflag:$0x0] =	sbarrier.arrive $0xFFFF  }
.LBB2_2:
0x1d: {  	p0 =	seq.s32 s25, $0x4  }
0x1e: {  	s26 =	sand.u32 @!p0 $0x800, s22;
	s28 =	simm.s32 @!p0 $0x0  }
0x1f: {  	[tilespmem:s26], [sflag:$0x3] =	stream.linear.gather @!p0 [hbm4b:s23+s28], $0x800, $0x38;
	[tilespmem:$0x1DC00] =	vst v63  }
0x20: {  	s29 =	sand.u32 $0x1, s25;
	s26 =	sor.u32 @!p0 $0x1000, s26  }
0x21: {  	[tilespmem:s26], [sflag:$0x4] =	stream.linear.gather @!p0 [hbm4b:s24+s28], $0x800, $0x38;
	[tilespmem:$0x1DC00] =	vst v63  }
0x22: {  	s26 =	sshll.u32 s29, $0xB  }
0x23: {  	[tilespmem:s16], [sflag:$0x1] =	stream.indirect.gather [hbm4b:s4+s15], $0x80, s26, s15, $0xb8;
	[tilespmem:$0x1DC00] =	vst v63  }
0x24: {  	s31 =	sor.u32 $0x80, s26  }
0x25: {  	[tilespmem:s17], [sflag:$0x2] =	stream.indirect.gather [hbm4b:s4+s15], $0x80, s31, s15, $0xb8;
	[tilespmem:$0x1DC00] =	vst v63  }
0x26: {  	_ =	swait.ge [sflag:s18], $0x4000  }
0x27: {  	[sflag:s18] =	ssyncset.done $0x0  }
0x28: {  	s30 =	sor.u32 $0x1000, s26;
	[sflag:s18] =	ssyncadd.s32 $0xFFFFC000  }
0x29: {  	[spmem:s2] =	stream.indirect.scatter.add.f32 [tilespmem:s16], [sflag:$0x5], $0x80, s30, s15, $0xb8;
	[tilespmem:$0x1DC00] =	vst v63  }
0x2a: {  	_ =	swait.ge [sflag:s11], $0x4000  }
0x2b: {  	[sflag:s11] =	ssyncset.done $0x0  }
0x2c: {  	s31 =	sor.u32 $0x100, s26;
	[sflag:s11] =	ssyncadd.s32 $0xFFFFC000  }
0x2d: {  	[tilespmem:s16], [sflag:$0x1] =	stream.indirect.gather [hbm4b:s4+s15], $0x80, s31, s15, $0xb8;
	[tilespmem:$0x1DC00] =	vst v63  }
0x2e: {  	_ =	swait.ge [sflag:s19], $0x4000  }
0x2f: {  	[sflag:s19] =	ssyncset.done $0x0  }
0x30: {  	s26 =	sor.u32 $0x1080, s26;
	[sflag:s19] =	ssyncadd.s32 $0xFFFFC000  }
0x31: {  	[spmem:s2] =	stream.indirect.scatter.add.f32 [tilespmem:s17], [sflag:$0x5], $0x80, s26, s15, $0xb8;
	[tilespmem:$0x1DC00] =	vst v63  }
0x32: {  	s29 =	sshll.u32 s29, $0x4;
	_ =	swait.ge [sflag:s11], $0x4000  }
0x33: {  	s26 =	sshll.u32 s29, $0x7;
	[sflag:s11] =	ssyncset.done $0x0  }
0x34: {  	s30 =	sor.u32 $0x180, s26;
	[sflag:s11] =	ssyncadd.s32 $0xFFFFC000  }
0x35: {  	[tilespmem:s17], [sflag:$0x2] =	stream.indirect.gather [hbm4b:s4+s15], $0x80, s30, s15, $0xb8;
	[tilespmem:$0x1DC00] =	vst v63  }
0x36: {  	_ =	swait.ge [sflag:s18], $0x4000  }
0x37: {  	[sflag:s18] =	ssyncset.done $0x0  }
0x38: {  	s31 =	sor.u32 $0x1100, s26;
	[sflag:s18] =	ssyncadd.s32 $0xFFFFC000  }
0x39: {  	[spmem:s2] =	stream.indirect.scatter.add.f32 [tilespmem:s16], [sflag:$0x5], $0x80, s31, s15, $0xb8;
	[tilespmem:$0x1DC00] =	vst v63  }
0x3a: {  	_ =	swait.ge [sflag:s11], $0x4000  }
0x3b: {  	[sflag:s11] =	ssyncset.done $0x0  }
0x3c: {  	s29 =	sadd.s32 $0x200, s26;
	[sflag:s11] =	ssyncadd.s32 $0xFFFFC000  }
0x3d: {  	[tilespmem:s16], [sflag:$0x1] =	stream.indirect.gather [hbm4b:s4+s15], $0x80, s29, s15, $0xb8;
	[tilespmem:$0x1DC00] =	vst v63  }
0x3e: {  	_ =	swait.ge [sflag:s19], $0x4000  }
0x3f: {  	[sflag:s19] =	ssyncset.done $0x0  }
0x40: {  	s30 =	sor.u32 $0x1180, s26;
	[sflag:s19] =	ssyncadd.s32 $0xFFFFC000  }
0x41: {  	[spmem:s2] =	stream.indirect.scatter.add.f32 [tilespmem:s17], [sflag:$0x5], $0x80, s30, s15, $0xb8;
	[tilespmem:$0x1DC00] =	vst v63  }
0x42: {  	_ =	swait.ge [sflag:s11], $0x4000  }
0x43: {  	[sflag:s11] =	ssyncset.done $0x0  }
0x44: {  	s31 =	sor.u32 $0x280, s26;
	[sflag:s11] =	ssyncadd.s32 $0xFFFFC000  }
0x45: {  	[tilespmem:s17], [sflag:$0x2] =	stream.indirect.gather [hbm4b:s4+s15], $0x80, s31, s15, $0xb8;
	[tilespmem:$0x1DC00] =	vst v63  }
0x46: {  	_ =	swait.ge [sflag:s18], $0x4000  }
0x47: {  	[sflag:s18] =	ssyncset.done $0x0  }
0x48: {  	s29 =	sor.u32 $0x1200, s26;
	[sflag:s18] =	ssyncadd.s32 $0xFFFFC000  }
0x49: {  	[spmem:s2] =	stream.indirect.scatter.add.f32 [tilespmem:s16], [sflag:$0x5], $0x80, s29, s15, $0xb8;
	[tilespmem:$0x1DC00] =	vst v63  }
0x4a: {  	_ =	swait.ge [sflag:s11], $0x4000  }
0x4b: {  	[sflag:s11] =	ssyncset.done $0x0  }
0x4c: {  	s30 =	sadd.s32 $0x300, s26;
	[sflag:s11] =	ssyncadd.s32 $0xFFFFC000  }
0x4d: {  	[tilespmem:s16], [sflag:$0x1] =	stream.indirect.gather [hbm4b:s4+s15], $0x80, s30, s15, $0xb8;
	[tilespmem:$0x1DC00] =	vst v63  }
0x4e: {  	_ =	swait.ge [sflag:s19], $0x4000  }
0x4f: {  	[sflag:s19] =	ssyncset.done $0x0  }
0x50: {  	s31 =	sor.u32 $0x1280, s26;
	[sflag:s19] =	ssyncadd.s32 $0xFFFFC000  }
0x51: {  	[spmem:s2] =	stream.indirect.scatter.add.f32 [tilespmem:s17], [sflag:$0x5], $0x80, s31, s15, $0xb8;
	[tilespmem:$0x1DC00] =	vst v63  }
0x52: {  	_ =	swait.ge [sflag:s11], $0x4000  }
0x53: {  	[sflag:s11] =	ssyncset.done $0x0  }
0x54: {  	s29 =	sor.u32 $0x380, s26;
	[sflag:s11] =	ssyncadd.s32 $0xFFFFC000  }
0x55: {  	[tilespmem:s17], [sflag:$0x2] =	stream.indirect.gather [hbm4b:s4+s15], $0x80, s29, s15, $0xb8;
	[tilespmem:$0x1DC00] =	vst v63  }
0x56: {  	_ =	swait.ge [sflag:s18], $0x4000  }
0x57: {  	[sflag:s18] =	ssyncset.done $0x0  }
0x58: {  	s30 =	sor.u32 $0x1300, s26;
	[sflag:s18] =	ssyncadd.s32 $0xFFFFC000  }
0x59: {  	[spmem:s2] =	stream.indirect.scatter.add.f32 [tilespmem:s16], [sflag:$0x5], $0x80, s30, s15, $0xb8;
	[tilespmem:$0x1DC00] =	vst v63  }
0x5a: {  	_ =	swait.ge [sflag:s11], $0x4000  }
0x5b: {  	[sflag:s11] =	ssyncset.done $0x0  }
0x5c: {  	s31 =	sadd.s32 $0x400, s26;
	[sflag:s11] =	ssyncadd.s32 $0xFFFFC000  }
0x5d: {  	[tilespmem:s16], [sflag:$0x1] =	stream.indirect.gather [hbm4b:s4+s15], $0x80, s31, s15, $0xb8;
	[tilespmem:$0x1DC00] =	vst v63  }
0x5e: {  	_ =	swait.ge [sflag:s19], $0x4000  }
0x5f: {  	[sflag:s19] =	ssyncset.done $0x0  }
0x60: {  	s29 =	sor.u32 $0x1380, s26;
	[sflag:s19] =	ssyncadd.s32 $0xFFFFC000  }
0x61: {  	[spmem:s2] =	stream.indirect.scatter.add.f32 [tilespmem:s17], [sflag:$0x5], $0x80, s29, s15, $0xb8;
	[tilespmem:$0x1DC00] =	vst v63  }
0x62: {  	_ =	swait.ge [sflag:s11], $0x4000  }
0x63: {  	[sflag:s11] =	ssyncset.done $0x0  }
0x64: {  	s30 =	sor.u32 $0x480, s26;
	[sflag:s11] =	ssyncadd.s32 $0xFFFFC000  }
0x65: {  	[tilespmem:s17], [sflag:$0x2] =	stream.indirect.gather [hbm4b:s4+s15], $0x80, s30, s15, $0xb8;
	[tilespmem:$0x1DC00] =	vst v63  }
0x66: {  	_ =	swait.ge [sflag:s18], $0x4000  }
0x67: {  	[sflag:s18] =	ssyncset.done $0x0  }
0x68: {  	s31 =	sor.u32 $0x1400, s26;
	[sflag:s18] =	ssyncadd.s32 $0xFFFFC000  }
0x69: {  	[spmem:s2] =	stream.indirect.scatter.add.f32 [tilespmem:s16], [sflag:$0x5], $0x80, s31, s15, $0xb8;
	[tilespmem:$0x1DC00] =	vst v63  }
0x6a: {  	_ =	swait.ge [sflag:s11], $0x4000  }
0x6b: {  	[sflag:s11] =	ssyncset.done $0x0  }
0x6c: {  	s29 =	sadd.s32 $0x500, s26;
	[sflag:s11] =	ssyncadd.s32 $0xFFFFC000  }
0x6d: {  	[tilespmem:s16], [sflag:$0x1] =	stream.indirect.gather [hbm4b:s4+s15], $0x80, s29, s15, $0xb8;
	[tilespmem:$0x1DC00] =	vst v63  }
0x6e: {  	_ =	swait.ge [sflag:s19], $0x4000  }
0x6f: {  	[sflag:s19] =	ssyncset.done $0x0  }
0x70: {  	s30 =	sor.u32 $0x1480, s26;
	[sflag:s19] =	ssyncadd.s32 $0xFFFFC000  }
0x71: {  	[spmem:s2] =	stream.indirect.scatter.add.f32 [tilespmem:s17], [sflag:$0x5], $0x80, s30, s15, $0xb8;
	[tilespmem:$0x1DC00] =	vst v63  }
0x72: {  	_ =	swait.ge [sflag:s11], $0x4000  }
0x73: {  	[sflag:s11] =	ssyncset.done $0x0  }
0x74: {  	s31 =	sor.u32 $0x580, s26;
	[sflag:s11] =	ssyncadd.s32 $0xFFFFC000  }
0x75: {  	[tilespmem:s17], [sflag:$0x2] =	stream.indirect.gather [hbm4b:s4+s15], $0x80, s31, s15, $0xb8;
	[tilespmem:$0x1DC00] =	vst v63  }
0x76: {  	_ =	swait.ge [sflag:s18], $0x4000  }
0x77: {  	[sflag:s18] =	ssyncset.done $0x0  }
0x78: {  	s29 =	sor.u32 $0x1500, s26;
	[sflag:s18] =	ssyncadd.s32 $0xFFFFC000  }
0x79: {  	[spmem:s2] =	stream.indirect.scatter.add.f32 [tilespmem:s16], [sflag:$0x5], $0x80, s29, s15, $0xb8;
	[tilespmem:$0x1DC00] =	vst v63  }
0x7a: {  	_ =	swait.ge [sflag:s11], $0x4000  }
0x7b: {  	[sflag:s11] =	ssyncset.done $0x0  }
0x7c: {  	s30 =	sadd.s32 $0x600, s26;
	[sflag:s11] =	ssyncadd.s32 $0xFFFFC000  }
0x7d: {  	[tilespmem:s16], [sflag:$0x1] =	stream.indirect.gather [hbm4b:s4+s15], $0x80, s30, s15, $0xb8;
	[tilespmem:$0x1DC00] =	vst v63  }
0x7e: {  	_ =	swait.ge [sflag:s19], $0x4000  }
0x7f: {  	[sflag:s19] =	ssyncset.done $0x0  }
0x80: {  	s31 =	sor.u32 $0x1580, s26;
	[sflag:s19] =	ssyncadd.s32 $0xFFFFC000  }
0x81: {  	[spmem:s2] =	stream.indirect.scatter.add.f32 [tilespmem:s17], [sflag:$0x5], $0x80, s31, s15, $0xb8;
	[tilespmem:$0x1DC00] =	vst v63  }
0x82: {  	_ =	swait.ge [sflag:s11], $0x4000  }
0x83: {  	[sflag:s11] =	ssyncset.done $0x0  }
0x84: {  	s29 =	sor.u32 $0x680, s26;
	[sflag:s11] =	ssyncadd.s32 $0xFFFFC000  }
0x85: {  	[tilespmem:s17], [sflag:$0x2] =	stream.indirect.gather [hbm4b:s4+s15], $0x80, s29, s15, $0xb8;
	[tilespmem:$0x1DC00] =	vst v63  }
0x86: {  	_ =	swait.ge [sflag:s18], $0x4000  }
0x87: {  	[sflag:s18] =	ssyncset.done $0x0  }
0x88: {  	s30 =	sor.u32 $0x1600, s26;
	[sflag:s18] =	ssyncadd.s32 $0xFFFFC000  }
0x89: {  	[spmem:s2] =	stream.indirect.scatter.add.f32 [tilespmem:s16], [sflag:$0x5], $0x80, s30, s15, $0xb8;
	[tilespmem:$0x1DC00] =	vst v63  }
0x8a: {  	_ =	swait.ge [sflag:s11], $0x4000  }
0x8b: {  	[sflag:s11] =	ssyncset.done $0x0  }
0x8c: {  	s31 =	sadd.s32 $0x700, s26;
	[sflag:s11] =	ssyncadd.s32 $0xFFFFC000  }
0x8d: {  	[tilespmem:s16], [sflag:$0x1] =	stream.indirect.gather [hbm4b:s4+s15], $0x80, s31, s15, $0xb8;
	[tilespmem:$0x1DC00] =	vst v63  }
0x8e: {  	_ =	swait.ge [sflag:s19], $0x4000  }
0x8f: {  	[sflag:s19] =	ssyncset.done $0x0  }
0x90: {  	s29 =	sor.u32 $0x1680, s26;
	[sflag:s19] =	ssyncadd.s32 $0xFFFFC000  }
0x91: {  	[spmem:s2] =	stream.indirect.scatter.add.f32 [tilespmem:s17], [sflag:$0x5], $0x80, s29, s15, $0xb8;
	[tilespmem:$0x1DC00] =	vst v63  }
0x92: {  	_ =	swait.ge [sflag:s11], $0x4000  }
0x93: {  	[sflag:s11] =	ssyncset.done $0x0  }
0x94: {  	s30 =	sor.u32 $0x780, s26;
	[sflag:s11] =	ssyncadd.s32 $0xFFFFC000  }
0x95: {  	[tilespmem:s17], [sflag:$0x2] =	stream.indirect.gather [hbm4b:s4+s15], $0x80, s30, s15, $0xb8;
	[tilespmem:$0x1DC00] =	vst v63  }
0x96: {  	_ =	swait.ge [sflag:s18], $0x4000  }
0x97: {  	[sflag:s18] =	ssyncset.done $0x0  }
0x98: {  	s31 =	sor.u32 $0x1700, s26;
	[sflag:s18] =	ssyncadd.s32 $0xFFFFC000  }
0x99: {  	[spmem:s2] =	stream.indirect.scatter.add.f32 [tilespmem:s16], [sflag:$0x5], $0x80, s31, s15, $0xb8;
	[tilespmem:$0x1DC00] =	vst v63  }
0x9a: {  	_ =	swait.ge [sflag:s11], $0x4000  }
0x9b: {  	[sflag:s11] =	ssyncset.done $0x0  }
0x9c: {  	[sflag:s11] =	ssyncadd.s32 $0xFFFFC000  }
0x9d: {  	_ =	swait.ge [sflag:s19], $0x4000  }
0x9e: {  	[sflag:s19] =	ssyncset.done $0x0  }
0x9f: {  	s26 =	sor.u32 $0x1780, s26;
	[sflag:s19] =	ssyncadd.s32 $0xFFFFC000  }
0xa0: {  	[spmem:s2] =	stream.indirect.scatter.add.f32 [tilespmem:s17], [sflag:$0x5], $0x80, s26, s15, $0xb8;
	[tilespmem:$0x1DC00] =	vst v63  }
0xa1: {  	_ =	swait.ge [sflag:s11], $0x4000  }
0xa2: {  	s25 =	sadd.s32 $0x1, s25;
	[sflag:s11] =	ssyncset.done $0x0  }
0xa3: {  	p1 =	sne.s32 @!p0 s25, $0x5;
	s26 =	simm.s32 @!p0 $0x3;
	[sflag:s11] =	ssyncadd.s32 $0xFFFFC000  }
0xa4: {  	p1 =	por p0, !p1;
	_ =	swait.ge @!p0 [sflag:s26], $0x800  }
.Ltmp0:
0xa5: {  	[sflag:s26] =	ssyncset.done @!p0 $0x0;
	(pc) =	sbr.rel @!p1 .LBB2_2-.Ltmp0, $4  }
0xa6: {  	[sflag:s26] =	ssyncadd.s32 @!p0 $0xFFFFF800;
	s26 =	simm.s32 @!p0 $0x4  }
0xa7: {  	_ =	swait.ge @!p0 [sflag:s26], $0x800  }
0xa8: {  	s22 =	sadd.s32 @!p0 $0x800, s22;
	[sflag:s26] =	ssyncset.done @!p0 $0x0  }
0xa9: {  	s23 =	sadd.s32 @!p0 $0x100, s23;
	s24 =	sadd.s32 @!p0 $0x100, s24;
	[sflag:s26] =	ssyncadd.s32 @!p0 $0xFFFFF800  }
0xaa: {  	s21 =	sadd.s32 $0x1, s21  }
0xab: {  	p0 =	sne.s32 s21, s9  }
.Ltmp1:
0xac: {  	[bflag:$0x0] =	sbarrier.arrive $0xFFFF;
	(pc) =	sbr.rel @p0 .LBB2_1-.Ltmp1, $4  }
0xad: {  	[hbm:s20], [sflag:s6] =	dma.local [spmem:s10], $0x2780  }
0xae: {  	_ =	swait.ge [sflag:s11], $0x2780  }
0xaf: {  	[sflag:s11] =	ssyncset.done $0x0  }
0xb0: {  	[sflag:s11] =	ssyncadd.s32 $0xFFFFD880  }
0xb1: {  	_ =	sfence.sel $0x180000  }
0xb2: {  	[bflag:$0x0] =	sbarrier.arrive $0xFFFF  }
0xb3: {  	p0 =	sne.s32 s0, $0x0;
	_ =	strace $0x9000004A  }
0xb4: {  	s0 =	sadd.s32 @!p0 $0x100000, s1;
	[bflag:$0x2] =	sbarrier.arrive $0xFFFF  }
0xb5: {  	[sflag:s0] =	ssyncadd.tile.s32 @!p0 $0x1;
	_ =	shalt  }
.Lfunc_end2:
_tile_overlayer_lowered:
.L_overlay_start_2:
0xb6: {  	(tag) =	ssettag $0x2  }
0xb7: {  	s0 =	rddreg [dreg:$0x0];
	s2 =	stileid.u32  }
0xb8: {  	s1 =	rddreg [dreg:$0x1];
	p0 =	sne.s32 s2, $0x0  }
0xb9: {  	s3 =	rddreg [dreg:$0x2];
	[bflag:$0x3] =	sbarrier.arrive $0xFFFF;
	s2 =	simm.s32 @!p0 $0x1C05  }
0xba: {  	[timem:s3], [sflag:s2] =	dma.local @!p0 [hbm:s0], s1  }
0xbb: {  	s0 =	simm.s32 @!p0 $0x5  }
0xbc: {  	_ =	swait.ge @!p0 [sflag:s0], s1  }
0xbd: {  	s1 =	ssub.s32 @!p0 $0x0, s1;
	[sflag:s0] =	ssyncset.done @!p0 $0x0  }
0xbe: {  	[sflag:s0] =	ssyncadd.s32 @!p0 s1  }
0xbf: {  	[bflag:$0x3] =	sbarrier.arrive $0xFFFF  }
0xc0: {  	_ =	shalt  }

// kernel: kernel.18.cloned.1.call-start
scs
__scs_entry_jumppad:
0x0: {  	(pc) =	sbr.rel $0x88, $3  }
0x1: {  	(tag) =	ssettag $0x0;
	lr =	simm.s32 $0x1  }
0x2: {  	[smem:$0x3F80] =	sst lr;
	_ =	strace $0xD0000000  }
0x3: {  	_ = 	snop  }
0x4: {  	_ = 	snop  }
0x5: {  	_ = 	snop  }
0x6: {  	_ = 	snop  }
0x7: {  	_ = 	snop  }
__scs_overlays_trampoline_lowered:
0x8: {  	[smem:$0x3F8F] =	sst s0  }
0x9: {  	[smem:$0x3F90] =	sst s1  }
0xa: {  	[smem:$0x3F91] =	sst s2  }
0xb: {  	[smem:$0x3F92] =	sst s3  }
0xc: {  	[smem:$0x3F93] =	sst s4  }
0xd: {  	[smem:$0x3F94] =	sst s5  }
0xe: {  	[smem:$0x3F95] =	sst s6  }
0xf: {  	[smem:$0x3F96] =	sst s7  }
0x10: {  	[smem:$0x3F97] =	sst s8  }
0x11: {  	[smem:$0x3F98] =	sst s9;
	s0 =	simm.s32 @!p0 $0x0  }
0x12: {  	s1 =	sld [smem:$0x3F7E];
	s0 =	simm.s32 @p0 $0x1  }
0x13: {  	[smem:$0x3F99] =	sst s0;
	s0 =	simm.s32 @!p1 $0x0  }
0x14: {  	s2 =	sld [smem:$0x3F7D];
	s0 =	simm.s32 @p1 $0x1  }
0x15: {  	[smem:$0x3F9A] =	sst s0;
	s0 =	simm.s32 @!p2 $0x0  }
0x16: {  	s3 =	sld [smem:$0x3FDB];
	s0 =	simm.s32 @p2 $0x1  }
0x17: {  	s4 =	simm.s32 $0x1BF5;
	[smem:$0x3F9C] =	sst s0  }
0x18: {  	s0 =	sld [smem:$0x3F7F];
	_ =	swait.ge [sflag:s4], $0x0  }
0x19: {  	s7 =	sld [smem:$0x3F80]  }
0x1a: {  	s8 =	sadd.s32 $0xFFFFE003, lr  }
0x1b: {  	s9 =	sadd.s32 $0xFFFFFEF7, lr;
	s5 =	simm.s32 $0xFFFFFFFF;
	p2 =	slt.u32 s8, $0xFFFFF086  }
0x1c: {  	p1 =	slt.u32 s9, $0xF7A;
	s5 =	simm.s32 @!p2 $0x0  }
0x1d: {  	s5 =	simm.s32 @p1 $0x1;
	p0 =	seq.s32 s7, s2  }
0x1e: {  	s7 =	smul.u32 @!p0 $0xF7A, s2;
	p2 =	seq.s32 @!p0 s5, $0x0  }
0x1f: {  	s9 =	smul.u32 $0xF7A, s1;
	s8 =	simm.s32 @!p0 $0x1BF5;
	p2 =	por !p2, p0  }
0x20: {  	[sflag:s8] =	ssyncset.s32 @!p0 $0xFFFFF086;
	s6 =	sadd.s32 @!p0 s3, s7;
	s7 =	simm.s32 @!p0 $0x108  }
0x21: {  	s3 =	sadd.s32 s3, s9;
	s6 =	sadd.s32 @!p0 $0x88, s6;
	s7 =	simm.s32 @p2 $0x1082  }
0x22: {  	[simem:s7], [sflag:s8] =	dma.local @!p0 [hbm:s6], $0xF7A  }
0x23: {  	s9 =	sor.u32 $0xD0000000, s2;
	s6 =	simm.s32 $0x108;
	_ =	swait.ge @!p0 [sflag:s8], $0x0  }
0x24: {  	s3 =	sadd.s32 $0x88, s3;
	s6 =	simm.s32 @!p1 $0x1082;
	[sflag:s4] =	ssyncset.s32 $0xFFFFF086  }
0x25: {  	[simem:s6], [sflag:s4] =	dma.local [hbm:s3], $0xF7A  }
0x26: {  	[smem:$0x3F80] =	sst s1;
	(tag) =	ssettag s2;
	_ =	strace s9  }
0x27: {  	s1 =	sld [smem:$0x3F90]  }
0x28: {  	s2 =	sld [smem:$0x3F91]  }
0x29: {  	s4 =	sld [smem:$0x3F93]  }
0x2a: {  	p0 =	seq.s32 s5, $0x0;
	s5 =	sld [smem:$0x3F94]  }
0x2b: {  	s6 =	sld [smem:$0x3F95]  }
0x2c: {  	s7 =	sld [smem:$0x3F96]  }
0x2d: {  	s3 =	simm.s32 $0x108;
	s8 =	sld [smem:$0x3F97]  }
0x2e: {  	s3 =	simm.s32 @!p0 $0x1082;
	s9 =	sld [smem:$0x3F98]  }
0x2f: {  	lr =	sadd.s32 s0, s3;
	s0 =	sld [smem:$0x3F8F]  }
0x30: {  	s3 =	sld [smem:$0x3F92]  }
0x31: {  	[smem:$0x3F9B] =	sst s10  }
0x32: {  	s10 =	sld [smem:$0x3F99];
	_ =	sdelay $0x3  }
0x33: {  	p0 =	seq.s32 s10, $0x1;
	s10 =	sld [smem:$0x3F9B];
	_ =	sdelay $0x3  }
0x34: {  	[smem:$0x3F9B] =	sst s10  }
0x35: {  	s10 =	sld [smem:$0x3F9A];
	_ =	sdelay $0x3  }
0x36: {  	p1 =	seq.s32 s10, $0x1;
	s10 =	sld [smem:$0x3F9B];
	_ =	sdelay $0x3  }
0x37: {  	[smem:$0x3F9B] =	sst s10  }
0x38: {  	s10 =	sld [smem:$0x3F9C]  }
0x39: {  	_ = 	snop;
	(pc) =	sbr.ind lr, $3  }
0x3a: {  	_ = 	snop  }
0x3b: {  	_ = 	snop  }
0x3c: {  	p2 =	seq.s32 s10, $0x1;
	s10 =	sld [smem:$0x3F9B]  }
0x3d: {  	_ =	shalt  }
0x3e: {  	_ =	shalt  }
0x3f: {  	_ =	shalt  }
0x40: {  	_ =	shalt  }
0x41: {  	_ =	shalt  }
0x42: {  	_ =	shalt  }
0x43: {  	_ =	shalt  }
0x44: {  	_ =	shalt  }
0x45: {  	_ =	shalt  }
0x46: {  	_ =	shalt  }
0x47: {  	_ =	shalt  }
0x48: {  	_ =	shalt  }
0x49: {  	_ =	shalt  }
0x4a: {  	_ =	shalt  }
0x4b: {  	_ =	shalt  }
0x4c: {  	_ =	shalt  }
0x4d: {  	_ =	shalt  }
0x4e: {  	_ =	shalt  }
0x4f: {  	_ =	shalt  }
0x50: {  	_ =	shalt  }
0x51: {  	_ =	shalt  }
0x52: {  	_ =	shalt  }
0x53: {  	_ =	shalt  }
0x54: {  	_ =	shalt  }
0x55: {  	_ =	shalt  }
0x56: {  	_ =	shalt  }
0x57: {  	_ =	shalt  }
0x58: {  	_ =	shalt  }
0x59: {  	_ =	shalt  }
0x5a: {  	_ =	shalt  }
0x5b: {  	_ =	shalt  }
0x5c: {  	_ =	shalt  }
0x5d: {  	_ =	shalt  }
0x5e: {  	_ =	shalt  }
0x5f: {  	_ =	shalt  }
0x60: {  	_ =	shalt  }
0x61: {  	_ =	shalt  }
0x62: {  	_ =	shalt  }
0x63: {  	_ =	shalt  }
0x64: {  	_ =	shalt  }
0x65: {  	_ =	shalt  }
0x66: {  	_ =	shalt  }
0x67: {  	_ =	shalt  }
0x68: {  	_ =	shalt  }
0x69: {  	_ =	shalt  }
0x6a: {  	_ =	shalt  }
0x6b: {  	_ =	shalt  }
0x6c: {  	_ =	shalt  }
0x6d: {  	_ =	shalt  }
0x6e: {  	_ =	shalt  }
0x6f: {  	_ =	shalt  }
0x70: {  	_ =	shalt  }
0x71: {  	_ =	shalt  }
0x72: {  	_ =	shalt  }
0x73: {  	_ =	shalt  }
0x74: {  	_ =	shalt  }
0x75: {  	_ =	shalt  }
0x76: {  	_ =	shalt  }
0x77: {  	_ =	shalt  }
0x78: {  	_ =	shalt  }
0x79: {  	_ =	shalt  }
0x7a: {  	_ =	shalt  }
0x7b: {  	_ =	shalt  }
0x7c: {  	_ =	shalt  }
0x7d: {  	_ =	shalt  }
0x7e: {  	_ =	shalt  }
0x7f: {  	_ =	shalt  }
0x80: {  	_ =	shalt  }
0x81: {  	_ =	shalt  }
0x82: {  	_ =	shalt  }
0x83: {  	_ =	shalt  }
0x84: {  	_ =	shalt  }
0x85: {  	_ =	shalt  }
0x86: {  	_ =	shalt  }
0x87: {  	_ =	shalt  }
.Lfunc_end0:
.L_simem_size_0:
called_computation.2_lowered:
.L_overlay_start_0:
0x88: {  	s2 =	sld [smem:$0x3FD9]  }
0x89: {  	s3 =	sld [smem:$0x3FFE];
	_ =	sdelay $0x1  }
0x8a: {  	s1 =	srdreg.scid  }
0x8b: {  	s0 =	sand.u32 $0x1, s1  }
0x8c: {  	s16 =	sshll.u32 s0, $0xA;
	s2 =	sadd.s32 s3, s2  }
0x8d: {  	s2 =	sadd.s32 s2, s16  }
0x8e: {  	[smem:$0x3FA7] =	sst s2  }
0x8f: {  	_ = 	snop  }
0x90: {  	(tm) =	ssettm $0x1  }
0x91: {  	s17 =	sld [smem:$0x3FFB];
	_ =	sdelay $0x3  }
0x92: {  	_ =	strace s17  }
0x93: {  	s2 =	sld [smem:$0x3FFC];
	_ =	sdelay $0x3  }
0x94: {  	_ =	strace s2  }
0x95: {  	s2 =	sld [smem:$0x3FFD];
	_ =	sdelay $0x3  }
0x96: {  	_ =	strace s2  }
0x97: {  	_ =	strace $0x8FFFFFFF  }
0x98: {  	s18 =	sld [smem:$0x3FDB];
	_ =	sdelay $0x1  }
0x99: {  	s19 =	simm.s32 $_scs_section_size  }
0x9a: {  	s4 =	simm.s32 $_size__tile_overlayer_lowered;
	s5 =	simm.s32 $_tile_overlayer_lowered  }
0x9b: {  	s22 =	simm.s32 $0x1BFF;
	s21 =	sshll.u32 s5, $0x1;
	s2 =	sadd.s32 s19, s18  }
0x9c: {  	s6 =	simm.s32 $0x0;
	s20 =	sshll.u32 s4, $0x1;
	s4 =	sadd.s32 s21, s2  }
0x9d: {  	[timem:s6], [sflag:s22] =	dma.local [hbm:s4], s20  }
0x9e: {  	_ =	swait.ge [sflag:s22], s20  }
0x9f: {  	s3 =	ssub.s32 $0x0, s20;
	[sflag:s22] =	ssyncset.done $0x0  }
0xa0: {  	[sflag:s22] =	ssyncadd.s32 s3;
	_ =	sdelay $0x1  }
0xa1: {  	s23 =	simm.s32 $0x1B8B  }
0xa2: {  	_ =	swait.ge [sflag:s23], $0x1  }
0xa3: {  	[sflag:s23] =	ssyncset.done $0x0  }
0xa4: {  	s25 =	simm.s32 $0x1B8E;
	s24 =	sld [smem:$0x3FFE];
	[sflag:s23] =	ssyncadd.s32 $0xFFFFFFFF  }
0xa5: {  	s26 =	simm.s32 $execute0_lowered;
	[smem:$0x3FD2] =	sst s25  }
0xa6: {  	s4 =	sshll.u32 s26, $0x1;
	_ =	strace $0x8000004C;
	[dreg:$0x1] =	wrdreg $0xFFFFFFFF  }
0xa7: {  	s28 =	simm.s32 $_size_execute0_lowered;
	s2 =	sadd.s32 s2, s4;
	[dreg:$0x0] =	wrdreg $0x0  }
0xa8: {  	s4 =	sshll.u32 s28, $0x1;
	[dreg:$0x2] =	wrdreg s2  }
0xa9: {  	[dreg:$0x3] =	wrdreg s4  }
0xaa: {  	[dreg:$0x4] =	wrdreg $0xC0  }
0xab: {  	_ =	task [dreg:s6], $0x5FFFF  }
0xac: {  	[dreg:$0x1] =	wrdreg $0xFFFFFFFF  }
0xad: {  	[dreg:$0x0] =	wrdreg $0x60  }
0xae: {  	[dreg:$0x2] =	wrdreg s24  }
0xaf: {  	[dreg:$0x3] =	wrdreg $0xA0000  }
0xb0: {  	[dreg:$0x4] =	wrdreg $0x9  }
0xb1: {  	_ =	task.clear_ibuf [dreg:s6], $0x5FFFF;
	_ =	strace $0x9000004C  }
0xb2: {  	s29 =	simm.s32 $0x9;
	_ =	strace $0x8000004E  }
0xb3: {  	_ =	swait.ge [sflag:s29], $0x1  }
0xb4: {  	[sflag:s29] =	ssyncadd.s32 $0xFFFFFFFF  }
0xb5: {  	_ =	strace $0x9000004E  }
0xb6: {  	_ =	sfence  }
0xb7: {  	s30 =	sld [smem:$0x0];
	_ =	sdelay $0x2  }
0xb8: {  	s31 =	sshll.u32 s1, $0xD;
	s1 =	sshrl.u32 s1, $0x2  }
0xb9: {  	s3 =	sand.u32 $0x4000, s31;
	s1 =	sadd.s32 s1, s30  }
0xba: {  	s0 =	sor.u32 s3, s0;
	s1 =	sshll.u32 s1, $0x11  }
0xbb: {  	s0 =	sor.u32 s1, s0  }
0xbc: {  	s0 =	sadd.s32 $0x8F2B, s0  }
0xbd: {  	[sflag:s0] =	ssyncadd.remote.s32 $0x1  }
0xbe: {  	_ =	sfence.sel $0xFFFF  }
0xbf: {  	[dreg:$0x0] =	wrdreg $0xFFFFFFFF;
	(pc) =	sbr.abs _section_cstart, $3  }
0xc0: {  	[dreg:$0x1] =	wrdreg $0xFFFFFFFF  }
0xc1: {  	_ =	task.clear_ibuf [dreg:s6], $0x2FFFF;
	_ =	strace $0x9FFFFFFF  }
0xc2: {  	(tm) =	ssettm $0x7FFFFFFF  }
0xc3: {  	_ =	shalt  }
tec
execute0_lowered:
.L_overlay_start_1:
0x0: {  	(tag) =	ssettag $0x1  }
0x1: {  	s6 =	rddreg [dreg:$0x0]  }
0x2: {  	s0 =	srdreg.scid;
	s2 =	rddreg [dreg:$0x1];
	s3 =	simm.s32 $0x0  }
0x3: {  	s15 =	simm.s32 $0x80;
	s16 =	simm.s32 $0x2000;
	s17 =	simm.s32 $0x6000  }
0x4: {  	s18 =	simm.s32 $0x1;
	s5 =	sand.u32 $0x1, s0;
	s0 =	stileid.u32  }
0x5: {  	s19 =	simm.s32 $0x2;
	[smem:$0x7FF] =	sst s3;
	s20 =	smul.u32 $0x2780, s0  }
0x6: {  	s4 =	sadd.s32 $0x41A00, s6;
	s1 =	sshll.u32 s5, $0x4;
	s8 =	smul.u32 $0x27800, s5  }
0x7: {  	s9 =	smul.u32 $0x4F000, s0;
	s5 =	ssub.s32 $0x2, s5;
	s1 =	sor.u32 s0, s1  }
0x8: {  	s31 =	sshll.u32 s0, $0x6;
	s28 =	sshrl.u32 s5, $0x1;
	s7 =	smul.u32 $0x500, s1  }
0x9: {  	s1 =	rddreg [dreg:$0x2];
	_ =	strace $0x8000004D;
	s26 =	sadd.s32 s20, s6  }
0xa: {  	s11 =	sadd.s32 s8, s6;
	s29 =	sshrl.u32 s9, $0x2;
	s30 =	ssub.s32 s5, s28  }
0xb: {  	s12 =	sadd.s32 s29, s2;
	s5 =	sadd.s32 $0x17A200, s26;
	s21 =	sadd.s32 $0x1C8C00, s11  }
0xc: {  	s9 =	smax.u32 s30, $0x1;
	s11 =	simm.s32 $0x5;
	s10 =	sadd.s32 s7, s6  }
0xd: {  	s6 =	sor.u32 $0x1C05, s31;
	s20 =	sadd.s32 s20, s21;
	s21 =	simm.s32 $0x0  }
0xe: {  	s7 =	sadd.s32 $0x2DA00, s10;
	s8 =	sadd.s32 $0x37A00, s10;
	s10 =	sshrl.u32 s12, $0x3  }
0xf: {  	s12 =	simm.s32 $0x1000;
	s13 =	sadd.s32 $0x100, s8;
	s14 =	sadd.s32 $0x100, s7  }
.LBB2_1:
0x10: {  	[spmem:s10], [sflag:s6] =	dma.local [hbm:s5], $0x2780  }
0x11: {  	_ =	swait.ge [sflag:s11], $0x2780  }
0x12: {  	[sflag:s11] =	ssyncset.done $0x0  }
0x13: {  	[sflag:s11] =	ssyncadd.s32 $0xFFFFD880  }
0x14: {  	[tilespmem:s3], [sflag:$0x5] =	stream.linear.gather [hbm4b:s7+s3], $0x800, $0x38;
	[tilespmem:$0x1DC00] =	vst v63  }
0x15: {  	_ =	swait.ge [sflag:s11], $0x800  }
0x16: {  	[sflag:s11] =	ssyncset.done $0x0  }
0x17: {  	[sflag:s11] =	ssyncadd.s32 $0xFFFFF800  }
0x18: {  	[tilespmem:s12], [sflag:$0x5] =	stream.linear.gather [hbm4b:s8+s3], $0x800, $0x38;
	[tilespmem:$0x1DC00] =	vst v63  }
0x19: {  	_ =	swait.ge [sflag:s11], $0x800  }
0x1a: {  	[sflag:s11] =	ssyncset.done $0x0  }
0x1b: {  	s22 =	simm.s32 $0x800;
	s23 =	smov.u32 s14;
	[sflag:s11] =	ssyncadd.s32 $0xFFFFF800  }
0x1c: {  	s24 =	smov.u32 s13;
	s25 =	simm.s32 $0x0;
	[bflag:$0x0] =	sbarrier.arrive $0xFFFF  }
.LBB2_2:
0x1d: {  	p0 =	seq.s32 s25, $0x4  }
0x1e: {  	s26 =	sand.u32 @!p0 $0x800, s22;
	s28 =	simm.s32 @!p0 $0x0  }
0x1f: {  	[tilespmem:s26], [sflag:$0x3] =	stream.linear.gather @!p0 [hbm4b:s23+s28], $0x800, $0x38;
	[tilespmem:$0x1DC00] =	vst v63  }
0x20: {  	s29 =	sand.u32 $0x1, s25;
	s26 =	sor.u32 @!p0 $0x1000, s26  }
0x21: {  	[tilespmem:s26], [sflag:$0x4] =	stream.linear.gather @!p0 [hbm4b:s24+s28], $0x800, $0x38;
	[tilespmem:$0x1DC00] =	vst v63  }
0x22: {  	s26 =	sshll.u32 s29, $0xB  }
0x23: {  	[tilespmem:s16], [sflag:$0x1] =	stream.indirect.gather [hbm4b:s4+s15], $0x80, s26, s15, $0xb8;
	[tilespmem:$0x1DC00] =	vst v63  }
0x24: {  	s31 =	sor.u32 $0x80, s26  }
0x25: {  	[tilespmem:s17], [sflag:$0x2] =	stream.indirect.gather [hbm4b:s4+s15], $0x80, s31, s15, $0xb8;
	[tilespmem:$0x1DC00] =	vst v63  }
0x26: {  	_ =	swait.ge [sflag:s18], $0x4000  }
0x27: {  	[sflag:s18] =	ssyncset.done $0x0  }
0x28: {  	s30 =	sor.u32 $0x1000, s26;
	[sflag:s18] =	ssyncadd.s32 $0xFFFFC000  }
0x29: {  	[spmem:s2] =	stream.indirect.scatter.add.f32 [tilespmem:s16], [sflag:$0x5], $0x80, s30, s15, $0xb8;
	[tilespmem:$0x1DC00] =	vst v63  }
0x2a: {  	_ =	swait.ge [sflag:s11], $0x4000  }
0x2b: {  	[sflag:s11] =	ssyncset.done $0x0  }
0x2c: {  	s31 =	sor.u32 $0x100, s26;
	[sflag:s11] =	ssyncadd.s32 $0xFFFFC000  }
0x2d: {  	[tilespmem:s16], [sflag:$0x1] =	stream.indirect.gather [hbm4b:s4+s15], $0x80, s31, s15, $0xb8;
	[tilespmem:$0x1DC00] =	vst v63  }
0x2e: {  	_ =	swait.ge [sflag:s19], $0x4000  }
0x2f: {  	[sflag:s19] =	ssyncset.done $0x0  }
0x30: {  	s26 =	sor.u32 $0x1080, s26;
	[sflag:s19] =	ssyncadd.s32 $0xFFFFC000  }
0x31: {  	[spmem:s2] =	stream.indirect.scatter.add.f32 [tilespmem:s17], [sflag:$0x5], $0x80, s26, s15, $0xb8;
	[tilespmem:$0x1DC00] =	vst v63  }
0x32: {  	s29 =	sshll.u32 s29, $0x4;
	_ =	swait.ge [sflag:s11], $0x4000  }
0x33: {  	s26 =	sshll.u32 s29, $0x7;
	[sflag:s11] =	ssyncset.done $0x0  }
0x34: {  	s30 =	sor.u32 $0x180, s26;
	[sflag:s11] =	ssyncadd.s32 $0xFFFFC000  }
0x35: {  	[tilespmem:s17], [sflag:$0x2] =	stream.indirect.gather [hbm4b:s4+s15], $0x80, s30, s15, $0xb8;
	[tilespmem:$0x1DC00] =	vst v63  }
0x36: {  	_ =	swait.ge [sflag:s18], $0x4000  }
0x37: {  	[sflag:s18] =	ssyncset.done $0x0  }
0x38: {  	s31 =	sor.u32 $0x1100, s26;
	[sflag:s18] =	ssyncadd.s32 $0xFFFFC000  }
0x39: {  	[spmem:s2] =	stream.indirect.scatter.add.f32 [tilespmem:s16], [sflag:$0x5], $0x80, s31, s15, $0xb8;
	[tilespmem:$0x1DC00] =	vst v63  }
0x3a: {  	_ =	swait.ge [sflag:s11], $0x4000  }
0x3b: {  	[sflag:s11] =	ssyncset.done $0x0  }
0x3c: {  	s29 =	sadd.s32 $0x200, s26;
	[sflag:s11] =	ssyncadd.s32 $0xFFFFC000  }
0x3d: {  	[tilespmem:s16], [sflag:$0x1] =	stream.indirect.gather [hbm4b:s4+s15], $0x80, s29, s15, $0xb8;
	[tilespmem:$0x1DC00] =	vst v63  }
0x3e: {  	_ =	swait.ge [sflag:s19], $0x4000  }
0x3f: {  	[sflag:s19] =	ssyncset.done $0x0  }
0x40: {  	s30 =	sor.u32 $0x1180, s26;
	[sflag:s19] =	ssyncadd.s32 $0xFFFFC000  }
0x41: {  	[spmem:s2] =	stream.indirect.scatter.add.f32 [tilespmem:s17], [sflag:$0x5], $0x80, s30, s15, $0xb8;
	[tilespmem:$0x1DC00] =	vst v63  }
0x42: {  	_ =	swait.ge [sflag:s11], $0x4000  }
0x43: {  	[sflag:s11] =	ssyncset.done $0x0  }
0x44: {  	s31 =	sor.u32 $0x280, s26;
	[sflag:s11] =	ssyncadd.s32 $0xFFFFC000  }
0x45: {  	[tilespmem:s17], [sflag:$0x2] =	stream.indirect.gather [hbm4b:s4+s15], $0x80, s31, s15, $0xb8;
	[tilespmem:$0x1DC00] =	vst v63  }
0x46: {  	_ =	swait.ge [sflag:s18], $0x4000  }
0x47: {  	[sflag:s18] =	ssyncset.done $0x0  }
0x48: {  	s29 =	sor.u32 $0x1200, s26;
	[sflag:s18] =	ssyncadd.s32 $0xFFFFC000  }
0x49: {  	[spmem:s2] =	stream.indirect.scatter.add.f32 [tilespmem:s16], [sflag:$0x5], $0x80, s29, s15, $0xb8;
	[tilespmem:$0x1DC00] =	vst v63  }
0x4a: {  	_ =	swait.ge [sflag:s11], $0x4000  }
0x4b: {  	[sflag:s11] =	ssyncset.done $0x0  }
0x4c: {  	s30 =	sadd.s32 $0x300, s26;
	[sflag:s11] =	ssyncadd.s32 $0xFFFFC000  }
0x4d: {  	[tilespmem:s16], [sflag:$0x1] =	stream.indirect.gather [hbm4b:s4+s15], $0x80, s30, s15, $0xb8;
	[tilespmem:$0x1DC00] =	vst v63  }
0x4e: {  	_ =	swait.ge [sflag:s19], $0x4000  }
0x4f: {  	[sflag:s19] =	ssyncset.done $0x0  }
0x50: {  	s31 =	sor.u32 $0x1280, s26;
	[sflag:s19] =	ssyncadd.s32 $0xFFFFC000  }
0x51: {  	[spmem:s2] =	stream.indirect.scatter.add.f32 [tilespmem:s17], [sflag:$0x5], $0x80, s31, s15, $0xb8;
	[tilespmem:$0x1DC00] =	vst v63  }
0x52: {  	_ =	swait.ge [sflag:s11], $0x4000  }
0x53: {  	[sflag:s11] =	ssyncset.done $0x0  }
0x54: {  	s29 =	sor.u32 $0x380, s26;
	[sflag:s11] =	ssyncadd.s32 $0xFFFFC000  }
0x55: {  	[tilespmem:s17], [sflag:$0x2] =	stream.indirect.gather [hbm4b:s4+s15], $0x80, s29, s15, $0xb8;
	[tilespmem:$0x1DC00] =	vst v63  }
0x56: {  	_ =	swait.ge [sflag:s18], $0x4000  }
0x57: {  	[sflag:s18] =	ssyncset.done $0x0  }
0x58: {  	s30 =	sor.u32 $0x1300, s26;
	[sflag:s18] =	ssyncadd.s32 $0xFFFFC000  }
0x59: {  	[spmem:s2] =	stream.indirect.scatter.add.f32 [tilespmem:s16], [sflag:$0x5], $0x80, s30, s15, $0xb8;
	[tilespmem:$0x1DC00] =	vst v63  }
0x5a: {  	_ =	swait.ge [sflag:s11], $0x4000  }
0x5b: {  	[sflag:s11] =	ssyncset.done $0x0  }
0x5c: {  	s31 =	sadd.s32 $0x400, s26;
	[sflag:s11] =	ssyncadd.s32 $0xFFFFC000  }
0x5d: {  	[tilespmem:s16], [sflag:$0x1] =	stream.indirect.gather [hbm4b:s4+s15], $0x80, s31, s15, $0xb8;
	[tilespmem:$0x1DC00] =	vst v63  }
0x5e: {  	_ =	swait.ge [sflag:s19], $0x4000  }
0x5f: {  	[sflag:s19] =	ssyncset.done $0x0  }
0x60: {  	s29 =	sor.u32 $0x1380, s26;
	[sflag:s19] =	ssyncadd.s32 $0xFFFFC000  }
0x61: {  	[spmem:s2] =	stream.indirect.scatter.add.f32 [tilespmem:s17], [sflag:$0x5], $0x80, s29, s15, $0xb8;
	[tilespmem:$0x1DC00] =	vst v63  }
0x62: {  	_ =	swait.ge [sflag:s11], $0x4000  }
0x63: {  	[sflag:s11] =	ssyncset.done $0x0  }
0x64: {  	s30 =	sor.u32 $0x480, s26;
	[sflag:s11] =	ssyncadd.s32 $0xFFFFC000  }
0x65: {  	[tilespmem:s17], [sflag:$0x2] =	stream.indirect.gather [hbm4b:s4+s15], $0x80, s30, s15, $0xb8;
	[tilespmem:$0x1DC00] =	vst v63  }
0x66: {  	_ =	swait.ge [sflag:s18], $0x4000  }
0x67: {  	[sflag:s18] =	ssyncset.done $0x0  }
0x68: {  	s31 =	sor.u32 $0x1400, s26;
	[sflag:s18] =	ssyncadd.s32 $0xFFFFC000  }
0x69: {  	[spmem:s2] =	stream.indirect.scatter.add.f32 [tilespmem:s16], [sflag:$0x5], $0x80, s31, s15, $0xb8;
	[tilespmem:$0x1DC00] =	vst v63  }
0x6a: {  	_ =	swait.ge [sflag:s11], $0x4000  }
0x6b: {  	[sflag:s11] =	ssyncset.done $0x0  }
0x6c: {  	s29 =	sadd.s32 $0x500, s26;
	[sflag:s11] =	ssyncadd.s32 $0xFFFFC000  }
0x6d: {  	[tilespmem:s16], [sflag:$0x1] =	stream.indirect.gather [hbm4b:s4+s15], $0x80, s29, s15, $0xb8;
	[tilespmem:$0x1DC00] =	vst v63  }
0x6e: {  	_ =	swait.ge [sflag:s19], $0x4000  }
0x6f: {  	[sflag:s19] =	ssyncset.done $0x0  }
0x70: {  	s30 =	sor.u32 $0x1480, s26;
	[sflag:s19] =	ssyncadd.s32 $0xFFFFC000  }
0x71: {  	[spmem:s2] =	stream.indirect.scatter.add.f32 [tilespmem:s17], [sflag:$0x5], $0x80, s30, s15, $0xb8;
	[tilespmem:$0x1DC00] =	vst v63  }
0x72: {  	_ =	swait.ge [sflag:s11], $0x4000  }
0x73: {  	[sflag:s11] =	ssyncset.done $0x0  }
0x74: {  	s31 =	sor.u32 $0x580, s26;
	[sflag:s11] =	ssyncadd.s32 $0xFFFFC000  }
0x75: {  	[tilespmem:s17], [sflag:$0x2] =	stream.indirect.gather [hbm4b:s4+s15], $0x80, s31, s15, $0xb8;
	[tilespmem:$0x1DC00] =	vst v63  }
0x76: {  	_ =	swait.ge [sflag:s18], $0x4000  }
0x77: {  	[sflag:s18] =	ssyncset.done $0x0  }
0x78: {  	s29 =	sor.u32 $0x1500, s26;
	[sflag:s18] =	ssyncadd.s32 $0xFFFFC000  }
0x79: {  	[spmem:s2] =	stream.indirect.scatter.add.f32 [tilespmem:s16], [sflag:$0x5], $0x80, s29, s15, $0xb8;
	[tilespmem:$0x1DC00] =	vst v63  }
0x7a: {  	_ =	swait.ge [sflag:s11], $0x4000  }
0x7b: {  	[sflag:s11] =	ssyncset.done $0x0  }
0x7c: {  	s30 =	sadd.s32 $0x600, s26;
	[sflag:s11] =	ssyncadd.s32 $0xFFFFC000  }
0x7d: {  	[tilespmem:s16], [sflag:$0x1] =	stream.indirect.gather [hbm4b:s4+s15], $0x80, s30, s15, $0xb8;
	[tilespmem:$0x1DC00] =	vst v63  }
0x7e: {  	_ =	swait.ge [sflag:s19], $0x4000  }
0x7f: {  	[sflag:s19] =	ssyncset.done $0x0  }
0x80: {  	s31 =	sor.u32 $0x1580, s26;
	[sflag:s19] =	ssyncadd.s32 $0xFFFFC000  }
0x81: {  	[spmem:s2] =	stream.indirect.scatter.add.f32 [tilespmem:s17], [sflag:$0x5], $0x80, s31, s15, $0xb8;
	[tilespmem:$0x1DC00] =	vst v63  }
0x82: {  	_ =	swait.ge [sflag:s11], $0x4000  }
0x83: {  	[sflag:s11] =	ssyncset.done $0x0  }
0x84: {  	s29 =	sor.u32 $0x680, s26;
	[sflag:s11] =	ssyncadd.s32 $0xFFFFC000  }
0x85: {  	[tilespmem:s17], [sflag:$0x2] =	stream.indirect.gather [hbm4b:s4+s15], $0x80, s29, s15, $0xb8;
	[tilespmem:$0x1DC00] =	vst v63  }
0x86: {  	_ =	swait.ge [sflag:s18], $0x4000  }
0x87: {  	[sflag:s18] =	ssyncset.done $0x0  }
0x88: {  	s30 =	sor.u32 $0x1600, s26;
	[sflag:s18] =	ssyncadd.s32 $0xFFFFC000  }
0x89: {  	[spmem:s2] =	stream.indirect.scatter.add.f32 [tilespmem:s16], [sflag:$0x5], $0x80, s30, s15, $0xb8;
	[tilespmem:$0x1DC00] =	vst v63  }
0x8a: {  	_ =	swait.ge [sflag:s11], $0x4000  }
0x8b: {  	[sflag:s11] =	ssyncset.done $0x0  }
0x8c: {  	s31 =	sadd.s32 $0x700, s26;
	[sflag:s11] =	ssyncadd.s32 $0xFFFFC000  }
0x8d: {  	[tilespmem:s16], [sflag:$0x1] =	stream.indirect.gather [hbm4b:s4+s15], $0x80, s31, s15, $0xb8;
	[tilespmem:$0x1DC00] =	vst v63  }
0x8e: {  	_ =	swait.ge [sflag:s19], $0x4000  }
0x8f: {  	[sflag:s19] =	ssyncset.done $0x0  }
0x90: {  	s29 =	sor.u32 $0x1680, s26;
	[sflag:s19] =	ssyncadd.s32 $0xFFFFC000  }
0x91: {  	[spmem:s2] =	stream.indirect.scatter.add.f32 [tilespmem:s17], [sflag:$0x5], $0x80, s29, s15, $0xb8;
	[tilespmem:$0x1DC00] =	vst v63  }
0x92: {  	_ =	swait.ge [sflag:s11], $0x4000  }
0x93: {  	[sflag:s11] =	ssyncset.done $0x0  }
0x94: {  	s30 =	sor.u32 $0x780, s26;
	[sflag:s11] =	ssyncadd.s32 $0xFFFFC000  }
0x95: {  	[tilespmem:s17], [sflag:$0x2] =	stream.indirect.gather [hbm4b:s4+s15], $0x80, s30, s15, $0xb8;
	[tilespmem:$0x1DC00] =	vst v63  }
0x96: {  	_ =	swait.ge [sflag:s18], $0x4000  }
0x97: {  	[sflag:s18] =	ssyncset.done $0x0  }
0x98: {  	s31 =	sor.u32 $0x1700, s26;
	[sflag:s18] =	ssyncadd.s32 $0xFFFFC000  }
0x99: {  	[spmem:s2] =	stream.indirect.scatter.add.f32 [tilespmem:s16], [sflag:$0x5], $0x80, s31, s15, $0xb8;
	[tilespmem:$0x1DC00] =	vst v63  }
0x9a: {  	_ =	swait.ge [sflag:s11], $0x4000  }
0x9b: {  	[sflag:s11] =	ssyncset.done $0x0  }
0x9c: {  	[sflag:s11] =	ssyncadd.s32 $0xFFFFC000  }
0x9d: {  	_ =	swait.ge [sflag:s19], $0x4000  }
0x9e: {  	[sflag:s19] =	ssyncset.done $0x0  }
0x9f: {  	s26 =	sor.u32 $0x1780, s26;
	[sflag:s19] =	ssyncadd.s32 $0xFFFFC000  }
0xa0: {  	[spmem:s2] =	stream.indirect.scatter.add.f32 [tilespmem:s17], [sflag:$0x5], $0x80, s26, s15, $0xb8;
	[tilespmem:$0x1DC00] =	vst v63  }
0xa1: {  	_ =	swait.ge [sflag:s11], $0x4000  }
0xa2: {  	s25 =	sadd.s32 $0x1, s25;
	[sflag:s11] =	ssyncset.done $0x0  }
0xa3: {  	p1 =	sne.s32 @!p0 s25, $0x5;
	s26 =	simm.s32 @!p0 $0x3;
	[sflag:s11] =	ssyncadd.s32 $0xFFFFC000  }
0xa4: {  	p1 =	por p0, !p1;
	_ =	swait.ge @!p0 [sflag:s26], $0x800  }
.Ltmp0:
0xa5: {  	[sflag:s26] =	ssyncset.done @!p0 $0x0;
	(pc) =	sbr.rel @!p1 .LBB2_2-.Ltmp0, $4  }
0xa6: {  	[sflag:s26] =	ssyncadd.s32 @!p0 $0xFFFFF800;
	s26 =	simm.s32 @!p0 $0x4  }
0xa7: {  	_ =	swait.ge @!p0 [sflag:s26], $0x800  }
0xa8: {  	s22 =	sadd.s32 @!p0 $0x800, s22;
	[sflag:s26] =	ssyncset.done @!p0 $0x0  }
0xa9: {  	s23 =	sadd.s32 @!p0 $0x100, s23;
	s24 =	sadd.s32 @!p0 $0x100, s24;
	[sflag:s26] =	ssyncadd.s32 @!p0 $0xFFFFF800  }
0xaa: {  	s21 =	sadd.s32 $0x1, s21  }
0xab: {  	p0 =	sne.s32 s21, s9  }
.Ltmp1:
0xac: {  	[bflag:$0x0] =	sbarrier.arrive $0xFFFF;
	(pc) =	sbr.rel @p0 .LBB2_1-.Ltmp1, $4  }
0xad: {  	[hbm:s20], [sflag:s6] =	dma.local [spmem:s10], $0x2780  }
0xae: {  	_ =	swait.ge [sflag:s11], $0x2780  }
0xaf: {  	[sflag:s11] =	ssyncset.done $0x0  }
0xb0: {  	[sflag:s11] =	ssyncadd.s32 $0xFFFFD880  }
0xb1: {  	_ =	sfence.sel $0x180000  }
0xb2: {  	[bflag:$0x0] =	sbarrier.arrive $0xFFFF  }
0xb3: {  	p0 =	sne.s32 s0, $0x0;
	_ =	strace $0x9000004D  }
0xb4: {  	s0 =	sadd.s32 @!p0 $0x100000, s1;
	[bflag:$0x2] =	sbarrier.arrive $0xFFFF  }
0xb5: {  	[sflag:s0] =	ssyncadd.tile.s32 @!p0 $0x1;
	_ =	shalt  }
.Lfunc_end2:
_tile_overlayer_lowered:
.L_overlay_start_2:
0xb6: {  	(tag) =	ssettag $0x2  }
0xb7: {  	s0 =	rddreg [dreg:$0x0];
	s2 =	stileid.u32  }
0xb8: {  	s1 =	rddreg [dreg:$0x1];
	p0 =	sne.s32 s2, $0x0  }
0xb9: {  	s3 =	rddreg [dreg:$0x2];
	[bflag:$0x3] =	sbarrier.arrive $0xFFFF;
	s2 =	simm.s32 @!p0 $0x1C05  }
0xba: {  	[timem:s3], [sflag:s2] =	dma.local @!p0 [hbm:s0], s1  }
0xbb: {  	s0 =	simm.s32 @!p0 $0x5  }
0xbc: {  	_ =	swait.ge @!p0 [sflag:s0], s1  }
0xbd: {  	s1 =	ssub.s32 @!p0 $0x0, s1;
	[sflag:s0] =	ssyncset.done @!p0 $0x0  }
0xbe: {  	[sflag:s0] =	ssyncadd.s32 @!p0 s1  }
0xbf: {  	[bflag:$0x3] =	sbarrier.arrive $0xFFFF  }
0xc0: {  	_ =	shalt  }

// kernel: kernel.21.cloned.1.call-start
scs
__scs_entry_jumppad:
0x0: {  	(pc) =	sbr.rel $0x88, $3  }
0x1: {  	(tag) =	ssettag $0x0;
	lr =	simm.s32 $0x1  }
0x2: {  	[smem:$0x3F80] =	sst lr;
	_ =	strace $0xD0000000  }
0x3: {  	_ = 	snop  }
0x4: {  	_ = 	snop  }
0x5: {  	_ = 	snop  }
0x6: {  	_ = 	snop  }
0x7: {  	_ = 	snop  }
__scs_overlays_trampoline_lowered:
0x8: {  	[smem:$0x3F8F] =	sst s0  }
0x9: {  	[smem:$0x3F90] =	sst s1  }
0xa: {  	[smem:$0x3F91] =	sst s2  }
0xb: {  	[smem:$0x3F92] =	sst s3  }
0xc: {  	[smem:$0x3F93] =	sst s4  }
0xd: {  	[smem:$0x3F94] =	sst s5  }
0xe: {  	[smem:$0x3F95] =	sst s6  }
0xf: {  	[smem:$0x3F96] =	sst s7  }
0x10: {  	[smem:$0x3F97] =	sst s8  }
0x11: {  	[smem:$0x3F98] =	sst s9;
	s0 =	simm.s32 @!p0 $0x0  }
0x12: {  	s1 =	sld [smem:$0x3F7E];
	s0 =	simm.s32 @p0 $0x1  }
0x13: {  	[smem:$0x3F99] =	sst s0;
	s0 =	simm.s32 @!p1 $0x0  }
0x14: {  	s2 =	sld [smem:$0x3F7D];
	s0 =	simm.s32 @p1 $0x1  }
0x15: {  	[smem:$0x3F9A] =	sst s0;
	s0 =	simm.s32 @!p2 $0x0  }
0x16: {  	s3 =	sld [smem:$0x3FDB];
	s0 =	simm.s32 @p2 $0x1  }
0x17: {  	s4 =	simm.s32 $0x1BF5;
	[smem:$0x3F9C] =	sst s0  }
0x18: {  	s0 =	sld [smem:$0x3F7F];
	_ =	swait.ge [sflag:s4], $0x0  }
0x19: {  	s7 =	sld [smem:$0x3F80]  }
0x1a: {  	s8 =	sadd.s32 $0xFFFFE003, lr  }
0x1b: {  	s9 =	sadd.s32 $0xFFFFFEF7, lr;
	s5 =	simm.s32 $0xFFFFFFFF;
	p2 =	slt.u32 s8, $0xFFFFF086  }
0x1c: {  	p1 =	slt.u32 s9, $0xF7A;
	s5 =	simm.s32 @!p2 $0x0  }
0x1d: {  	s5 =	simm.s32 @p1 $0x1;
	p0 =	seq.s32 s7, s2  }
0x1e: {  	s7 =	smul.u32 @!p0 $0xF7A, s2;
	p2 =	seq.s32 @!p0 s5, $0x0  }
0x1f: {  	s9 =	smul.u32 $0xF7A, s1;
	s8 =	simm.s32 @!p0 $0x1BF5;
	p2 =	por !p2, p0  }
0x20: {  	[sflag:s8] =	ssyncset.s32 @!p0 $0xFFFFF086;
	s6 =	sadd.s32 @!p0 s3, s7;
	s7 =	simm.s32 @!p0 $0x108  }
0x21: {  	s3 =	sadd.s32 s3, s9;
	s6 =	sadd.s32 @!p0 $0x88, s6;
	s7 =	simm.s32 @p2 $0x1082  }
0x22: {  	[simem:s7], [sflag:s8] =	dma.local @!p0 [hbm:s6], $0xF7A  }
0x23: {  	s9 =	sor.u32 $0xD0000000, s2;
	s6 =	simm.s32 $0x108;
	_ =	swait.ge @!p0 [sflag:s8], $0x0  }
0x24: {  	s3 =	sadd.s32 $0x88, s3;
	s6 =	simm.s32 @!p1 $0x1082;
	[sflag:s4] =	ssyncset.s32 $0xFFFFF086  }
0x25: {  	[simem:s6], [sflag:s4] =	dma.local [hbm:s3], $0xF7A  }
0x26: {  	[smem:$0x3F80] =	sst s1;
	(tag) =	ssettag s2;
	_ =	strace s9  }
0x27: {  	s1 =	sld [smem:$0x3F90]  }
0x28: {  	s2 =	sld [smem:$0x3F91]  }
0x29: {  	s4 =	sld [smem:$0x3F93]  }
0x2a: {  	p0 =	seq.s32 s5, $0x0;
	s5 =	sld [smem:$0x3F94]  }
0x2b: {  	s6 =	sld [smem:$0x3F95]  }
0x2c: {  	s7 =	sld [smem:$0x3F96]  }
0x2d: {  	s3 =	simm.s32 $0x108;
	s8 =	sld [smem:$0x3F97]  }
0x2e: {  	s3 =	simm.s32 @!p0 $0x1082;
	s9 =	sld [smem:$0x3F98]  }
0x2f: {  	lr =	sadd.s32 s0, s3;
	s0 =	sld [smem:$0x3F8F]  }
0x30: {  	s3 =	sld [smem:$0x3F92]  }
0x31: {  	[smem:$0x3F9B] =	sst s10  }
0x32: {  	s10 =	sld [smem:$0x3F99];
	_ =	sdelay $0x3  }
0x33: {  	p0 =	seq.s32 s10, $0x1;
	s10 =	sld [smem:$0x3F9B];
	_ =	sdelay $0x3  }
0x34: {  	[smem:$0x3F9B] =	sst s10  }
0x35: {  	s10 =	sld [smem:$0x3F9A];
	_ =	sdelay $0x3  }
0x36: {  	p1 =	seq.s32 s10, $0x1;
	s10 =	sld [smem:$0x3F9B];
	_ =	sdelay $0x3  }
0x37: {  	[smem:$0x3F9B] =	sst s10  }
0x38: {  	s10 =	sld [smem:$0x3F9C]  }
0x39: {  	_ = 	snop;
	(pc) =	sbr.ind lr, $3  }
0x3a: {  	_ = 	snop  }
0x3b: {  	_ = 	snop  }
0x3c: {  	p2 =	seq.s32 s10, $0x1;
	s10 =	sld [smem:$0x3F9B]  }
0x3d: {  	_ =	shalt  }
0x3e: {  	_ =	shalt  }
0x3f: {  	_ =	shalt  }
0x40: {  	_ =	shalt  }
0x41: {  	_ =	shalt  }
0x42: {  	_ =	shalt  }
0x43: {  	_ =	shalt  }
0x44: {  	_ =	shalt  }
0x45: {  	_ =	shalt  }
0x46: {  	_ =	shalt  }
0x47: {  	_ =	shalt  }
0x48: {  	_ =	shalt  }
0x49: {  	_ =	shalt  }
0x4a: {  	_ =	shalt  }
0x4b: {  	_ =	shalt  }
0x4c: {  	_ =	shalt  }
0x4d: {  	_ =	shalt  }
0x4e: {  	_ =	shalt  }
0x4f: {  	_ =	shalt  }
0x50: {  	_ =	shalt  }
0x51: {  	_ =	shalt  }
0x52: {  	_ =	shalt  }
0x53: {  	_ =	shalt  }
0x54: {  	_ =	shalt  }
0x55: {  	_ =	shalt  }
0x56: {  	_ =	shalt  }
0x57: {  	_ =	shalt  }
0x58: {  	_ =	shalt  }
0x59: {  	_ =	shalt  }
0x5a: {  	_ =	shalt  }
0x5b: {  	_ =	shalt  }
0x5c: {  	_ =	shalt  }
0x5d: {  	_ =	shalt  }
0x5e: {  	_ =	shalt  }
0x5f: {  	_ =	shalt  }
0x60: {  	_ =	shalt  }
0x61: {  	_ =	shalt  }
0x62: {  	_ =	shalt  }
0x63: {  	_ =	shalt  }
0x64: {  	_ =	shalt  }
0x65: {  	_ =	shalt  }
0x66: {  	_ =	shalt  }
0x67: {  	_ =	shalt  }
0x68: {  	_ =	shalt  }
0x69: {  	_ =	shalt  }
0x6a: {  	_ =	shalt  }
0x6b: {  	_ =	shalt  }
0x6c: {  	_ =	shalt  }
0x6d: {  	_ =	shalt  }
0x6e: {  	_ =	shalt  }
0x6f: {  	_ =	shalt  }
0x70: {  	_ =	shalt  }
0x71: {  	_ =	shalt  }
0x72: {  	_ =	shalt  }
0x73: {  	_ =	shalt  }
0x74: {  	_ =	shalt  }
0x75: {  	_ =	shalt  }
0x76: {  	_ =	shalt  }
0x77: {  	_ =	shalt  }
0x78: {  	_ =	shalt  }
0x79: {  	_ =	shalt  }
0x7a: {  	_ =	shalt  }
0x7b: {  	_ =	shalt  }
0x7c: {  	_ =	shalt  }
0x7d: {  	_ =	shalt  }
0x7e: {  	_ =	shalt  }
0x7f: {  	_ =	shalt  }
0x80: {  	_ =	shalt  }
0x81: {  	_ =	shalt  }
0x82: {  	_ =	shalt  }
0x83: {  	_ =	shalt  }
0x84: {  	_ =	shalt  }
0x85: {  	_ =	shalt  }
0x86: {  	_ =	shalt  }
0x87: {  	_ =	shalt  }
.Lfunc_end0:
.L_simem_size_0:
called_computation.3_lowered:
.L_overlay_start_0:
0x88: {  	s2 =	sld [smem:$0x3FD9]  }
0x89: {  	s3 =	sld [smem:$0x3FFE];
	_ =	sdelay $0x1  }
0x8a: {  	s1 =	srdreg.scid  }
0x8b: {  	s0 =	sand.u32 $0x1, s1  }
0x8c: {  	s17 =	sshll.u32 s0, $0xA;
	s2 =	sadd.s32 s3, s2  }
0x8d: {  	s2 =	sadd.s32 s2, s17  }
0x8e: {  	[smem:$0x3FA7] =	sst s2  }
0x8f: {  	_ = 	snop  }
0x90: {  	s18 =	sld [smem:$0x3FA9]  }
0x91: {  	s4 =	sld [smem:$0x3FD0];
	(tm) =	ssettm $0x1  }
0x92: {  	s19 =	sld [smem:$0x3FFB];
	_ =	sdelay $0x3  }
0x93: {  	_ =	strace s19  }
0x94: {  	s2 =	sld [smem:$0x3FFC];
	_ =	sdelay $0x3  }
0x95: {  	_ =	strace s2  }
0x96: {  	s2 =	sld [smem:$0x3FFD];
	_ =	sdelay $0x3  }
0x97: {  	_ =	strace s2  }
0x98: {  	_ =	strace $0x8FFFFFFF  }
0x99: {  	s20 =	sld [smem:$0x3FDB];
	_ =	sdelay $0x1  }
0x9a: {  	s5 =	simm.s32 $_scs_section_size  }
0x9b: {  	s6 =	simm.s32 $_size__tile_overlayer_lowered;
	s7 =	simm.s32 $_tile_overlayer_lowered  }
0x9c: {  	s8 =	simm.s32 $0x1BFF;
	s21 =	sshll.u32 s7, $0x1;
	s5 =	sadd.s32 s5, s20  }
0x9d: {  	s22 =	simm.s32 $0x0;
	s6 =	sshll.u32 s6, $0x1;
	s7 =	sadd.s32 s21, s5  }
0x9e: {  	[timem:s22], [sflag:s8] =	dma.local [hbm:s7], s6  }
0x9f: {  	_ =	swait.ge [sflag:s8], s6  }
0xa0: {  	s6 =	ssub.s32 $0x0, s6;
	[sflag:s8] =	ssyncset.done $0x0  }
0xa1: {  	[sflag:s8] =	ssyncadd.s32 s6;
	_ =	sdelay $0x1  }
0xa2: {  	s23 =	simm.s32 $0x1B8B  }
0xa3: {  	_ =	swait.ge [sflag:s23], $0x1  }
0xa4: {  	[sflag:s23] =	ssyncset.done $0x0  }
0xa5: {  	[sflag:s23] =	ssyncadd.s32 $0xFFFFFFFF  }
0xa6: {  	s6 =	sld [smem:$0x0]  }
0xa7: {  	s7 =	sand.u32 $0xFFFFFFFE, s1  }
0xa8: {  	p0 =	sne.s32 s1, s7  }
0xa9: {  	s7 =	sshll.u32 @p0 s7, $0xE  }
0xaa: {  	s7 =	sadd.s32 @p0 $0x11B8D, s7;
	s8 =	sshll.u32 @p0 s6, $0x11  }
0xab: {  	s7 =	sor.u32 @p0 s8, s7  }
0xac: {  	[sflag:s7] =	ssyncadd.remote.s32 @p0 $0x1;
	_ =	sdelay $0x1  }
0xad: {  	s7 =	simm.s32 @p0 $0x1B8D  }
0xae: {  	_ =	swait.eq @p0 [sflag:s7], $0x1  }
0xaf: {  	[sflag:s7] =	ssyncadd.s32 @p0 $0xFFFFFFFF  }
0xb0: {  	s8 =	sshll.u32 @!p0 s1, $0xE  }
0xb1: {  	s8 =	sor.u32 @!p0 $0x4000, s8;
	s7 =	simm.s32 @!p0 $0x1B8D  }
0xb2: {  	s6 =	sshll.u32 @!p0 s6, $0x11;
	s8 =	sadd.s32 @!p0 $0x11B8D, s8;
	_ =	swait.eq @!p0 [sflag:s7], $0x1  }
0xb3: {  	s6 =	sor.u32 @!p0 s6, s8;
	[sflag:s7] =	ssyncadd.s32 @!p0 $0xFFFFFFFF  }
0xb4: {  	s25 =	simm.s32 $0x1B8E;
	s24 =	sld [smem:$0x3FFE];
	[sflag:s6] =	ssyncadd.remote.s32 @!p0 $0x1  }
0xb5: {  	s26 =	simm.s32 $execute0_lowered;
	[smem:$0x3FD2] =	sst s25  }
0xb6: {  	s7 =	sshll.u32 s26, $0x1;
	_ =	strace $0x8000004F;
	[dreg:$0x1] =	wrdreg $0xFFFFFFFF  }
0xb7: {  	s28 =	simm.s32 $_size_execute0_lowered;
	s5 =	sadd.s32 s5, s7;
	[dreg:$0x0] =	wrdreg $0x0  }
0xb8: {  	s7 =	sshll.u32 s28, $0x1;
	[dreg:$0x2] =	wrdreg s5  }
0xb9: {  	[dreg:$0x3] =	wrdreg s7  }
0xba: {  	[dreg:$0x4] =	wrdreg $0xC0  }
0xbb: {  	_ =	task [dreg:s22], $0x5FFFF  }
0xbc: {  	[dreg:$0x1] =	wrdreg $0xFFFFFFFF  }
0xbd: {  	[dreg:$0x0] =	wrdreg $0x60  }
0xbe: {  	[dreg:$0x2] =	wrdreg s24  }
0xbf: {  	[dreg:$0x3] =	wrdreg s18  }
0xc0: {  	[dreg:$0x4] =	wrdreg s4  }
0xc1: {  	[dreg:$0x5] =	wrdreg $0x42000  }
0xc2: {  	[dreg:$0x6] =	wrdreg $0xA  }
0xc3: {  	_ =	task.clear_ibuf [dreg:s22], $0x7FFFF;
	_ =	strace $0x9000004F  }
0xc4: {  	s29 =	simm.s32 $0xA;
	_ =	strace $0x80000051  }
0xc5: {  	_ =	swait.ge [sflag:s29], $0x1  }
0xc6: {  	[sflag:s29] =	ssyncadd.s32 $0xFFFFFFFF  }
0xc7: {  	_ =	strace $0x90000051  }
0xc8: {  	_ =	sfence  }
0xc9: {  	s30 =	sld [smem:$0x0];
	_ =	sdelay $0x2  }
0xca: {  	s31 =	sshll.u32 s1, $0xD;
	s1 =	sshrl.u32 s1, $0x2  }
0xcb: {  	s4 =	sand.u32 $0x4000, s31;
	s1 =	sadd.s32 s1, s30  }
0xcc: {  	s0 =	sor.u32 s4, s0;
	s1 =	sshll.u32 s1, $0x11  }
0xcd: {  	s0 =	sor.u32 s1, s0  }
0xce: {  	s0 =	sadd.s32 $0x8F2B, s0  }
0xcf: {  	[sflag:s0] =	ssyncadd.remote.s32 $0x1  }
0xd0: {  	_ =	sfence.sel $0xFFFF  }
0xd1: {  	[dreg:$0x0] =	wrdreg $0xFFFFFFFF;
	(pc) =	sbr.abs _section_cstart, $3  }
0xd2: {  	[dreg:$0x1] =	wrdreg $0xFFFFFFFF  }
0xd3: {  	_ =	task.clear_ibuf [dreg:s22], $0x2FFFF;
	_ =	strace $0x9FFFFFFF  }
0xd4: {  	(tm) =	ssettm $0x7FFFFFFF  }
0xd5: {  	_ =	shalt  }
tec
execute0_lowered:
.L_overlay_start_1:
0x0: {  	(tag) =	ssettag $0x1  }
0x1: {  	s12 =	rddreg [dreg:$0x0]  }
0x2: {  	s8 =	rddreg [dreg:$0x1]  }
0x3: {  	s17 =	rddreg [dreg:$0x2]  }
0x4: {  	s2 =	rddreg [dreg:$0x3]  }
0x5: {  	s0 =	rddreg [dreg:$0x4];
	s3 =	simm.s32 $0x0;
	s4 =	srdreg.scid  }
0x6: {  	s1 =	stileid.u32;
	[smem:$0x7FF] =	sst s3  }
0x7: {  	s18 =	sand.u32 $0x1, s4;
	s19 =	sshll.u32 s1, $0x7;
	s5 =	sshll.u32 s1, $0xA  }
0x8: {  	p0 =	sgt.u32 s1, $0x7;
	_ =	strace $0x80000050;
	s30 =	sadd.s32 s19, s12  }
0x9: {  	s7 =	sadd.s32 s5, s2;
	s4 =	sshll.u32 @!p0 s1, $0x6;
	s5 =	sadd.s32 $0x218000, s30  }
0xa: {  	s6 =	sor.u32 @!p0 $0x1C02, s4;
	s7 =	sshrl.u32 @!p0 s7, $0x3;
	s4 =	simm.s32 @!p0 $0x2  }
0xb: {  	[spmem:s7], [sflag:s6] =	dma.local @!p0 [hbm:s5], $0x80  }
0xc: {  	s10 =	sshll.u32 s1, $0x5;
	s9 =	sshll.u32 s18, $0x9;
	_ =	swait.ge @!p0 [sflag:s4], $0x80  }
0xd: {  	s10 =	sor.u32 s10, s9;
	[sflag:s4] =	ssyncset.done @!p0 $0x0  }
0xe: {  	s9 =	simm.s32 $0x2;
	s8 =	sadd.s32 s8, s10;
	[sflag:s4] =	ssyncadd.s32 @!p0 $0xFFFFFF80  }
0xf: {  	[tilespmem:s3], [sflag:$0x2] =	stream.linear.gather [hbm4b:s8+s3], $0x100, $0x38;
	[tilespmem:$0x4400] =	vst v63  }
0x10: {  	_ =	swait.ge [sflag:s9], $0x100  }
0x11: {  	s10 =	sadd.s32 s10, s12;
	[sflag:s9] =	ssyncset.done $0x0  }
0x12: {  	s11 =	simm.s32 $0x100;
	s10 =	sadd.s32 $0x217C00, s10;
	[sflag:s9] =	ssyncadd.s32 $0xFFFFFF00  }
0x13: {  	[tilespmem:s11], [sflag:$0x2] =	stream.linear.gather [hbm4b:s10+s3], $0x100, $0x38;
	[tilespmem:$0x4400] =	vst v63  }
0x14: {  	_ =	swait.ge [sflag:s9], $0x100  }
0x15: {  	[sflag:s9] =	ssyncset.done $0x0  }
0x16: {  	s13 =	simm.s32 $0x80;
	s14 =	simm.s32 $0x200;
	[sflag:s9] =	ssyncadd.s32 $0xFFFFFF00  }
0x17: {  	s15 =	simm.s32 $0x1;
	s12 =	sadd.s32 $0x39E600, s12;
	[bflag:$0x0] =	sbarrier.arrive $0xFFFF  }
0x18: {  	[tilespmem:s14], [sflag:$0x1] =	stream.indirect.gather [hbm4b:s12+s13], $0x80, s3, s13, $0xb8;
	[tilespmem:$0x4400] =	vst v63  }
0x19: {  	_ =	swait.ge [sflag:s15], $0x4000  }
0x1a: {  	[sflag:s15] =	ssyncset.done $0x0  }
0x1b: {  	[sflag:s15] =	ssyncadd.s32 $0xFFFFC000  }
0x1c: {  	[spmem:s2] =	stream.indirect.scatter.add.f32 [tilespmem:s14], [sflag:$0x2], $0x80, s11, s13, $0xb8;
	[tilespmem:$0x4400] =	vst v63  }
0x1d: {  	_ =	swait.ge [sflag:s9], $0x4000  }
0x1e: {  	[sflag:s9] =	ssyncset.done $0x0  }
0x1f: {  	s20 =	ssub.s32 $0x2, s18;
	[sflag:s9] =	ssyncadd.s32 $0xFFFFC000  }
0x20: {  	[tilespmem:s14], [sflag:$0x1] =	stream.indirect.gather [hbm4b:s12+s13], $0x80, s13, s13, $0xb8;
	[tilespmem:$0x4400] =	vst v63  }
0x21: {  	s21 =	sshrl.u32 s20, $0x1;
	_ =	swait.ge [sflag:s15], $0x4000  }
0x22: {  	s16 =	simm.s32 $0x180;
	s20 =	ssub.s32 s20, s21;
	[sflag:s15] =	ssyncset.done $0x0  }
0x23: {  	s18 =	sshll.u32 s18, $0xA;
	s31 =	smax.u32 s20, $0x1;
	[sflag:s15] =	ssyncadd.s32 $0xFFFFC000  }
0x24: {  	[spmem:s2] =	stream.indirect.scatter.add.f32 [tilespmem:s14], [sflag:$0x2], $0x80, s16, s13, $0xb8;
	[tilespmem:$0x4400] =	vst v63  }
0x25: {  	s17 =	sadd.s32 s17, s18;
	s18 =	sadd.s32 $0xFFFFFFFF, s31;
	_ =	swait.ge [sflag:s9], $0x4000  }
0x26: {  	p1 =	sne.s32 s18, $0x0;
	[sflag:s9] =	ssyncset.done $0x0  }
.Ltmp0:
0x27: {  	[sflag:s9] =	ssyncadd.s32 $0xFFFFC000;
	(pc) =	sbr.rel @!p1 .LBB2_2-.Ltmp0, $4  }
0x28: {  	s17 =	sadd.s32 @!p0 s19, s17;
	[bflag:$0x0] =	sbarrier.arrive $0xFFFF  }
0x29: {  	[hbm:s17], [sflag:s6] =	dma.local @!p0 [spmem:s7], $0x80  }
0x2a: {  	_ =	swait.ge @!p0 [sflag:s4], $0x80  }
0x2b: {  	[sflag:s4] =	ssyncset.done @!p0 $0x0  }
.LBB2_1:
0x2c: {  	s18 =	sadd.s32 $0xFFFFFFFF, s18;
	[sflag:s4] =	ssyncadd.s32 @!p0 $0xFFFFFF80  }
0x2d: {  	[spmem:s7], [sflag:s6] =	dma.local @!p0 [hbm:s5], $0x80  }
0x2e: {  	p1 =	sne.s32 s18, $0x0;
	_ =	swait.ge @!p0 [sflag:s4], $0x80  }
0x2f: {  	[sflag:s4] =	ssyncset.done @!p0 $0x0  }
0x30: {  	[sflag:s4] =	ssyncadd.s32 @!p0 $0xFFFFFF80  }
0x31: {  	[tilespmem:s3], [sflag:$0x2] =	stream.linear.gather [hbm4b:s8+s3], $0x100, $0x38;
	[tilespmem:$0x4400] =	vst v63  }
0x32: {  	_ =	swait.ge [sflag:s9], $0x100  }
0x33: {  	[sflag:s9] =	ssyncset.done $0x0  }
0x34: {  	[sflag:s9] =	ssyncadd.s32 $0xFFFFFF00  }
0x35: {  	[tilespmem:s11], [sflag:$0x2] =	stream.linear.gather [hbm4b:s10+s3], $0x100, $0x38;
	[tilespmem:$0x4400] =	vst v63  }
0x36: {  	_ =	swait.ge [sflag:s9], $0x100  }
0x37: {  	[sflag:s9] =	ssyncset.done $0x0  }
0x38: {  	[sflag:s9] =	ssyncadd.s32 $0xFFFFFF00  }
0x39: {  	[bflag:$0x0] =	sbarrier.arrive $0xFFFF  }
0x3a: {  	[tilespmem:s14], [sflag:$0x1] =	stream.indirect.gather [hbm4b:s12+s13], $0x80, s3, s13, $0xb8;
	[tilespmem:$0x4400] =	vst v63  }
0x3b: {  	_ =	swait.ge [sflag:s15], $0x4000  }
0x3c: {  	[sflag:s15] =	ssyncset.done $0x0  }
0x3d: {  	[sflag:s15] =	ssyncadd.s32 $0xFFFFC000  }
0x3e: {  	[spmem:s2] =	stream.indirect.scatter.add.f32 [tilespmem:s14], [sflag:$0x2], $0x80, s11, s13, $0xb8;
	[tilespmem:$0x4400] =	vst v63  }
0x3f: {  	_ =	swait.ge [sflag:s9], $0x4000  }
0x40: {  	[sflag:s9] =	ssyncset.done $0x0  }
0x41: {  	[sflag:s9] =	ssyncadd.s32 $0xFFFFC000  }
0x42: {  	[tilespmem:s14], [sflag:$0x1] =	stream.indirect.gather [hbm4b:s12+s13], $0x80, s13, s13, $0xb8;
	[tilespmem:$0x4400] =	vst v63  }
0x43: {  	_ =	swait.ge [sflag:s15], $0x4000  }
0x44: {  	[sflag:s15] =	ssyncset.done $0x0  }
0x45: {  	[sflag:s15] =	ssyncadd.s32 $0xFFFFC000  }
0x46: {  	[spmem:s2] =	stream.indirect.scatter.add.f32 [tilespmem:s14], [sflag:$0x2], $0x80, s16, s13, $0xb8;
	[tilespmem:$0x4400] =	vst v63  }
0x47: {  	_ =	swait.ge [sflag:s9], $0x4000  }
0x48: {  	[sflag:s9] =	ssyncset.done $0x0  }
.Ltmp1:
0x49: {  	[sflag:s9] =	ssyncadd.s32 $0xFFFFC000;
	(pc) =	sbr.rel @p1 .LBB2_1-.Ltmp1, $4  }
0x4a: {  	[bflag:$0x0] =	sbarrier.arrive $0xFFFF  }
0x4b: {  	[hbm:s17], [sflag:s6] =	dma.local @!p0 [spmem:s7], $0x80  }
0x4c: {  	_ =	swait.ge @!p0 [sflag:s4], $0x80  }
0x4d: {  	[sflag:s4] =	ssyncset.done @!p0 $0x0  }
.LBB2_2:
0x4e: {  	[sflag:s4] =	ssyncadd.s32 @!p0 $0xFFFFFF80  }
0x4f: {  	_ =	sfence.sel $0x180000  }
0x50: {  	[bflag:$0x0] =	sbarrier.arrive $0xFFFF  }
0x51: {  	p0 =	sne.s32 s1, $0x0;
	_ =	strace $0x90000050  }
0x52: {  	s0 =	sadd.s32 @!p0 $0x100000, s0;
	[bflag:$0x2] =	sbarrier.arrive $0xFFFF  }
0x53: {  	[sflag:s0] =	ssyncadd.tile.s32 @!p0 $0x1;
	_ =	shalt  }
.Lfunc_end2:
_tile_overlayer_lowered:
.L_overlay_start_2:
0x54: {  	(tag) =	ssettag $0x2  }
0x55: {  	s0 =	rddreg [dreg:$0x0];
	s2 =	stileid.u32  }
0x56: {  	s1 =	rddreg [dreg:$0x1];
	p0 =	sne.s32 s2, $0x0  }
0x57: {  	s3 =	rddreg [dreg:$0x2];
	[bflag:$0x3] =	sbarrier.arrive $0xFFFF;
	s2 =	simm.s32 @!p0 $0x1C02  }
0x58: {  	[timem:s3], [sflag:s2] =	dma.local @!p0 [hbm:s0], s1  }
0x59: {  	s0 =	simm.s32 @!p0 $0x2  }
0x5a: {  	_ =	swait.ge @!p0 [sflag:s0], s1  }
0x5b: {  	s1 =	ssub.s32 @!p0 $0x0, s1;
	[sflag:s0] =	ssyncset.done @!p0 $0x0  }
0x5c: {  	[sflag:s0] =	ssyncadd.s32 @!p0 s1  }
0x5d: {  	[bflag:$0x3] =	sbarrier.arrive $0xFFFF  }
0x5e: {  	_ =	shalt  }

</sc_bundles>
